<compile_context>
chip_gen: v7x
topology: tpu7x:2x2x1
jax: 0.10.2.dev20260603
libtpu: 0.0.44.dev20260713+nightly
codegen_flags: <defaults>
</compile_context>

<pallas_src>
import functools

import jax
import jax.numpy as jnp
from jax import lax
from jax.experimental import pallas as pl
from jax.experimental.pallas import tpu as pltpu
from jax.experimental.pallas import tpu_sc as plsc

B = 4096
L = 200
D = 64
NC = 2
NS = 16
NW = NC * NS
RPW = B // NW
C0 = 128
C1 = L - C0


def _pool_body(table, xw, xi, yw, yi, out_d, out_l,
               idx_v, w_v, rows_a, rows_b, out_v, sem_a, sem_b):
  wid = lax.axis_index("s") * NC + lax.axis_index("c")
  base = wid * RPW

  def start(r, buf, sem):
    pltpu.async_copy(table.at[idx_v.at[r, pl.ds(0, C0)]],
                     buf.at[pl.ds(0, C0)], sem)
    pltpu.async_copy(table.at[idx_v.at[r, pl.ds(C0, C1)]],
                     buf.at[pl.ds(C0, C1)], sem)

  def wait(r, buf, sem):
    pltpu.make_async_copy(table.at[idx_v.at[r, pl.ds(0, C0)]],
                          buf.at[pl.ds(0, C0)], sem).wait()
    pltpu.make_async_copy(table.at[idx_v.at[r, pl.ds(C0, C1)]],
                          buf.at[pl.ds(C0, C1)], sem).wait()

  def accum(r, buf):
    zero = jnp.zeros((16,), jnp.float32)

    def fma(l, wl, acc):
      a0, a1, a2, a3 = acc
      a0 = a0 + buf[l, pl.ds(0, 16)] * wl
      a1 = a1 + buf[l, pl.ds(16, 16)] * wl
      a2 = a2 + buf[l, pl.ds(32, 16)] * wl
      a3 = a3 + buf[l, pl.ds(48, 16)] * wl
      return (a0, a1, a2, a3)

    def group(lc, acc):
      wv = w_v[r, pl.ds(lc * 16, 16)]
      for ll in range(16):
        acc = fma(lc * 16 + ll, wv[ll], acc)
      return acc

    acc = lax.fori_loop(0, L // 16, group, (zero, zero, zero, zero))
    wv = w_v[r, pl.ds(L - 16, 16)]
    for ll in range(8, 16):
      acc = fma(L - 16 + ll, wv[ll], acc)
    a0, a1, a2, a3 = acc
    out_v[r, pl.ds(0, 16)] = a0
    out_v[r, pl.ds(16, 16)] = a1
    out_v[r, pl.ds(32, 16)] = a2
    out_v[r, pl.ds(48, 16)] = a3

  for wgt, ind, out in ((xw, xi, out_d), (yw, yi, out_l)):
    pltpu.sync_copy(ind.at[pl.ds(base, RPW)], idx_v)
    pltpu.sync_copy(wgt.at[pl.ds(base, RPW)], w_v)
    start(0, rows_a, sem_a)

    def step(rr):
      start(rr + 1, rows_b, sem_b)
      wait(rr, rows_a, sem_a)
      accum(rr, rows_a)

      @pl.when(rr + 2 < RPW)
      def _():
        start(rr + 2, rows_a, sem_a)

      wait(rr + 1, rows_b, sem_b)
      accum(rr + 1, rows_b)

    pl.loop(0, RPW, step=2)(step)
    pltpu.sync_copy(out_v, out.at[pl.ds(base, RPW)])


@functools.partial(jax.jit, donate_argnums=())
def _pool(table, xw, xi, yw, yi):
  mesh = plsc.VectorSubcoreMesh(core_axis_name="c", subcore_axis_name="s")
  k = pl.kernel(
      _pool_body,
      mesh=mesh,
      compiler_params=pltpu.CompilerParams(use_tc_tiling_on_sc=False),
      name="pool_sc",
      out_type=(jax.ShapeDtypeStruct((B, D), jnp.float32),
                jax.ShapeDtypeStruct((B, D), jnp.float32)),
      scratch_types=[
          pltpu.VMEM((RPW, L), jnp.int32),
          pltpu.VMEM((RPW, L), jnp.float32),
          pltpu.VMEM((L, D), jnp.float32),
          pltpu.VMEM((L, D), jnp.float32),
          pltpu.VMEM((RPW, D), jnp.float32),
          pltpu.SemaphoreType.DMA,
          pltpu.SemaphoreType.DMA,
      ],
  )
  return k(table, xw, xi, yw, yi)


VK = 1000000
VKP = 1000064
TW = 32768


def _tr_body(tin_ref, eye_ref, out_ref):
  blk = lax.dot_general(tin_ref[...], eye_ref[...], (((0,), (0,)), ((), ())),
                        preferred_element_type=jnp.float32)
  b4 = blk.reshape(TW // 128, 128, D)
  pk = jnp.concatenate([b4[:, 0:64, :], b4[:, 64:128, :]], axis=2)
  out_ref[...] = pk.reshape(TW // 2, 128)


def _transpose(tableT, eye):
  return pl.pallas_call(
      _tr_body,
      grid=(pl.cdiv(VK, TW),),
      in_specs=[
          pl.BlockSpec((D, TW), lambda i: (0, i)),
          pl.BlockSpec((D, D), lambda i: (0, 0)),
      ],
      out_specs=pl.BlockSpec((TW // 2, 128), lambda i: (i, 0)),
      out_shape=jax.ShapeDtypeStruct((VKP // 2, 128), jnp.float32),
  )(tableT, eye)


TILE = 256


def _sim_body(doc_ref, lbl_ref, w_ref, b_ref, out_ref, lrep_ref):
  i = pl.program_id(0)

  @pl.when(i == 0)
  def _():
    rep = jnp.maximum(
        jnp.dot(lbl_ref[...], w_ref[...],
                preferred_element_type=jnp.float32) + b_ref[...], 0.0)
    n = jnp.sqrt(jnp.sum(rep * rep, axis=1, keepdims=True))
    lrep_ref[...] = rep / jnp.maximum(n, 1e-12)

  drep = jnp.maximum(
      jnp.dot(doc_ref[...], w_ref[...],
              preferred_element_type=jnp.float32) + b_ref[...], 0.0)
  dn = jnp.sqrt(jnp.sum(drep * drep, axis=1, keepdims=True))
  drep = drep / jnp.maximum(dn, 1e-12)
  out_ref[...] = lax.dot_general(
      drep, lrep_ref[...], (((1,), (1,)), ((), ())),
      preferred_element_type=jnp.float32)


def _sim(pooled_doc, pooled_lbl, W, b2):
  return pl.pallas_call(
      _sim_body,
      grid=(B // TILE,),
      in_specs=[
          pl.BlockSpec((TILE, D), lambda i: (i, 0)),
          pl.BlockSpec((B, D), lambda i: (0, 0)),
          pl.BlockSpec((D, D), lambda i: (0, 0)),
          pl.BlockSpec((1, D), lambda i: (0, 0)),
      ],
      out_specs=pl.BlockSpec((TILE, B), lambda i: (i, 0)),
      out_shape=jax.ShapeDtypeStruct((B, B), jnp.float32),
      scratch_shapes=[pltpu.VMEM((B, D), jnp.float32)],
  )(pooled_doc, pooled_lbl, W, b2)


def kernel(X, X_ind, YX, YX_ind, table, W_fine, b_fine):
  tablep = _transpose(table.T, jnp.eye(D, dtype=jnp.float32))
  tablep = tablep.reshape(VKP, D)
  def remap(i):
    return (i & ~jnp.int32(127)) + 2 * (i & 63) + ((i >> 6) & 1)
  pooled_doc, pooled_lbl = _pool(tablep, X, remap(X_ind), YX, remap(YX_ind))
  return _sim(pooled_doc, pooled_lbl, W_fine, b_fine.reshape(1, D))

# --- scband reference (transcript-rebuilt; emitter-appended) ---
"""Pipeline reference for scband-deep-xmlpp-17145509446310 (READ-ONLY COPY).

The authoritative reference and input builder live on the scoring server;
editing this copy changes nothing except your own understanding.
"""

import jax, jax.numpy as jnp
import numpy as np

VOCAB = 1000000 + 1  # +1 as in DeepXMLBase (vocabulary_dims + 1)
EMB = 64
B = 4096
L = 200


def setup_inputs(seed: int = 0) -> dict:
    key = jax.random.key(seed)
    k1, k2, k3, k4, k5, k6, k7 = jax.random.split(key, 7)
    X = jax.random.uniform(k1, (B, L), dtype=jnp.float32)
    X_ind = jax.random.randint(k2, (B, L), 0, 1000000, dtype=jnp.int64 if jax.config.jax_enable_x64 else jnp.int32).astype(jnp.int32)
    YX = jax.random.uniform(k3, (B, L), dtype=jnp.float32)
    YX_ind = jax.random.randint(k4, (B, L), 0, 1000000, dtype=jnp.int32)
    # Embedding table (padding_idx=0 row zeroed, as nn.Embedding padding semantics)
    table = jax.random.normal(k5, (VOCAB, EMB), dtype=jnp.float32) * 0.02
    table = table.at[0].set(0.0)
    # Fine transform (shared: forward uses encode_document for both doc and label)
    W_fine = jax.random.normal(k6, (EMB, EMB), dtype=jnp.float32) * (1.0 / np.sqrt(EMB))
    b_fine = jnp.zeros((EMB,), dtype=jnp.float32)
    return {"X": X, "X_ind": X_ind, "YX": YX, "YX_ind": YX_ind,
            "table": table, "W_fine": W_fine, "b_fine": b_fine}


def _encode(weights, indices, table, W, b):
    # CustomEmbedding: gather rows, weight by sparse feature values, sum over features
    emb = jnp.take(table, indices, axis=0)            # [B, L, D]
    pooled = jnp.sum(emb * weights[..., None], axis=1)  # [B, D]
    # fine transform (ReLU MLP block)
    return jax.nn.relu(pooled @ W + b)


def _normalize(x, eps=1e-12):
    n = jnp.sqrt(jnp.sum(x * x, axis=1, keepdims=True))
    return x / jnp.maximum(n, eps)


def reference(X, X_ind, YX, YX_ind, table, W_fine, b_fine):
    doc_rep = _encode(X, X_ind, table, W_fine, b_fine)
    lbl_rep = _encode(YX, YX_ind, table, W_fine, b_fine)
    # metric == 'cosine'
    doc_rep = _normalize(doc_rep)
    lbl_rep = _normalize(lbl_rep)
    return doc_rep @ lbl_rep.T

if __name__ == "__main__":
    import jax
    _d = setup_inputs()
    print(jax.jit(kernel)(*tuple(_d.values())))

</pallas_src>

<mosaic_0001>
#map = affine_map<(d0, d1) -> (0, 0)>
module attributes {stable_mosaic.version = 14 : i64} {
  func.func @pool_sc(%arg0: i32, %arg1: i32, %arg2: memref<1000064x64xf32, #tpu.memory_space<hbm>>, %arg3: memref<4096x200xf32, #tpu.memory_space<hbm>>, %arg4: memref<4096x200xi32, #tpu.memory_space<hbm>>, %arg5: memref<4096x200xf32, #tpu.memory_space<hbm>>, %arg6: memref<4096x200xi32, #tpu.memory_space<hbm>>, %arg7: memref<4096x64xf32, #tpu.memory_space<hbm>>, %arg8: memref<4096x64xf32, #tpu.memory_space<hbm>>, %arg9: memref<128x200xi32, #tpu.memory_space<vmem>>, %arg10: memref<128x200xf32, #tpu.memory_space<vmem>>, %arg11: memref<200x64xf32, #tpu.memory_space<vmem>>, %arg12: memref<200x64xf32, #tpu.memory_space<vmem>>, %arg13: memref<128x64xf32, #tpu.memory_space<vmem>>, %arg14: memref<!tpu.dma_semaphore, #tpu.memory_space<semaphore_mem>>, %arg15: memref<!tpu.dma_semaphore, #tpu.memory_space<semaphore_mem>>) attributes {dimension_semantics = [#tpu.dimension_semantics<core_parallel>, #tpu.dimension_semantics<subcore_parallel>], iteration_bounds = array<i64: 2, 16>, scalar_prefetch = 0 : i64, scratch_operands = 7 : i64, tpu.core_type = #tpu.core_type<sc_vector_subcore>, window_params = [{transform_indices = #map}, {transform_indices = #map}, {transform_indices = #map}, {transform_indices = #map}, {transform_indices = #map}, {transform_indices = #map}, {transform_indices = #map}]} {
    %mul3A = arith.constant 2 : i32
    %mul3A_0 = arith.muli %arg1, %mul3A : i32
    %add3A = arith.addi %mul3A_0, %arg0 : i32
    %mul3A_1 = arith.constant 128 : i32
    %mul3A_2 = arith.muli %add3A, %mul3A_1 : i32
    "tpu.region"() ({
      %run_scoped3A = tpu.sem_alloc : memref<!tpu.dma_semaphore, #tpu.memory_space<semaphore_mem>>
      %dma_start3A_51 = arith.constant 0 : i32
      %dma_start3A_52 = tpu.memref_slice %arg4[%mul3A_2, %dma_start3A_51] : memref<4096x200xi32, #tpu.memory_space<hbm>> -> memref<128x200xi32, #tpu.memory_space<hbm>>
      %dma_start3A_53 = arith.constant 0 : i32
      %dma_start3A_54 = tpu.memref_slice %arg4[%mul3A_2, %dma_start3A_53] : memref<4096x200xi32, #tpu.memory_space<hbm>> -> memref<128x200xi32, #tpu.memory_space<hbm>>
      tpu.enqueue_dma source(%dma_start3A_54 : memref<128x200xi32, #tpu.memory_space<hbm>>) target(%arg9 : memref<128x200xi32, #tpu.memory_space<vmem>>) target_semaphore(%run_scoped3A : memref<!tpu.dma_semaphore, #tpu.memory_space<semaphore_mem>>)
      %dma_wait3A = arith.constant 0 : i32
      %dma_wait3A_55 = tpu.memref_slice %arg4[%mul3A_2, %dma_wait3A] : memref<4096x200xi32, #tpu.memory_space<hbm>> -> memref<128x200xi32, #tpu.memory_space<hbm>>
      %dma_wait3A_56 = arith.constant 0 : i32
      %dma_wait3A_57 = tpu.memref_slice %arg4[%mul3A_2, %dma_wait3A_56] : memref<4096x200xi32, #tpu.memory_space<hbm>> -> memref<128x200xi32, #tpu.memory_space<hbm>>
      tpu.wait_dma2 semaphore(%run_scoped3A : memref<!tpu.dma_semaphore, #tpu.memory_space<semaphore_mem>>) src(%dma_wait3A_57 : memref<128x200xi32, #tpu.memory_space<hbm>>) dst(%arg9 : memref<128x200xi32, #tpu.memory_space<vmem>>)
      tpu.yield
    }) : () -> ()
    "tpu.region"() ({
      %run_scoped3A = tpu.sem_alloc : memref<!tpu.dma_semaphore, #tpu.memory_space<semaphore_mem>>
      %dma_start3A_51 = arith.constant 0 : i32
      %dma_start3A_52 = tpu.memref_slice %arg3[%mul3A_2, %dma_start3A_51] : memref<4096x200xf32, #tpu.memory_space<hbm>> -> memref<128x200xf32, #tpu.memory_space<hbm>>
      %dma_start3A_53 = arith.constant 0 : i32
      %dma_start3A_54 = tpu.memref_slice %arg3[%mul3A_2, %dma_start3A_53] : memref<4096x200xf32, #tpu.memory_space<hbm>> -> memref<128x200xf32, #tpu.memory_space<hbm>>
      tpu.enqueue_dma source(%dma_start3A_54 : memref<128x200xf32, #tpu.memory_space<hbm>>) target(%arg10 : memref<128x200xf32, #tpu.memory_space<vmem>>) target_semaphore(%run_scoped3A : memref<!tpu.dma_semaphore, #tpu.memory_space<semaphore_mem>>)
      %dma_wait3A = arith.constant 0 : i32
      %dma_wait3A_55 = tpu.memref_slice %arg3[%mul3A_2, %dma_wait3A] : memref<4096x200xf32, #tpu.memory_space<hbm>> -> memref<128x200xf32, #tpu.memory_space<hbm>>
      %dma_wait3A_56 = arith.constant 0 : i32
      %dma_wait3A_57 = tpu.memref_slice %arg3[%mul3A_2, %dma_wait3A_56] : memref<4096x200xf32, #tpu.memory_space<hbm>> -> memref<128x200xf32, #tpu.memory_space<hbm>>
      tpu.wait_dma2 semaphore(%run_scoped3A : memref<!tpu.dma_semaphore, #tpu.memory_space<semaphore_mem>>) src(%dma_wait3A_57 : memref<128x200xf32, #tpu.memory_space<hbm>>) dst(%arg10 : memref<128x200xf32, #tpu.memory_space<vmem>>)
      tpu.yield
    }) : () -> ()
    %dma_start3A = arith.constant 0 : i32
    %dma_start3A_3 = arith.constant 0 : i32
    %dma_start3A_4 = arith.constant 0 : i32
    %dma_start3A_5 = tpu.memref_slice %arg11[%dma_start3A_3, %dma_start3A_4] : memref<200x64xf32, #tpu.memory_space<vmem>> -> memref<128x64xf32, #tpu.memory_space<vmem>>
    %dma_start3A_6 = arith.constant 0 : i32
    %dma_start3A_7 = tpu.memref_slice %arg9[%dma_start3A, %dma_start3A_6] : memref<128x200xi32, #tpu.memory_space<vmem>> -> memref<1x128xi32, #tpu.memory_space<vmem>>
    %dma_start3A_8 = tpu.memref_squeeze %dma_start3A_7 : memref<1x128xi32, #tpu.memory_space<vmem>> -> memref<128xi32, #tpu.memory_space<vmem>>
    %dma_start3A_9 = arith.constant 0 : i32
    %dma_start3A_10 = arith.constant 0 : i32
    %dma_start3A_11 = tpu.memref_slice %arg2[%dma_start3A_9, %dma_start3A_10] : memref<1000064x64xf32, #tpu.memory_space<hbm>> -> memref<1000064x64xf32, #tpu.memory_space<hbm>>
    tpu.enqueue_indirect_dma source(%dma_start3A_11 : memref<1000064x64xf32, #tpu.memory_space<hbm>>) target(%dma_start3A_5 : memref<128x64xf32, #tpu.memory_space<vmem>>) offsets(%dma_start3A_8 : memref<128xi32, #tpu.memory_space<vmem>>) semaphore(%arg14 : memref<!tpu.dma_semaphore, #tpu.memory_space<semaphore_mem>>)
    %dma_start3A_12 = arith.constant 0 : i32
    %dma_start3A_13 = arith.constant 128 : i32
    %dma_start3A_14 = arith.constant 0 : i32
    %dma_start3A_15 = tpu.memref_slice %arg11[%dma_start3A_13, %dma_start3A_14] : memref<200x64xf32, #tpu.memory_space<vmem>> -> memref<72x64xf32, #tpu.memory_space<vmem>>
    %dma_start3A_16 = arith.constant 128 : i32
    %dma_start3A_17 = tpu.memref_slice %arg9[%dma_start3A_12, %dma_start3A_16] : memref<128x200xi32, #tpu.memory_space<vmem>> -> memref<1x72xi32, #tpu.memory_space<vmem>>
    %dma_start3A_18 = tpu.memref_squeeze %dma_start3A_17 : memref<1x72xi32, #tpu.memory_space<vmem>> -> memref<72xi32, #tpu.memory_space<vmem>>
    %dma_start3A_19 = arith.constant 0 : i32
    %dma_start3A_20 = arith.constant 0 : i32
    %dma_start3A_21 = tpu.memref_slice %arg2[%dma_start3A_19, %dma_start3A_20] : memref<1000064x64xf32, #tpu.memory_space<hbm>> -> memref<1000064x64xf32, #tpu.memory_space<hbm>>
    tpu.enqueue_indirect_dma source(%dma_start3A_21 : memref<1000064x64xf32, #tpu.memory_space<hbm>>) target(%dma_start3A_15 : memref<72x64xf32, #tpu.memory_space<vmem>>) offsets(%dma_start3A_18 : memref<72xi32, #tpu.memory_space<vmem>>) semaphore(%arg14 : memref<!tpu.dma_semaphore, #tpu.memory_space<semaphore_mem>>)
    %scan3A = arith.constant 0 : i32
    %scan3A_22 = arith.constant 64 : i32
    %scan3A_23 = arith.addi %scan3A, %scan3A_22 : i32
    %scan3A_24 = arith.constant 1 : i32
    scf.for %scan3A_51 = %scan3A to %scan3A_23 step %scan3A_24  : i32 {
      %mul3A_52 = arith.constant 2 : i32
      %mul3A_53 = arith.muli %scan3A_51, %mul3A_52 : i32
      %add3A_54 = arith.constant 0 : i32
      %add3A_55 = arith.addi %add3A_54, %mul3A_53 : i32
      %add3A_56 = arith.constant 1 : i32
      %add3A_57 = arith.addi %add3A_55, %add3A_56 : i32
      %dma_start3A_58 = arith.constant 0 : i32
      %dma_start3A_59 = arith.constant 0 : i32
      %dma_start3A_60 = tpu.memref_slice %arg12[%dma_start3A_58, %dma_start3A_59] : memref<200x64xf32, #tpu.memory_space<vmem>> -> memref<128x64xf32, #tpu.memory_space<vmem>>
      %dma_start3A_61 = arith.constant 0 : i32
      %dma_start3A_62 = tpu.memref_slice %arg9[%add3A_57, %dma_start3A_61] : memref<128x200xi32, #tpu.memory_space<vmem>> -> memref<1x128xi32, #tpu.memory_space<vmem>>
      %dma_start3A_63 = tpu.memref_squeeze %dma_start3A_62 : memref<1x128xi32, #tpu.memory_space<vmem>> -> memref<128xi32, #tpu.memory_space<vmem>>
      %dma_start3A_64 = arith.constant 0 : i32
      %dma_start3A_65 = arith.constant 0 : i32
      %dma_start3A_66 = tpu.memref_slice %arg2[%dma_start3A_64, %dma_start3A_65] : memref<1000064x64xf32, #tpu.memory_space<hbm>> -> memref<1000064x64xf32, #tpu.memory_space<hbm>>
      tpu.enqueue_indirect_dma source(%dma_start3A_66 : memref<1000064x64xf32, #tpu.memory_space<hbm>>) target(%dma_start3A_60 : memref<128x64xf32, #tpu.memory_space<vmem>>) offsets(%dma_start3A_63 : memref<128xi32, #tpu.memory_space<vmem>>) semaphore(%arg15 : memref<!tpu.dma_semaphore, #tpu.memory_space<semaphore_mem>>)
      %dma_start3A_67 = arith.constant 128 : i32
      %dma_start3A_68 = arith.constant 0 : i32
      %dma_start3A_69 = tpu.memref_slice %arg12[%dma_start3A_67, %dma_start3A_68] : memref<200x64xf32, #tpu.memory_space<vmem>> -> memref<72x64xf32, #tpu.memory_space<vmem>>
      %dma_start3A_70 = arith.constant 128 : i32
      %dma_start3A_71 = tpu.memref_slice %arg9[%add3A_57, %dma_start3A_70] : memref<128x200xi32, #tpu.memory_space<vmem>> -> memref<1x72xi32, #tpu.memory_space<vmem>>
      %dma_start3A_72 = tpu.memref_squeeze %dma_start3A_71 : memref<1x72xi32, #tpu.memory_space<vmem>> -> memref<72xi32, #tpu.memory_space<vmem>>
      %dma_start3A_73 = arith.constant 0 : i32
      %dma_start3A_74 = arith.constant 0 : i32
      %dma_start3A_75 = tpu.memref_slice %arg2[%dma_start3A_73, %dma_start3A_74] : memref<1000064x64xf32, #tpu.memory_space<hbm>> -> memref<1000064x64xf32, #tpu.memory_space<hbm>>
      tpu.enqueue_indirect_dma source(%dma_start3A_75 : memref<1000064x64xf32, #tpu.memory_space<hbm>>) target(%dma_start3A_69 : memref<72x64xf32, #tpu.memory_space<vmem>>) offsets(%dma_start3A_72 : memref<72xi32, #tpu.memory_space<vmem>>) semaphore(%arg15 : memref<!tpu.dma_semaphore, #tpu.memory_space<semaphore_mem>>)
      %dma_wait3A = arith.constant 0 : i32
      %dma_wait3A_76 = arith.constant 0 : i32
      %dma_wait3A_77 = tpu.memref_slice %arg11[%dma_wait3A, %dma_wait3A_76] : memref<200x64xf32, #tpu.memory_space<vmem>> -> memref<128x64xf32, #tpu.memory_space<vmem>>
      %dma_wait3A_78 = arith.constant 0 : i32
      %dma_wait3A_79 = tpu.memref_slice %arg9[%add3A_55, %dma_wait3A_78] : memref<128x200xi32, #tpu.memory_space<vmem>> -> memref<1x128xi32, #tpu.memory_space<vmem>>
      %dma_wait3A_80 = tpu.memref_squeeze %dma_wait3A_79 : memref<1x128xi32, #tpu.memory_space<vmem>> -> memref<128xi32, #tpu.memory_space<vmem>>
      %dma_wait3A_81 = arith.constant 0 : i32
      %dma_wait3A_82 = arith.constant 0 : i32
      %dma_wait3A_83 = tpu.memref_slice %arg2[%dma_wait3A_81, %dma_wait3A_82] : memref<1000064x64xf32, #tpu.memory_space<hbm>> -> memref<1000064x64xf32, #tpu.memory_space<hbm>>
      tpu.wait_indirect_dma semaphore(%arg14 : memref<!tpu.dma_semaphore, #tpu.memory_space<semaphore_mem>>) src(%dma_wait3A_83 : memref<1000064x64xf32, #tpu.memory_space<hbm>>) dst(%dma_wait3A_77 : memref<128x64xf32, #tpu.memory_space<vmem>>)
      %dma_wait3A_84 = arith.constant 128 : i32
      %dma_wait3A_85 = arith.constant 0 : i32
      %dma_wait3A_86 = tpu.memref_slice %arg11[%dma_wait3A_84, %dma_wait3A_85] : memref<200x64xf32, #tpu.memory_space<vmem>> -> memref<72x64xf32, #tpu.memory_space<vmem>>
      %dma_wait3A_87 = arith.constant 128 : i32
      %dma_wait3A_88 = tpu.memref_slice %arg9[%add3A_55, %dma_wait3A_87] : memref<128x200xi32, #tpu.memory_space<vmem>> -> memref<1x72xi32, #tpu.memory_space<vmem>>
      %dma_wait3A_89 = tpu.memref_squeeze %dma_wait3A_88 : memref<1x72xi32, #tpu.memory_space<vmem>> -> memref<72xi32, #tpu.memory_space<vmem>>
      %dma_wait3A_90 = arith.constant 0 : i32
      %dma_wait3A_91 = arith.constant 0 : i32
      %dma_wait3A_92 = tpu.memref_slice %arg2[%dma_wait3A_90, %dma_wait3A_91] : memref<1000064x64xf32, #tpu.memory_space<hbm>> -> memref<1000064x64xf32, #tpu.memory_space<hbm>>
      tpu.wait_indirect_dma semaphore(%arg14 : memref<!tpu.dma_semaphore, #tpu.memory_space<semaphore_mem>>) src(%dma_wait3A_92 : memref<1000064x64xf32, #tpu.memory_space<hbm>>) dst(%dma_wait3A_86 : memref<72x64xf32, #tpu.memory_space<vmem>>)
      %broadcast_in_dim3A = arith.constant 0.000000e+00 : f32
      %broadcast_in_dim3A_93 = vector.broadcast %broadcast_in_dim3A : f32 to vector<16xf32>
      %scan3A_94 = arith.constant 0 : i32
      %scan3A_95 = arith.constant 12 : i32
      %scan3A_96 = arith.addi %scan3A_94, %scan3A_95 : i32
      %scan3A_97 = arith.constant 1 : i32
      %scan3A_98:4 = scf.for %scan3A_722 = %scan3A_94 to %scan3A_96 step %scan3A_97 iter_args(%scan3A_723 = %broadcast_in_dim3A_93, %scan3A_724 = %broadcast_in_dim3A_93, %scan3A_725 = %broadcast_in_dim3A_93, %scan3A_726 = %broadcast_in_dim3A_93) -> (vector<16xf32>, vector<16xf32>, vector<16xf32>, vector<16xf32>)  : i32 {
        %mul3A_727 = arith.constant 16 : i32
        %mul3A_728 = arith.muli %scan3A_722, %mul3A_727 : i32
        %get3A_729 = arith.index_cast %add3A_55 : i32 to index
        %get3A_730 = arith.index_cast %mul3A_728 : i32 to index
        %get3A_731 = tpu.vector_load %arg10[%get3A_729, %get3A_730] {strides = array<i32>} : memref<128x200xf32, #tpu.memory_space<vmem>>, vector<1x16xf32>,
        %get3A_732 = vector.shape_cast %get3A_731 : vector<1x16xf32> to vector<16xf32>
        %mul3A_733 = arith.constant 16 : i32
        %mul3A_734 = arith.muli %scan3A_722, %mul3A_733 : i32
        %add3A_735 = arith.constant 0 : i32
        %add3A_736 = arith.addi %mul3A_734, %add3A_735 : i32
        %slice3A_737 = vector.extract_strided_slice %get3A_732 {offsets = [0], sizes = [1], strides = [1]} : vector<16xf32> to vector<1xf32>
        %squeeze3A_738 = vector.extract %slice3A_737[0] : f32 from vector<1xf32>
        %get3A_739 = arith.index_cast %add3A_736 : i32 to index
        %get3A_740 = arith.constant 0 : index
        %get3A_741 = tpu.vector_load %arg11[%get3A_739, %get3A_740] {strides = array<i32>} : memref<200x64xf32, #tpu.memory_space<vmem>>, vector<1x16xf32>,
        %get3A_742 = vector.shape_cast %get3A_741 : vector<1x16xf32> to vector<16xf32>
        %mul3A_743 = vector.broadcast %squeeze3A_738 : f32 to vector<16xf32>
        %mul3A_744 = arith.mulf %get3A_742, %mul3A_743 : vector<16xf32>
        %add3A_745 = arith.addf %scan3A_723, %mul3A_744 : vector<16xf32>
        %get3A_746 = arith.index_cast %add3A_736 : i32 to index
        %get3A_747 = arith.constant 16 : index
        %get3A_748 = tpu.vector_load %arg11[%get3A_746, %get3A_747] {strides = array<i32>} : memref<200x64xf32, #tpu.memory_space<vmem>>, vector<1x16xf32>,
        %get3A_749 = vector.shape_cast %get3A_748 : vector<1x16xf32> to vector<16xf32>
        %mul3A_750 = vector.broadcast %squeeze3A_738 : f32 to vector<16xf32>
        %mul3A_751 = arith.mulf %get3A_749, %mul3A_750 : vector<16xf32>
        %add3A_752 = arith.addf %scan3A_724, %mul3A_751 : vector<16xf32>
        %get3A_753 = arith.index_cast %add3A_736 : i32 to index
        %get3A_754 = arith.constant 32 : index
        %get3A_755 = tpu.vector_load %arg11[%get3A_753, %get3A_754] {strides = array<i32>} : memref<200x64xf32, #tpu.memory_space<vmem>>, vector<1x16xf32>,
        %get3A_756 = vector.shape_cast %get3A_755 : vector<1x16xf32> to vector<16xf32>
        %mul3A_757 = vector.broadcast %squeeze3A_738 : f32 to vector<16xf32>
        %mul3A_758 = arith.mulf %get3A_756, %mul3A_757 : vector<16xf32>
        %add3A_759 = arith.addf %scan3A_725, %mul3A_758 : vector<16xf32>
        %get3A_760 = arith.index_cast %add3A_736 : i32 to index
        %get3A_761 = arith.constant 48 : index
        %get3A_762 = tpu.vector_load %arg11[%get3A_760, %get3A_761] {strides = array<i32>} : memref<200x64xf32, #tpu.memory_space<vmem>>, vector<1x16xf32>,
        %get3A_763 = vector.shape_cast %get3A_762 : vector<1x16xf32> to vector<16xf32>
        %mul3A_764 = vector.broadcast %squeeze3A_738 : f32 to vector<16xf32>
        %mul3A_765 = arith.mulf %get3A_763, %mul3A_764 : vector<16xf32>
        %add3A_766 = arith.addf %scan3A_726, %mul3A_765 : vector<16xf32>
        %mul3A_767 = arith.constant 16 : i32
        %mul3A_768 = arith.muli %scan3A_722, %mul3A_767 : i32
        %add3A_769 = arith.constant 1 : i32
        %add3A_770 = arith.addi %mul3A_768, %add3A_769 : i32
        %slice3A_771 = vector.extract_strided_slice %get3A_732 {offsets = [1], sizes = [1], strides = [1]} : vector<16xf32> to vector<1xf32>
        %squeeze3A_772 = vector.extract %slice3A_771[0] : f32 from vector<1xf32>
        %get3A_773 = arith.index_cast %add3A_770 : i32 to index
        %get3A_774 = arith.constant 0 : index
        %get3A_775 = tpu.vector_load %arg11[%get3A_773, %get3A_774] {strides = array<i32>} : memref<200x64xf32, #tpu.memory_space<vmem>>, vector<1x16xf32>,
        %get3A_776 = vector.shape_cast %get3A_775 : vector<1x16xf32> to vector<16xf32>
        %mul3A_777 = vector.broadcast %squeeze3A_772 : f32 to vector<16xf32>
        %mul3A_778 = arith.mulf %get3A_776, %mul3A_777 : vector<16xf32>
        %add3A_779 = arith.addf %add3A_745, %mul3A_778 : vector<16xf32>
        %get3A_780 = arith.index_cast %add3A_770 : i32 to index
        %get3A_781 = arith.constant 16 : index
        %get3A_782 = tpu.vector_load %arg11[%get3A_780, %get3A_781] {strides = array<i32>} : memref<200x64xf32, #tpu.memory_space<vmem>>, vector<1x16xf32>,
        %get3A_783 = vector.shape_cast %get3A_782 : vector<1x16xf32> to vector<16xf32>
        %mul3A_784 = vector.broadcast %squeeze3A_772 : f32 to vector<16xf32>
        %mul3A_785 = arith.mulf %get3A_783, %mul3A_784 : vector<16xf32>
        %add3A_786 = arith.addf %add3A_752, %mul3A_785 : vector<16xf32>
        %get3A_787 = arith.index_cast %add3A_770 : i32 to index
        %get3A_788 = arith.constant 32 : index
        %get3A_789 = tpu.vector_load %arg11[%get3A_787, %get3A_788] {strides = array<i32>} : memref<200x64xf32, #tpu.memory_space<vmem>>, vector<1x16xf32>,
        %get3A_790 = vector.shape_cast %get3A_789 : vector<1x16xf32> to vector<16xf32>
        %mul3A_791 = vector.broadcast %squeeze3A_772 : f32 to vector<16xf32>
        %mul3A_792 = arith.mulf %get3A_790, %mul3A_791 : vector<16xf32>
        %add3A_793 = arith.addf %add3A_759, %mul3A_792 : vector<16xf32>
        %get3A_794 = arith.index_cast %add3A_770 : i32 to index
        %get3A_795 = arith.constant 48 : index
        %get3A_796 = tpu.vector_load %arg11[%get3A_794, %get3A_795] {strides = array<i32>} : memref<200x64xf32, #tpu.memory_space<vmem>>, vector<1x16xf32>,
        %get3A_797 = vector.shape_cast %get3A_796 : vector<1x16xf32> to vector<16xf32>
        %mul3A_798 = vector.broadcast %squeeze3A_772 : f32 to vector<16xf32>
        %mul3A_799 = arith.mulf %get3A_797, %mul3A_798 : vector<16xf32>
        %add3A_800 = arith.addf %add3A_766, %mul3A_799 : vector<16xf32>
        %mul3A_801 = arith.constant 16 : i32
        %mul3A_802 = arith.muli %scan3A_722, %mul3A_801 : i32
        %add3A_803 = arith.constant 2 : i32
        %add3A_804 = arith.addi %mul3A_802, %add3A_803 : i32
        %slice3A_805 = vector.extract_strided_slice %get3A_732 {offsets = [2], sizes = [1], strides = [1]} : vector<16xf32> to vector<1xf32>
        %squeeze3A_806 = vector.extract %slice3A_805[0] : f32 from vector<1xf32>
        %get3A_807 = arith.index_cast %add3A_804 : i32 to index
        %get3A_808 = arith.constant 0 : index
        %get3A_809 = tpu.vector_load %arg11[%get3A_807, %get3A_808] {strides = array<i32>} : memref<200x64xf32, #tpu.memory_space<vmem>>, vector<1x16xf32>,
        %get3A_810 = vector.shape_cast %get3A_809 : vector<1x16xf32> to vector<16xf32>
        %mul3A_811 = vector.broadcast %squeeze3A_806 : f32 to vector<16xf32>
        %mul3A_812 = arith.mulf %get3A_810, %mul3A_811 : vector<16xf32>
        %add3A_813 = arith.addf %add3A_779, %mul3A_812 : vector<16xf32>
        %get3A_814 = arith.index_cast %add3A_804 : i32 to index
        %get3A_815 = arith.constant 16 : index
        %get3A_816 = tpu.vector_load %arg11[%get3A_814, %get3A_815] {strides = array<i32>} : memref<200x64xf32, #tpu.memory_space<vmem>>, vector<1x16xf32>,
        %get3A_817 = vector.shape_cast %get3A_816 : vector<1x16xf32> to vector<16xf32>
        %mul3A_818 = vector.broadcast %squeeze3A_806 : f32 to vector<16xf32>
        %mul3A_819 = arith.mulf %get3A_817, %mul3A_818 : vector<16xf32>
        %add3A_820 = arith.addf %add3A_786, %mul3A_819 : vector<16xf32>
        %get3A_821 = arith.index_cast %add3A_804 : i32 to index
        %get3A_822 = arith.constant 32 : index
        %get3A_823 = tpu.vector_load %arg11[%get3A_821, %get3A_822] {strides = array<i32>} : memref<200x64xf32, #tpu.memory_space<vmem>>, vector<1x16xf32>,
        %get3A_824 = vector.shape_cast %get3A_823 : vector<1x16xf32> to vector<16xf32>
        %mul3A_825 = vector.broadcast %squeeze3A_806 : f32 to vector<16xf32>
        %mul3A_826 = arith.mulf %get3A_824, %mul3A_825 : vector<16xf32>
        %add3A_827 = arith.addf %add3A_793, %mul3A_826 : vector<16xf32>
        %get3A_828 = arith.index_cast %add3A_804 : i32 to index
        %get3A_829 = arith.constant 48 : index
        %get3A_830 = tpu.vector_load %arg11[%get3A_828, %get3A_829] {strides = array<i32>} : memref<200x64xf32, #tpu.memory_space<vmem>>, vector<1x16xf32>,
        %get3A_831 = vector.shape_cast %get3A_830 : vector<1x16xf32> to vector<16xf32>
        %mul3A_832 = vector.broadcast %squeeze3A_806 : f32 to vector<16xf32>
        %mul3A_833 = arith.mulf %get3A_831, %mul3A_832 : vector<16xf32>
        %add3A_834 = arith.addf %add3A_800, %mul3A_833 : vector<16xf32>
        %mul3A_835 = arith.constant 16 : i32
        %mul3A_836 = arith.muli %scan3A_722, %mul3A_835 : i32
        %add3A_837 = arith.constant 3 : i32
        %add3A_838 = arith.addi %mul3A_836, %add3A_837 : i32
        %slice3A_839 = vector.extract_strided_slice %get3A_732 {offsets = [3], sizes = [1], strides = [1]} : vector<16xf32> to vector<1xf32>
        %squeeze3A_840 = vector.extract %slice3A_839[0] : f32 from vector<1xf32>
        %get3A_841 = arith.index_cast %add3A_838 : i32 to index
        %get3A_842 = arith.constant 0 : index
        %get3A_843 = tpu.vector_load %arg11[%get3A_841, %get3A_842] {strides = array<i32>} : memref<200x64xf32, #tpu.memory_space<vmem>>, vector<1x16xf32>,
        %get3A_844 = vector.shape_cast %get3A_843 : vector<1x16xf32> to vector<16xf32>
        %mul3A_845 = vector.broadcast %squeeze3A_840 : f32 to vector<16xf32>
        %mul3A_846 = arith.mulf %get3A_844, %mul3A_845 : vector<16xf32>
        %add3A_847 = arith.addf %add3A_813, %mul3A_846 : vector<16xf32>
        %get3A_848 = arith.index_cast %add3A_838 : i32 to index
        %get3A_849 = arith.constant 16 : index
        %get3A_850 = tpu.vector_load %arg11[%get3A_848, %get3A_849] {strides = array<i32>} : memref<200x64xf32, #tpu.memory_space<vmem>>, vector<1x16xf32>,
        %get3A_851 = vector.shape_cast %get3A_850 : vector<1x16xf32> to vector<16xf32>
        %mul3A_852 = vector.broadcast %squeeze3A_840 : f32 to vector<16xf32>
        %mul3A_853 = arith.mulf %get3A_851, %mul3A_852 : vector<16xf32>
        %add3A_854 = arith.addf %add3A_820, %mul3A_853 : vector<16xf32>
        %get3A_855 = arith.index_cast %add3A_838 : i32 to index
        %get3A_856 = arith.constant 32 : index
        %get3A_857 = tpu.vector_load %arg11[%get3A_855, %get3A_856] {strides = array<i32>} : memref<200x64xf32, #tpu.memory_space<vmem>>, vector<1x16xf32>,
        %get3A_858 = vector.shape_cast %get3A_857 : vector<1x16xf32> to vector<16xf32>
        %mul3A_859 = vector.broadcast %squeeze3A_840 : f32 to vector<16xf32>
        %mul3A_860 = arith.mulf %get3A_858, %mul3A_859 : vector<16xf32>
        %add3A_861 = arith.addf %add3A_827, %mul3A_860 : vector<16xf32>
        %get3A_862 = arith.index_cast %add3A_838 : i32 to index
        %get3A_863 = arith.constant 48 : index
        %get3A_864 = tpu.vector_load %arg11[%get3A_862, %get3A_863] {strides = array<i32>} : memref<200x64xf32, #tpu.memory_space<vmem>>, vector<1x16xf32>,
        %get3A_865 = vector.shape_cast %get3A_864 : vector<1x16xf32> to vector<16xf32>
        %mul3A_866 = vector.broadcast %squeeze3A_840 : f32 to vector<16xf32>
        %mul3A_867 = arith.mulf %get3A_865, %mul3A_866 : vector<16xf32>
        %add3A_868 = arith.addf %add3A_834, %mul3A_867 : vector<16xf32>
        %mul3A_869 = arith.constant 16 : i32
        %mul3A_870 = arith.muli %scan3A_722, %mul3A_869 : i32
        %add3A_871 = arith.constant 4 : i32
        %add3A_872 = arith.addi %mul3A_870, %add3A_871 : i32
        %slice3A_873 = vector.extract_strided_slice %get3A_732 {offsets = [4], sizes = [1], strides = [1]} : vector<16xf32> to vector<1xf32>
        %squeeze3A_874 = vector.extract %slice3A_873[0] : f32 from vector<1xf32>
        %get3A_875 = arith.index_cast %add3A_872 : i32 to index
        %get3A_876 = arith.constant 0 : index
        %get3A_877 = tpu.vector_load %arg11[%get3A_875, %get3A_876] {strides = array<i32>} : memref<200x64xf32, #tpu.memory_space<vmem>>, vector<1x16xf32>,
        %get3A_878 = vector.shape_cast %get3A_877 : vector<1x16xf32> to vector<16xf32>
        %mul3A_879 = vector.broadcast %squeeze3A_874 : f32 to vector<16xf32>
        %mul3A_880 = arith.mulf %get3A_878, %mul3A_879 : vector<16xf32>
        %add3A_881 = arith.addf %add3A_847, %mul3A_880 : vector<16xf32>
        %get3A_882 = arith.index_cast %add3A_872 : i32 to index
        %get3A_883 = arith.constant 16 : index
        %get3A_884 = tpu.vector_load %arg11[%get3A_882, %get3A_883] {strides = array<i32>} : memref<200x64xf32, #tpu.memory_space<vmem>>, vector<1x16xf32>,
        %get3A_885 = vector.shape_cast %get3A_884 : vector<1x16xf32> to vector<16xf32>
        %mul3A_886 = vector.broadcast %squeeze3A_874 : f32 to vector<16xf32>
        %mul3A_887 = arith.mulf %get3A_885, %mul3A_886 : vector<16xf32>
        %add3A_888 = arith.addf %add3A_854, %mul3A_887 : vector<16xf32>
        %get3A_889 = arith.index_cast %add3A_872 : i32 to index
        %get3A_890 = arith.constant 32 : index
        %get3A_891 = tpu.vector_load %arg11[%get3A_889, %get3A_890] {strides = array<i32>} : memref<200x64xf32, #tpu.memory_space<vmem>>, vector<1x16xf32>,
        %get3A_892 = vector.shape_cast %get3A_891 : vector<1x16xf32> to vector<16xf32>
        %mul3A_893 = vector.broadcast %squeeze3A_874 : f32 to vector<16xf32>
        %mul3A_894 = arith.mulf %get3A_892, %mul3A_893 : vector<16xf32>
        %add3A_895 = arith.addf %add3A_861, %mul3A_894 : vector<16xf32>
        %get3A_896 = arith.index_cast %add3A_872 : i32 to index
        %get3A_897 = arith.constant 48 : index
        %get3A_898 = tpu.vector_load %arg11[%get3A_896, %get3A_897] {strides = array<i32>} : memref<200x64xf32, #tpu.memory_space<vmem>>, vector<1x16xf32>,
        %get3A_899 = vector.shape_cast %get3A_898 : vector<1x16xf32> to vector<16xf32>
        %mul3A_900 = vector.broadcast %squeeze3A_874 : f32 to vector<16xf32>
        %mul3A_901 = arith.mulf %get3A_899, %mul3A_900 : vector<16xf32>
        %add3A_902 = arith.addf %add3A_868, %mul3A_901 : vector<16xf32>
        %mul3A_903 = arith.constant 16 : i32
        %mul3A_904 = arith.muli %scan3A_722, %mul3A_903 : i32
        %add3A_905 = arith.constant 5 : i32
        %add3A_906 = arith.addi %mul3A_904, %add3A_905 : i32
        %slice3A_907 = vector.extract_strided_slice %get3A_732 {offsets = [5], sizes = [1], strides = [1]} : vector<16xf32> to vector<1xf32>
        %squeeze3A_908 = vector.extract %slice3A_907[0] : f32 from vector<1xf32>
        %get3A_909 = arith.index_cast %add3A_906 : i32 to index
        %get3A_910 = arith.constant 0 : index
        %get3A_911 = tpu.vector_load %arg11[%get3A_909, %get3A_910] {strides = array<i32>} : memref<200x64xf32, #tpu.memory_space<vmem>>, vector<1x16xf32>,
        %get3A_912 = vector.shape_cast %get3A_911 : vector<1x16xf32> to vector<16xf32>
        %mul3A_913 = vector.broadcast %squeeze3A_908 : f32 to vector<16xf32>
        %mul3A_914 = arith.mulf %get3A_912, %mul3A_913 : vector<16xf32>
        %add3A_915 = arith.addf %add3A_881, %mul3A_914 : vector<16xf32>
        %get3A_916 = arith.index_cast %add3A_906 : i32 to index
        %get3A_917 = arith.constant 16 : index
        %get3A_918 = tpu.vector_load %arg11[%get3A_916, %get3A_917] {strides = array<i32>} : memref<200x64xf32, #tpu.memory_space<vmem>>, vector<1x16xf32>,
        %get3A_919 = vector.shape_cast %get3A_918 : vector<1x16xf32> to vector<16xf32>
        %mul3A_920 = vector.broadcast %squeeze3A_908 : f32 to vector<16xf32>
        %mul3A_921 = arith.mulf %get3A_919, %mul3A_920 : vector<16xf32>
        %add3A_922 = arith.addf %add3A_888, %mul3A_921 : vector<16xf32>
        %get3A_923 = arith.index_cast %add3A_906 : i32 to index
        %get3A_924 = arith.constant 32 : index
        %get3A_925 = tpu.vector_load %arg11[%get3A_923, %get3A_924] {strides = array<i32>} : memref<200x64xf32, #tpu.memory_space<vmem>>, vector<1x16xf32>,
        %get3A_926 = vector.shape_cast %get3A_925 : vector<1x16xf32> to vector<16xf32>
        %mul3A_927 = vector.broadcast %squeeze3A_908 : f32 to vector<16xf32>
        %mul3A_928 = arith.mulf %get3A_926, %mul3A_927 : vector<16xf32>
        %add3A_929 = arith.addf %add3A_895, %mul3A_928 : vector<16xf32>
        %get3A_930 = arith.index_cast %add3A_906 : i32 to index
        %get3A_931 = arith.constant 48 : index
        %get3A_932 = tpu.vector_load %arg11[%get3A_930, %get3A_931] {strides = array<i32>} : memref<200x64xf32, #tpu.memory_space<vmem>>, vector<1x16xf32>,
        %get3A_933 = vector.shape_cast %get3A_932 : vector<1x16xf32> to vector<16xf32>
        %mul3A_934 = vector.broadcast %squeeze3A_908 : f32 to vector<16xf32>
        %mul3A_935 = arith.mulf %get3A_933, %mul3A_934 : vector<16xf32>
        %add3A_936 = arith.addf %add3A_902, %mul3A_935 : vector<16xf32>
        %mul3A_937 = arith.constant 16 : i32
        %mul3A_938 = arith.muli %scan3A_722, %mul3A_937 : i32
        %add3A_939 = arith.constant 6 : i32
        %add3A_940 = arith.addi %mul3A_938, %add3A_939 : i32
        %slice3A_941 = vector.extract_strided_slice %get3A_732 {offsets = [6], sizes = [1], strides = [1]} : vector<16xf32> to vector<1xf32>
        %squeeze3A_942 = vector.extract %slice3A_941[0] : f32 from vector<1xf32>
        %get3A_943 = arith.index_cast %add3A_940 : i32 to index
        %get3A_944 = arith.constant 0 : index
        %get3A_945 = tpu.vector_load %arg11[%get3A_943, %get3A_944] {strides = array<i32>} : memref<200x64xf32, #tpu.memory_space<vmem>>, vector<1x16xf32>,
        %get3A_946 = vector.shape_cast %get3A_945 : vector<1x16xf32> to vector<16xf32>
        %mul3A_947 = vector.broadcast %squeeze3A_942 : f32 to vector<16xf32>
        %mul3A_948 = arith.mulf %get3A_946, %mul3A_947 : vector<16xf32>
        %add3A_949 = arith.addf %add3A_915, %mul3A_948 : vector<16xf32>
        %get3A_950 = arith.index_cast %add3A_940 : i32 to index
        %get3A_951 = arith.constant 16 : index
        %get3A_952 = tpu.vector_load %arg11[%get3A_950, %get3A_951] {strides = array<i32>} : memref<200x64xf32, #tpu.memory_space<vmem>>, vector<1x16xf32>,
        %get3A_953 = vector.shape_cast %get3A_952 : vector<1x16xf32> to vector<16xf32>
        %mul3A_954 = vector.broadcast %squeeze3A_942 : f32 to vector<16xf32>
        %mul3A_955 = arith.mulf %get3A_953, %mul3A_954 : vector<16xf32>
        %add3A_956 = arith.addf %add3A_922, %mul3A_955 : vector<16xf32>
        %get3A_957 = arith.index_cast %add3A_940 : i32 to index
        %get3A_958 = arith.constant 32 : index
        %get3A_959 = tpu.vector_load %arg11[%get3A_957, %get3A_958] {strides = array<i32>} : memref<200x64xf32, #tpu.memory_space<vmem>>, vector<1x16xf32>,
        %get3A_960 = vector.shape_cast %get3A_959 : vector<1x16xf32> to vector<16xf32>
        %mul3A_961 = vector.broadcast %squeeze3A_942 : f32 to vector<16xf32>
        %mul3A_962 = arith.mulf %get3A_960, %mul3A_961 : vector<16xf32>
        %add3A_963 = arith.addf %add3A_929, %mul3A_962 : vector<16xf32>
        %get3A_964 = arith.index_cast %add3A_940 : i32 to index
        %get3A_965 = arith.constant 48 : index
        %get3A_966 = tpu.vector_load %arg11[%get3A_964, %get3A_965] {strides = array<i32>} : memref<200x64xf32, #tpu.memory_space<vmem>>, vector<1x16xf32>,
        %get3A_967 = vector.shape_cast %get3A_966 : vector<1x16xf32> to vector<16xf32>
        %mul3A_968 = vector.broadcast %squeeze3A_942 : f32 to vector<16xf32>
        %mul3A_969 = arith.mulf %get3A_967, %mul3A_968 : vector<16xf32>
        %add3A_970 = arith.addf %add3A_936, %mul3A_969 : vector<16xf32>
        %mul3A_971 = arith.constant 16 : i32
        %mul3A_972 = arith.muli %scan3A_722, %mul3A_971 : i32
        %add3A_973 = arith.constant 7 : i32
        %add3A_974 = arith.addi %mul3A_972, %add3A_973 : i32
        %slice3A_975 = vector.extract_strided_slice %get3A_732 {offsets = [7], sizes = [1], strides = [1]} : vector<16xf32> to vector<1xf32>
        %squeeze3A_976 = vector.extract %slice3A_975[0] : f32 from vector<1xf32>
        %get3A_977 = arith.index_cast %add3A_974 : i32 to index
        %get3A_978 = arith.constant 0 : index
        %get3A_979 = tpu.vector_load %arg11[%get3A_977, %get3A_978] {strides = array<i32>} : memref<200x64xf32, #tpu.memory_space<vmem>>, vector<1x16xf32>,
        %get3A_980 = vector.shape_cast %get3A_979 : vector<1x16xf32> to vector<16xf32>
        %mul3A_981 = vector.broadcast %squeeze3A_976 : f32 to vector<16xf32>
        %mul3A_982 = arith.mulf %get3A_980, %mul3A_981 : vector<16xf32>
        %add3A_983 = arith.addf %add3A_949, %mul3A_982 : vector<16xf32>
        %get3A_984 = arith.index_cast %add3A_974 : i32 to index
        %get3A_985 = arith.constant 16 : index
        %get3A_986 = tpu.vector_load %arg11[%get3A_984, %get3A_985] {strides = array<i32>} : memref<200x64xf32, #tpu.memory_space<vmem>>, vector<1x16xf32>,
        %get3A_987 = vector.shape_cast %get3A_986 : vector<1x16xf32> to vector<16xf32>
        %mul3A_988 = vector.broadcast %squeeze3A_976 : f32 to vector<16xf32>
        %mul3A_989 = arith.mulf %get3A_987, %mul3A_988 : vector<16xf32>
        %add3A_990 = arith.addf %add3A_956, %mul3A_989 : vector<16xf32>
        %get3A_991 = arith.index_cast %add3A_974 : i32 to index
        %get3A_992 = arith.constant 32 : index
        %get3A_993 = tpu.vector_load %arg11[%get3A_991, %get3A_992] {strides = array<i32>} : memref<200x64xf32, #tpu.memory_space<vmem>>, vector<1x16xf32>,
        %get3A_994 = vector.shape_cast %get3A_993 : vector<1x16xf32> to vector<16xf32>
        %mul3A_995 = vector.broadcast %squeeze3A_976 : f32 to vector<16xf32>
        %mul3A_996 = arith.mulf %get3A_994, %mul3A_995 : vector<16xf32>
        %add3A_997 = arith.addf %add3A_963, %mul3A_996 : vector<16xf32>
        %get3A_998 = arith.index_cast %add3A_974 : i32 to index
        %get3A_999 = arith.constant 48 : index
        %get3A_1000 = tpu.vector_load %arg11[%get3A_998, %get3A_999] {strides = array<i32>} : memref<200x64xf32, #tpu.memory_space<vmem>>, vector<1x16xf32>,
        %get3A_1001 = vector.shape_cast %get3A_1000 : vector<1x16xf32> to vector<16xf32>
        %mul3A_1002 = vector.broadcast %squeeze3A_976 : f32 to vector<16xf32>
        %mul3A_1003 = arith.mulf %get3A_1001, %mul3A_1002 : vector<16xf32>
        %add3A_1004 = arith.addf %add3A_970, %mul3A_1003 : vector<16xf32>
        %mul3A_1005 = arith.constant 16 : i32
        %mul3A_1006 = arith.muli %scan3A_722, %mul3A_1005 : i32
        %add3A_1007 = arith.constant 8 : i32
        %add3A_1008 = arith.addi %mul3A_1006, %add3A_1007 : i32
        %slice3A_1009 = vector.extract_strided_slice %get3A_732 {offsets = [8], sizes = [1], strides = [1]} : vector<16xf32> to vector<1xf32>
        %squeeze3A_1010 = vector.extract %slice3A_1009[0] : f32 from vector<1xf32>
        %get3A_1011 = arith.index_cast %add3A_1008 : i32 to index
        %get3A_1012 = arith.constant 0 : index
        %get3A_1013 = tpu.vector_load %arg11[%get3A_1011, %get3A_1012] {strides = array<i32>} : memref<200x64xf32, #tpu.memory_space<vmem>>, vector<1x16xf32>,
        %get3A_1014 = vector.shape_cast %get3A_1013 : vector<1x16xf32> to vector<16xf32>
        %mul3A_1015 = vector.broadcast %squeeze3A_1010 : f32 to vector<16xf32>
        %mul3A_1016 = arith.mulf %get3A_1014, %mul3A_1015 : vector<16xf32>
        %add3A_1017 = arith.addf %add3A_983, %mul3A_1016 : vector<16xf32>
        %get3A_1018 = arith.index_cast %add3A_1008 : i32 to index
        %get3A_1019 = arith.constant 16 : index
        %get3A_1020 = tpu.vector_load %arg11[%get3A_1018, %get3A_1019] {strides = array<i32>} : memref<200x64xf32, #tpu.memory_space<vmem>>, vector<1x16xf32>,
        %get3A_1021 = vector.shape_cast %get3A_1020 : vector<1x16xf32> to vector<16xf32>
        %mul3A_1022 = vector.broadcast %squeeze3A_1010 : f32 to vector<16xf32>
        %mul3A_1023 = arith.mulf %get3A_1021, %mul3A_1022 : vector<16xf32>
        %add3A_1024 = arith.addf %add3A_990, %mul3A_1023 : vector<16xf32>
        %get3A_1025 = arith.index_cast %add3A_1008 : i32 to index
        %get3A_1026 = arith.constant 32 : index
        %get3A_1027 = tpu.vector_load %arg11[%get3A_1025, %get3A_1026] {strides = array<i32>} : memref<200x64xf32, #tpu.memory_space<vmem>>, vector<1x16xf32>,
        %get3A_1028 = vector.shape_cast %get3A_1027 : vector<1x16xf32> to vector<16xf32>
        %mul3A_1029 = vector.broadcast %squeeze3A_1010 : f32 to vector<16xf32>
        %mul3A_1030 = arith.mulf %get3A_1028, %mul3A_1029 : vector<16xf32>
        %add3A_1031 = arith.addf %add3A_997, %mul3A_1030 : vector<16xf32>
        %get3A_1032 = arith.index_cast %add3A_1008 : i32 to index
        %get3A_1033 = arith.constant 48 : index
        %get3A_1034 = tpu.vector_load %arg11[%get3A_1032, %get3A_1033] {strides = array<i32>} : memref<200x64xf32, #tpu.memory_space<vmem>>, vector<1x16xf32>,
        %get3A_1035 = vector.shape_cast %get3A_1034 : vector<1x16xf32> to vector<16xf32>
        %mul3A_1036 = vector.broadcast %squeeze3A_1010 : f32 to vector<16xf32>
        %mul3A_1037 = arith.mulf %get3A_1035, %mul3A_1036 : vector<16xf32>
        %add3A_1038 = arith.addf %add3A_1004, %mul3A_1037 : vector<16xf32>
        %mul3A_1039 = arith.constant 16 : i32
        %mul3A_1040 = arith.muli %scan3A_722, %mul3A_1039 : i32
        %add3A_1041 = arith.constant 9 : i32
        %add3A_1042 = arith.addi %mul3A_1040, %add3A_1041 : i32
        %slice3A_1043 = vector.extract_strided_slice %get3A_732 {offsets = [9], sizes = [1], strides = [1]} : vector<16xf32> to vector<1xf32>
        %squeeze3A_1044 = vector.extract %slice3A_1043[0] : f32 from vector<1xf32>
        %get3A_1045 = arith.index_cast %add3A_1042 : i32 to index
        %get3A_1046 = arith.constant 0 : index
        %get3A_1047 = tpu.vector_load %arg11[%get3A_1045, %get3A_1046] {strides = array<i32>} : memref<200x64xf32, #tpu.memory_space<vmem>>, vector<1x16xf32>,
        %get3A_1048 = vector.shape_cast %get3A_1047 : vector<1x16xf32> to vector<16xf32>
        %mul3A_1049 = vector.broadcast %squeeze3A_1044 : f32 to vector<16xf32>
        %mul3A_1050 = arith.mulf %get3A_1048, %mul3A_1049 : vector<16xf32>
        %add3A_1051 = arith.addf %add3A_1017, %mul3A_1050 : vector<16xf32>
        %get3A_1052 = arith.index_cast %add3A_1042 : i32 to index
        %get3A_1053 = arith.constant 16 : index
        %get3A_1054 = tpu.vector_load %arg11[%get3A_1052, %get3A_1053] {strides = array<i32>} : memref<200x64xf32, #tpu.memory_space<vmem>>, vector<1x16xf32>,
        %get3A_1055 = vector.shape_cast %get3A_1054 : vector<1x16xf32> to vector<16xf32>
        %mul3A_1056 = vector.broadcast %squeeze3A_1044 : f32 to vector<16xf32>
        %mul3A_1057 = arith.mulf %get3A_1055, %mul3A_1056 : vector<16xf32>
        %add3A_1058 = arith.addf %add3A_1024, %mul3A_1057 : vector<16xf32>
        %get3A_1059 = arith.index_cast %add3A_1042 : i32 to index
        %get3A_1060 = arith.constant 32 : index
        %get3A_1061 = tpu.vector_load %arg11[%get3A_1059, %get3A_1060] {strides = array<i32>} : memref<200x64xf32, #tpu.memory_space<vmem>>, vector<1x16xf32>,
        %get3A_1062 = vector.shape_cast %get3A_1061 : vector<1x16xf32> to vector<16xf32>
        %mul3A_1063 = vector.broadcast %squeeze3A_1044 : f32 to vector<16xf32>
        %mul3A_1064 = arith.mulf %get3A_1062, %mul3A_1063 : vector<16xf32>
        %add3A_1065 = arith.addf %add3A_1031, %mul3A_1064 : vector<16xf32>
        %get3A_1066 = arith.index_cast %add3A_1042 : i32 to index
        %get3A_1067 = arith.constant 48 : index
        %get3A_1068 = tpu.vector_load %arg11[%get3A_1066, %get3A_1067] {strides = array<i32>} : memref<200x64xf32, #tpu.memory_space<vmem>>, vector<1x16xf32>,
        %get3A_1069 = vector.shape_cast %get3A_1068 : vector<1x16xf32> to vector<16xf32>
        %mul3A_1070 = vector.broadcast %squeeze3A_1044 : f32 to vector<16xf32>
        %mul3A_1071 = arith.mulf %get3A_1069, %mul3A_1070 : vector<16xf32>
        %add3A_1072 = arith.addf %add3A_1038, %mul3A_1071 : vector<16xf32>
        %mul3A_1073 = arith.constant 16 : i32
        %mul3A_1074 = arith.muli %scan3A_722, %mul3A_1073 : i32
        %add3A_1075 = arith.constant 10 : i32
        %add3A_1076 = arith.addi %mul3A_1074, %add3A_1075 : i32
        %slice3A_1077 = vector.extract_strided_slice %get3A_732 {offsets = [10], sizes = [1], strides = [1]} : vector<16xf32> to vector<1xf32>
        %squeeze3A_1078 = vector.extract %slice3A_1077[0] : f32 from vector<1xf32>
        %get3A_1079 = arith.index_cast %add3A_1076 : i32 to index
        %get3A_1080 = arith.constant 0 : index
        %get3A_1081 = tpu.vector_load %arg11[%get3A_1079, %get3A_1080] {strides = array<i32>} : memref<200x64xf32, #tpu.memory_space<vmem>>, vector<1x16xf32>,
        %get3A_1082 = vector.shape_cast %get3A_1081 : vector<1x16xf32> to vector<16xf32>
        %mul3A_1083 = vector.broadcast %squeeze3A_1078 : f32 to vector<16xf32>
        %mul3A_1084 = arith.mulf %get3A_1082, %mul3A_1083 : vector<16xf32>
        %add3A_1085 = arith.addf %add3A_1051, %mul3A_1084 : vector<16xf32>
        %get3A_1086 = arith.index_cast %add3A_1076 : i32 to index
        %get3A_1087 = arith.constant 16 : index
        %get3A_1088 = tpu.vector_load %arg11[%get3A_1086, %get3A_1087] {strides = array<i32>} : memref<200x64xf32, #tpu.memory_space<vmem>>, vector<1x16xf32>,
        %get3A_1089 = vector.shape_cast %get3A_1088 : vector<1x16xf32> to vector<16xf32>
        %mul3A_1090 = vector.broadcast %squeeze3A_1078 : f32 to vector<16xf32>
        %mul3A_1091 = arith.mulf %get3A_1089, %mul3A_1090 : vector<16xf32>
        %add3A_1092 = arith.addf %add3A_1058, %mul3A_1091 : vector<16xf32>
        %get3A_1093 = arith.index_cast %add3A_1076 : i32 to index
        %get3A_1094 = arith.constant 32 : index
        %get3A_1095 = tpu.vector_load %arg11[%get3A_1093, %get3A_1094] {strides = array<i32>} : memref<200x64xf32, #tpu.memory_space<vmem>>, vector<1x16xf32>,
        %get3A_1096 = vector.shape_cast %get3A_1095 : vector<1x16xf32> to vector<16xf32>
        %mul3A_1097 = vector.broadcast %squeeze3A_1078 : f32 to vector<16xf32>
        %mul3A_1098 = arith.mulf %get3A_1096, %mul3A_1097 : vector<16xf32>
        %add3A_1099 = arith.addf %add3A_1065, %mul3A_1098 : vector<16xf32>
        %get3A_1100 = arith.index_cast %add3A_1076 : i32 to index
        %get3A_1101 = arith.constant 48 : index
        %get3A_1102 = tpu.vector_load %arg11[%get3A_1100, %get3A_1101] {strides = array<i32>} : memref<200x64xf32, #tpu.memory_space<vmem>>, vector<1x16xf32>,
        %get3A_1103 = vector.shape_cast %get3A_1102 : vector<1x16xf32> to vector<16xf32>
        %mul3A_1104 = vector.broadcast %squeeze3A_1078 : f32 to vector<16xf32>
        %mul3A_1105 = arith.mulf %get3A_1103, %mul3A_1104 : vector<16xf32>
        %add3A_1106 = arith.addf %add3A_1072, %mul3A_1105 : vector<16xf32>
        %mul3A_1107 = arith.constant 16 : i32
        %mul3A_1108 = arith.muli %scan3A_722, %mul3A_1107 : i32
        %add3A_1109 = arith.constant 11 : i32
        %add3A_1110 = arith.addi %mul3A_1108, %add3A_1109 : i32
        %slice3A_1111 = vector.extract_strided_slice %get3A_732 {offsets = [11], sizes = [1], strides = [1]} : vector<16xf32> to vector<1xf32>
        %squeeze3A_1112 = vector.extract %slice3A_1111[0] : f32 from vector<1xf32>
        %get3A_1113 = arith.index_cast %add3A_1110 : i32 to index
        %get3A_1114 = arith.constant 0 : index
        %get3A_1115 = tpu.vector_load %arg11[%get3A_1113, %get3A_1114] {strides = array<i32>} : memref<200x64xf32, #tpu.memory_space<vmem>>, vector<1x16xf32>,
        %get3A_1116 = vector.shape_cast %get3A_1115 : vector<1x16xf32> to vector<16xf32>
        %mul3A_1117 = vector.broadcast %squeeze3A_1112 : f32 to vector<16xf32>
        %mul3A_1118 = arith.mulf %get3A_1116, %mul3A_1117 : vector<16xf32>
        %add3A_1119 = arith.addf %add3A_1085, %mul3A_1118 : vector<16xf32>
        %get3A_1120 = arith.index_cast %add3A_1110 : i32 to index
        %get3A_1121 = arith.constant 16 : index
        %get3A_1122 = tpu.vector_load %arg11[%get3A_1120, %get3A_1121] {strides = array<i32>} : memref<200x64xf32, #tpu.memory_space<vmem>>, vector<1x16xf32>,
        %get3A_1123 = vector.shape_cast %get3A_1122 : vector<1x16xf32> to vector<16xf32>
        %mul3A_1124 = vector.broadcast %squeeze3A_1112 : f32 to vector<16xf32>
        %mul3A_1125 = arith.mulf %get3A_1123, %mul3A_1124 : vector<16xf32>
        %add3A_1126 = arith.addf %add3A_1092, %mul3A_1125 : vector<16xf32>
        %get3A_1127 = arith.index_cast %add3A_1110 : i32 to index
        %get3A_1128 = arith.constant 32 : index
        %get3A_1129 = tpu.vector_load %arg11[%get3A_1127, %get3A_1128] {strides = array<i32>} : memref<200x64xf32, #tpu.memory_space<vmem>>, vector<1x16xf32>,
        %get3A_1130 = vector.shape_cast %get3A_1129 : vector<1x16xf32> to vector<16xf32>
        %mul3A_1131 = vector.broadcast %squeeze3A_1112 : f32 to vector<16xf32>
        %mul3A_1132 = arith.mulf %get3A_1130, %mul3A_1131 : vector<16xf32>
        %add3A_1133 = arith.addf %add3A_1099, %mul3A_1132 : vector<16xf32>
        %get3A_1134 = arith.index_cast %add3A_1110 : i32 to index
        %get3A_1135 = arith.constant 48 : index
        %get3A_1136 = tpu.vector_load %arg11[%get3A_1134, %get3A_1135] {strides = array<i32>} : memref<200x64xf32, #tpu.memory_space<vmem>>, vector<1x16xf32>,
        %get3A_1137 = vector.shape_cast %get3A_1136 : vector<1x16xf32> to vector<16xf32>
        %mul3A_1138 = vector.broadcast %squeeze3A_1112 : f32 to vector<16xf32>
        %mul3A_1139 = arith.mulf %get3A_1137, %mul3A_1138 : vector<16xf32>
        %add3A_1140 = arith.addf %add3A_1106, %mul3A_1139 : vector<16xf32>
        %mul3A_1141 = arith.constant 16 : i32
        %mul3A_1142 = arith.muli %scan3A_722, %mul3A_1141 : i32
        %add3A_1143 = arith.constant 12 : i32
        %add3A_1144 = arith.addi %mul3A_1142, %add3A_1143 : i32
        %slice3A_1145 = vector.extract_strided_slice %get3A_732 {offsets = [12], sizes = [1], strides = [1]} : vector<16xf32> to vector<1xf32>
        %squeeze3A_1146 = vector.extract %slice3A_1145[0] : f32 from vector<1xf32>
        %get3A_1147 = arith.index_cast %add3A_1144 : i32 to index
        %get3A_1148 = arith.constant 0 : index
        %get3A_1149 = tpu.vector_load %arg11[%get3A_1147, %get3A_1148] {strides = array<i32>} : memref<200x64xf32, #tpu.memory_space<vmem>>, vector<1x16xf32>,
        %get3A_1150 = vector.shape_cast %get3A_1149 : vector<1x16xf32> to vector<16xf32>
        %mul3A_1151 = vector.broadcast %squeeze3A_1146 : f32 to vector<16xf32>
        %mul3A_1152 = arith.mulf %get3A_1150, %mul3A_1151 : vector<16xf32>
        %add3A_1153 = arith.addf %add3A_1119, %mul3A_1152 : vector<16xf32>
        %get3A_1154 = arith.index_cast %add3A_1144 : i32 to index
        %get3A_1155 = arith.constant 16 : index
        %get3A_1156 = tpu.vector_load %arg11[%get3A_1154, %get3A_1155] {strides = array<i32>} : memref<200x64xf32, #tpu.memory_space<vmem>>, vector<1x16xf32>,
        %get3A_1157 = vector.shape_cast %get3A_1156 : vector<1x16xf32> to vector<16xf32>
        %mul3A_1158 = vector.broadcast %squeeze3A_1146 : f32 to vector<16xf32>
        %mul3A_1159 = arith.mulf %get3A_1157, %mul3A_1158 : vector<16xf32>
        %add3A_1160 = arith.addf %add3A_1126, %mul3A_1159 : vector<16xf32>
        %get3A_1161 = arith.index_cast %add3A_1144 : i32 to index
        %get3A_1162 = arith.constant 32 : index
        %get3A_1163 = tpu.vector_load %arg11[%get3A_1161, %get3A_1162] {strides = array<i32>} : memref<200x64xf32, #tpu.memory_space<vmem>>, vector<1x16xf32>,
        %get3A_1164 = vector.shape_cast %get3A_1163 : vector<1x16xf32> to vector<16xf32>
        %mul3A_1165 = vector.broadcast %squeeze3A_1146 : f32 to vector<16xf32>
        %mul3A_1166 = arith.mulf %get3A_1164, %mul3A_1165 : vector<16xf32>
        %add3A_1167 = arith.addf %add3A_1133, %mul3A_1166 : vector<16xf32>
        %get3A_1168 = arith.index_cast %add3A_1144 : i32 to index
        %get3A_1169 = arith.constant 48 : index
        %get3A_1170 = tpu.vector_load %arg11[%get3A_1168, %get3A_1169] {strides = array<i32>} : memref<200x64xf32, #tpu.memory_space<vmem>>, vector<1x16xf32>,
        %get3A_1171 = vector.shape_cast %get3A_1170 : vector<1x16xf32> to vector<16xf32>
        %mul3A_1172 = vector.broadcast %squeeze3A_1146 : f32 to vector<16xf32>
        %mul3A_1173 = arith.mulf %get3A_1171, %mul3A_1172 : vector<16xf32>
        %add3A_1174 = arith.addf %add3A_1140, %mul3A_1173 : vector<16xf32>
        %mul3A_1175 = arith.constant 16 : i32
        %mul3A_1176 = arith.muli %scan3A_722, %mul3A_1175 : i32
        %add3A_1177 = arith.constant 13 : i32
        %add3A_1178 = arith.addi %mul3A_1176, %add3A_1177 : i32
        %slice3A_1179 = vector.extract_strided_slice %get3A_732 {offsets = [13], sizes = [1], strides = [1]} : vector<16xf32> to vector<1xf32>
        %squeeze3A_1180 = vector.extract %slice3A_1179[0] : f32 from vector<1xf32>
        %get3A_1181 = arith.index_cast %add3A_1178 : i32 to index
        %get3A_1182 = arith.constant 0 : index
        %get3A_1183 = tpu.vector_load %arg11[%get3A_1181, %get3A_1182] {strides = array<i32>} : memref<200x64xf32, #tpu.memory_space<vmem>>, vector<1x16xf32>,
        %get3A_1184 = vector.shape_cast %get3A_1183 : vector<1x16xf32> to vector<16xf32>
        %mul3A_1185 = vector.broadcast %squeeze3A_1180 : f32 to vector<16xf32>
        %mul3A_1186 = arith.mulf %get3A_1184, %mul3A_1185 : vector<16xf32>
        %add3A_1187 = arith.addf %add3A_1153, %mul3A_1186 : vector<16xf32>
        %get3A_1188 = arith.index_cast %add3A_1178 : i32 to index
        %get3A_1189 = arith.constant 16 : index
        %get3A_1190 = tpu.vector_load %arg11[%get3A_1188, %get3A_1189] {strides = array<i32>} : memref<200x64xf32, #tpu.memory_space<vmem>>, vector<1x16xf32>,
        %get3A_1191 = vector.shape_cast %get3A_1190 : vector<1x16xf32> to vector<16xf32>
        %mul3A_1192 = vector.broadcast %squeeze3A_1180 : f32 to vector<16xf32>
        %mul3A_1193 = arith.mulf %get3A_1191, %mul3A_1192 : vector<16xf32>
        %add3A_1194 = arith.addf %add3A_1160, %mul3A_1193 : vector<16xf32>
        %get3A_1195 = arith.index_cast %add3A_1178 : i32 to index
        %get3A_1196 = arith.constant 32 : index
        %get3A_1197 = tpu.vector_load %arg11[%get3A_1195, %get3A_1196] {strides = array<i32>} : memref<200x64xf32, #tpu.memory_space<vmem>>, vector<1x16xf32>,
        %get3A_1198 = vector.shape_cast %get3A_1197 : vector<1x16xf32> to vector<16xf32>
        %mul3A_1199 = vector.broadcast %squeeze3A_1180 : f32 to vector<16xf32>
        %mul3A_1200 = arith.mulf %get3A_1198, %mul3A_1199 : vector<16xf32>
        %add3A_1201 = arith.addf %add3A_1167, %mul3A_1200 : vector<16xf32>
        %get3A_1202 = arith.index_cast %add3A_1178 : i32 to index
        %get3A_1203 = arith.constant 48 : index
        %get3A_1204 = tpu.vector_load %arg11[%get3A_1202, %get3A_1203] {strides = array<i32>} : memref<200x64xf32, #tpu.memory_space<vmem>>, vector<1x16xf32>,
        %get3A_1205 = vector.shape_cast %get3A_1204 : vector<1x16xf32> to vector<16xf32>
        %mul3A_1206 = vector.broadcast %squeeze3A_1180 : f32 to vector<16xf32>
        %mul3A_1207 = arith.mulf %get3A_1205, %mul3A_1206 : vector<16xf32>
        %add3A_1208 = arith.addf %add3A_1174, %mul3A_1207 : vector<16xf32>
        %mul3A_1209 = arith.constant 16 : i32
        %mul3A_1210 = arith.muli %scan3A_722, %mul3A_1209 : i32
        %add3A_1211 = arith.constant 14 : i32
        %add3A_1212 = arith.addi %mul3A_1210, %add3A_1211 : i32
        %slice3A_1213 = vector.extract_strided_slice %get3A_732 {offsets = [14], sizes = [1], strides = [1]} : vector<16xf32> to vector<1xf32>
        %squeeze3A_1214 = vector.extract %slice3A_1213[0] : f32 from vector<1xf32>
        %get3A_1215 = arith.index_cast %add3A_1212 : i32 to index
        %get3A_1216 = arith.constant 0 : index
        %get3A_1217 = tpu.vector_load %arg11[%get3A_1215, %get3A_1216] {strides = array<i32>} : memref<200x64xf32, #tpu.memory_space<vmem>>, vector<1x16xf32>,
        %get3A_1218 = vector.shape_cast %get3A_1217 : vector<1x16xf32> to vector<16xf32>
        %mul3A_1219 = vector.broadcast %squeeze3A_1214 : f32 to vector<16xf32>
        %mul3A_1220 = arith.mulf %get3A_1218, %mul3A_1219 : vector<16xf32>
        %add3A_1221 = arith.addf %add3A_1187, %mul3A_1220 : vector<16xf32>
        %get3A_1222 = arith.index_cast %add3A_1212 : i32 to index
        %get3A_1223 = arith.constant 16 : index
        %get3A_1224 = tpu.vector_load %arg11[%get3A_1222, %get3A_1223] {strides = array<i32>} : memref<200x64xf32, #tpu.memory_space<vmem>>, vector<1x16xf32>,
        %get3A_1225 = vector.shape_cast %get3A_1224 : vector<1x16xf32> to vector<16xf32>
        %mul3A_1226 = vector.broadcast %squeeze3A_1214 : f32 to vector<16xf32>
        %mul3A_1227 = arith.mulf %get3A_1225, %mul3A_1226 : vector<16xf32>
        %add3A_1228 = arith.addf %add3A_1194, %mul3A_1227 : vector<16xf32>
        %get3A_1229 = arith.index_cast %add3A_1212 : i32 to index
        %get3A_1230 = arith.constant 32 : index
        %get3A_1231 = tpu.vector_load %arg11[%get3A_1229, %get3A_1230] {strides = array<i32>} : memref<200x64xf32, #tpu.memory_space<vmem>>, vector<1x16xf32>,
        %get3A_1232 = vector.shape_cast %get3A_1231 : vector<1x16xf32> to vector<16xf32>
        %mul3A_1233 = vector.broadcast %squeeze3A_1214 : f32 to vector<16xf32>
        %mul3A_1234 = arith.mulf %get3A_1232, %mul3A_1233 : vector<16xf32>
        %add3A_1235 = arith.addf %add3A_1201, %mul3A_1234 : vector<16xf32>
        %get3A_1236 = arith.index_cast %add3A_1212 : i32 to index
        %get3A_1237 = arith.constant 48 : index
        %get3A_1238 = tpu.vector_load %arg11[%get3A_1236, %get3A_1237] {strides = array<i32>} : memref<200x64xf32, #tpu.memory_space<vmem>>, vector<1x16xf32>,
        %get3A_1239 = vector.shape_cast %get3A_1238 : vector<1x16xf32> to vector<16xf32>
        %mul3A_1240 = vector.broadcast %squeeze3A_1214 : f32 to vector<16xf32>
        %mul3A_1241 = arith.mulf %get3A_1239, %mul3A_1240 : vector<16xf32>
        %add3A_1242 = arith.addf %add3A_1208, %mul3A_1241 : vector<16xf32>
        %mul3A_1243 = arith.constant 16 : i32
        %mul3A_1244 = arith.muli %scan3A_722, %mul3A_1243 : i32
        %add3A_1245 = arith.constant 15 : i32
        %add3A_1246 = arith.addi %mul3A_1244, %add3A_1245 : i32
        %slice3A_1247 = vector.extract_strided_slice %get3A_732 {offsets = [15], sizes = [1], strides = [1]} : vector<16xf32> to vector<1xf32>
        %squeeze3A_1248 = vector.extract %slice3A_1247[0] : f32 from vector<1xf32>
        %get3A_1249 = arith.index_cast %add3A_1246 : i32 to index
        %get3A_1250 = arith.constant 0 : index
        %get3A_1251 = tpu.vector_load %arg11[%get3A_1249, %get3A_1250] {strides = array<i32>} : memref<200x64xf32, #tpu.memory_space<vmem>>, vector<1x16xf32>,
        %get3A_1252 = vector.shape_cast %get3A_1251 : vector<1x16xf32> to vector<16xf32>
        %mul3A_1253 = vector.broadcast %squeeze3A_1248 : f32 to vector<16xf32>
        %mul3A_1254 = arith.mulf %get3A_1252, %mul3A_1253 : vector<16xf32>
        %add3A_1255 = arith.addf %add3A_1221, %mul3A_1254 : vector<16xf32>
        %get3A_1256 = arith.index_cast %add3A_1246 : i32 to index
        %get3A_1257 = arith.constant 16 : index
        %get3A_1258 = tpu.vector_load %arg11[%get3A_1256, %get3A_1257] {strides = array<i32>} : memref<200x64xf32, #tpu.memory_space<vmem>>, vector<1x16xf32>,
        %get3A_1259 = vector.shape_cast %get3A_1258 : vector<1x16xf32> to vector<16xf32>
        %mul3A_1260 = vector.broadcast %squeeze3A_1248 : f32 to vector<16xf32>
        %mul3A_1261 = arith.mulf %get3A_1259, %mul3A_1260 : vector<16xf32>
        %add3A_1262 = arith.addf %add3A_1228, %mul3A_1261 : vector<16xf32>
        %get3A_1263 = arith.index_cast %add3A_1246 : i32 to index
        %get3A_1264 = arith.constant 32 : index
        %get3A_1265 = tpu.vector_load %arg11[%get3A_1263, %get3A_1264] {strides = array<i32>} : memref<200x64xf32, #tpu.memory_space<vmem>>, vector<1x16xf32>,
        %get3A_1266 = vector.shape_cast %get3A_1265 : vector<1x16xf32> to vector<16xf32>
        %mul3A_1267 = vector.broadcast %squeeze3A_1248 : f32 to vector<16xf32>
        %mul3A_1268 = arith.mulf %get3A_1266, %mul3A_1267 : vector<16xf32>
        %add3A_1269 = arith.addf %add3A_1235, %mul3A_1268 : vector<16xf32>
        %get3A_1270 = arith.index_cast %add3A_1246 : i32 to index
        %get3A_1271 = arith.constant 48 : index
        %get3A_1272 = tpu.vector_load %arg11[%get3A_1270, %get3A_1271] {strides = array<i32>} : memref<200x64xf32, #tpu.memory_space<vmem>>, vector<1x16xf32>,
        %get3A_1273 = vector.shape_cast %get3A_1272 : vector<1x16xf32> to vector<16xf32>
        %mul3A_1274 = vector.broadcast %squeeze3A_1248 : f32 to vector<16xf32>
        %mul3A_1275 = arith.mulf %get3A_1273, %mul3A_1274 : vector<16xf32>
        %add3A_1276 = arith.addf %add3A_1242, %mul3A_1275 : vector<16xf32>
        scf.yield %add3A_1255, %add3A_1262, %add3A_1269, %add3A_1276 : vector<16xf32>, vector<16xf32>, vector<16xf32>, vector<16xf32>
      }
      %scan3A_99 = arith.constant 12 : i32
      %get3A = arith.index_cast %add3A_55 : i32 to index
      %get3A_100 = arith.constant 184 : index
      %get3A_101 = tpu.vector_load %arg10[%get3A, %get3A_100] {strides = array<i32>} : memref<128x200xf32, #tpu.memory_space<vmem>>, vector<1x16xf32>,
      %get3A_102 = vector.shape_cast %get3A_101 : vector<1x16xf32> to vector<16xf32>
      %slice3A = vector.extract_strided_slice %get3A_102 {offsets = [8], sizes = [1], strides = [1]} : vector<16xf32> to vector<1xf32>
      %squeeze3A = vector.extract %slice3A[0] : f32 from vector<1xf32>
      %get3A_103 = arith.constant 192 : i32
      %get3A_104 = arith.index_cast %get3A_103 : i32 to index
      %get3A_105 = arith.constant 0 : index
      %get3A_106 = tpu.vector_load %arg11[%get3A_104, %get3A_105] {strides = array<i32>} : memref<200x64xf32, #tpu.memory_space<vmem>>, vector<1x16xf32>,
      %get3A_107 = vector.shape_cast %get3A_106 : vector<1x16xf32> to vector<16xf32>
      %mul3A_108 = vector.broadcast %squeeze3A : f32 to vector<16xf32>
      %mul3A_109 = arith.mulf %get3A_107, %mul3A_108 : vector<16xf32>
      %add3A_110 = arith.addf %scan3A_98#0, %mul3A_109 : vector<16xf32>
      %get3A_111 = arith.constant 192 : i32
      %get3A_112 = arith.index_cast %get3A_111 : i32 to index
      %get3A_113 = arith.constant 16 : index
      %get3A_114 = tpu.vector_load %arg11[%get3A_112, %get3A_113] {strides = array<i32>} : memref<200x64xf32, #tpu.memory_space<vmem>>, vector<1x16xf32>,
      %get3A_115 = vector.shape_cast %get3A_114 : vector<1x16xf32> to vector<16xf32>
      %mul3A_116 = vector.broadcast %squeeze3A : f32 to vector<16xf32>
      %mul3A_117 = arith.mulf %get3A_115, %mul3A_116 : vector<16xf32>
      %add3A_118 = arith.addf %scan3A_98#1, %mul3A_117 : vector<16xf32>
      %get3A_119 = arith.constant 192 : i32
      %get3A_120 = arith.index_cast %get3A_119 : i32 to index
      %get3A_121 = arith.constant 32 : index
      %get3A_122 = tpu.vector_load %arg11[%get3A_120, %get3A_121] {strides = array<i32>} : memref<200x64xf32, #tpu.memory_space<vmem>>, vector<1x16xf32>,
      %get3A_123 = vector.shape_cast %get3A_122 : vector<1x16xf32> to vector<16xf32>
      %mul3A_124 = vector.broadcast %squeeze3A : f32 to vector<16xf32>
      %mul3A_125 = arith.mulf %get3A_123, %mul3A_124 : vector<16xf32>
      %add3A_126 = arith.addf %scan3A_98#2, %mul3A_125 : vector<16xf32>
      %get3A_127 = arith.constant 192 : i32
      %get3A_128 = arith.index_cast %get3A_127 : i32 to index
      %get3A_129 = arith.constant 48 : index
      %get3A_130 = tpu.vector_load %arg11[%get3A_128, %get3A_129] {strides = array<i32>} : memref<200x64xf32, #tpu.memory_space<vmem>>, vector<1x16xf32>,
      %get3A_131 = vector.shape_cast %get3A_130 : vector<1x16xf32> to vector<16xf32>
      %mul3A_132 = vector.broadcast %squeeze3A : f32 to vector<16xf32>
      %mul3A_133 = arith.mulf %get3A_131, %mul3A_132 : vector<16xf32>
      %add3A_134 = arith.addf %scan3A_98#3, %mul3A_133 : vector<16xf32>
      %slice3A_135 = vector.extract_strided_slice %get3A_102 {offsets = [9], sizes = [1], strides = [1]} : vector<16xf32> to vector<1xf32>
      %squeeze3A_136 = vector.extract %slice3A_135[0] : f32 from vector<1xf32>
      %get3A_137 = arith.constant 193 : i32
      %get3A_138 = arith.index_cast %get3A_137 : i32 to index
      %get3A_139 = arith.constant 0 : index
      %get3A_140 = tpu.vector_load %arg11[%get3A_138, %get3A_139] {strides = array<i32>} : memref<200x64xf32, #tpu.memory_space<vmem>>, vector<1x16xf32>,
      %get3A_141 = vector.shape_cast %get3A_140 : vector<1x16xf32> to vector<16xf32>
      %mul3A_142 = vector.broadcast %squeeze3A_136 : f32 to vector<16xf32>
      %mul3A_143 = arith.mulf %get3A_141, %mul3A_142 : vector<16xf32>
      %add3A_144 = arith.addf %add3A_110, %mul3A_143 : vector<16xf32>
      %get3A_145 = arith.constant 193 : i32
      %get3A_146 = arith.index_cast %get3A_145 : i32 to index
      %get3A_147 = arith.constant 16 : index
      %get3A_148 = tpu.vector_load %arg11[%get3A_146, %get3A_147] {strides = array<i32>} : memref<200x64xf32, #tpu.memory_space<vmem>>, vector<1x16xf32>,
      %get3A_149 = vector.shape_cast %get3A_148 : vector<1x16xf32> to vector<16xf32>
      %mul3A_150 = vector.broadcast %squeeze3A_136 : f32 to vector<16xf32>
      %mul3A_151 = arith.mulf %get3A_149, %mul3A_150 : vector<16xf32>
      %add3A_152 = arith.addf %add3A_118, %mul3A_151 : vector<16xf32>
      %get3A_153 = arith.constant 193 : i32
      %get3A_154 = arith.index_cast %get3A_153 : i32 to index
      %get3A_155 = arith.constant 32 : index
      %get3A_156 = tpu.vector_load %arg11[%get3A_154, %get3A_155] {strides = array<i32>} : memref<200x64xf32, #tpu.memory_space<vmem>>, vector<1x16xf32>,
      %get3A_157 = vector.shape_cast %get3A_156 : vector<1x16xf32> to vector<16xf32>
      %mul3A_158 = vector.broadcast %squeeze3A_136 : f32 to vector<16xf32>
      %mul3A_159 = arith.mulf %get3A_157, %mul3A_158 : vector<16xf32>
      %add3A_160 = arith.addf %add3A_126, %mul3A_159 : vector<16xf32>
      %get3A_161 = arith.constant 193 : i32
      %get3A_162 = arith.index_cast %get3A_161 : i32 to index
      %get3A_163 = arith.constant 48 : index
      %get3A_164 = tpu.vector_load %arg11[%get3A_162, %get3A_163] {strides = array<i32>} : memref<200x64xf32, #tpu.memory_space<vmem>>, vector<1x16xf32>,
      %get3A_165 = vector.shape_cast %get3A_164 : vector<1x16xf32> to vector<16xf32>
      %mul3A_166 = vector.broadcast %squeeze3A_136 : f32 to vector<16xf32>
      %mul3A_167 = arith.mulf %get3A_165, %mul3A_166 : vector<16xf32>
      %add3A_168 = arith.addf %add3A_134, %mul3A_167 : vector<16xf32>
      %slice3A_169 = vector.extract_strided_slice %get3A_102 {offsets = [10], sizes = [1], strides = [1]} : vector<16xf32> to vector<1xf32>
      %squeeze3A_170 = vector.extract %slice3A_169[0] : f32 from vector<1xf32>
      %get3A_171 = arith.constant 194 : i32
      %get3A_172 = arith.index_cast %get3A_171 : i32 to index
      %get3A_173 = arith.constant 0 : index
      %get3A_174 = tpu.vector_load %arg11[%get3A_172, %get3A_173] {strides = array<i32>} : memref<200x64xf32, #tpu.memory_space<vmem>>, vector<1x16xf32>,
      %get3A_175 = vector.shape_cast %get3A_174 : vector<1x16xf32> to vector<16xf32>
      %mul3A_176 = vector.broadcast %squeeze3A_170 : f32 to vector<16xf32>
      %mul3A_177 = arith.mulf %get3A_175, %mul3A_176 : vector<16xf32>
      %add3A_178 = arith.addf %add3A_144, %mul3A_177 : vector<16xf32>
      %get3A_179 = arith.constant 194 : i32
      %get3A_180 = arith.index_cast %get3A_179 : i32 to index
      %get3A_181 = arith.constant 16 : index
      %get3A_182 = tpu.vector_load %arg11[%get3A_180, %get3A_181] {strides = array<i32>} : memref<200x64xf32, #tpu.memory_space<vmem>>, vector<1x16xf32>,
      %get3A_183 = vector.shape_cast %get3A_182 : vector<1x16xf32> to vector<16xf32>
      %mul3A_184 = vector.broadcast %squeeze3A_170 : f32 to vector<16xf32>
      %mul3A_185 = arith.mulf %get3A_183, %mul3A_184 : vector<16xf32>
      %add3A_186 = arith.addf %add3A_152, %mul3A_185 : vector<16xf32>
      %get3A_187 = arith.constant 194 : i32
      %get3A_188 = arith.index_cast %get3A_187 : i32 to index
      %get3A_189 = arith.constant 32 : index
      %get3A_190 = tpu.vector_load %arg11[%get3A_188, %get3A_189] {strides = array<i32>} : memref<200x64xf32, #tpu.memory_space<vmem>>, vector<1x16xf32>,
      %get3A_191 = vector.shape_cast %get3A_190 : vector<1x16xf32> to vector<16xf32>
      %mul3A_192 = vector.broadcast %squeeze3A_170 : f32 to vector<16xf32>
      %mul3A_193 = arith.mulf %get3A_191, %mul3A_192 : vector<16xf32>
      %add3A_194 = arith.addf %add3A_160, %mul3A_193 : vector<16xf32>
      %get3A_195 = arith.constant 194 : i32
      %get3A_196 = arith.index_cast %get3A_195 : i32 to index
      %get3A_197 = arith.constant 48 : index
      %get3A_198 = tpu.vector_load %arg11[%get3A_196, %get3A_197] {strides = array<i32>} : memref<200x64xf32, #tpu.memory_space<vmem>>, vector<1x16xf32>,
      %get3A_199 = vector.shape_cast %get3A_198 : vector<1x16xf32> to vector<16xf32>
      %mul3A_200 = vector.broadcast %squeeze3A_170 : f32 to vector<16xf32>
      %mul3A_201 = arith.mulf %get3A_199, %mul3A_200 : vector<16xf32>
      %add3A_202 = arith.addf %add3A_168, %mul3A_201 : vector<16xf32>
      %slice3A_203 = vector.extract_strided_slice %get3A_102 {offsets = [11], sizes = [1], strides = [1]} : vector<16xf32> to vector<1xf32>
      %squeeze3A_204 = vector.extract %slice3A_203[0] : f32 from vector<1xf32>
      %get3A_205 = arith.constant 195 : i32
      %get3A_206 = arith.index_cast %get3A_205 : i32 to index
      %get3A_207 = arith.constant 0 : index
      %get3A_208 = tpu.vector_load %arg11[%get3A_206, %get3A_207] {strides = array<i32>} : memref<200x64xf32, #tpu.memory_space<vmem>>, vector<1x16xf32>,
      %get3A_209 = vector.shape_cast %get3A_208 : vector<1x16xf32> to vector<16xf32>
      %mul3A_210 = vector.broadcast %squeeze3A_204 : f32 to vector<16xf32>
      %mul3A_211 = arith.mulf %get3A_209, %mul3A_210 : vector<16xf32>
      %add3A_212 = arith.addf %add3A_178, %mul3A_211 : vector<16xf32>
      %get3A_213 = arith.constant 195 : i32
      %get3A_214 = arith.index_cast %get3A_213 : i32 to index
      %get3A_215 = arith.constant 16 : index
      %get3A_216 = tpu.vector_load %arg11[%get3A_214, %get3A_215] {strides = array<i32>} : memref<200x64xf32, #tpu.memory_space<vmem>>, vector<1x16xf32>,
      %get3A_217 = vector.shape_cast %get3A_216 : vector<1x16xf32> to vector<16xf32>
      %mul3A_218 = vector.broadcast %squeeze3A_204 : f32 to vector<16xf32>
      %mul3A_219 = arith.mulf %get3A_217, %mul3A_218 : vector<16xf32>
      %add3A_220 = arith.addf %add3A_186, %mul3A_219 : vector<16xf32>
      %get3A_221 = arith.constant 195 : i32
      %get3A_222 = arith.index_cast %get3A_221 : i32 to index
      %get3A_223 = arith.constant 32 : index
      %get3A_224 = tpu.vector_load %arg11[%get3A_222, %get3A_223] {strides = array<i32>} : memref<200x64xf32, #tpu.memory_space<vmem>>, vector<1x16xf32>,
      %get3A_225 = vector.shape_cast %get3A_224 : vector<1x16xf32> to vector<16xf32>
      %mul3A_226 = vector.broadcast %squeeze3A_204 : f32 to vector<16xf32>
      %mul3A_227 = arith.mulf %get3A_225, %mul3A_226 : vector<16xf32>
      %add3A_228 = arith.addf %add3A_194, %mul3A_227 : vector<16xf32>
      %get3A_229 = arith.constant 195 : i32
      %get3A_230 = arith.index_cast %get3A_229 : i32 to index
      %get3A_231 = arith.constant 48 : index
      %get3A_232 = tpu.vector_load %arg11[%get3A_230, %get3A_231] {strides = array<i32>} : memref<200x64xf32, #tpu.memory_space<vmem>>, vector<1x16xf32>,
      %get3A_233 = vector.shape_cast %get3A_232 : vector<1x16xf32> to vector<16xf32>
      %mul3A_234 = vector.broadcast %squeeze3A_204 : f32 to vector<16xf32>
      %mul3A_235 = arith.mulf %get3A_233, %mul3A_234 : vector<16xf32>
      %add3A_236 = arith.addf %add3A_202, %mul3A_235 : vector<16xf32>
      %slice3A_237 = vector.extract_strided_slice %get3A_102 {offsets = [12], sizes = [1], strides = [1]} : vector<16xf32> to vector<1xf32>
      %squeeze3A_238 = vector.extract %slice3A_237[0] : f32 from vector<1xf32>
      %get3A_239 = arith.constant 196 : i32
      %get3A_240 = arith.index_cast %get3A_239 : i32 to index
      %get3A_241 = arith.constant 0 : index
      %get3A_242 = tpu.vector_load %arg11[%get3A_240, %get3A_241] {strides = array<i32>} : memref<200x64xf32, #tpu.memory_space<vmem>>, vector<1x16xf32>,
      %get3A_243 = vector.shape_cast %get3A_242 : vector<1x16xf32> to vector<16xf32>
      %mul3A_244 = vector.broadcast %squeeze3A_238 : f32 to vector<16xf32>
      %mul3A_245 = arith.mulf %get3A_243, %mul3A_244 : vector<16xf32>
      %add3A_246 = arith.addf %add3A_212, %mul3A_245 : vector<16xf32>
      %get3A_247 = arith.constant 196 : i32
      %get3A_248 = arith.index_cast %get3A_247 : i32 to index
      %get3A_249 = arith.constant 16 : index
      %get3A_250 = tpu.vector_load %arg11[%get3A_248, %get3A_249] {strides = array<i32>} : memref<200x64xf32, #tpu.memory_space<vmem>>, vector<1x16xf32>,
      %get3A_251 = vector.shape_cast %get3A_250 : vector<1x16xf32> to vector<16xf32>
      %mul3A_252 = vector.broadcast %squeeze3A_238 : f32 to vector<16xf32>
      %mul3A_253 = arith.mulf %get3A_251, %mul3A_252 : vector<16xf32>
      %add3A_254 = arith.addf %add3A_220, %mul3A_253 : vector<16xf32>
      %get3A_255 = arith.constant 196 : i32
      %get3A_256 = arith.index_cast %get3A_255 : i32 to index
      %get3A_257 = arith.constant 32 : index
      %get3A_258 = tpu.vector_load %arg11[%get3A_256, %get3A_257] {strides = array<i32>} : memref<200x64xf32, #tpu.memory_space<vmem>>, vector<1x16xf32>,
      %get3A_259 = vector.shape_cast %get3A_258 : vector<1x16xf32> to vector<16xf32>
      %mul3A_260 = vector.broadcast %squeeze3A_238 : f32 to vector<16xf32>
      %mul3A_261 = arith.mulf %get3A_259, %mul3A_260 : vector<16xf32>
      %add3A_262 = arith.addf %add3A_228, %mul3A_261 : vector<16xf32>
      %get3A_263 = arith.constant 196 : i32
      %get3A_264 = arith.index_cast %get3A_263 : i32 to index
      %get3A_265 = arith.constant 48 : index
      %get3A_266 = tpu.vector_load %arg11[%get3A_264, %get3A_265] {strides = array<i32>} : memref<200x64xf32, #tpu.memory_space<vmem>>, vector<1x16xf32>,
      %get3A_267 = vector.shape_cast %get3A_266 : vector<1x16xf32> to vector<16xf32>
      %mul3A_268 = vector.broadcast %squeeze3A_238 : f32 to vector<16xf32>
      %mul3A_269 = arith.mulf %get3A_267, %mul3A_268 : vector<16xf32>
      %add3A_270 = arith.addf %add3A_236, %mul3A_269 : vector<16xf32>
      %slice3A_271 = vector.extract_strided_slice %get3A_102 {offsets = [13], sizes = [1], strides = [1]} : vector<16xf32> to vector<1xf32>
      %squeeze3A_272 = vector.extract %slice3A_271[0] : f32 from vector<1xf32>
      %get3A_273 = arith.constant 197 : i32
      %get3A_274 = arith.index_cast %get3A_273 : i32 to index
      %get3A_275 = arith.constant 0 : index
      %get3A_276 = tpu.vector_load %arg11[%get3A_274, %get3A_275] {strides = array<i32>} : memref<200x64xf32, #tpu.memory_space<vmem>>, vector<1x16xf32>,
      %get3A_277 = vector.shape_cast %get3A_276 : vector<1x16xf32> to vector<16xf32>
      %mul3A_278 = vector.broadcast %squeeze3A_272 : f32 to vector<16xf32>
      %mul3A_279 = arith.mulf %get3A_277, %mul3A_278 : vector<16xf32>
      %add3A_280 = arith.addf %add3A_246, %mul3A_279 : vector<16xf32>
      %get3A_281 = arith.constant 197 : i32
      %get3A_282 = arith.index_cast %get3A_281 : i32 to index
      %get3A_283 = arith.constant 16 : index
      %get3A_284 = tpu.vector_load %arg11[%get3A_282, %get3A_283] {strides = array<i32>} : memref<200x64xf32, #tpu.memory_space<vmem>>, vector<1x16xf32>,
      %get3A_285 = vector.shape_cast %get3A_284 : vector<1x16xf32> to vector<16xf32>
      %mul3A_286 = vector.broadcast %squeeze3A_272 : f32 to vector<16xf32>
      %mul3A_287 = arith.mulf %get3A_285, %mul3A_286 : vector<16xf32>
      %add3A_288 = arith.addf %add3A_254, %mul3A_287 : vector<16xf32>
      %get3A_289 = arith.constant 197 : i32
      %get3A_290 = arith.index_cast %get3A_289 : i32 to index
      %get3A_291 = arith.constant 32 : index
      %get3A_292 = tpu.vector_load %arg11[%get3A_290, %get3A_291] {strides = array<i32>} : memref<200x64xf32, #tpu.memory_space<vmem>>, vector<1x16xf32>,
      %get3A_293 = vector.shape_cast %get3A_292 : vector<1x16xf32> to vector<16xf32>
      %mul3A_294 = vector.broadcast %squeeze3A_272 : f32 to vector<16xf32>
      %mul3A_295 = arith.mulf %get3A_293, %mul3A_294 : vector<16xf32>
      %add3A_296 = arith.addf %add3A_262, %mul3A_295 : vector<16xf32>
      %get3A_297 = arith.constant 197 : i32
      %get3A_298 = arith.index_cast %get3A_297 : i32 to index
      %get3A_299 = arith.constant 48 : index
      %get3A_300 = tpu.vector_load %arg11[%get3A_298, %get3A_299] {strides = array<i32>} : memref<200x64xf32, #tpu.memory_space<vmem>>, vector<1x16xf32>,
      %get3A_301 = vector.shape_cast %get3A_300 : vector<1x16xf32> to vector<16xf32>
      %mul3A_302 = vector.broadcast %squeeze3A_272 : f32 to vector<16xf32>
      %mul3A_303 = arith.mulf %get3A_301, %mul3A_302 : vector<16xf32>
      %add3A_304 = arith.addf %add3A_270, %mul3A_303 : vector<16xf32>
      %slice3A_305 = vector.extract_strided_slice %get3A_102 {offsets = [14], sizes = [1], strides = [1]} : vector<16xf32> to vector<1xf32>
      %squeeze3A_306 = vector.extract %slice3A_305[0] : f32 from vector<1xf32>
      %get3A_307 = arith.constant 198 : i32
      %get3A_308 = arith.index_cast %get3A_307 : i32 to index
      %get3A_309 = arith.constant 0 : index
      %get3A_310 = tpu.vector_load %arg11[%get3A_308, %get3A_309] {strides = array<i32>} : memref<200x64xf32, #tpu.memory_space<vmem>>, vector<1x16xf32>,
      %get3A_311 = vector.shape_cast %get3A_310 : vector<1x16xf32> to vector<16xf32>
      %mul3A_312 = vector.broadcast %squeeze3A_306 : f32 to vector<16xf32>
      %mul3A_313 = arith.mulf %get3A_311, %mul3A_312 : vector<16xf32>
      %add3A_314 = arith.addf %add3A_280, %mul3A_313 : vector<16xf32>
      %get3A_315 = arith.constant 198 : i32
      %get3A_316 = arith.index_cast %get3A_315 : i32 to index
      %get3A_317 = arith.constant 16 : index
      %get3A_318 = tpu.vector_load %arg11[%get3A_316, %get3A_317] {strides = array<i32>} : memref<200x64xf32, #tpu.memory_space<vmem>>, vector<1x16xf32>,
      %get3A_319 = vector.shape_cast %get3A_318 : vector<1x16xf32> to vector<16xf32>
      %mul3A_320 = vector.broadcast %squeeze3A_306 : f32 to vector<16xf32>
      %mul3A_321 = arith.mulf %get3A_319, %mul3A_320 : vector<16xf32>
      %add3A_322 = arith.addf %add3A_288, %mul3A_321 : vector<16xf32>
      %get3A_323 = arith.constant 198 : i32
      %get3A_324 = arith.index_cast %get3A_323 : i32 to index
      %get3A_325 = arith.constant 32 : index
      %get3A_326 = tpu.vector_load %arg11[%get3A_324, %get3A_325] {strides = array<i32>} : memref<200x64xf32, #tpu.memory_space<vmem>>, vector<1x16xf32>,
      %get3A_327 = vector.shape_cast %get3A_326 : vector<1x16xf32> to vector<16xf32>
      %mul3A_328 = vector.broadcast %squeeze3A_306 : f32 to vector<16xf32>
      %mul3A_329 = arith.mulf %get3A_327, %mul3A_328 : vector<16xf32>
      %add3A_330 = arith.addf %add3A_296, %mul3A_329 : vector<16xf32>
      %get3A_331 = arith.constant 198 : i32
      %get3A_332 = arith.index_cast %get3A_331 : i32 to index
      %get3A_333 = arith.constant 48 : index
      %get3A_334 = tpu.vector_load %arg11[%get3A_332, %get3A_333] {strides = array<i32>} : memref<200x64xf32, #tpu.memory_space<vmem>>, vector<1x16xf32>,
      %get3A_335 = vector.shape_cast %get3A_334 : vector<1x16xf32> to vector<16xf32>
      %mul3A_336 = vector.broadcast %squeeze3A_306 : f32 to vector<16xf32>
      %mul3A_337 = arith.mulf %get3A_335, %mul3A_336 : vector<16xf32>
      %add3A_338 = arith.addf %add3A_304, %mul3A_337 : vector<16xf32>
      %slice3A_339 = vector.extract_strided_slice %get3A_102 {offsets = [15], sizes = [1], strides = [1]} : vector<16xf32> to vector<1xf32>
      %squeeze3A_340 = vector.extract %slice3A_339[0] : f32 from vector<1xf32>
      %get3A_341 = arith.constant 199 : i32
      %get3A_342 = arith.index_cast %get3A_341 : i32 to index
      %get3A_343 = arith.constant 0 : index
      %get3A_344 = tpu.vector_load %arg11[%get3A_342, %get3A_343] {strides = array<i32>} : memref<200x64xf32, #tpu.memory_space<vmem>>, vector<1x16xf32>,
      %get3A_345 = vector.shape_cast %get3A_344 : vector<1x16xf32> to vector<16xf32>
      %mul3A_346 = vector.broadcast %squeeze3A_340 : f32 to vector<16xf32>
      %mul3A_347 = arith.mulf %get3A_345, %mul3A_346 : vector<16xf32>
      %add3A_348 = arith.addf %add3A_314, %mul3A_347 : vector<16xf32>
      %get3A_349 = arith.constant 199 : i32
      %get3A_350 = arith.index_cast %get3A_349 : i32 to index
      %get3A_351 = arith.constant 16 : index
      %get3A_352 = tpu.vector_load %arg11[%get3A_350, %get3A_351] {strides = array<i32>} : memref<200x64xf32, #tpu.memory_space<vmem>>, vector<1x16xf32>,
      %get3A_353 = vector.shape_cast %get3A_352 : vector<1x16xf32> to vector<16xf32>
      %mul3A_354 = vector.broadcast %squeeze3A_340 : f32 to vector<16xf32>
      %mul3A_355 = arith.mulf %get3A_353, %mul3A_354 : vector<16xf32>
      %add3A_356 = arith.addf %add3A_322, %mul3A_355 : vector<16xf32>
      %get3A_357 = arith.constant 199 : i32
      %get3A_358 = arith.index_cast %get3A_357 : i32 to index
      %get3A_359 = arith.constant 32 : index
      %get3A_360 = tpu.vector_load %arg11[%get3A_358, %get3A_359] {strides = array<i32>} : memref<200x64xf32, #tpu.memory_space<vmem>>, vector<1x16xf32>,
      %get3A_361 = vector.shape_cast %get3A_360 : vector<1x16xf32> to vector<16xf32>
      %mul3A_362 = vector.broadcast %squeeze3A_340 : f32 to vector<16xf32>
      %mul3A_363 = arith.mulf %get3A_361, %mul3A_362 : vector<16xf32>
      %add3A_364 = arith.addf %add3A_330, %mul3A_363 : vector<16xf32>
      %get3A_365 = arith.constant 199 : i32
      %get3A_366 = arith.index_cast %get3A_365 : i32 to index
      %get3A_367 = arith.constant 48 : index
      %get3A_368 = tpu.vector_load %arg11[%get3A_366, %get3A_367] {strides = array<i32>} : memref<200x64xf32, #tpu.memory_space<vmem>>, vector<1x16xf32>,
      %get3A_369 = vector.shape_cast %get3A_368 : vector<1x16xf32> to vector<16xf32>
      %mul3A_370 = vector.broadcast %squeeze3A_340 : f32 to vector<16xf32>
      %mul3A_371 = arith.mulf %get3A_369, %mul3A_370 : vector<16xf32>
      %add3A_372 = arith.addf %add3A_338, %mul3A_371 : vector<16xf32>
      %swap3A = arith.index_cast %add3A_55 : i32 to index
      %swap3A_373 = arith.constant 0 : index
      %swap3A_374 = tpu.vector_load %arg13[%swap3A, %swap3A_373] {strides = array<i32>} : memref<128x64xf32, #tpu.memory_space<vmem>>, vector<1x16xf32>,
      %swap3A_375 = vector.shape_cast %swap3A_374 : vector<1x16xf32> to vector<16xf32>
      %swap3A_376 = vector.shape_cast %add3A_348 : vector<16xf32> to vector<1x16xf32>
      tpu.vector_store %arg13[%swap3A, %swap3A_373], %swap3A_376 {strides = array<i32>} : memref<128x64xf32, #tpu.memory_space<vmem>>, vector<1x16xf32>,
      %swap3A_377 = arith.index_cast %add3A_55 : i32 to index
      %swap3A_378 = arith.constant 16 : index
      %swap3A_379 = tpu.vector_load %arg13[%swap3A_377, %swap3A_378] {strides = array<i32>} : memref<128x64xf32, #tpu.memory_space<vmem>>, vector<1x16xf32>,
      %swap3A_380 = vector.shape_cast %swap3A_379 : vector<1x16xf32> to vector<16xf32>
      %swap3A_381 = vector.shape_cast %add3A_356 : vector<16xf32> to vector<1x16xf32>
      tpu.vector_store %arg13[%swap3A_377, %swap3A_378], %swap3A_381 {strides = array<i32>} : memref<128x64xf32, #tpu.memory_space<vmem>>, vector<1x16xf32>,
      %swap3A_382 = arith.index_cast %add3A_55 : i32 to index
      %swap3A_383 = arith.constant 32 : index
      %swap3A_384 = tpu.vector_load %arg13[%swap3A_382, %swap3A_383] {strides = array<i32>} : memref<128x64xf32, #tpu.memory_space<vmem>>, vector<1x16xf32>,
      %swap3A_385 = vector.shape_cast %swap3A_384 : vector<1x16xf32> to vector<16xf32>
      %swap3A_386 = vector.shape_cast %add3A_364 : vector<16xf32> to vector<1x16xf32>
      tpu.vector_store %arg13[%swap3A_382, %swap3A_383], %swap3A_386 {strides = array<i32>} : memref<128x64xf32, #tpu.memory_space<vmem>>, vector<1x16xf32>,
      %swap3A_387 = arith.index_cast %add3A_55 : i32 to index
      %swap3A_388 = arith.constant 48 : index
      %swap3A_389 = tpu.vector_load %arg13[%swap3A_387, %swap3A_388] {strides = array<i32>} : memref<128x64xf32, #tpu.memory_space<vmem>>, vector<1x16xf32>,
      %swap3A_390 = vector.shape_cast %swap3A_389 : vector<1x16xf32> to vector<16xf32>
      %swap3A_391 = vector.shape_cast %add3A_372 : vector<16xf32> to vector<1x16xf32>
      tpu.vector_store %arg13[%swap3A_387, %swap3A_388], %swap3A_391 {strides = array<i32>} : memref<128x64xf32, #tpu.memory_space<vmem>>, vector<1x16xf32>,
      %add3A_392 = arith.constant 2 : i32
      %add3A_393 = arith.addi %add3A_55, %add3A_392 : i32
      %lt3A = arith.constant 128 : i32
      %lt3A_394 = arith.cmpi slt, %add3A_393, %lt3A : i32
      %convert_element_type3A = arith.extui %lt3A_394 : i1 to i32
      %cond3A = arith.constant 0 : i32
      %cond3A_395 = arith.cmpi ne, %convert_element_type3A, %cond3A : i32
      scf.if %cond3A_395 {
        %add3A_722 = arith.constant 2 : i32
        %add3A_723 = arith.addi %add3A_55, %add3A_722 : i32
        %dma_start3A_724 = arith.constant 0 : i32
        %dma_start3A_725 = arith.constant 0 : i32
        %dma_start3A_726 = tpu.memref_slice %arg11[%dma_start3A_724, %dma_start3A_725] : memref<200x64xf32, #tpu.memory_space<vmem>> -> memref<128x64xf32, #tpu.memory_space<vmem>>
        %dma_start3A_727 = arith.constant 0 : i32
        %dma_start3A_728 = tpu.memref_slice %arg9[%add3A_723, %dma_start3A_727] : memref<128x200xi32, #tpu.memory_space<vmem>> -> memref<1x128xi32, #tpu.memory_space<vmem>>
        %dma_start3A_729 = tpu.memref_squeeze %dma_start3A_728 : memref<1x128xi32, #tpu.memory_space<vmem>> -> memref<128xi32, #tpu.memory_space<vmem>>
        %dma_start3A_730 = arith.constant 0 : i32
        %dma_start3A_731 = arith.constant 0 : i32
        %dma_start3A_732 = tpu.memref_slice %arg2[%dma_start3A_730, %dma_start3A_731] : memref<1000064x64xf32, #tpu.memory_space<hbm>> -> memref<1000064x64xf32, #tpu.memory_space<hbm>>
        tpu.enqueue_indirect_dma source(%dma_start3A_732 : memref<1000064x64xf32, #tpu.memory_space<hbm>>) target(%dma_start3A_726 : memref<128x64xf32, #tpu.memory_space<vmem>>) offsets(%dma_start3A_729 : memref<128xi32, #tpu.memory_space<vmem>>) semaphore(%arg14 : memref<!tpu.dma_semaphore, #tpu.memory_space<semaphore_mem>>)
        %dma_start3A_733 = arith.constant 128 : i32
        %dma_start3A_734 = arith.constant 0 : i32
        %dma_start3A_735 = tpu.memref_slice %arg11[%dma_start3A_733, %dma_start3A_734] : memref<200x64xf32, #tpu.memory_space<vmem>> -> memref<72x64xf32, #tpu.memory_space<vmem>>
        %dma_start3A_736 = arith.constant 128 : i32
        %dma_start3A_737 = tpu.memref_slice %arg9[%add3A_723, %dma_start3A_736] : memref<128x200xi32, #tpu.memory_space<vmem>> -> memref<1x72xi32, #tpu.memory_space<vmem>>
        %dma_start3A_738 = tpu.memref_squeeze %dma_start3A_737 : memref<1x72xi32, #tpu.memory_space<vmem>> -> memref<72xi32, #tpu.memory_space<vmem>>
        %dma_start3A_739 = arith.constant 0 : i32
        %dma_start3A_740 = arith.constant 0 : i32
        %dma_start3A_741 = tpu.memref_slice %arg2[%dma_start3A_739, %dma_start3A_740] : memref<1000064x64xf32, #tpu.memory_space<hbm>> -> memref<1000064x64xf32, #tpu.memory_space<hbm>>
        tpu.enqueue_indirect_dma source(%dma_start3A_741 : memref<1000064x64xf32, #tpu.memory_space<hbm>>) target(%dma_start3A_735 : memref<72x64xf32, #tpu.memory_space<vmem>>) offsets(%dma_start3A_738 : memref<72xi32, #tpu.memory_space<vmem>>) semaphore(%arg14 : memref<!tpu.dma_semaphore, #tpu.memory_space<semaphore_mem>>)
      } else {
      }
      %add3A_396 = arith.constant 1 : i32
      %add3A_397 = arith.addi %add3A_55, %add3A_396 : i32
      %dma_wait3A_398 = arith.constant 0 : i32
      %dma_wait3A_399 = arith.constant 0 : i32
      %dma_wait3A_400 = tpu.memref_slice %arg12[%dma_wait3A_398, %dma_wait3A_399] : memref<200x64xf32, #tpu.memory_space<vmem>> -> memref<128x64xf32, #tpu.memory_space<vmem>>
      %dma_wait3A_401 = arith.constant 0 : i32
      %dma_wait3A_402 = tpu.memref_slice %arg9[%add3A_397, %dma_wait3A_401] : memref<128x200xi32, #tpu.memory_space<vmem>> -> memref<1x128xi32, #tpu.memory_space<vmem>>
      %dma_wait3A_403 = tpu.memref_squeeze %dma_wait3A_402 : memref<1x128xi32, #tpu.memory_space<vmem>> -> memref<128xi32, #tpu.memory_space<vmem>>
      %dma_wait3A_404 = arith.constant 0 : i32
      %dma_wait3A_405 = arith.constant 0 : i32
      %dma_wait3A_406 = tpu.memref_slice %arg2[%dma_wait3A_404, %dma_wait3A_405] : memref<1000064x64xf32, #tpu.memory_space<hbm>> -> memref<1000064x64xf32, #tpu.memory_space<hbm>>
      tpu.wait_indirect_dma semaphore(%arg15 : memref<!tpu.dma_semaphore, #tpu.memory_space<semaphore_mem>>) src(%dma_wait3A_406 : memref<1000064x64xf32, #tpu.memory_space<hbm>>) dst(%dma_wait3A_400 : memref<128x64xf32, #tpu.memory_space<vmem>>)
      %dma_wait3A_407 = arith.constant 128 : i32
      %dma_wait3A_408 = arith.constant 0 : i32
      %dma_wait3A_409 = tpu.memref_slice %arg12[%dma_wait3A_407, %dma_wait3A_408] : memref<200x64xf32, #tpu.memory_space<vmem>> -> memref<72x64xf32, #tpu.memory_space<vmem>>
      %dma_wait3A_410 = arith.constant 128 : i32
      %dma_wait3A_411 = tpu.memref_slice %arg9[%add3A_397, %dma_wait3A_410] : memref<128x200xi32, #tpu.memory_space<vmem>> -> memref<1x72xi32, #tpu.memory_space<vmem>>
      %dma_wait3A_412 = tpu.memref_squeeze %dma_wait3A_411 : memref<1x72xi32, #tpu.memory_space<vmem>> -> memref<72xi32, #tpu.memory_space<vmem>>
      %dma_wait3A_413 = arith.constant 0 : i32
      %dma_wait3A_414 = arith.constant 0 : i32
      %dma_wait3A_415 = tpu.memref_slice %arg2[%dma_wait3A_413, %dma_wait3A_414] : memref<1000064x64xf32, #tpu.memory_space<hbm>> -> memref<1000064x64xf32, #tpu.memory_space<hbm>>
      tpu.wait_indirect_dma semaphore(%arg15 : memref<!tpu.dma_semaphore, #tpu.memory_space<semaphore_mem>>) src(%dma_wait3A_415 : memref<1000064x64xf32, #tpu.memory_space<hbm>>) dst(%dma_wait3A_409 : memref<72x64xf32, #tpu.memory_space<vmem>>)
      %add3A_416 = arith.constant 1 : i32
      %add3A_417 = arith.addi %add3A_55, %add3A_416 : i32
      %broadcast_in_dim3A_418 = arith.constant 0.000000e+00 : f32
      %broadcast_in_dim3A_419 = vector.broadcast %broadcast_in_dim3A_418 : f32 to vector<16xf32>
      %scan3A_420 = arith.constant 0 : i32
      %scan3A_421 = arith.constant 12 : i32
      %scan3A_422 = arith.addi %scan3A_420, %scan3A_421 : i32
      %scan3A_423 = arith.constant 1 : i32
      %scan3A_424:4 = scf.for %scan3A_722 = %scan3A_420 to %scan3A_422 step %scan3A_423 iter_args(%scan3A_723 = %broadcast_in_dim3A_419, %scan3A_724 = %broadcast_in_dim3A_419, %scan3A_725 = %broadcast_in_dim3A_419, %scan3A_726 = %broadcast_in_dim3A_419) -> (vector<16xf32>, vector<16xf32>, vector<16xf32>, vector<16xf32>)  : i32 {
        %mul3A_727 = arith.constant 16 : i32
        %mul3A_728 = arith.muli %scan3A_722, %mul3A_727 : i32
        %get3A_729 = arith.index_cast %add3A_417 : i32 to index
        %get3A_730 = arith.index_cast %mul3A_728 : i32 to index
        %get3A_731 = tpu.vector_load %arg10[%get3A_729, %get3A_730] {strides = array<i32>} : memref<128x200xf32, #tpu.memory_space<vmem>>, vector<1x16xf32>,
        %get3A_732 = vector.shape_cast %get3A_731 : vector<1x16xf32> to vector<16xf32>
        %mul3A_733 = arith.constant 16 : i32
        %mul3A_734 = arith.muli %scan3A_722, %mul3A_733 : i32
        %add3A_735 = arith.constant 0 : i32
        %add3A_736 = arith.addi %mul3A_734, %add3A_735 : i32
        %slice3A_737 = vector.extract_strided_slice %get3A_732 {offsets = [0], sizes = [1], strides = [1]} : vector<16xf32> to vector<1xf32>
        %squeeze3A_738 = vector.extract %slice3A_737[0] : f32 from vector<1xf32>
        %get3A_739 = arith.index_cast %add3A_736 : i32 to index
        %get3A_740 = arith.constant 0 : index
        %get3A_741 = tpu.vector_load %arg12[%get3A_739, %get3A_740] {strides = array<i32>} : memref<200x64xf32, #tpu.memory_space<vmem>>, vector<1x16xf32>,
        %get3A_742 = vector.shape_cast %get3A_741 : vector<1x16xf32> to vector<16xf32>
        %mul3A_743 = vector.broadcast %squeeze3A_738 : f32 to vector<16xf32>
        %mul3A_744 = arith.mulf %get3A_742, %mul3A_743 : vector<16xf32>
        %add3A_745 = arith.addf %scan3A_723, %mul3A_744 : vector<16xf32>
        %get3A_746 = arith.index_cast %add3A_736 : i32 to index
        %get3A_747 = arith.constant 16 : index
        %get3A_748 = tpu.vector_load %arg12[%get3A_746, %get3A_747] {strides = array<i32>} : memref<200x64xf32, #tpu.memory_space<vmem>>, vector<1x16xf32>,
        %get3A_749 = vector.shape_cast %get3A_748 : vector<1x16xf32> to vector<16xf32>
        %mul3A_750 = vector.broadcast %squeeze3A_738 : f32 to vector<16xf32>
        %mul3A_751 = arith.mulf %get3A_749, %mul3A_750 : vector<16xf32>
        %add3A_752 = arith.addf %scan3A_724, %mul3A_751 : vector<16xf32>
        %get3A_753 = arith.index_cast %add3A_736 : i32 to index
        %get3A_754 = arith.constant 32 : index
        %get3A_755 = tpu.vector_load %arg12[%get3A_753, %get3A_754] {strides = array<i32>} : memref<200x64xf32, #tpu.memory_space<vmem>>, vector<1x16xf32>,
        %get3A_756 = vector.shape_cast %get3A_755 : vector<1x16xf32> to vector<16xf32>
        %mul3A_757 = vector.broadcast %squeeze3A_738 : f32 to vector<16xf32>
        %mul3A_758 = arith.mulf %get3A_756, %mul3A_757 : vector<16xf32>
        %add3A_759 = arith.addf %scan3A_725, %mul3A_758 : vector<16xf32>
        %get3A_760 = arith.index_cast %add3A_736 : i32 to index
        %get3A_761 = arith.constant 48 : index
        %get3A_762 = tpu.vector_load %arg12[%get3A_760, %get3A_761] {strides = array<i32>} : memref<200x64xf32, #tpu.memory_space<vmem>>, vector<1x16xf32>,
        %get3A_763 = vector.shape_cast %get3A_762 : vector<1x16xf32> to vector<16xf32>
        %mul3A_764 = vector.broadcast %squeeze3A_738 : f32 to vector<16xf32>
        %mul3A_765 = arith.mulf %get3A_763, %mul3A_764 : vector<16xf32>
        %add3A_766 = arith.addf %scan3A_726, %mul3A_765 : vector<16xf32>
        %mul3A_767 = arith.constant 16 : i32
        %mul3A_768 = arith.muli %scan3A_722, %mul3A_767 : i32
        %add3A_769 = arith.constant 1 : i32
        %add3A_770 = arith.addi %mul3A_768, %add3A_769 : i32
        %slice3A_771 = vector.extract_strided_slice %get3A_732 {offsets = [1], sizes = [1], strides = [1]} : vector<16xf32> to vector<1xf32>
        %squeeze3A_772 = vector.extract %slice3A_771[0] : f32 from vector<1xf32>
        %get3A_773 = arith.index_cast %add3A_770 : i32 to index
        %get3A_774 = arith.constant 0 : index
        %get3A_775 = tpu.vector_load %arg12[%get3A_773, %get3A_774] {strides = array<i32>} : memref<200x64xf32, #tpu.memory_space<vmem>>, vector<1x16xf32>,
        %get3A_776 = vector.shape_cast %get3A_775 : vector<1x16xf32> to vector<16xf32>
        %mul3A_777 = vector.broadcast %squeeze3A_772 : f32 to vector<16xf32>
        %mul3A_778 = arith.mulf %get3A_776, %mul3A_777 : vector<16xf32>
        %add3A_779 = arith.addf %add3A_745, %mul3A_778 : vector<16xf32>
        %get3A_780 = arith.index_cast %add3A_770 : i32 to index
        %get3A_781 = arith.constant 16 : index
        %get3A_782 = tpu.vector_load %arg12[%get3A_780, %get3A_781] {strides = array<i32>} : memref<200x64xf32, #tpu.memory_space<vmem>>, vector<1x16xf32>,
        %get3A_783 = vector.shape_cast %get3A_782 : vector<1x16xf32> to vector<16xf32>
        %mul3A_784 = vector.broadcast %squeeze3A_772 : f32 to vector<16xf32>
        %mul3A_785 = arith.mulf %get3A_783, %mul3A_784 : vector<16xf32>
        %add3A_786 = arith.addf %add3A_752, %mul3A_785 : vector<16xf32>
        %get3A_787 = arith.index_cast %add3A_770 : i32 to index
        %get3A_788 = arith.constant 32 : index
        %get3A_789 = tpu.vector_load %arg12[%get3A_787, %get3A_788] {strides = array<i32>} : memref<200x64xf32, #tpu.memory_space<vmem>>, vector<1x16xf32>,
        %get3A_790 = vector.shape_cast %get3A_789 : vector<1x16xf32> to vector<16xf32>
        %mul3A_791 = vector.broadcast %squeeze3A_772 : f32 to vector<16xf32>
        %mul3A_792 = arith.mulf %get3A_790, %mul3A_791 : vector<16xf32>
        %add3A_793 = arith.addf %add3A_759, %mul3A_792 : vector<16xf32>
        %get3A_794 = arith.index_cast %add3A_770 : i32 to index
        %get3A_795 = arith.constant 48 : index
        %get3A_796 = tpu.vector_load %arg12[%get3A_794, %get3A_795] {strides = array<i32>} : memref<200x64xf32, #tpu.memory_space<vmem>>, vector<1x16xf32>,
        %get3A_797 = vector.shape_cast %get3A_796 : vector<1x16xf32> to vector<16xf32>
        %mul3A_798 = vector.broadcast %squeeze3A_772 : f32 to vector<16xf32>
        %mul3A_799 = arith.mulf %get3A_797, %mul3A_798 : vector<16xf32>
        %add3A_800 = arith.addf %add3A_766, %mul3A_799 : vector<16xf32>
        %mul3A_801 = arith.constant 16 : i32
        %mul3A_802 = arith.muli %scan3A_722, %mul3A_801 : i32
        %add3A_803 = arith.constant 2 : i32
        %add3A_804 = arith.addi %mul3A_802, %add3A_803 : i32
        %slice3A_805 = vector.extract_strided_slice %get3A_732 {offsets = [2], sizes = [1], strides = [1]} : vector<16xf32> to vector<1xf32>
        %squeeze3A_806 = vector.extract %slice3A_805[0] : f32 from vector<1xf32>
        %get3A_807 = arith.index_cast %add3A_804 : i32 to index
        %get3A_808 = arith.constant 0 : index
        %get3A_809 = tpu.vector_load %arg12[%get3A_807, %get3A_808] {strides = array<i32>} : memref<200x64xf32, #tpu.memory_space<vmem>>, vector<1x16xf32>,
        %get3A_810 = vector.shape_cast %get3A_809 : vector<1x16xf32> to vector<16xf32>
        %mul3A_811 = vector.broadcast %squeeze3A_806 : f32 to vector<16xf32>
        %mul3A_812 = arith.mulf %get3A_810, %mul3A_811 : vector<16xf32>
        %add3A_813 = arith.addf %add3A_779, %mul3A_812 : vector<16xf32>
        %get3A_814 = arith.index_cast %add3A_804 : i32 to index
        %get3A_815 = arith.constant 16 : index
        %get3A_816 = tpu.vector_load %arg12[%get3A_814, %get3A_815] {strides = array<i32>} : memref<200x64xf32, #tpu.memory_space<vmem>>, vector<1x16xf32>,
        %get3A_817 = vector.shape_cast %get3A_816 : vector<1x16xf32> to vector<16xf32>
        %mul3A_818 = vector.broadcast %squeeze3A_806 : f32 to vector<16xf32>
        %mul3A_819 = arith.mulf %get3A_817, %mul3A_818 : vector<16xf32>
        %add3A_820 = arith.addf %add3A_786, %mul3A_819 : vector<16xf32>
        %get3A_821 = arith.index_cast %add3A_804 : i32 to index
        %get3A_822 = arith.constant 32 : index
        %get3A_823 = tpu.vector_load %arg12[%get3A_821, %get3A_822] {strides = array<i32>} : memref<200x64xf32, #tpu.memory_space<vmem>>, vector<1x16xf32>,
        %get3A_824 = vector.shape_cast %get3A_823 : vector<1x16xf32> to vector<16xf32>
        %mul3A_825 = vector.broadcast %squeeze3A_806 : f32 to vector<16xf32>
        %mul3A_826 = arith.mulf %get3A_824, %mul3A_825 : vector<16xf32>
        %add3A_827 = arith.addf %add3A_793, %mul3A_826 : vector<16xf32>
        %get3A_828 = arith.index_cast %add3A_804 : i32 to index
        %get3A_829 = arith.constant 48 : index
        %get3A_830 = tpu.vector_load %arg12[%get3A_828, %get3A_829] {strides = array<i32>} : memref<200x64xf32, #tpu.memory_space<vmem>>, vector<1x16xf32>,
        %get3A_831 = vector.shape_cast %get3A_830 : vector<1x16xf32> to vector<16xf32>
        %mul3A_832 = vector.broadcast %squeeze3A_806 : f32 to vector<16xf32>
        %mul3A_833 = arith.mulf %get3A_831, %mul3A_832 : vector<16xf32>
        %add3A_834 = arith.addf %add3A_800, %mul3A_833 : vector<16xf32>
        %mul3A_835 = arith.constant 16 : i32
        %mul3A_836 = arith.muli %scan3A_722, %mul3A_835 : i32
        %add3A_837 = arith.constant 3 : i32
        %add3A_838 = arith.addi %mul3A_836, %add3A_837 : i32
        %slice3A_839 = vector.extract_strided_slice %get3A_732 {offsets = [3], sizes = [1], strides = [1]} : vector<16xf32> to vector<1xf32>
        %squeeze3A_840 = vector.extract %slice3A_839[0] : f32 from vector<1xf32>
        %get3A_841 = arith.index_cast %add3A_838 : i32 to index
        %get3A_842 = arith.constant 0 : index
        %get3A_843 = tpu.vector_load %arg12[%get3A_841, %get3A_842] {strides = array<i32>} : memref<200x64xf32, #tpu.memory_space<vmem>>, vector<1x16xf32>,
        %get3A_844 = vector.shape_cast %get3A_843 : vector<1x16xf32> to vector<16xf32>
        %mul3A_845 = vector.broadcast %squeeze3A_840 : f32 to vector<16xf32>
        %mul3A_846 = arith.mulf %get3A_844, %mul3A_845 : vector<16xf32>
        %add3A_847 = arith.addf %add3A_813, %mul3A_846 : vector<16xf32>
        %get3A_848 = arith.index_cast %add3A_838 : i32 to index
        %get3A_849 = arith.constant 16 : index
        %get3A_850 = tpu.vector_load %arg12[%get3A_848, %get3A_849] {strides = array<i32>} : memref<200x64xf32, #tpu.memory_space<vmem>>, vector<1x16xf32>,
        %get3A_851 = vector.shape_cast %get3A_850 : vector<1x16xf32> to vector<16xf32>
        %mul3A_852 = vector.broadcast %squeeze3A_840 : f32 to vector<16xf32>
        %mul3A_853 = arith.mulf %get3A_851, %mul3A_852 : vector<16xf32>
        %add3A_854 = arith.addf %add3A_820, %mul3A_853 : vector<16xf32>
        %get3A_855 = arith.index_cast %add3A_838 : i32 to index
        %get3A_856 = arith.constant 32 : index
        %get3A_857 = tpu.vector_load %arg12[%get3A_855, %get3A_856] {strides = array<i32>} : memref<200x64xf32, #tpu.memory_space<vmem>>, vector<1x16xf32>,
        %get3A_858 = vector.shape_cast %get3A_857 : vector<1x16xf32> to vector<16xf32>
        %mul3A_859 = vector.broadcast %squeeze3A_840 : f32 to vector<16xf32>
        %mul3A_860 = arith.mulf %get3A_858, %mul3A_859 : vector<16xf32>
        %add3A_861 = arith.addf %add3A_827, %mul3A_860 : vector<16xf32>
        %get3A_862 = arith.index_cast %add3A_838 : i32 to index
        %get3A_863 = arith.constant 48 : index
        %get3A_864 = tpu.vector_load %arg12[%get3A_862, %get3A_863] {strides = array<i32>} : memref<200x64xf32, #tpu.memory_space<vmem>>, vector<1x16xf32>,
        %get3A_865 = vector.shape_cast %get3A_864 : vector<1x16xf32> to vector<16xf32>
        %mul3A_866 = vector.broadcast %squeeze3A_840 : f32 to vector<16xf32>
        %mul3A_867 = arith.mulf %get3A_865, %mul3A_866 : vector<16xf32>
        %add3A_868 = arith.addf %add3A_834, %mul3A_867 : vector<16xf32>
        %mul3A_869 = arith.constant 16 : i32
        %mul3A_870 = arith.muli %scan3A_722, %mul3A_869 : i32
        %add3A_871 = arith.constant 4 : i32
        %add3A_872 = arith.addi %mul3A_870, %add3A_871 : i32
        %slice3A_873 = vector.extract_strided_slice %get3A_732 {offsets = [4], sizes = [1], strides = [1]} : vector<16xf32> to vector<1xf32>
        %squeeze3A_874 = vector.extract %slice3A_873[0] : f32 from vector<1xf32>
        %get3A_875 = arith.index_cast %add3A_872 : i32 to index
        %get3A_876 = arith.constant 0 : index
        %get3A_877 = tpu.vector_load %arg12[%get3A_875, %get3A_876] {strides = array<i32>} : memref<200x64xf32, #tpu.memory_space<vmem>>, vector<1x16xf32>,
        %get3A_878 = vector.shape_cast %get3A_877 : vector<1x16xf32> to vector<16xf32>
        %mul3A_879 = vector.broadcast %squeeze3A_874 : f32 to vector<16xf32>
        %mul3A_880 = arith.mulf %get3A_878, %mul3A_879 : vector<16xf32>
        %add3A_881 = arith.addf %add3A_847, %mul3A_880 : vector<16xf32>
        %get3A_882 = arith.index_cast %add3A_872 : i32 to index
        %get3A_883 = arith.constant 16 : index
        %get3A_884 = tpu.vector_load %arg12[%get3A_882, %get3A_883] {strides = array<i32>} : memref<200x64xf32, #tpu.memory_space<vmem>>, vector<1x16xf32>,
        %get3A_885 = vector.shape_cast %get3A_884 : vector<1x16xf32> to vector<16xf32>
        %mul3A_886 = vector.broadcast %squeeze3A_874 : f32 to vector<16xf32>
        %mul3A_887 = arith.mulf %get3A_885, %mul3A_886 : vector<16xf32>
        %add3A_888 = arith.addf %add3A_854, %mul3A_887 : vector<16xf32>
        %get3A_889 = arith.index_cast %add3A_872 : i32 to index
        %get3A_890 = arith.constant 32 : index
        %get3A_891 = tpu.vector_load %arg12[%get3A_889, %get3A_890] {strides = array<i32>} : memref<200x64xf32, #tpu.memory_space<vmem>>, vector<1x16xf32>,
        %get3A_892 = vector.shape_cast %get3A_891 : vector<1x16xf32> to vector<16xf32>
        %mul3A_893 = vector.broadcast %squeeze3A_874 : f32 to vector<16xf32>
        %mul3A_894 = arith.mulf %get3A_892, %mul3A_893 : vector<16xf32>
        %add3A_895 = arith.addf %add3A_861, %mul3A_894 : vector<16xf32>
        %get3A_896 = arith.index_cast %add3A_872 : i32 to index
        %get3A_897 = arith.constant 48 : index
        %get3A_898 = tpu.vector_load %arg12[%get3A_896, %get3A_897] {strides = array<i32>} : memref<200x64xf32, #tpu.memory_space<vmem>>, vector<1x16xf32>,
        %get3A_899 = vector.shape_cast %get3A_898 : vector<1x16xf32> to vector<16xf32>
        %mul3A_900 = vector.broadcast %squeeze3A_874 : f32 to vector<16xf32>
        %mul3A_901 = arith.mulf %get3A_899, %mul3A_900 : vector<16xf32>
        %add3A_902 = arith.addf %add3A_868, %mul3A_901 : vector<16xf32>
        %mul3A_903 = arith.constant 16 : i32
        %mul3A_904 = arith.muli %scan3A_722, %mul3A_903 : i32
        %add3A_905 = arith.constant 5 : i32
        %add3A_906 = arith.addi %mul3A_904, %add3A_905 : i32
        %slice3A_907 = vector.extract_strided_slice %get3A_732 {offsets = [5], sizes = [1], strides = [1]} : vector<16xf32> to vector<1xf32>
        %squeeze3A_908 = vector.extract %slice3A_907[0] : f32 from vector<1xf32>
        %get3A_909 = arith.index_cast %add3A_906 : i32 to index
        %get3A_910 = arith.constant 0 : index
        %get3A_911 = tpu.vector_load %arg12[%get3A_909, %get3A_910] {strides = array<i32>} : memref<200x64xf32, #tpu.memory_space<vmem>>, vector<1x16xf32>,
        %get3A_912 = vector.shape_cast %get3A_911 : vector<1x16xf32> to vector<16xf32>
        %mul3A_913 = vector.broadcast %squeeze3A_908 : f32 to vector<16xf32>
        %mul3A_914 = arith.mulf %get3A_912, %mul3A_913 : vector<16xf32>
        %add3A_915 = arith.addf %add3A_881, %mul3A_914 : vector<16xf32>
        %get3A_916 = arith.index_cast %add3A_906 : i32 to index
        %get3A_917 = arith.constant 16 : index
        %get3A_918 = tpu.vector_load %arg12[%get3A_916, %get3A_917] {strides = array<i32>} : memref<200x64xf32, #tpu.memory_space<vmem>>, vector<1x16xf32>,
        %get3A_919 = vector.shape_cast %get3A_918 : vector<1x16xf32> to vector<16xf32>
        %mul3A_920 = vector.broadcast %squeeze3A_908 : f32 to vector<16xf32>
        %mul3A_921 = arith.mulf %get3A_919, %mul3A_920 : vector<16xf32>
        %add3A_922 = arith.addf %add3A_888, %mul3A_921 : vector<16xf32>
        %get3A_923 = arith.index_cast %add3A_906 : i32 to index
        %get3A_924 = arith.constant 32 : index
        %get3A_925 = tpu.vector_load %arg12[%get3A_923, %get3A_924] {strides = array<i32>} : memref<200x64xf32, #tpu.memory_space<vmem>>, vector<1x16xf32>,
        %get3A_926 = vector.shape_cast %get3A_925 : vector<1x16xf32> to vector<16xf32>
        %mul3A_927 = vector.broadcast %squeeze3A_908 : f32 to vector<16xf32>
        %mul3A_928 = arith.mulf %get3A_926, %mul3A_927 : vector<16xf32>
        %add3A_929 = arith.addf %add3A_895, %mul3A_928 : vector<16xf32>
        %get3A_930 = arith.index_cast %add3A_906 : i32 to index
        %get3A_931 = arith.constant 48 : index
        %get3A_932 = tpu.vector_load %arg12[%get3A_930, %get3A_931] {strides = array<i32>} : memref<200x64xf32, #tpu.memory_space<vmem>>, vector<1x16xf32>,
        %get3A_933 = vector.shape_cast %get3A_932 : vector<1x16xf32> to vector<16xf32>
        %mul3A_934 = vector.broadcast %squeeze3A_908 : f32 to vector<16xf32>
        %mul3A_935 = arith.mulf %get3A_933, %mul3A_934 : vector<16xf32>
        %add3A_936 = arith.addf %add3A_902, %mul3A_935 : vector<16xf32>
        %mul3A_937 = arith.constant 16 : i32
        %mul3A_938 = arith.muli %scan3A_722, %mul3A_937 : i32
        %add3A_939 = arith.constant 6 : i32
        %add3A_940 = arith.addi %mul3A_938, %add3A_939 : i32
        %slice3A_941 = vector.extract_strided_slice %get3A_732 {offsets = [6], sizes = [1], strides = [1]} : vector<16xf32> to vector<1xf32>
        %squeeze3A_942 = vector.extract %slice3A_941[0] : f32 from vector<1xf32>
        %get3A_943 = arith.index_cast %add3A_940 : i32 to index
        %get3A_944 = arith.constant 0 : index
        %get3A_945 = tpu.vector_load %arg12[%get3A_943, %get3A_944] {strides = array<i32>} : memref<200x64xf32, #tpu.memory_space<vmem>>, vector<1x16xf32>,
        %get3A_946 = vector.shape_cast %get3A_945 : vector<1x16xf32> to vector<16xf32>
        %mul3A_947 = vector.broadcast %squeeze3A_942 : f32 to vector<16xf32>
        %mul3A_948 = arith.mulf %get3A_946, %mul3A_947 : vector<16xf32>
        %add3A_949 = arith.addf %add3A_915, %mul3A_948 : vector<16xf32>
        %get3A_950 = arith.index_cast %add3A_940 : i32 to index
        %get3A_951 = arith.constant 16 : index
        %get3A_952 = tpu.vector_load %arg12[%get3A_950, %get3A_951] {strides = array<i32>} : memref<200x64xf32, #tpu.memory_space<vmem>>, vector<1x16xf32>,
        %get3A_953 = vector.shape_cast %get3A_952 : vector<1x16xf32> to vector<16xf32>
        %mul3A_954 = vector.broadcast %squeeze3A_942 : f32 to vector<16xf32>
        %mul3A_955 = arith.mulf %get3A_953, %mul3A_954 : vector<16xf32>
        %add3A_956 = arith.addf %add3A_922, %mul3A_955 : vector<16xf32>
        %get3A_957 = arith.index_cast %add3A_940 : i32 to index
        %get3A_958 = arith.constant 32 : index
        %get3A_959 = tpu.vector_load %arg12[%get3A_957, %get3A_958] {strides = array<i32>} : memref<200x64xf32, #tpu.memory_space<vmem>>, vector<1x16xf32>,
        %get3A_960 = vector.shape_cast %get3A_959 : vector<1x16xf32> to vector<16xf32>
        %mul3A_961 = vector.broadcast %squeeze3A_942 : f32 to vector<16xf32>
        %mul3A_962 = arith.mulf %get3A_960, %mul3A_961 : vector<16xf32>
        %add3A_963 = arith.addf %add3A_929, %mul3A_962 : vector<16xf32>
        %get3A_964 = arith.index_cast %add3A_940 : i32 to index
        %get3A_965 = arith.constant 48 : index
        %get3A_966 = tpu.vector_load %arg12[%get3A_964, %get3A_965] {strides = array<i32>} : memref<200x64xf32, #tpu.memory_space<vmem>>, vector<1x16xf32>,
        %get3A_967 = vector.shape_cast %get3A_966 : vector<1x16xf32> to vector<16xf32>
        %mul3A_968 = vector.broadcast %squeeze3A_942 : f32 to vector<16xf32>
        %mul3A_969 = arith.mulf %get3A_967, %mul3A_968 : vector<16xf32>
        %add3A_970 = arith.addf %add3A_936, %mul3A_969 : vector<16xf32>
        %mul3A_971 = arith.constant 16 : i32
        %mul3A_972 = arith.muli %scan3A_722, %mul3A_971 : i32
        %add3A_973 = arith.constant 7 : i32
        %add3A_974 = arith.addi %mul3A_972, %add3A_973 : i32
        %slice3A_975 = vector.extract_strided_slice %get3A_732 {offsets = [7], sizes = [1], strides = [1]} : vector<16xf32> to vector<1xf32>
        %squeeze3A_976 = vector.extract %slice3A_975[0] : f32 from vector<1xf32>
        %get3A_977 = arith.index_cast %add3A_974 : i32 to index
        %get3A_978 = arith.constant 0 : index
        %get3A_979 = tpu.vector_load %arg12[%get3A_977, %get3A_978] {strides = array<i32>} : memref<200x64xf32, #tpu.memory_space<vmem>>, vector<1x16xf32>,
        %get3A_980 = vector.shape_cast %get3A_979 : vector<1x16xf32> to vector<16xf32>
        %mul3A_981 = vector.broadcast %squeeze3A_976 : f32 to vector<16xf32>
        %mul3A_982 = arith.mulf %get3A_980, %mul3A_981 : vector<16xf32>
        %add3A_983 = arith.addf %add3A_949, %mul3A_982 : vector<16xf32>
        %get3A_984 = arith.index_cast %add3A_974 : i32 to index
        %get3A_985 = arith.constant 16 : index
        %get3A_986 = tpu.vector_load %arg12[%get3A_984, %get3A_985] {strides = array<i32>} : memref<200x64xf32, #tpu.memory_space<vmem>>, vector<1x16xf32>,
        %get3A_987 = vector.shape_cast %get3A_986 : vector<1x16xf32> to vector<16xf32>
        %mul3A_988 = vector.broadcast %squeeze3A_976 : f32 to vector<16xf32>
        %mul3A_989 = arith.mulf %get3A_987, %mul3A_988 : vector<16xf32>
        %add3A_990 = arith.addf %add3A_956, %mul3A_989 : vector<16xf32>
        %get3A_991 = arith.index_cast %add3A_974 : i32 to index
        %get3A_992 = arith.constant 32 : index
        %get3A_993 = tpu.vector_load %arg12[%get3A_991, %get3A_992] {strides = array<i32>} : memref<200x64xf32, #tpu.memory_space<vmem>>, vector<1x16xf32>,
        %get3A_994 = vector.shape_cast %get3A_993 : vector<1x16xf32> to vector<16xf32>
        %mul3A_995 = vector.broadcast %squeeze3A_976 : f32 to vector<16xf32>
        %mul3A_996 = arith.mulf %get3A_994, %mul3A_995 : vector<16xf32>
        %add3A_997 = arith.addf %add3A_963, %mul3A_996 : vector<16xf32>
        %get3A_998 = arith.index_cast %add3A_974 : i32 to index
        %get3A_999 = arith.constant 48 : index
        %get3A_1000 = tpu.vector_load %arg12[%get3A_998, %get3A_999] {strides = array<i32>} : memref<200x64xf32, #tpu.memory_space<vmem>>, vector<1x16xf32>,
        %get3A_1001 = vector.shape_cast %get3A_1000 : vector<1x16xf32> to vector<16xf32>
        %mul3A_1002 = vector.broadcast %squeeze3A_976 : f32 to vector<16xf32>
        %mul3A_1003 = arith.mulf %get3A_1001, %mul3A_1002 : vector<16xf32>
        %add3A_1004 = arith.addf %add3A_970, %mul3A_1003 : vector<16xf32>
        %mul3A_1005 = arith.constant 16 : i32
        %mul3A_1006 = arith.muli %scan3A_722, %mul3A_1005 : i32
        %add3A_1007 = arith.constant 8 : i32
        %add3A_1008 = arith.addi %mul3A_1006, %add3A_1007 : i32
        %slice3A_1009 = vector.extract_strided_slice %get3A_732 {offsets = [8], sizes = [1], strides = [1]} : vector<16xf32> to vector<1xf32>
        %squeeze3A_1010 = vector.extract %slice3A_1009[0] : f32 from vector<1xf32>
        %get3A_1011 = arith.index_cast %add3A_1008 : i32 to index
        %get3A_1012 = arith.constant 0 : index
        %get3A_1013 = tpu.vector_load %arg12[%get3A_1011, %get3A_1012] {strides = array<i32>} : memref<200x64xf32, #tpu.memory_space<vmem>>, vector<1x16xf32>,
        %get3A_1014 = vector.shape_cast %get3A_1013 : vector<1x16xf32> to vector<16xf32>
        %mul3A_1015 = vector.broadcast %squeeze3A_1010 : f32 to vector<16xf32>
        %mul3A_1016 = arith.mulf %get3A_1014, %mul3A_1015 : vector<16xf32>
        %add3A_1017 = arith.addf %add3A_983, %mul3A_1016 : vector<16xf32>
        %get3A_1018 = arith.index_cast %add3A_1008 : i32 to index
        %get3A_1019 = arith.constant 16 : index
        %get3A_1020 = tpu.vector_load %arg12[%get3A_1018, %get3A_1019] {strides = array<i32>} : memref<200x64xf32, #tpu.memory_space<vmem>>, vector<1x16xf32>,
        %get3A_1021 = vector.shape_cast %get3A_1020 : vector<1x16xf32> to vector<16xf32>
        %mul3A_1022 = vector.broadcast %squeeze3A_1010 : f32 to vector<16xf32>
        %mul3A_1023 = arith.mulf %get3A_1021, %mul3A_1022 : vector<16xf32>
        %add3A_1024 = arith.addf %add3A_990, %mul3A_1023 : vector<16xf32>
        %get3A_1025 = arith.index_cast %add3A_1008 : i32 to index
        %get3A_1026 = arith.constant 32 : index
        %get3A_1027 = tpu.vector_load %arg12[%get3A_1025, %get3A_1026] {strides = array<i32>} : memref<200x64xf32, #tpu.memory_space<vmem>>, vector<1x16xf32>,
        %get3A_1028 = vector.shape_cast %get3A_1027 : vector<1x16xf32> to vector<16xf32>
        %mul3A_1029 = vector.broadcast %squeeze3A_1010 : f32 to vector<16xf32>
        %mul3A_1030 = arith.mulf %get3A_1028, %mul3A_1029 : vector<16xf32>
        %add3A_1031 = arith.addf %add3A_997, %mul3A_1030 : vector<16xf32>
        %get3A_1032 = arith.index_cast %add3A_1008 : i32 to index
        %get3A_1033 = arith.constant 48 : index
        %get3A_1034 = tpu.vector_load %arg12[%get3A_1032, %get3A_1033] {strides = array<i32>} : memref<200x64xf32, #tpu.memory_space<vmem>>, vector<1x16xf32>,
        %get3A_1035 = vector.shape_cast %get3A_1034 : vector<1x16xf32> to vector<16xf32>
        %mul3A_1036 = vector.broadcast %squeeze3A_1010 : f32 to vector<16xf32>
        %mul3A_1037 = arith.mulf %get3A_1035, %mul3A_1036 : vector<16xf32>
        %add3A_1038 = arith.addf %add3A_1004, %mul3A_1037 : vector<16xf32>
        %mul3A_1039 = arith.constant 16 : i32
        %mul3A_1040 = arith.muli %scan3A_722, %mul3A_1039 : i32
        %add3A_1041 = arith.constant 9 : i32
        %add3A_1042 = arith.addi %mul3A_1040, %add3A_1041 : i32
        %slice3A_1043 = vector.extract_strided_slice %get3A_732 {offsets = [9], sizes = [1], strides = [1]} : vector<16xf32> to vector<1xf32>
        %squeeze3A_1044 = vector.extract %slice3A_1043[0] : f32 from vector<1xf32>
        %get3A_1045 = arith.index_cast %add3A_1042 : i32 to index
        %get3A_1046 = arith.constant 0 : index
        %get3A_1047 = tpu.vector_load %arg12[%get3A_1045, %get3A_1046] {strides = array<i32>} : memref<200x64xf32, #tpu.memory_space<vmem>>, vector<1x16xf32>,
        %get3A_1048 = vector.shape_cast %get3A_1047 : vector<1x16xf32> to vector<16xf32>
        %mul3A_1049 = vector.broadcast %squeeze3A_1044 : f32 to vector<16xf32>
        %mul3A_1050 = arith.mulf %get3A_1048, %mul3A_1049 : vector<16xf32>
        %add3A_1051 = arith.addf %add3A_1017, %mul3A_1050 : vector<16xf32>
        %get3A_1052 = arith.index_cast %add3A_1042 : i32 to index
        %get3A_1053 = arith.constant 16 : index
        %get3A_1054 = tpu.vector_load %arg12[%get3A_1052, %get3A_1053] {strides = array<i32>} : memref<200x64xf32, #tpu.memory_space<vmem>>, vector<1x16xf32>,
        %get3A_1055 = vector.shape_cast %get3A_1054 : vector<1x16xf32> to vector<16xf32>
        %mul3A_1056 = vector.broadcast %squeeze3A_1044 : f32 to vector<16xf32>
        %mul3A_1057 = arith.mulf %get3A_1055, %mul3A_1056 : vector<16xf32>
        %add3A_1058 = arith.addf %add3A_1024, %mul3A_1057 : vector<16xf32>
        %get3A_1059 = arith.index_cast %add3A_1042 : i32 to index
        %get3A_1060 = arith.constant 32 : index
        %get3A_1061 = tpu.vector_load %arg12[%get3A_1059, %get3A_1060] {strides = array<i32>} : memref<200x64xf32, #tpu.memory_space<vmem>>, vector<1x16xf32>,
        %get3A_1062 = vector.shape_cast %get3A_1061 : vector<1x16xf32> to vector<16xf32>
        %mul3A_1063 = vector.broadcast %squeeze3A_1044 : f32 to vector<16xf32>
        %mul3A_1064 = arith.mulf %get3A_1062, %mul3A_1063 : vector<16xf32>
        %add3A_1065 = arith.addf %add3A_1031, %mul3A_1064 : vector<16xf32>
        %get3A_1066 = arith.index_cast %add3A_1042 : i32 to index
        %get3A_1067 = arith.constant 48 : index
        %get3A_1068 = tpu.vector_load %arg12[%get3A_1066, %get3A_1067] {strides = array<i32>} : memref<200x64xf32, #tpu.memory_space<vmem>>, vector<1x16xf32>,
        %get3A_1069 = vector.shape_cast %get3A_1068 : vector<1x16xf32> to vector<16xf32>
        %mul3A_1070 = vector.broadcast %squeeze3A_1044 : f32 to vector<16xf32>
        %mul3A_1071 = arith.mulf %get3A_1069, %mul3A_1070 : vector<16xf32>
        %add3A_1072 = arith.addf %add3A_1038, %mul3A_1071 : vector<16xf32>
        %mul3A_1073 = arith.constant 16 : i32
        %mul3A_1074 = arith.muli %scan3A_722, %mul3A_1073 : i32
        %add3A_1075 = arith.constant 10 : i32
        %add3A_1076 = arith.addi %mul3A_1074, %add3A_1075 : i32
        %slice3A_1077 = vector.extract_strided_slice %get3A_732 {offsets = [10], sizes = [1], strides = [1]} : vector<16xf32> to vector<1xf32>
        %squeeze3A_1078 = vector.extract %slice3A_1077[0] : f32 from vector<1xf32>
        %get3A_1079 = arith.index_cast %add3A_1076 : i32 to index
        %get3A_1080 = arith.constant 0 : index
        %get3A_1081 = tpu.vector_load %arg12[%get3A_1079, %get3A_1080] {strides = array<i32>} : memref<200x64xf32, #tpu.memory_space<vmem>>, vector<1x16xf32>,
        %get3A_1082 = vector.shape_cast %get3A_1081 : vector<1x16xf32> to vector<16xf32>
        %mul3A_1083 = vector.broadcast %squeeze3A_1078 : f32 to vector<16xf32>
        %mul3A_1084 = arith.mulf %get3A_1082, %mul3A_1083 : vector<16xf32>
        %add3A_1085 = arith.addf %add3A_1051, %mul3A_1084 : vector<16xf32>
        %get3A_1086 = arith.index_cast %add3A_1076 : i32 to index
        %get3A_1087 = arith.constant 16 : index
        %get3A_1088 = tpu.vector_load %arg12[%get3A_1086, %get3A_1087] {strides = array<i32>} : memref<200x64xf32, #tpu.memory_space<vmem>>, vector<1x16xf32>,
        %get3A_1089 = vector.shape_cast %get3A_1088 : vector<1x16xf32> to vector<16xf32>
        %mul3A_1090 = vector.broadcast %squeeze3A_1078 : f32 to vector<16xf32>
        %mul3A_1091 = arith.mulf %get3A_1089, %mul3A_1090 : vector<16xf32>
        %add3A_1092 = arith.addf %add3A_1058, %mul3A_1091 : vector<16xf32>
        %get3A_1093 = arith.index_cast %add3A_1076 : i32 to index
        %get3A_1094 = arith.constant 32 : index
        %get3A_1095 = tpu.vector_load %arg12[%get3A_1093, %get3A_1094] {strides = array<i32>} : memref<200x64xf32, #tpu.memory_space<vmem>>, vector<1x16xf32>,
        %get3A_1096 = vector.shape_cast %get3A_1095 : vector<1x16xf32> to vector<16xf32>
        %mul3A_1097 = vector.broadcast %squeeze3A_1078 : f32 to vector<16xf32>
        %mul3A_1098 = arith.mulf %get3A_1096, %mul3A_1097 : vector<16xf32>
        %add3A_1099 = arith.addf %add3A_1065, %mul3A_1098 : vector<16xf32>
        %get3A_1100 = arith.index_cast %add3A_1076 : i32 to index
        %get3A_1101 = arith.constant 48 : index
        %get3A_1102 = tpu.vector_load %arg12[%get3A_1100, %get3A_1101] {strides = array<i32>} : memref<200x64xf32, #tpu.memory_space<vmem>>, vector<1x16xf32>,
        %get3A_1103 = vector.shape_cast %get3A_1102 : vector<1x16xf32> to vector<16xf32>
        %mul3A_1104 = vector.broadcast %squeeze3A_1078 : f32 to vector<16xf32>
        %mul3A_1105 = arith.mulf %get3A_1103, %mul3A_1104 : vector<16xf32>
        %add3A_1106 = arith.addf %add3A_1072, %mul3A_1105 : vector<16xf32>
        %mul3A_1107 = arith.constant 16 : i32
        %mul3A_1108 = arith.muli %scan3A_722, %mul3A_1107 : i32
        %add3A_1109 = arith.constant 11 : i32
        %add3A_1110 = arith.addi %mul3A_1108, %add3A_1109 : i32
        %slice3A_1111 = vector.extract_strided_slice %get3A_732 {offsets = [11], sizes = [1], strides = [1]} : vector<16xf32> to vector<1xf32>
        %squeeze3A_1112 = vector.extract %slice3A_1111[0] : f32 from vector<1xf32>
        %get3A_1113 = arith.index_cast %add3A_1110 : i32 to index
        %get3A_1114 = arith.constant 0 : index
        %get3A_1115 = tpu.vector_load %arg12[%get3A_1113, %get3A_1114] {strides = array<i32>} : memref<200x64xf32, #tpu.memory_space<vmem>>, vector<1x16xf32>,
        %get3A_1116 = vector.shape_cast %get3A_1115 : vector<1x16xf32> to vector<16xf32>
        %mul3A_1117 = vector.broadcast %squeeze3A_1112 : f32 to vector<16xf32>
        %mul3A_1118 = arith.mulf %get3A_1116, %mul3A_1117 : vector<16xf32>
        %add3A_1119 = arith.addf %add3A_1085, %mul3A_1118 : vector<16xf32>
        %get3A_1120 = arith.index_cast %add3A_1110 : i32 to index
        %get3A_1121 = arith.constant 16 : index
        %get3A_1122 = tpu.vector_load %arg12[%get3A_1120, %get3A_1121] {strides = array<i32>} : memref<200x64xf32, #tpu.memory_space<vmem>>, vector<1x16xf32>,
        %get3A_1123 = vector.shape_cast %get3A_1122 : vector<1x16xf32> to vector<16xf32>
        %mul3A_1124 = vector.broadcast %squeeze3A_1112 : f32 to vector<16xf32>
        %mul3A_1125 = arith.mulf %get3A_1123, %mul3A_1124 : vector<16xf32>
        %add3A_1126 = arith.addf %add3A_1092, %mul3A_1125 : vector<16xf32>
        %get3A_1127 = arith.index_cast %add3A_1110 : i32 to index
        %get3A_1128 = arith.constant 32 : index
        %get3A_1129 = tpu.vector_load %arg12[%get3A_1127, %get3A_1128] {strides = array<i32>} : memref<200x64xf32, #tpu.memory_space<vmem>>, vector<1x16xf32>,
        %get3A_1130 = vector.shape_cast %get3A_1129 : vector<1x16xf32> to vector<16xf32>
        %mul3A_1131 = vector.broadcast %squeeze3A_1112 : f32 to vector<16xf32>
        %mul3A_1132 = arith.mulf %get3A_1130, %mul3A_1131 : vector<16xf32>
        %add3A_1133 = arith.addf %add3A_1099, %mul3A_1132 : vector<16xf32>
        %get3A_1134 = arith.index_cast %add3A_1110 : i32 to index
        %get3A_1135 = arith.constant 48 : index
        %get3A_1136 = tpu.vector_load %arg12[%get3A_1134, %get3A_1135] {strides = array<i32>} : memref<200x64xf32, #tpu.memory_space<vmem>>, vector<1x16xf32>,
        %get3A_1137 = vector.shape_cast %get3A_1136 : vector<1x16xf32> to vector<16xf32>
        %mul3A_1138 = vector.broadcast %squeeze3A_1112 : f32 to vector<16xf32>
        %mul3A_1139 = arith.mulf %get3A_1137, %mul3A_1138 : vector<16xf32>
        %add3A_1140 = arith.addf %add3A_1106, %mul3A_1139 : vector<16xf32>
        %mul3A_1141 = arith.constant 16 : i32
        %mul3A_1142 = arith.muli %scan3A_722, %mul3A_1141 : i32
        %add3A_1143 = arith.constant 12 : i32
        %add3A_1144 = arith.addi %mul3A_1142, %add3A_1143 : i32
        %slice3A_1145 = vector.extract_strided_slice %get3A_732 {offsets = [12], sizes = [1], strides = [1]} : vector<16xf32> to vector<1xf32>
        %squeeze3A_1146 = vector.extract %slice3A_1145[0] : f32 from vector<1xf32>
        %get3A_1147 = arith.index_cast %add3A_1144 : i32 to index
        %get3A_1148 = arith.constant 0 : index
        %get3A_1149 = tpu.vector_load %arg12[%get3A_1147, %get3A_1148] {strides = array<i32>} : memref<200x64xf32, #tpu.memory_space<vmem>>, vector<1x16xf32>,
        %get3A_1150 = vector.shape_cast %get3A_1149 : vector<1x16xf32> to vector<16xf32>
        %mul3A_1151 = vector.broadcast %squeeze3A_1146 : f32 to vector<16xf32>
        %mul3A_1152 = arith.mulf %get3A_1150, %mul3A_1151 : vector<16xf32>
        %add3A_1153 = arith.addf %add3A_1119, %mul3A_1152 : vector<16xf32>
        %get3A_1154 = arith.index_cast %add3A_1144 : i32 to index
        %get3A_1155 = arith.constant 16 : index
        %get3A_1156 = tpu.vector_load %arg12[%get3A_1154, %get3A_1155] {strides = array<i32>} : memref<200x64xf32, #tpu.memory_space<vmem>>, vector<1x16xf32>,
        %get3A_1157 = vector.shape_cast %get3A_1156 : vector<1x16xf32> to vector<16xf32>
        %mul3A_1158 = vector.broadcast %squeeze3A_1146 : f32 to vector<16xf32>
        %mul3A_1159 = arith.mulf %get3A_1157, %mul3A_1158 : vector<16xf32>
        %add3A_1160 = arith.addf %add3A_1126, %mul3A_1159 : vector<16xf32>
        %get3A_1161 = arith.index_cast %add3A_1144 : i32 to index
        %get3A_1162 = arith.constant 32 : index
        %get3A_1163 = tpu.vector_load %arg12[%get3A_1161, %get3A_1162] {strides = array<i32>} : memref<200x64xf32, #tpu.memory_space<vmem>>, vector<1x16xf32>,
        %get3A_1164 = vector.shape_cast %get3A_1163 : vector<1x16xf32> to vector<16xf32>
        %mul3A_1165 = vector.broadcast %squeeze3A_1146 : f32 to vector<16xf32>
        %mul3A_1166 = arith.mulf %get3A_1164, %mul3A_1165 : vector<16xf32>
        %add3A_1167 = arith.addf %add3A_1133, %mul3A_1166 : vector<16xf32>
        %get3A_1168 = arith.index_cast %add3A_1144 : i32 to index
        %get3A_1169 = arith.constant 48 : index
        %get3A_1170 = tpu.vector_load %arg12[%get3A_1168, %get3A_1169] {strides = array<i32>} : memref<200x64xf32, #tpu.memory_space<vmem>>, vector<1x16xf32>,
        %get3A_1171 = vector.shape_cast %get3A_1170 : vector<1x16xf32> to vector<16xf32>
        %mul3A_1172 = vector.broadcast %squeeze3A_1146 : f32 to vector<16xf32>
        %mul3A_1173 = arith.mulf %get3A_1171, %mul3A_1172 : vector<16xf32>
        %add3A_1174 = arith.addf %add3A_1140, %mul3A_1173 : vector<16xf32>
        %mul3A_1175 = arith.constant 16 : i32
        %mul3A_1176 = arith.muli %scan3A_722, %mul3A_1175 : i32
        %add3A_1177 = arith.constant 13 : i32
        %add3A_1178 = arith.addi %mul3A_1176, %add3A_1177 : i32
        %slice3A_1179 = vector.extract_strided_slice %get3A_732 {offsets = [13], sizes = [1], strides = [1]} : vector<16xf32> to vector<1xf32>
        %squeeze3A_1180 = vector.extract %slice3A_1179[0] : f32 from vector<1xf32>
        %get3A_1181 = arith.index_cast %add3A_1178 : i32 to index
        %get3A_1182 = arith.constant 0 : index
        %get3A_1183 = tpu.vector_load %arg12[%get3A_1181, %get3A_1182] {strides = array<i32>} : memref<200x64xf32, #tpu.memory_space<vmem>>, vector<1x16xf32>,
        %get3A_1184 = vector.shape_cast %get3A_1183 : vector<1x16xf32> to vector<16xf32>
        %mul3A_1185 = vector.broadcast %squeeze3A_1180 : f32 to vector<16xf32>
        %mul3A_1186 = arith.mulf %get3A_1184, %mul3A_1185 : vector<16xf32>
        %add3A_1187 = arith.addf %add3A_1153, %mul3A_1186 : vector<16xf32>
        %get3A_1188 = arith.index_cast %add3A_1178 : i32 to index
        %get3A_1189 = arith.constant 16 : index
        %get3A_1190 = tpu.vector_load %arg12[%get3A_1188, %get3A_1189] {strides = array<i32>} : memref<200x64xf32, #tpu.memory_space<vmem>>, vector<1x16xf32>,
        %get3A_1191 = vector.shape_cast %get3A_1190 : vector<1x16xf32> to vector<16xf32>
        %mul3A_1192 = vector.broadcast %squeeze3A_1180 : f32 to vector<16xf32>
        %mul3A_1193 = arith.mulf %get3A_1191, %mul3A_1192 : vector<16xf32>
        %add3A_1194 = arith.addf %add3A_1160, %mul3A_1193 : vector<16xf32>
        %get3A_1195 = arith.index_cast %add3A_1178 : i32 to index
        %get3A_1196 = arith.constant 32 : index
        %get3A_1197 = tpu.vector_load %arg12[%get3A_1195, %get3A_1196] {strides = array<i32>} : memref<200x64xf32, #tpu.memory_space<vmem>>, vector<1x16xf32>,
        %get3A_1198 = vector.shape_cast %get3A_1197 : vector<1x16xf32> to vector<16xf32>
        %mul3A_1199 = vector.broadcast %squeeze3A_1180 : f32 to vector<16xf32>
        %mul3A_1200 = arith.mulf %get3A_1198, %mul3A_1199 : vector<16xf32>
        %add3A_1201 = arith.addf %add3A_1167, %mul3A_1200 : vector<16xf32>
        %get3A_1202 = arith.index_cast %add3A_1178 : i32 to index
        %get3A_1203 = arith.constant 48 : index
        %get3A_1204 = tpu.vector_load %arg12[%get3A_1202, %get3A_1203] {strides = array<i32>} : memref<200x64xf32, #tpu.memory_space<vmem>>, vector<1x16xf32>,
        %get3A_1205 = vector.shape_cast %get3A_1204 : vector<1x16xf32> to vector<16xf32>
        %mul3A_1206 = vector.broadcast %squeeze3A_1180 : f32 to vector<16xf32>
        %mul3A_1207 = arith.mulf %get3A_1205, %mul3A_1206 : vector<16xf32>
        %add3A_1208 = arith.addf %add3A_1174, %mul3A_1207 : vector<16xf32>
        %mul3A_1209 = arith.constant 16 : i32
        %mul3A_1210 = arith.muli %scan3A_722, %mul3A_1209 : i32
        %add3A_1211 = arith.constant 14 : i32
        %add3A_1212 = arith.addi %mul3A_1210, %add3A_1211 : i32
        %slice3A_1213 = vector.extract_strided_slice %get3A_732 {offsets = [14], sizes = [1], strides = [1]} : vector<16xf32> to vector<1xf32>
        %squeeze3A_1214 = vector.extract %slice3A_1213[0] : f32 from vector<1xf32>
        %get3A_1215 = arith.index_cast %add3A_1212 : i32 to index
        %get3A_1216 = arith.constant 0 : index
        %get3A_1217 = tpu.vector_load %arg12[%get3A_1215, %get3A_1216] {strides = array<i32>} : memref<200x64xf32, #tpu.memory_space<vmem>>, vector<1x16xf32>,
        %get3A_1218 = vector.shape_cast %get3A_1217 : vector<1x16xf32> to vector<16xf32>
        %mul3A_1219 = vector.broadcast %squeeze3A_1214 : f32 to vector<16xf32>
        %mul3A_1220 = arith.mulf %get3A_1218, %mul3A_1219 : vector<16xf32>
        %add3A_1221 = arith.addf %add3A_1187, %mul3A_1220 : vector<16xf32>
        %get3A_1222 = arith.index_cast %add3A_1212 : i32 to index
        %get3A_1223 = arith.constant 16 : index
        %get3A_1224 = tpu.vector_load %arg12[%get3A_1222, %get3A_1223] {strides = array<i32>} : memref<200x64xf32, #tpu.memory_space<vmem>>, vector<1x16xf32>,
        %get3A_1225 = vector.shape_cast %get3A_1224 : vector<1x16xf32> to vector<16xf32>
        %mul3A_1226 = vector.broadcast %squeeze3A_1214 : f32 to vector<16xf32>
        %mul3A_1227 = arith.mulf %get3A_1225, %mul3A_1226 : vector<16xf32>
        %add3A_1228 = arith.addf %add3A_1194, %mul3A_1227 : vector<16xf32>
        %get3A_1229 = arith.index_cast %add3A_1212 : i32 to index
        %get3A_1230 = arith.constant 32 : index
        %get3A_1231 = tpu.vector_load %arg12[%get3A_1229, %get3A_1230] {strides = array<i32>} : memref<200x64xf32, #tpu.memory_space<vmem>>, vector<1x16xf32>,
        %get3A_1232 = vector.shape_cast %get3A_1231 : vector<1x16xf32> to vector<16xf32>
        %mul3A_1233 = vector.broadcast %squeeze3A_1214 : f32 to vector<16xf32>
        %mul3A_1234 = arith.mulf %get3A_1232, %mul3A_1233 : vector<16xf32>
        %add3A_1235 = arith.addf %add3A_1201, %mul3A_1234 : vector<16xf32>
        %get3A_1236 = arith.index_cast %add3A_1212 : i32 to index
        %get3A_1237 = arith.constant 48 : index
        %get3A_1238 = tpu.vector_load %arg12[%get3A_1236, %get3A_1237] {strides = array<i32>} : memref<200x64xf32, #tpu.memory_space<vmem>>, vector<1x16xf32>,
        %get3A_1239 = vector.shape_cast %get3A_1238 : vector<1x16xf32> to vector<16xf32>
        %mul3A_1240 = vector.broadcast %squeeze3A_1214 : f32 to vector<16xf32>
        %mul3A_1241 = arith.mulf %get3A_1239, %mul3A_1240 : vector<16xf32>
        %add3A_1242 = arith.addf %add3A_1208, %mul3A_1241 : vector<16xf32>
        %mul3A_1243 = arith.constant 16 : i32
        %mul3A_1244 = arith.muli %scan3A_722, %mul3A_1243 : i32
        %add3A_1245 = arith.constant 15 : i32
        %add3A_1246 = arith.addi %mul3A_1244, %add3A_1245 : i32
        %slice3A_1247 = vector.extract_strided_slice %get3A_732 {offsets = [15], sizes = [1], strides = [1]} : vector<16xf32> to vector<1xf32>
        %squeeze3A_1248 = vector.extract %slice3A_1247[0] : f32 from vector<1xf32>
        %get3A_1249 = arith.index_cast %add3A_1246 : i32 to index
        %get3A_1250 = arith.constant 0 : index
        %get3A_1251 = tpu.vector_load %arg12[%get3A_1249, %get3A_1250] {strides = array<i32>} : memref<200x64xf32, #tpu.memory_space<vmem>>, vector<1x16xf32>,
        %get3A_1252 = vector.shape_cast %get3A_1251 : vector<1x16xf32> to vector<16xf32>
        %mul3A_1253 = vector.broadcast %squeeze3A_1248 : f32 to vector<16xf32>
        %mul3A_1254 = arith.mulf %get3A_1252, %mul3A_1253 : vector<16xf32>
        %add3A_1255 = arith.addf %add3A_1221, %mul3A_1254 : vector<16xf32>
        %get3A_1256 = arith.index_cast %add3A_1246 : i32 to index
        %get3A_1257 = arith.constant 16 : index
        %get3A_1258 = tpu.vector_load %arg12[%get3A_1256, %get3A_1257] {strides = array<i32>} : memref<200x64xf32, #tpu.memory_space<vmem>>, vector<1x16xf32>,
        %get3A_1259 = vector.shape_cast %get3A_1258 : vector<1x16xf32> to vector<16xf32>
        %mul3A_1260 = vector.broadcast %squeeze3A_1248 : f32 to vector<16xf32>
        %mul3A_1261 = arith.mulf %get3A_1259, %mul3A_1260 : vector<16xf32>
        %add3A_1262 = arith.addf %add3A_1228, %mul3A_1261 : vector<16xf32>
        %get3A_1263 = arith.index_cast %add3A_1246 : i32 to index
        %get3A_1264 = arith.constant 32 : index
        %get3A_1265 = tpu.vector_load %arg12[%get3A_1263, %get3A_1264] {strides = array<i32>} : memref<200x64xf32, #tpu.memory_space<vmem>>, vector<1x16xf32>,
        %get3A_1266 = vector.shape_cast %get3A_1265 : vector<1x16xf32> to vector<16xf32>
        %mul3A_1267 = vector.broadcast %squeeze3A_1248 : f32 to vector<16xf32>
        %mul3A_1268 = arith.mulf %get3A_1266, %mul3A_1267 : vector<16xf32>
        %add3A_1269 = arith.addf %add3A_1235, %mul3A_1268 : vector<16xf32>
        %get3A_1270 = arith.index_cast %add3A_1246 : i32 to index
        %get3A_1271 = arith.constant 48 : index
        %get3A_1272 = tpu.vector_load %arg12[%get3A_1270, %get3A_1271] {strides = array<i32>} : memref<200x64xf32, #tpu.memory_space<vmem>>, vector<1x16xf32>,
        %get3A_1273 = vector.shape_cast %get3A_1272 : vector<1x16xf32> to vector<16xf32>
        %mul3A_1274 = vector.broadcast %squeeze3A_1248 : f32 to vector<16xf32>
        %mul3A_1275 = arith.mulf %get3A_1273, %mul3A_1274 : vector<16xf32>
        %add3A_1276 = arith.addf %add3A_1242, %mul3A_1275 : vector<16xf32>
        scf.yield %add3A_1255, %add3A_1262, %add3A_1269, %add3A_1276 : vector<16xf32>, vector<16xf32>, vector<16xf32>, vector<16xf32>
      }
      %scan3A_425 = arith.constant 12 : i32
      %get3A_426 = arith.index_cast %add3A_417 : i32 to index
      %get3A_427 = arith.constant 184 : index
      %get3A_428 = tpu.vector_load %arg10[%get3A_426, %get3A_427] {strides = array<i32>} : memref<128x200xf32, #tpu.memory_space<vmem>>, vector<1x16xf32>,
      %get3A_429 = vector.shape_cast %get3A_428 : vector<1x16xf32> to vector<16xf32>
      %slice3A_430 = vector.extract_strided_slice %get3A_429 {offsets = [8], sizes = [1], strides = [1]} : vector<16xf32> to vector<1xf32>
      %squeeze3A_431 = vector.extract %slice3A_430[0] : f32 from vector<1xf32>
      %get3A_432 = arith.constant 192 : i32
      %get3A_433 = arith.index_cast %get3A_432 : i32 to index
      %get3A_434 = arith.constant 0 : index
      %get3A_435 = tpu.vector_load %arg12[%get3A_433, %get3A_434] {strides = array<i32>} : memref<200x64xf32, #tpu.memory_space<vmem>>, vector<1x16xf32>,
      %get3A_436 = vector.shape_cast %get3A_435 : vector<1x16xf32> to vector<16xf32>
      %mul3A_437 = vector.broadcast %squeeze3A_431 : f32 to vector<16xf32>
      %mul3A_438 = arith.mulf %get3A_436, %mul3A_437 : vector<16xf32>
      %add3A_439 = arith.addf %scan3A_424#0, %mul3A_438 : vector<16xf32>
      %get3A_440 = arith.constant 192 : i32
      %get3A_441 = arith.index_cast %get3A_440 : i32 to index
      %get3A_442 = arith.constant 16 : index
      %get3A_443 = tpu.vector_load %arg12[%get3A_441, %get3A_442] {strides = array<i32>} : memref<200x64xf32, #tpu.memory_space<vmem>>, vector<1x16xf32>,
      %get3A_444 = vector.shape_cast %get3A_443 : vector<1x16xf32> to vector<16xf32>
      %mul3A_445 = vector.broadcast %squeeze3A_431 : f32 to vector<16xf32>
      %mul3A_446 = arith.mulf %get3A_444, %mul3A_445 : vector<16xf32>
      %add3A_447 = arith.addf %scan3A_424#1, %mul3A_446 : vector<16xf32>
      %get3A_448 = arith.constant 192 : i32
      %get3A_449 = arith.index_cast %get3A_448 : i32 to index
      %get3A_450 = arith.constant 32 : index
      %get3A_451 = tpu.vector_load %arg12[%get3A_449, %get3A_450] {strides = array<i32>} : memref<200x64xf32, #tpu.memory_space<vmem>>, vector<1x16xf32>,
      %get3A_452 = vector.shape_cast %get3A_451 : vector<1x16xf32> to vector<16xf32>
      %mul3A_453 = vector.broadcast %squeeze3A_431 : f32 to vector<16xf32>
      %mul3A_454 = arith.mulf %get3A_452, %mul3A_453 : vector<16xf32>
      %add3A_455 = arith.addf %scan3A_424#2, %mul3A_454 : vector<16xf32>
      %get3A_456 = arith.constant 192 : i32
      %get3A_457 = arith.index_cast %get3A_456 : i32 to index
      %get3A_458 = arith.constant 48 : index
      %get3A_459 = tpu.vector_load %arg12[%get3A_457, %get3A_458] {strides = array<i32>} : memref<200x64xf32, #tpu.memory_space<vmem>>, vector<1x16xf32>,
      %get3A_460 = vector.shape_cast %get3A_459 : vector<1x16xf32> to vector<16xf32>
      %mul3A_461 = vector.broadcast %squeeze3A_431 : f32 to vector<16xf32>
      %mul3A_462 = arith.mulf %get3A_460, %mul3A_461 : vector<16xf32>
      %add3A_463 = arith.addf %scan3A_424#3, %mul3A_462 : vector<16xf32>
      %slice3A_464 = vector.extract_strided_slice %get3A_429 {offsets = [9], sizes = [1], strides = [1]} : vector<16xf32> to vector<1xf32>
      %squeeze3A_465 = vector.extract %slice3A_464[0] : f32 from vector<1xf32>
      %get3A_466 = arith.constant 193 : i32
      %get3A_467 = arith.index_cast %get3A_466 : i32 to index
      %get3A_468 = arith.constant 0 : index
      %get3A_469 = tpu.vector_load %arg12[%get3A_467, %get3A_468] {strides = array<i32>} : memref<200x64xf32, #tpu.memory_space<vmem>>, vector<1x16xf32>,
      %get3A_470 = vector.shape_cast %get3A_469 : vector<1x16xf32> to vector<16xf32>
      %mul3A_471 = vector.broadcast %squeeze3A_465 : f32 to vector<16xf32>
      %mul3A_472 = arith.mulf %get3A_470, %mul3A_471 : vector<16xf32>
      %add3A_473 = arith.addf %add3A_439, %mul3A_472 : vector<16xf32>
      %get3A_474 = arith.constant 193 : i32
      %get3A_475 = arith.index_cast %get3A_474 : i32 to index
      %get3A_476 = arith.constant 16 : index
      %get3A_477 = tpu.vector_load %arg12[%get3A_475, %get3A_476] {strides = array<i32>} : memref<200x64xf32, #tpu.memory_space<vmem>>, vector<1x16xf32>,
      %get3A_478 = vector.shape_cast %get3A_477 : vector<1x16xf32> to vector<16xf32>
      %mul3A_479 = vector.broadcast %squeeze3A_465 : f32 to vector<16xf32>
      %mul3A_480 = arith.mulf %get3A_478, %mul3A_479 : vector<16xf32>
      %add3A_481 = arith.addf %add3A_447, %mul3A_480 : vector<16xf32>
      %get3A_482 = arith.constant 193 : i32
      %get3A_483 = arith.index_cast %get3A_482 : i32 to index
      %get3A_484 = arith.constant 32 : index
      %get3A_485 = tpu.vector_load %arg12[%get3A_483, %get3A_484] {strides = array<i32>} : memref<200x64xf32, #tpu.memory_space<vmem>>, vector<1x16xf32>,
      %get3A_486 = vector.shape_cast %get3A_485 : vector<1x16xf32> to vector<16xf32>
      %mul3A_487 = vector.broadcast %squeeze3A_465 : f32 to vector<16xf32>
      %mul3A_488 = arith.mulf %get3A_486, %mul3A_487 : vector<16xf32>
      %add3A_489 = arith.addf %add3A_455, %mul3A_488 : vector<16xf32>
      %get3A_490 = arith.constant 193 : i32
      %get3A_491 = arith.index_cast %get3A_490 : i32 to index
      %get3A_492 = arith.constant 48 : index
      %get3A_493 = tpu.vector_load %arg12[%get3A_491, %get3A_492] {strides = array<i32>} : memref<200x64xf32, #tpu.memory_space<vmem>>, vector<1x16xf32>,
      %get3A_494 = vector.shape_cast %get3A_493 : vector<1x16xf32> to vector<16xf32>
      %mul3A_495 = vector.broadcast %squeeze3A_465 : f32 to vector<16xf32>
      %mul3A_496 = arith.mulf %get3A_494, %mul3A_495 : vector<16xf32>
      %add3A_497 = arith.addf %add3A_463, %mul3A_496 : vector<16xf32>
      %slice3A_498 = vector.extract_strided_slice %get3A_429 {offsets = [10], sizes = [1], strides = [1]} : vector<16xf32> to vector<1xf32>
      %squeeze3A_499 = vector.extract %slice3A_498[0] : f32 from vector<1xf32>
      %get3A_500 = arith.constant 194 : i32
      %get3A_501 = arith.index_cast %get3A_500 : i32 to index
      %get3A_502 = arith.constant 0 : index
      %get3A_503 = tpu.vector_load %arg12[%get3A_501, %get3A_502] {strides = array<i32>} : memref<200x64xf32, #tpu.memory_space<vmem>>, vector<1x16xf32>,
      %get3A_504 = vector.shape_cast %get3A_503 : vector<1x16xf32> to vector<16xf32>
      %mul3A_505 = vector.broadcast %squeeze3A_499 : f32 to vector<16xf32>
      %mul3A_506 = arith.mulf %get3A_504, %mul3A_505 : vector<16xf32>
      %add3A_507 = arith.addf %add3A_473, %mul3A_506 : vector<16xf32>
      %get3A_508 = arith.constant 194 : i32
      %get3A_509 = arith.index_cast %get3A_508 : i32 to index
      %get3A_510 = arith.constant 16 : index
      %get3A_511 = tpu.vector_load %arg12[%get3A_509, %get3A_510] {strides = array<i32>} : memref<200x64xf32, #tpu.memory_space<vmem>>, vector<1x16xf32>,
      %get3A_512 = vector.shape_cast %get3A_511 : vector<1x16xf32> to vector<16xf32>
      %mul3A_513 = vector.broadcast %squeeze3A_499 : f32 to vector<16xf32>
      %mul3A_514 = arith.mulf %get3A_512, %mul3A_513 : vector<16xf32>
      %add3A_515 = arith.addf %add3A_481, %mul3A_514 : vector<16xf32>
      %get3A_516 = arith.constant 194 : i32
      %get3A_517 = arith.index_cast %get3A_516 : i32 to index
      %get3A_518 = arith.constant 32 : index
      %get3A_519 = tpu.vector_load %arg12[%get3A_517, %get3A_518] {strides = array<i32>} : memref<200x64xf32, #tpu.memory_space<vmem>>, vector<1x16xf32>,
      %get3A_520 = vector.shape_cast %get3A_519 : vector<1x16xf32> to vector<16xf32>
      %mul3A_521 = vector.broadcast %squeeze3A_499 : f32 to vector<16xf32>
      %mul3A_522 = arith.mulf %get3A_520, %mul3A_521 : vector<16xf32>
      %add3A_523 = arith.addf %add3A_489, %mul3A_522 : vector<16xf32>
      %get3A_524 = arith.constant 194 : i32
      %get3A_525 = arith.index_cast %get3A_524 : i32 to index
      %get3A_526 = arith.constant 48 : index
      %get3A_527 = tpu.vector_load %arg12[%get3A_525, %get3A_526] {strides = array<i32>} : memref<200x64xf32, #tpu.memory_space<vmem>>, vector<1x16xf32>,
      %get3A_528 = vector.shape_cast %get3A_527 : vector<1x16xf32> to vector<16xf32>
      %mul3A_529 = vector.broadcast %squeeze3A_499 : f32 to vector<16xf32>
      %mul3A_530 = arith.mulf %get3A_528, %mul3A_529 : vector<16xf32>
      %add3A_531 = arith.addf %add3A_497, %mul3A_530 : vector<16xf32>
      %slice3A_532 = vector.extract_strided_slice %get3A_429 {offsets = [11], sizes = [1], strides = [1]} : vector<16xf32> to vector<1xf32>
      %squeeze3A_533 = vector.extract %slice3A_532[0] : f32 from vector<1xf32>
      %get3A_534 = arith.constant 195 : i32
      %get3A_535 = arith.index_cast %get3A_534 : i32 to index
      %get3A_536 = arith.constant 0 : index
      %get3A_537 = tpu.vector_load %arg12[%get3A_535, %get3A_536] {strides = array<i32>} : memref<200x64xf32, #tpu.memory_space<vmem>>, vector<1x16xf32>,
      %get3A_538 = vector.shape_cast %get3A_537 : vector<1x16xf32> to vector<16xf32>
      %mul3A_539 = vector.broadcast %squeeze3A_533 : f32 to vector<16xf32>
      %mul3A_540 = arith.mulf %get3A_538, %mul3A_539 : vector<16xf32>
      %add3A_541 = arith.addf %add3A_507, %mul3A_540 : vector<16xf32>
      %get3A_542 = arith.constant 195 : i32
      %get3A_543 = arith.index_cast %get3A_542 : i32 to index
      %get3A_544 = arith.constant 16 : index
      %get3A_545 = tpu.vector_load %arg12[%get3A_543, %get3A_544] {strides = array<i32>} : memref<200x64xf32, #tpu.memory_space<vmem>>, vector<1x16xf32>,
      %get3A_546 = vector.shape_cast %get3A_545 : vector<1x16xf32> to vector<16xf32>
      %mul3A_547 = vector.broadcast %squeeze3A_533 : f32 to vector<16xf32>
      %mul3A_548 = arith.mulf %get3A_546, %mul3A_547 : vector<16xf32>
      %add3A_549 = arith.addf %add3A_515, %mul3A_548 : vector<16xf32>
      %get3A_550 = arith.constant 195 : i32
      %get3A_551 = arith.index_cast %get3A_550 : i32 to index
      %get3A_552 = arith.constant 32 : index
      %get3A_553 = tpu.vector_load %arg12[%get3A_551, %get3A_552] {strides = array<i32>} : memref<200x64xf32, #tpu.memory_space<vmem>>, vector<1x16xf32>,
      %get3A_554 = vector.shape_cast %get3A_553 : vector<1x16xf32> to vector<16xf32>
      %mul3A_555 = vector.broadcast %squeeze3A_533 : f32 to vector<16xf32>
      %mul3A_556 = arith.mulf %get3A_554, %mul3A_555 : vector<16xf32>
      %add3A_557 = arith.addf %add3A_523, %mul3A_556 : vector<16xf32>
      %get3A_558 = arith.constant 195 : i32
      %get3A_559 = arith.index_cast %get3A_558 : i32 to index
      %get3A_560 = arith.constant 48 : index
      %get3A_561 = tpu.vector_load %arg12[%get3A_559, %get3A_560] {strides = array<i32>} : memref<200x64xf32, #tpu.memory_space<vmem>>, vector<1x16xf32>,
      %get3A_562 = vector.shape_cast %get3A_561 : vector<1x16xf32> to vector<16xf32>
      %mul3A_563 = vector.broadcast %squeeze3A_533 : f32 to vector<16xf32>
      %mul3A_564 = arith.mulf %get3A_562, %mul3A_563 : vector<16xf32>
      %add3A_565 = arith.addf %add3A_531, %mul3A_564 : vector<16xf32>
      %slice3A_566 = vector.extract_strided_slice %get3A_429 {offsets = [12], sizes = [1], strides = [1]} : vector<16xf32> to vector<1xf32>
      %squeeze3A_567 = vector.extract %slice3A_566[0] : f32 from vector<1xf32>
      %get3A_568 = arith.constant 196 : i32
      %get3A_569 = arith.index_cast %get3A_568 : i32 to index
      %get3A_570 = arith.constant 0 : index
      %get3A_571 = tpu.vector_load %arg12[%get3A_569, %get3A_570] {strides = array<i32>} : memref<200x64xf32, #tpu.memory_space<vmem>>, vector<1x16xf32>,
      %get3A_572 = vector.shape_cast %get3A_571 : vector<1x16xf32> to vector<16xf32>
      %mul3A_573 = vector.broadcast %squeeze3A_567 : f32 to vector<16xf32>
      %mul3A_574 = arith.mulf %get3A_572, %mul3A_573 : vector<16xf32>
      %add3A_575 = arith.addf %add3A_541, %mul3A_574 : vector<16xf32>
      %get3A_576 = arith.constant 196 : i32
      %get3A_577 = arith.index_cast %get3A_576 : i32 to index
      %get3A_578 = arith.constant 16 : index
      %get3A_579 = tpu.vector_load %arg12[%get3A_577, %get3A_578] {strides = array<i32>} : memref<200x64xf32, #tpu.memory_space<vmem>>, vector<1x16xf32>,
      %get3A_580 = vector.shape_cast %get3A_579 : vector<1x16xf32> to vector<16xf32>
      %mul3A_581 = vector.broadcast %squeeze3A_567 : f32 to vector<16xf32>
      %mul3A_582 = arith.mulf %get3A_580, %mul3A_581 : vector<16xf32>
      %add3A_583 = arith.addf %add3A_549, %mul3A_582 : vector<16xf32>
      %get3A_584 = arith.constant 196 : i32
      %get3A_585 = arith.index_cast %get3A_584 : i32 to index
      %get3A_586 = arith.constant 32 : index
      %get3A_587 = tpu.vector_load %arg12[%get3A_585, %get3A_586] {strides = array<i32>} : memref<200x64xf32, #tpu.memory_space<vmem>>, vector<1x16xf32>,
      %get3A_588 = vector.shape_cast %get3A_587 : vector<1x16xf32> to vector<16xf32>
      %mul3A_589 = vector.broadcast %squeeze3A_567 : f32 to vector<16xf32>
      %mul3A_590 = arith.mulf %get3A_588, %mul3A_589 : vector<16xf32>
      %add3A_591 = arith.addf %add3A_557, %mul3A_590 : vector<16xf32>
      %get3A_592 = arith.constant 196 : i32
      %get3A_593 = arith.index_cast %get3A_592 : i32 to index
      %get3A_594 = arith.constant 48 : index
      %get3A_595 = tpu.vector_load %arg12[%get3A_593, %get3A_594] {strides = array<i32>} : memref<200x64xf32, #tpu.memory_space<vmem>>, vector<1x16xf32>,
      %get3A_596 = vector.shape_cast %get3A_595 : vector<1x16xf32> to vector<16xf32>
      %mul3A_597 = vector.broadcast %squeeze3A_567 : f32 to vector<16xf32>
      %mul3A_598 = arith.mulf %get3A_596, %mul3A_597 : vector<16xf32>
      %add3A_599 = arith.addf %add3A_565, %mul3A_598 : vector<16xf32>
      %slice3A_600 = vector.extract_strided_slice %get3A_429 {offsets = [13], sizes = [1], strides = [1]} : vector<16xf32> to vector<1xf32>
      %squeeze3A_601 = vector.extract %slice3A_600[0] : f32 from vector<1xf32>
      %get3A_602 = arith.constant 197 : i32
      %get3A_603 = arith.index_cast %get3A_602 : i32 to index
      %get3A_604 = arith.constant 0 : index
      %get3A_605 = tpu.vector_load %arg12[%get3A_603, %get3A_604] {strides = array<i32>} : memref<200x64xf32, #tpu.memory_space<vmem>>, vector<1x16xf32>,
      %get3A_606 = vector.shape_cast %get3A_605 : vector<1x16xf32> to vector<16xf32>
      %mul3A_607 = vector.broadcast %squeeze3A_601 : f32 to vector<16xf32>
      %mul3A_608 = arith.mulf %get3A_606, %mul3A_607 : vector<16xf32>
      %add3A_609 = arith.addf %add3A_575, %mul3A_608 : vector<16xf32>
      %get3A_610 = arith.constant 197 : i32
      %get3A_611 = arith.index_cast %get3A_610 : i32 to index
      %get3A_612 = arith.constant 16 : index
      %get3A_613 = tpu.vector_load %arg12[%get3A_611, %get3A_612] {strides = array<i32>} : memref<200x64xf32, #tpu.memory_space<vmem>>, vector<1x16xf32>,
      %get3A_614 = vector.shape_cast %get3A_613 : vector<1x16xf32> to vector<16xf32>
      %mul3A_615 = vector.broadcast %squeeze3A_601 : f32 to vector<16xf32>
      %mul3A_616 = arith.mulf %get3A_614, %mul3A_615 : vector<16xf32>
      %add3A_617 = arith.addf %add3A_583, %mul3A_616 : vector<16xf32>
      %get3A_618 = arith.constant 197 : i32
      %get3A_619 = arith.index_cast %get3A_618 : i32 to index
      %get3A_620 = arith.constant 32 : index
      %get3A_621 = tpu.vector_load %arg12[%get3A_619, %get3A_620] {strides = array<i32>} : memref<200x64xf32, #tpu.memory_space<vmem>>, vector<1x16xf32>,
      %get3A_622 = vector.shape_cast %get3A_621 : vector<1x16xf32> to vector<16xf32>
      %mul3A_623 = vector.broadcast %squeeze3A_601 : f32 to vector<16xf32>
      %mul3A_624 = arith.mulf %get3A_622, %mul3A_623 : vector<16xf32>
      %add3A_625 = arith.addf %add3A_591, %mul3A_624 : vector<16xf32>
      %get3A_626 = arith.constant 197 : i32
      %get3A_627 = arith.index_cast %get3A_626 : i32 to index
      %get3A_628 = arith.constant 48 : index
      %get3A_629 = tpu.vector_load %arg12[%get3A_627, %get3A_628] {strides = array<i32>} : memref<200x64xf32, #tpu.memory_space<vmem>>, vector<1x16xf32>,
      %get3A_630 = vector.shape_cast %get3A_629 : vector<1x16xf32> to vector<16xf32>
      %mul3A_631 = vector.broadcast %squeeze3A_601 : f32 to vector<16xf32>
      %mul3A_632 = arith.mulf %get3A_630, %mul3A_631 : vector<16xf32>
      %add3A_633 = arith.addf %add3A_599, %mul3A_632 : vector<16xf32>
      %slice3A_634 = vector.extract_strided_slice %get3A_429 {offsets = [14], sizes = [1], strides = [1]} : vector<16xf32> to vector<1xf32>
      %squeeze3A_635 = vector.extract %slice3A_634[0] : f32 from vector<1xf32>
      %get3A_636 = arith.constant 198 : i32
      %get3A_637 = arith.index_cast %get3A_636 : i32 to index
      %get3A_638 = arith.constant 0 : index
      %get3A_639 = tpu.vector_load %arg12[%get3A_637, %get3A_638] {strides = array<i32>} : memref<200x64xf32, #tpu.memory_space<vmem>>, vector<1x16xf32>,
      %get3A_640 = vector.shape_cast %get3A_639 : vector<1x16xf32> to vector<16xf32>
      %mul3A_641 = vector.broadcast %squeeze3A_635 : f32 to vector<16xf32>
      %mul3A_642 = arith.mulf %get3A_640, %mul3A_641 : vector<16xf32>
      %add3A_643 = arith.addf %add3A_609, %mul3A_642 : vector<16xf32>
      %get3A_644 = arith.constant 198 : i32
      %get3A_645 = arith.index_cast %get3A_644 : i32 to index
      %get3A_646 = arith.constant 16 : index
      %get3A_647 = tpu.vector_load %arg12[%get3A_645, %get3A_646] {strides = array<i32>} : memref<200x64xf32, #tpu.memory_space<vmem>>, vector<1x16xf32>,
      %get3A_648 = vector.shape_cast %get3A_647 : vector<1x16xf32> to vector<16xf32>
      %mul3A_649 = vector.broadcast %squeeze3A_635 : f32 to vector<16xf32>
      %mul3A_650 = arith.mulf %get3A_648, %mul3A_649 : vector<16xf32>
      %add3A_651 = arith.addf %add3A_617, %mul3A_650 : vector<16xf32>
      %get3A_652 = arith.constant 198 : i32
      %get3A_653 = arith.index_cast %get3A_652 : i32 to index
      %get3A_654 = arith.constant 32 : index
      %get3A_655 = tpu.vector_load %arg12[%get3A_653, %get3A_654] {strides = array<i32>} : memref<200x64xf32, #tpu.memory_space<vmem>>, vector<1x16xf32>,
      %get3A_656 = vector.shape_cast %get3A_655 : vector<1x16xf32> to vector<16xf32>
      %mul3A_657 = vector.broadcast %squeeze3A_635 : f32 to vector<16xf32>
      %mul3A_658 = arith.mulf %get3A_656, %mul3A_657 : vector<16xf32>
      %add3A_659 = arith.addf %add3A_625, %mul3A_658 : vector<16xf32>
      %get3A_660 = arith.constant 198 : i32
      %get3A_661 = arith.index_cast %get3A_660 : i32 to index
      %get3A_662 = arith.constant 48 : index
      %get3A_663 = tpu.vector_load %arg12[%get3A_661, %get3A_662] {strides = array<i32>} : memref<200x64xf32, #tpu.memory_space<vmem>>, vector<1x16xf32>,
      %get3A_664 = vector.shape_cast %get3A_663 : vector<1x16xf32> to vector<16xf32>
      %mul3A_665 = vector.broadcast %squeeze3A_635 : f32 to vector<16xf32>
      %mul3A_666 = arith.mulf %get3A_664, %mul3A_665 : vector<16xf32>
      %add3A_667 = arith.addf %add3A_633, %mul3A_666 : vector<16xf32>
      %slice3A_668 = vector.extract_strided_slice %get3A_429 {offsets = [15], sizes = [1], strides = [1]} : vector<16xf32> to vector<1xf32>
      %squeeze3A_669 = vector.extract %slice3A_668[0] : f32 from vector<1xf32>
      %get3A_670 = arith.constant 199 : i32
      %get3A_671 = arith.index_cast %get3A_670 : i32 to index
      %get3A_672 = arith.constant 0 : index
      %get3A_673 = tpu.vector_load %arg12[%get3A_671, %get3A_672] {strides = array<i32>} : memref<200x64xf32, #tpu.memory_space<vmem>>, vector<1x16xf32>,
      %get3A_674 = vector.shape_cast %get3A_673 : vector<1x16xf32> to vector<16xf32>
      %mul3A_675 = vector.broadcast %squeeze3A_669 : f32 to vector<16xf32>
      %mul3A_676 = arith.mulf %get3A_674, %mul3A_675 : vector<16xf32>
      %add3A_677 = arith.addf %add3A_643, %mul3A_676 : vector<16xf32>
      %get3A_678 = arith.constant 199 : i32
      %get3A_679 = arith.index_cast %get3A_678 : i32 to index
      %get3A_680 = arith.constant 16 : index
      %get3A_681 = tpu.vector_load %arg12[%get3A_679, %get3A_680] {strides = array<i32>} : memref<200x64xf32, #tpu.memory_space<vmem>>, vector<1x16xf32>,
      %get3A_682 = vector.shape_cast %get3A_681 : vector<1x16xf32> to vector<16xf32>
      %mul3A_683 = vector.broadcast %squeeze3A_669 : f32 to vector<16xf32>
      %mul3A_684 = arith.mulf %get3A_682, %mul3A_683 : vector<16xf32>
      %add3A_685 = arith.addf %add3A_651, %mul3A_684 : vector<16xf32>
      %get3A_686 = arith.constant 199 : i32
      %get3A_687 = arith.index_cast %get3A_686 : i32 to index
      %get3A_688 = arith.constant 32 : index
      %get3A_689 = tpu.vector_load %arg12[%get3A_687, %get3A_688] {strides = array<i32>} : memref<200x64xf32, #tpu.memory_space<vmem>>, vector<1x16xf32>,
      %get3A_690 = vector.shape_cast %get3A_689 : vector<1x16xf32> to vector<16xf32>
      %mul3A_691 = vector.broadcast %squeeze3A_669 : f32 to vector<16xf32>
      %mul3A_692 = arith.mulf %get3A_690, %mul3A_691 : vector<16xf32>
      %add3A_693 = arith.addf %add3A_659, %mul3A_692 : vector<16xf32>
      %get3A_694 = arith.constant 199 : i32
      %get3A_695 = arith.index_cast %get3A_694 : i32 to index
      %get3A_696 = arith.constant 48 : index
      %get3A_697 = tpu.vector_load %arg12[%get3A_695, %get3A_696] {strides = array<i32>} : memref<200x64xf32, #tpu.memory_space<vmem>>, vector<1x16xf32>,
      %get3A_698 = vector.shape_cast %get3A_697 : vector<1x16xf32> to vector<16xf32>
      %mul3A_699 = vector.broadcast %squeeze3A_669 : f32 to vector<16xf32>
      %mul3A_700 = arith.mulf %get3A_698, %mul3A_699 : vector<16xf32>
      %add3A_701 = arith.addf %add3A_667, %mul3A_700 : vector<16xf32>
      %swap3A_702 = arith.index_cast %add3A_417 : i32 to index
      %swap3A_703 = arith.constant 0 : index
      %swap3A_704 = tpu.vector_load %arg13[%swap3A_702, %swap3A_703] {strides = array<i32>} : memref<128x64xf32, #tpu.memory_space<vmem>>, vector<1x16xf32>,
      %swap3A_705 = vector.shape_cast %swap3A_704 : vector<1x16xf32> to vector<16xf32>
      %swap3A_706 = vector.shape_cast %add3A_677 : vector<16xf32> to vector<1x16xf32>
      tpu.vector_store %arg13[%swap3A_702, %swap3A_703], %swap3A_706 {strides = array<i32>} : memref<128x64xf32, #tpu.memory_space<vmem>>, vector<1x16xf32>,
      %swap3A_707 = arith.index_cast %add3A_417 : i32 to index
      %swap3A_708 = arith.constant 16 : index
      %swap3A_709 = tpu.vector_load %arg13[%swap3A_707, %swap3A_708] {strides = array<i32>} : memref<128x64xf32, #tpu.memory_space<vmem>>, vector<1x16xf32>,
      %swap3A_710 = vector.shape_cast %swap3A_709 : vector<1x16xf32> to vector<16xf32>
      %swap3A_711 = vector.shape_cast %add3A_685 : vector<16xf32> to vector<1x16xf32>
      tpu.vector_store %arg13[%swap3A_707, %swap3A_708], %swap3A_711 {strides = array<i32>} : memref<128x64xf32, #tpu.memory_space<vmem>>, vector<1x16xf32>,
      %swap3A_712 = arith.index_cast %add3A_417 : i32 to index
      %swap3A_713 = arith.constant 32 : index
      %swap3A_714 = tpu.vector_load %arg13[%swap3A_712, %swap3A_713] {strides = array<i32>} : memref<128x64xf32, #tpu.memory_space<vmem>>, vector<1x16xf32>,
      %swap3A_715 = vector.shape_cast %swap3A_714 : vector<1x16xf32> to vector<16xf32>
      %swap3A_716 = vector.shape_cast %add3A_693 : vector<16xf32> to vector<1x16xf32>
      tpu.vector_store %arg13[%swap3A_712, %swap3A_713], %swap3A_716 {strides = array<i32>} : memref<128x64xf32, #tpu.memory_space<vmem>>, vector<1x16xf32>,
      %swap3A_717 = arith.index_cast %add3A_417 : i32 to index
      %swap3A_718 = arith.constant 48 : index
      %swap3A_719 = tpu.vector_load %arg13[%swap3A_717, %swap3A_718] {strides = array<i32>} : memref<128x64xf32, #tpu.memory_space<vmem>>, vector<1x16xf32>,
      %swap3A_720 = vector.shape_cast %swap3A_719 : vector<1x16xf32> to vector<16xf32>
      %swap3A_721 = vector.shape_cast %add3A_701 : vector<16xf32> to vector<1x16xf32>
      tpu.vector_store %arg13[%swap3A_717, %swap3A_718], %swap3A_721 {strides = array<i32>} : memref<128x64xf32, #tpu.memory_space<vmem>>, vector<1x16xf32>,
    }
    %scan3A_25 = arith.constant 64 : i32
    "tpu.region"() ({
      %run_scoped3A = tpu.sem_alloc : memref<!tpu.dma_semaphore, #tpu.memory_space<semaphore_mem>>
      %dma_start3A_51 = arith.constant 0 : i32
      %dma_start3A_52 = tpu.memref_slice %arg7[%mul3A_2, %dma_start3A_51] : memref<4096x64xf32, #tpu.memory_space<hbm>> -> memref<128x64xf32, #tpu.memory_space<hbm>>
      %dma_start3A_53 = arith.constant 0 : i32
      %dma_start3A_54 = tpu.memref_slice %arg7[%mul3A_2, %dma_start3A_53] : memref<4096x64xf32, #tpu.memory_space<hbm>> -> memref<128x64xf32, #tpu.memory_space<hbm>>
      tpu.enqueue_dma source(%arg13 : memref<128x64xf32, #tpu.memory_space<vmem>>) target(%dma_start3A_54 : memref<128x64xf32, #tpu.memory_space<hbm>>) target_semaphore(%run_scoped3A : memref<!tpu.dma_semaphore, #tpu.memory_space<semaphore_mem>>)
      %dma_wait3A = arith.constant 0 : i32
      %dma_wait3A_55 = tpu.memref_slice %arg7[%mul3A_2, %dma_wait3A] : memref<4096x64xf32, #tpu.memory_space<hbm>> -> memref<128x64xf32, #tpu.memory_space<hbm>>
      %dma_wait3A_56 = arith.constant 0 : i32
      %dma_wait3A_57 = tpu.memref_slice %arg7[%mul3A_2, %dma_wait3A_56] : memref<4096x64xf32, #tpu.memory_space<hbm>> -> memref<128x64xf32, #tpu.memory_space<hbm>>
      tpu.wait_dma2 semaphore(%run_scoped3A : memref<!tpu.dma_semaphore, #tpu.memory_space<semaphore_mem>>) src(%arg13 : memref<128x64xf32, #tpu.memory_space<vmem>>) dst(%dma_wait3A_57 : memref<128x64xf32, #tpu.memory_space<hbm>>)
      tpu.yield
    }) : () -> ()
    "tpu.region"() ({
      %run_scoped3A = tpu.sem_alloc : memref<!tpu.dma_semaphore, #tpu.memory_space<semaphore_mem>>
      %dma_start3A_51 = arith.constant 0 : i32
      %dma_start3A_52 = tpu.memref_slice %arg6[%mul3A_2, %dma_start3A_51] : memref<4096x200xi32, #tpu.memory_space<hbm>> -> memref<128x200xi32, #tpu.memory_space<hbm>>
      %dma_start3A_53 = arith.constant 0 : i32
      %dma_start3A_54 = tpu.memref_slice %arg6[%mul3A_2, %dma_start3A_53] : memref<4096x200xi32, #tpu.memory_space<hbm>> -> memref<128x200xi32, #tpu.memory_space<hbm>>
      tpu.enqueue_dma source(%dma_start3A_54 : memref<128x200xi32, #tpu.memory_space<hbm>>) target(%arg9 : memref<128x200xi32, #tpu.memory_space<vmem>>) target_semaphore(%run_scoped3A : memref<!tpu.dma_semaphore, #tpu.memory_space<semaphore_mem>>)
      %dma_wait3A = arith.constant 0 : i32
      %dma_wait3A_55 = tpu.memref_slice %arg6[%mul3A_2, %dma_wait3A] : memref<4096x200xi32, #tpu.memory_space<hbm>> -> memref<128x200xi32, #tpu.memory_space<hbm>>
      %dma_wait3A_56 = arith.constant 0 : i32
      %dma_wait3A_57 = tpu.memref_slice %arg6[%mul3A_2, %dma_wait3A_56] : memref<4096x200xi32, #tpu.memory_space<hbm>> -> memref<128x200xi32, #tpu.memory_space<hbm>>
      tpu.wait_dma2 semaphore(%run_scoped3A : memref<!tpu.dma_semaphore, #tpu.memory_space<semaphore_mem>>) src(%dma_wait3A_57 : memref<128x200xi32, #tpu.memory_space<hbm>>) dst(%arg9 : memref<128x200xi32, #tpu.memory_space<vmem>>)
      tpu.yield
    }) : () -> ()
    "tpu.region"() ({
      %run_scoped3A = tpu.sem_alloc : memref<!tpu.dma_semaphore, #tpu.memory_space<semaphore_mem>>
      %dma_start3A_51 = arith.constant 0 : i32
      %dma_start3A_52 = tpu.memref_slice %arg5[%mul3A_2, %dma_start3A_51] : memref<4096x200xf32, #tpu.memory_space<hbm>> -> memref<128x200xf32, #tpu.memory_space<hbm>>
      %dma_start3A_53 = arith.constant 0 : i32
      %dma_start3A_54 = tpu.memref_slice %arg5[%mul3A_2, %dma_start3A_53] : memref<4096x200xf32, #tpu.memory_space<hbm>> -> memref<128x200xf32, #tpu.memory_space<hbm>>
      tpu.enqueue_dma source(%dma_start3A_54 : memref<128x200xf32, #tpu.memory_space<hbm>>) target(%arg10 : memref<128x200xf32, #tpu.memory_space<vmem>>) target_semaphore(%run_scoped3A : memref<!tpu.dma_semaphore, #tpu.memory_space<semaphore_mem>>)
      %dma_wait3A = arith.constant 0 : i32
      %dma_wait3A_55 = tpu.memref_slice %arg5[%mul3A_2, %dma_wait3A] : memref<4096x200xf32, #tpu.memory_space<hbm>> -> memref<128x200xf32, #tpu.memory_space<hbm>>
      %dma_wait3A_56 = arith.constant 0 : i32
      %dma_wait3A_57 = tpu.memref_slice %arg5[%mul3A_2, %dma_wait3A_56] : memref<4096x200xf32, #tpu.memory_space<hbm>> -> memref<128x200xf32, #tpu.memory_space<hbm>>
      tpu.wait_dma2 semaphore(%run_scoped3A : memref<!tpu.dma_semaphore, #tpu.memory_space<semaphore_mem>>) src(%dma_wait3A_57 : memref<128x200xf32, #tpu.memory_space<hbm>>) dst(%arg10 : memref<128x200xf32, #tpu.memory_space<vmem>>)
      tpu.yield
    }) : () -> ()
    %dma_start3A_26 = arith.constant 0 : i32
    %dma_start3A_27 = arith.constant 0 : i32
    %dma_start3A_28 = arith.constant 0 : i32
    %dma_start3A_29 = tpu.memref_slice %arg11[%dma_start3A_27, %dma_start3A_28] : memref<200x64xf32, #tpu.memory_space<vmem>> -> memref<128x64xf32, #tpu.memory_space<vmem>>
    %dma_start3A_30 = arith.constant 0 : i32
    %dma_start3A_31 = tpu.memref_slice %arg9[%dma_start3A_26, %dma_start3A_30] : memref<128x200xi32, #tpu.memory_space<vmem>> -> memref<1x128xi32, #tpu.memory_space<vmem>>
    %dma_start3A_32 = tpu.memref_squeeze %dma_start3A_31 : memref<1x128xi32, #tpu.memory_space<vmem>> -> memref<128xi32, #tpu.memory_space<vmem>>
    %dma_start3A_33 = arith.constant 0 : i32
    %dma_start3A_34 = arith.constant 0 : i32
    %dma_start3A_35 = tpu.memref_slice %arg2[%dma_start3A_33, %dma_start3A_34] : memref<1000064x64xf32, #tpu.memory_space<hbm>> -> memref<1000064x64xf32, #tpu.memory_space<hbm>>
    tpu.enqueue_indirect_dma source(%dma_start3A_35 : memref<1000064x64xf32, #tpu.memory_space<hbm>>) target(%dma_start3A_29 : memref<128x64xf32, #tpu.memory_space<vmem>>) offsets(%dma_start3A_32 : memref<128xi32, #tpu.memory_space<vmem>>) semaphore(%arg14 : memref<!tpu.dma_semaphore, #tpu.memory_space<semaphore_mem>>)
    %dma_start3A_36 = arith.constant 0 : i32
    %dma_start3A_37 = arith.constant 128 : i32
    %dma_start3A_38 = arith.constant 0 : i32
    %dma_start3A_39 = tpu.memref_slice %arg11[%dma_start3A_37, %dma_start3A_38] : memref<200x64xf32, #tpu.memory_space<vmem>> -> memref<72x64xf32, #tpu.memory_space<vmem>>
    %dma_start3A_40 = arith.constant 128 : i32
    %dma_start3A_41 = tpu.memref_slice %arg9[%dma_start3A_36, %dma_start3A_40] : memref<128x200xi32, #tpu.memory_space<vmem>> -> memref<1x72xi32, #tpu.memory_space<vmem>>
    %dma_start3A_42 = tpu.memref_squeeze %dma_start3A_41 : memref<1x72xi32, #tpu.memory_space<vmem>> -> memref<72xi32, #tpu.memory_space<vmem>>
    %dma_start3A_43 = arith.constant 0 : i32
    %dma_start3A_44 = arith.constant 0 : i32
    %dma_start3A_45 = tpu.memref_slice %arg2[%dma_start3A_43, %dma_start3A_44] : memref<1000064x64xf32, #tpu.memory_space<hbm>> -> memref<1000064x64xf32, #tpu.memory_space<hbm>>
    tpu.enqueue_indirect_dma source(%dma_start3A_45 : memref<1000064x64xf32, #tpu.memory_space<hbm>>) target(%dma_start3A_39 : memref<72x64xf32, #tpu.memory_space<vmem>>) offsets(%dma_start3A_42 : memref<72xi32, #tpu.memory_space<vmem>>) semaphore(%arg14 : memref<!tpu.dma_semaphore, #tpu.memory_space<semaphore_mem>>)
    %scan3A_46 = arith.constant 0 : i32
    %scan3A_47 = arith.constant 64 : i32
    %scan3A_48 = arith.addi %scan3A_46, %scan3A_47 : i32
    %scan3A_49 = arith.constant 1 : i32
    scf.for %scan3A_51 = %scan3A_46 to %scan3A_48 step %scan3A_49  : i32 {
      %mul3A_52 = arith.constant 2 : i32
      %mul3A_53 = arith.muli %scan3A_51, %mul3A_52 : i32
      %add3A_54 = arith.constant 0 : i32
      %add3A_55 = arith.addi %add3A_54, %mul3A_53 : i32
      %add3A_56 = arith.constant 1 : i32
      %add3A_57 = arith.addi %add3A_55, %add3A_56 : i32
      %dma_start3A_58 = arith.constant 0 : i32
      %dma_start3A_59 = arith.constant 0 : i32
      %dma_start3A_60 = tpu.memref_slice %arg12[%dma_start3A_58, %dma_start3A_59] : memref<200x64xf32, #tpu.memory_space<vmem>> -> memref<128x64xf32, #tpu.memory_space<vmem>>
      %dma_start3A_61 = arith.constant 0 : i32
      %dma_start3A_62 = tpu.memref_slice %arg9[%add3A_57, %dma_start3A_61] : memref<128x200xi32, #tpu.memory_space<vmem>> -> memref<1x128xi32, #tpu.memory_space<vmem>>
      %dma_start3A_63 = tpu.memref_squeeze %dma_start3A_62 : memref<1x128xi32, #tpu.memory_space<vmem>> -> memref<128xi32, #tpu.memory_space<vmem>>
      %dma_start3A_64 = arith.constant 0 : i32
      %dma_start3A_65 = arith.constant 0 : i32
      %dma_start3A_66 = tpu.memref_slice %arg2[%dma_start3A_64, %dma_start3A_65] : memref<1000064x64xf32, #tpu.memory_space<hbm>> -> memref<1000064x64xf32, #tpu.memory_space<hbm>>
      tpu.enqueue_indirect_dma source(%dma_start3A_66 : memref<1000064x64xf32, #tpu.memory_space<hbm>>) target(%dma_start3A_60 : memref<128x64xf32, #tpu.memory_space<vmem>>) offsets(%dma_start3A_63 : memref<128xi32, #tpu.memory_space<vmem>>) semaphore(%arg15 : memref<!tpu.dma_semaphore, #tpu.memory_space<semaphore_mem>>)
      %dma_start3A_67 = arith.constant 128 : i32
      %dma_start3A_68 = arith.constant 0 : i32
      %dma_start3A_69 = tpu.memref_slice %arg12[%dma_start3A_67, %dma_start3A_68] : memref<200x64xf32, #tpu.memory_space<vmem>> -> memref<72x64xf32, #tpu.memory_space<vmem>>
      %dma_start3A_70 = arith.constant 128 : i32
      %dma_start3A_71 = tpu.memref_slice %arg9[%add3A_57, %dma_start3A_70] : memref<128x200xi32, #tpu.memory_space<vmem>> -> memref<1x72xi32, #tpu.memory_space<vmem>>
      %dma_start3A_72 = tpu.memref_squeeze %dma_start3A_71 : memref<1x72xi32, #tpu.memory_space<vmem>> -> memref<72xi32, #tpu.memory_space<vmem>>
      %dma_start3A_73 = arith.constant 0 : i32
      %dma_start3A_74 = arith.constant 0 : i32
      %dma_start3A_75 = tpu.memref_slice %arg2[%dma_start3A_73, %dma_start3A_74] : memref<1000064x64xf32, #tpu.memory_space<hbm>> -> memref<1000064x64xf32, #tpu.memory_space<hbm>>
      tpu.enqueue_indirect_dma source(%dma_start3A_75 : memref<1000064x64xf32, #tpu.memory_space<hbm>>) target(%dma_start3A_69 : memref<72x64xf32, #tpu.memory_space<vmem>>) offsets(%dma_start3A_72 : memref<72xi32, #tpu.memory_space<vmem>>) semaphore(%arg15 : memref<!tpu.dma_semaphore, #tpu.memory_space<semaphore_mem>>)
      %dma_wait3A = arith.constant 0 : i32
      %dma_wait3A_76 = arith.constant 0 : i32
      %dma_wait3A_77 = tpu.memref_slice %arg11[%dma_wait3A, %dma_wait3A_76] : memref<200x64xf32, #tpu.memory_space<vmem>> -> memref<128x64xf32, #tpu.memory_space<vmem>>
      %dma_wait3A_78 = arith.constant 0 : i32
      %dma_wait3A_79 = tpu.memref_slice %arg9[%add3A_55, %dma_wait3A_78] : memref<128x200xi32, #tpu.memory_space<vmem>> -> memref<1x128xi32, #tpu.memory_space<vmem>>
      %dma_wait3A_80 = tpu.memref_squeeze %dma_wait3A_79 : memref<1x128xi32, #tpu.memory_space<vmem>> -> memref<128xi32, #tpu.memory_space<vmem>>
      %dma_wait3A_81 = arith.constant 0 : i32
      %dma_wait3A_82 = arith.constant 0 : i32
      %dma_wait3A_83 = tpu.memref_slice %arg2[%dma_wait3A_81, %dma_wait3A_82] : memref<1000064x64xf32, #tpu.memory_space<hbm>> -> memref<1000064x64xf32, #tpu.memory_space<hbm>>
      tpu.wait_indirect_dma semaphore(%arg14 : memref<!tpu.dma_semaphore, #tpu.memory_space<semaphore_mem>>) src(%dma_wait3A_83 : memref<1000064x64xf32, #tpu.memory_space<hbm>>) dst(%dma_wait3A_77 : memref<128x64xf32, #tpu.memory_space<vmem>>)
      %dma_wait3A_84 = arith.constant 128 : i32
      %dma_wait3A_85 = arith.constant 0 : i32
      %dma_wait3A_86 = tpu.memref_slice %arg11[%dma_wait3A_84, %dma_wait3A_85] : memref<200x64xf32, #tpu.memory_space<vmem>> -> memref<72x64xf32, #tpu.memory_space<vmem>>
      %dma_wait3A_87 = arith.constant 128 : i32
      %dma_wait3A_88 = tpu.memref_slice %arg9[%add3A_55, %dma_wait3A_87] : memref<128x200xi32, #tpu.memory_space<vmem>> -> memref<1x72xi32, #tpu.memory_space<vmem>>
      %dma_wait3A_89 = tpu.memref_squeeze %dma_wait3A_88 : memref<1x72xi32, #tpu.memory_space<vmem>> -> memref<72xi32, #tpu.memory_space<vmem>>
      %dma_wait3A_90 = arith.constant 0 : i32
      %dma_wait3A_91 = arith.constant 0 : i32
      %dma_wait3A_92 = tpu.memref_slice %arg2[%dma_wait3A_90, %dma_wait3A_91] : memref<1000064x64xf32, #tpu.memory_space<hbm>> -> memref<1000064x64xf32, #tpu.memory_space<hbm>>
      tpu.wait_indirect_dma semaphore(%arg14 : memref<!tpu.dma_semaphore, #tpu.memory_space<semaphore_mem>>) src(%dma_wait3A_92 : memref<1000064x64xf32, #tpu.memory_space<hbm>>) dst(%dma_wait3A_86 : memref<72x64xf32, #tpu.memory_space<vmem>>)
      %broadcast_in_dim3A = arith.constant 0.000000e+00 : f32
      %broadcast_in_dim3A_93 = vector.broadcast %broadcast_in_dim3A : f32 to vector<16xf32>
      %scan3A_94 = arith.constant 0 : i32
      %scan3A_95 = arith.constant 12 : i32
      %scan3A_96 = arith.addi %scan3A_94, %scan3A_95 : i32
      %scan3A_97 = arith.constant 1 : i32
      %scan3A_98:4 = scf.for %scan3A_722 = %scan3A_94 to %scan3A_96 step %scan3A_97 iter_args(%scan3A_723 = %broadcast_in_dim3A_93, %scan3A_724 = %broadcast_in_dim3A_93, %scan3A_725 = %broadcast_in_dim3A_93, %scan3A_726 = %broadcast_in_dim3A_93) -> (vector<16xf32>, vector<16xf32>, vector<16xf32>, vector<16xf32>)  : i32 {
        %mul3A_727 = arith.constant 16 : i32
        %mul3A_728 = arith.muli %scan3A_722, %mul3A_727 : i32
        %get3A_729 = arith.index_cast %add3A_55 : i32 to index
        %get3A_730 = arith.index_cast %mul3A_728 : i32 to index
        %get3A_731 = tpu.vector_load %arg10[%get3A_729, %get3A_730] {strides = array<i32>} : memref<128x200xf32, #tpu.memory_space<vmem>>, vector<1x16xf32>,
        %get3A_732 = vector.shape_cast %get3A_731 : vector<1x16xf32> to vector<16xf32>
        %mul3A_733 = arith.constant 16 : i32
        %mul3A_734 = arith.muli %scan3A_722, %mul3A_733 : i32
        %add3A_735 = arith.constant 0 : i32
        %add3A_736 = arith.addi %mul3A_734, %add3A_735 : i32
        %slice3A_737 = vector.extract_strided_slice %get3A_732 {offsets = [0], sizes = [1], strides = [1]} : vector<16xf32> to vector<1xf32>
        %squeeze3A_738 = vector.extract %slice3A_737[0] : f32 from vector<1xf32>
        %get3A_739 = arith.index_cast %add3A_736 : i32 to index
        %get3A_740 = arith.constant 0 : index
        %get3A_741 = tpu.vector_load %arg11[%get3A_739, %get3A_740] {strides = array<i32>} : memref<200x64xf32, #tpu.memory_space<vmem>>, vector<1x16xf32>,
        %get3A_742 = vector.shape_cast %get3A_741 : vector<1x16xf32> to vector<16xf32>
        %mul3A_743 = vector.broadcast %squeeze3A_738 : f32 to vector<16xf32>
        %mul3A_744 = arith.mulf %get3A_742, %mul3A_743 : vector<16xf32>
        %add3A_745 = arith.addf %scan3A_723, %mul3A_744 : vector<16xf32>
        %get3A_746 = arith.index_cast %add3A_736 : i32 to index
        %get3A_747 = arith.constant 16 : index
        %get3A_748 = tpu.vector_load %arg11[%get3A_746, %get3A_747] {strides = array<i32>} : memref<200x64xf32, #tpu.memory_space<vmem>>, vector<1x16xf32>,
        %get3A_749 = vector.shape_cast %get3A_748 : vector<1x16xf32> to vector<16xf32>
        %mul3A_750 = vector.broadcast %squeeze3A_738 : f32 to vector<16xf32>
        %mul3A_751 = arith.mulf %get3A_749, %mul3A_750 : vector<16xf32>
        %add3A_752 = arith.addf %scan3A_724, %mul3A_751 : vector<16xf32>
        %get3A_753 = arith.index_cast %add3A_736 : i32 to index
        %get3A_754 = arith.constant 32 : index
        %get3A_755 = tpu.vector_load %arg11[%get3A_753, %get3A_754] {strides = array<i32>} : memref<200x64xf32, #tpu.memory_space<vmem>>, vector<1x16xf32>,
        %get3A_756 = vector.shape_cast %get3A_755 : vector<1x16xf32> to vector<16xf32>
        %mul3A_757 = vector.broadcast %squeeze3A_738 : f32 to vector<16xf32>
        %mul3A_758 = arith.mulf %get3A_756, %mul3A_757 : vector<16xf32>
        %add3A_759 = arith.addf %scan3A_725, %mul3A_758 : vector<16xf32>
        %get3A_760 = arith.index_cast %add3A_736 : i32 to index
        %get3A_761 = arith.constant 48 : index
        %get3A_762 = tpu.vector_load %arg11[%get3A_760, %get3A_761] {strides = array<i32>} : memref<200x64xf32, #tpu.memory_space<vmem>>, vector<1x16xf32>,
        %get3A_763 = vector.shape_cast %get3A_762 : vector<1x16xf32> to vector<16xf32>
        %mul3A_764 = vector.broadcast %squeeze3A_738 : f32 to vector<16xf32>
        %mul3A_765 = arith.mulf %get3A_763, %mul3A_764 : vector<16xf32>
        %add3A_766 = arith.addf %scan3A_726, %mul3A_765 : vector<16xf32>
        %mul3A_767 = arith.constant 16 : i32
        %mul3A_768 = arith.muli %scan3A_722, %mul3A_767 : i32
        %add3A_769 = arith.constant 1 : i32
        %add3A_770 = arith.addi %mul3A_768, %add3A_769 : i32
        %slice3A_771 = vector.extract_strided_slice %get3A_732 {offsets = [1], sizes = [1], strides = [1]} : vector<16xf32> to vector<1xf32>
        %squeeze3A_772 = vector.extract %slice3A_771[0] : f32 from vector<1xf32>
        %get3A_773 = arith.index_cast %add3A_770 : i32 to index
        %get3A_774 = arith.constant 0 : index
        %get3A_775 = tpu.vector_load %arg11[%get3A_773, %get3A_774] {strides = array<i32>} : memref<200x64xf32, #tpu.memory_space<vmem>>, vector<1x16xf32>,
        %get3A_776 = vector.shape_cast %get3A_775 : vector<1x16xf32> to vector<16xf32>
        %mul3A_777 = vector.broadcast %squeeze3A_772 : f32 to vector<16xf32>
        %mul3A_778 = arith.mulf %get3A_776, %mul3A_777 : vector<16xf32>
        %add3A_779 = arith.addf %add3A_745, %mul3A_778 : vector<16xf32>
        %get3A_780 = arith.index_cast %add3A_770 : i32 to index
        %get3A_781 = arith.constant 16 : index
        %get3A_782 = tpu.vector_load %arg11[%get3A_780, %get3A_781] {strides = array<i32>} : memref<200x64xf32, #tpu.memory_space<vmem>>, vector<1x16xf32>,
        %get3A_783 = vector.shape_cast %get3A_782 : vector<1x16xf32> to vector<16xf32>
        %mul3A_784 = vector.broadcast %squeeze3A_772 : f32 to vector<16xf32>
        %mul3A_785 = arith.mulf %get3A_783, %mul3A_784 : vector<16xf32>
        %add3A_786 = arith.addf %add3A_752, %mul3A_785 : vector<16xf32>
        %get3A_787 = arith.index_cast %add3A_770 : i32 to index
        %get3A_788 = arith.constant 32 : index
        %get3A_789 = tpu.vector_load %arg11[%get3A_787, %get3A_788] {strides = array<i32>} : memref<200x64xf32, #tpu.memory_space<vmem>>, vector<1x16xf32>,
        %get3A_790 = vector.shape_cast %get3A_789 : vector<1x16xf32> to vector<16xf32>
        %mul3A_791 = vector.broadcast %squeeze3A_772 : f32 to vector<16xf32>
        %mul3A_792 = arith.mulf %get3A_790, %mul3A_791 : vector<16xf32>
        %add3A_793 = arith.addf %add3A_759, %mul3A_792 : vector<16xf32>
        %get3A_794 = arith.index_cast %add3A_770 : i32 to index
        %get3A_795 = arith.constant 48 : index
        %get3A_796 = tpu.vector_load %arg11[%get3A_794, %get3A_795] {strides = array<i32>} : memref<200x64xf32, #tpu.memory_space<vmem>>, vector<1x16xf32>,
        %get3A_797 = vector.shape_cast %get3A_796 : vector<1x16xf32> to vector<16xf32>
        %mul3A_798 = vector.broadcast %squeeze3A_772 : f32 to vector<16xf32>
        %mul3A_799 = arith.mulf %get3A_797, %mul3A_798 : vector<16xf32>
        %add3A_800 = arith.addf %add3A_766, %mul3A_799 : vector<16xf32>
        %mul3A_801 = arith.constant 16 : i32
        %mul3A_802 = arith.muli %scan3A_722, %mul3A_801 : i32
        %add3A_803 = arith.constant 2 : i32
        %add3A_804 = arith.addi %mul3A_802, %add3A_803 : i32
        %slice3A_805 = vector.extract_strided_slice %get3A_732 {offsets = [2], sizes = [1], strides = [1]} : vector<16xf32> to vector<1xf32>
        %squeeze3A_806 = vector.extract %slice3A_805[0] : f32 from vector<1xf32>
        %get3A_807 = arith.index_cast %add3A_804 : i32 to index
        %get3A_808 = arith.constant 0 : index
        %get3A_809 = tpu.vector_load %arg11[%get3A_807, %get3A_808] {strides = array<i32>} : memref<200x64xf32, #tpu.memory_space<vmem>>, vector<1x16xf32>,
        %get3A_810 = vector.shape_cast %get3A_809 : vector<1x16xf32> to vector<16xf32>
        %mul3A_811 = vector.broadcast %squeeze3A_806 : f32 to vector<16xf32>
        %mul3A_812 = arith.mulf %get3A_810, %mul3A_811 : vector<16xf32>
        %add3A_813 = arith.addf %add3A_779, %mul3A_812 : vector<16xf32>
        %get3A_814 = arith.index_cast %add3A_804 : i32 to index
        %get3A_815 = arith.constant 16 : index
        %get3A_816 = tpu.vector_load %arg11[%get3A_814, %get3A_815] {strides = array<i32>} : memref<200x64xf32, #tpu.memory_space<vmem>>, vector<1x16xf32>,
        %get3A_817 = vector.shape_cast %get3A_816 : vector<1x16xf32> to vector<16xf32>
        %mul3A_818 = vector.broadcast %squeeze3A_806 : f32 to vector<16xf32>
        %mul3A_819 = arith.mulf %get3A_817, %mul3A_818 : vector<16xf32>
        %add3A_820 = arith.addf %add3A_786, %mul3A_819 : vector<16xf32>
        %get3A_821 = arith.index_cast %add3A_804 : i32 to index
        %get3A_822 = arith.constant 32 : index
        %get3A_823 = tpu.vector_load %arg11[%get3A_821, %get3A_822] {strides = array<i32>} : memref<200x64xf32, #tpu.memory_space<vmem>>, vector<1x16xf32>,
        %get3A_824 = vector.shape_cast %get3A_823 : vector<1x16xf32> to vector<16xf32>
        %mul3A_825 = vector.broadcast %squeeze3A_806 : f32 to vector<16xf32>
        %mul3A_826 = arith.mulf %get3A_824, %mul3A_825 : vector<16xf32>
        %add3A_827 = arith.addf %add3A_793, %mul3A_826 : vector<16xf32>
        %get3A_828 = arith.index_cast %add3A_804 : i32 to index
        %get3A_829 = arith.constant 48 : index
        %get3A_830 = tpu.vector_load %arg11[%get3A_828, %get3A_829] {strides = array<i32>} : memref<200x64xf32, #tpu.memory_space<vmem>>, vector<1x16xf32>,
        %get3A_831 = vector.shape_cast %get3A_830 : vector<1x16xf32> to vector<16xf32>
        %mul3A_832 = vector.broadcast %squeeze3A_806 : f32 to vector<16xf32>
        %mul3A_833 = arith.mulf %get3A_831, %mul3A_832 : vector<16xf32>
        %add3A_834 = arith.addf %add3A_800, %mul3A_833 : vector<16xf32>
        %mul3A_835 = arith.constant 16 : i32
        %mul3A_836 = arith.muli %scan3A_722, %mul3A_835 : i32
        %add3A_837 = arith.constant 3 : i32
        %add3A_838 = arith.addi %mul3A_836, %add3A_837 : i32
        %slice3A_839 = vector.extract_strided_slice %get3A_732 {offsets = [3], sizes = [1], strides = [1]} : vector<16xf32> to vector<1xf32>
        %squeeze3A_840 = vector.extract %slice3A_839[0] : f32 from vector<1xf32>
        %get3A_841 = arith.index_cast %add3A_838 : i32 to index
        %get3A_842 = arith.constant 0 : index
        %get3A_843 = tpu.vector_load %arg11[%get3A_841, %get3A_842] {strides = array<i32>} : memref<200x64xf32, #tpu.memory_space<vmem>>, vector<1x16xf32>,
        %get3A_844 = vector.shape_cast %get3A_843 : vector<1x16xf32> to vector<16xf32>
        %mul3A_845 = vector.broadcast %squeeze3A_840 : f32 to vector<16xf32>
        %mul3A_846 = arith.mulf %get3A_844, %mul3A_845 : vector<16xf32>
        %add3A_847 = arith.addf %add3A_813, %mul3A_846 : vector<16xf32>
        %get3A_848 = arith.index_cast %add3A_838 : i32 to index
        %get3A_849 = arith.constant 16 : index
        %get3A_850 = tpu.vector_load %arg11[%get3A_848, %get3A_849] {strides = array<i32>} : memref<200x64xf32, #tpu.memory_space<vmem>>, vector<1x16xf32>,
        %get3A_851 = vector.shape_cast %get3A_850 : vector<1x16xf32> to vector<16xf32>
        %mul3A_852 = vector.broadcast %squeeze3A_840 : f32 to vector<16xf32>
        %mul3A_853 = arith.mulf %get3A_851, %mul3A_852 : vector<16xf32>
        %add3A_854 = arith.addf %add3A_820, %mul3A_853 : vector<16xf32>
        %get3A_855 = arith.index_cast %add3A_838 : i32 to index
        %get3A_856 = arith.constant 32 : index
        %get3A_857 = tpu.vector_load %arg11[%get3A_855, %get3A_856] {strides = array<i32>} : memref<200x64xf32, #tpu.memory_space<vmem>>, vector<1x16xf32>,
        %get3A_858 = vector.shape_cast %get3A_857 : vector<1x16xf32> to vector<16xf32>
        %mul3A_859 = vector.broadcast %squeeze3A_840 : f32 to vector<16xf32>
        %mul3A_860 = arith.mulf %get3A_858, %mul3A_859 : vector<16xf32>
        %add3A_861 = arith.addf %add3A_827, %mul3A_860 : vector<16xf32>
        %get3A_862 = arith.index_cast %add3A_838 : i32 to index
        %get3A_863 = arith.constant 48 : index
        %get3A_864 = tpu.vector_load %arg11[%get3A_862, %get3A_863] {strides = array<i32>} : memref<200x64xf32, #tpu.memory_space<vmem>>, vector<1x16xf32>,
        %get3A_865 = vector.shape_cast %get3A_864 : vector<1x16xf32> to vector<16xf32>
        %mul3A_866 = vector.broadcast %squeeze3A_840 : f32 to vector<16xf32>
        %mul3A_867 = arith.mulf %get3A_865, %mul3A_866 : vector<16xf32>
        %add3A_868 = arith.addf %add3A_834, %mul3A_867 : vector<16xf32>
        %mul3A_869 = arith.constant 16 : i32
        %mul3A_870 = arith.muli %scan3A_722, %mul3A_869 : i32
        %add3A_871 = arith.constant 4 : i32
        %add3A_872 = arith.addi %mul3A_870, %add3A_871 : i32
        %slice3A_873 = vector.extract_strided_slice %get3A_732 {offsets = [4], sizes = [1], strides = [1]} : vector<16xf32> to vector<1xf32>
        %squeeze3A_874 = vector.extract %slice3A_873[0] : f32 from vector<1xf32>
        %get3A_875 = arith.index_cast %add3A_872 : i32 to index
        %get3A_876 = arith.constant 0 : index
        %get3A_877 = tpu.vector_load %arg11[%get3A_875, %get3A_876] {strides = array<i32>} : memref<200x64xf32, #tpu.memory_space<vmem>>, vector<1x16xf32>,
        %get3A_878 = vector.shape_cast %get3A_877 : vector<1x16xf32> to vector<16xf32>
        %mul3A_879 = vector.broadcast %squeeze3A_874 : f32 to vector<16xf32>
        %mul3A_880 = arith.mulf %get3A_878, %mul3A_879 : vector<16xf32>
        %add3A_881 = arith.addf %add3A_847, %mul3A_880 : vector<16xf32>
        %get3A_882 = arith.index_cast %add3A_872 : i32 to index
        %get3A_883 = arith.constant 16 : index
        %get3A_884 = tpu.vector_load %arg11[%get3A_882, %get3A_883] {strides = array<i32>} : memref<200x64xf32, #tpu.memory_space<vmem>>, vector<1x16xf32>,
        %get3A_885 = vector.shape_cast %get3A_884 : vector<1x16xf32> to vector<16xf32>
        %mul3A_886 = vector.broadcast %squeeze3A_874 : f32 to vector<16xf32>
        %mul3A_887 = arith.mulf %get3A_885, %mul3A_886 : vector<16xf32>
        %add3A_888 = arith.addf %add3A_854, %mul3A_887 : vector<16xf32>
        %get3A_889 = arith.index_cast %add3A_872 : i32 to index
        %get3A_890 = arith.constant 32 : index
        %get3A_891 = tpu.vector_load %arg11[%get3A_889, %get3A_890] {strides = array<i32>} : memref<200x64xf32, #tpu.memory_space<vmem>>, vector<1x16xf32>,
        %get3A_892 = vector.shape_cast %get3A_891 : vector<1x16xf32> to vector<16xf32>
        %mul3A_893 = vector.broadcast %squeeze3A_874 : f32 to vector<16xf32>
        %mul3A_894 = arith.mulf %get3A_892, %mul3A_893 : vector<16xf32>
        %add3A_895 = arith.addf %add3A_861, %mul3A_894 : vector<16xf32>
        %get3A_896 = arith.index_cast %add3A_872 : i32 to index
        %get3A_897 = arith.constant 48 : index
        %get3A_898 = tpu.vector_load %arg11[%get3A_896, %get3A_897] {strides = array<i32>} : memref<200x64xf32, #tpu.memory_space<vmem>>, vector<1x16xf32>,
        %get3A_899 = vector.shape_cast %get3A_898 : vector<1x16xf32> to vector<16xf32>
        %mul3A_900 = vector.broadcast %squeeze3A_874 : f32 to vector<16xf32>
        %mul3A_901 = arith.mulf %get3A_899, %mul3A_900 : vector<16xf32>
        %add3A_902 = arith.addf %add3A_868, %mul3A_901 : vector<16xf32>
        %mul3A_903 = arith.constant 16 : i32
        %mul3A_904 = arith.muli %scan3A_722, %mul3A_903 : i32
        %add3A_905 = arith.constant 5 : i32
        %add3A_906 = arith.addi %mul3A_904, %add3A_905 : i32
        %slice3A_907 = vector.extract_strided_slice %get3A_732 {offsets = [5], sizes = [1], strides = [1]} : vector<16xf32> to vector<1xf32>
        %squeeze3A_908 = vector.extract %slice3A_907[0] : f32 from vector<1xf32>
        %get3A_909 = arith.index_cast %add3A_906 : i32 to index
        %get3A_910 = arith.constant 0 : index
        %get3A_911 = tpu.vector_load %arg11[%get3A_909, %get3A_910] {strides = array<i32>} : memref<200x64xf32, #tpu.memory_space<vmem>>, vector<1x16xf32>,
        %get3A_912 = vector.shape_cast %get3A_911 : vector<1x16xf32> to vector<16xf32>
        %mul3A_913 = vector.broadcast %squeeze3A_908 : f32 to vector<16xf32>
        %mul3A_914 = arith.mulf %get3A_912, %mul3A_913 : vector<16xf32>
        %add3A_915 = arith.addf %add3A_881, %mul3A_914 : vector<16xf32>
        %get3A_916 = arith.index_cast %add3A_906 : i32 to index
        %get3A_917 = arith.constant 16 : index
        %get3A_918 = tpu.vector_load %arg11[%get3A_916, %get3A_917] {strides = array<i32>} : memref<200x64xf32, #tpu.memory_space<vmem>>, vector<1x16xf32>,
        %get3A_919 = vector.shape_cast %get3A_918 : vector<1x16xf32> to vector<16xf32>
        %mul3A_920 = vector.broadcast %squeeze3A_908 : f32 to vector<16xf32>
        %mul3A_921 = arith.mulf %get3A_919, %mul3A_920 : vector<16xf32>
        %add3A_922 = arith.addf %add3A_888, %mul3A_921 : vector<16xf32>
        %get3A_923 = arith.index_cast %add3A_906 : i32 to index
        %get3A_924 = arith.constant 32 : index
        %get3A_925 = tpu.vector_load %arg11[%get3A_923, %get3A_924] {strides = array<i32>} : memref<200x64xf32, #tpu.memory_space<vmem>>, vector<1x16xf32>,
        %get3A_926 = vector.shape_cast %get3A_925 : vector<1x16xf32> to vector<16xf32>
        %mul3A_927 = vector.broadcast %squeeze3A_908 : f32 to vector<16xf32>
        %mul3A_928 = arith.mulf %get3A_926, %mul3A_927 : vector<16xf32>
        %add3A_929 = arith.addf %add3A_895, %mul3A_928 : vector<16xf32>
        %get3A_930 = arith.index_cast %add3A_906 : i32 to index
        %get3A_931 = arith.constant 48 : index
        %get3A_932 = tpu.vector_load %arg11[%get3A_930, %get3A_931] {strides = array<i32>} : memref<200x64xf32, #tpu.memory_space<vmem>>, vector<1x16xf32>,
        %get3A_933 = vector.shape_cast %get3A_932 : vector<1x16xf32> to vector<16xf32>
        %mul3A_934 = vector.broadcast %squeeze3A_908 : f32 to vector<16xf32>
        %mul3A_935 = arith.mulf %get3A_933, %mul3A_934 : vector<16xf32>
        %add3A_936 = arith.addf %add3A_902, %mul3A_935 : vector<16xf32>
        %mul3A_937 = arith.constant 16 : i32
        %mul3A_938 = arith.muli %scan3A_722, %mul3A_937 : i32
        %add3A_939 = arith.constant 6 : i32
        %add3A_940 = arith.addi %mul3A_938, %add3A_939 : i32
        %slice3A_941 = vector.extract_strided_slice %get3A_732 {offsets = [6], sizes = [1], strides = [1]} : vector<16xf32> to vector<1xf32>
        %squeeze3A_942 = vector.extract %slice3A_941[0] : f32 from vector<1xf32>
        %get3A_943 = arith.index_cast %add3A_940 : i32 to index
        %get3A_944 = arith.constant 0 : index
        %get3A_945 = tpu.vector_load %arg11[%get3A_943, %get3A_944] {strides = array<i32>} : memref<200x64xf32, #tpu.memory_space<vmem>>, vector<1x16xf32>,
        %get3A_946 = vector.shape_cast %get3A_945 : vector<1x16xf32> to vector<16xf32>
        %mul3A_947 = vector.broadcast %squeeze3A_942 : f32 to vector<16xf32>
        %mul3A_948 = arith.mulf %get3A_946, %mul3A_947 : vector<16xf32>
        %add3A_949 = arith.addf %add3A_915, %mul3A_948 : vector<16xf32>
        %get3A_950 = arith.index_cast %add3A_940 : i32 to index
        %get3A_951 = arith.constant 16 : index
        %get3A_952 = tpu.vector_load %arg11[%get3A_950, %get3A_951] {strides = array<i32>} : memref<200x64xf32, #tpu.memory_space<vmem>>, vector<1x16xf32>,
        %get3A_953 = vector.shape_cast %get3A_952 : vector<1x16xf32> to vector<16xf32>
        %mul3A_954 = vector.broadcast %squeeze3A_942 : f32 to vector<16xf32>
        %mul3A_955 = arith.mulf %get3A_953, %mul3A_954 : vector<16xf32>
        %add3A_956 = arith.addf %add3A_922, %mul3A_955 : vector<16xf32>
        %get3A_957 = arith.index_cast %add3A_940 : i32 to index
        %get3A_958 = arith.constant 32 : index
        %get3A_959 = tpu.vector_load %arg11[%get3A_957, %get3A_958] {strides = array<i32>} : memref<200x64xf32, #tpu.memory_space<vmem>>, vector<1x16xf32>,
        %get3A_960 = vector.shape_cast %get3A_959 : vector<1x16xf32> to vector<16xf32>
        %mul3A_961 = vector.broadcast %squeeze3A_942 : f32 to vector<16xf32>
        %mul3A_962 = arith.mulf %get3A_960, %mul3A_961 : vector<16xf32>
        %add3A_963 = arith.addf %add3A_929, %mul3A_962 : vector<16xf32>
        %get3A_964 = arith.index_cast %add3A_940 : i32 to index
        %get3A_965 = arith.constant 48 : index
        %get3A_966 = tpu.vector_load %arg11[%get3A_964, %get3A_965] {strides = array<i32>} : memref<200x64xf32, #tpu.memory_space<vmem>>, vector<1x16xf32>,
        %get3A_967 = vector.shape_cast %get3A_966 : vector<1x16xf32> to vector<16xf32>
        %mul3A_968 = vector.broadcast %squeeze3A_942 : f32 to vector<16xf32>
        %mul3A_969 = arith.mulf %get3A_967, %mul3A_968 : vector<16xf32>
        %add3A_970 = arith.addf %add3A_936, %mul3A_969 : vector<16xf32>
        %mul3A_971 = arith.constant 16 : i32
        %mul3A_972 = arith.muli %scan3A_722, %mul3A_971 : i32
        %add3A_973 = arith.constant 7 : i32
        %add3A_974 = arith.addi %mul3A_972, %add3A_973 : i32
        %slice3A_975 = vector.extract_strided_slice %get3A_732 {offsets = [7], sizes = [1], strides = [1]} : vector<16xf32> to vector<1xf32>
        %squeeze3A_976 = vector.extract %slice3A_975[0] : f32 from vector<1xf32>
        %get3A_977 = arith.index_cast %add3A_974 : i32 to index
        %get3A_978 = arith.constant 0 : index
        %get3A_979 = tpu.vector_load %arg11[%get3A_977, %get3A_978] {strides = array<i32>} : memref<200x64xf32, #tpu.memory_space<vmem>>, vector<1x16xf32>,
        %get3A_980 = vector.shape_cast %get3A_979 : vector<1x16xf32> to vector<16xf32>
        %mul3A_981 = vector.broadcast %squeeze3A_976 : f32 to vector<16xf32>
        %mul3A_982 = arith.mulf %get3A_980, %mul3A_981 : vector<16xf32>
        %add3A_983 = arith.addf %add3A_949, %mul3A_982 : vector<16xf32>
        %get3A_984 = arith.index_cast %add3A_974 : i32 to index
        %get3A_985 = arith.constant 16 : index
        %get3A_986 = tpu.vector_load %arg11[%get3A_984, %get3A_985] {strides = array<i32>} : memref<200x64xf32, #tpu.memory_space<vmem>>, vector<1x16xf32>,
        %get3A_987 = vector.shape_cast %get3A_986 : vector<1x16xf32> to vector<16xf32>
        %mul3A_988 = vector.broadcast %squeeze3A_976 : f32 to vector<16xf32>
        %mul3A_989 = arith.mulf %get3A_987, %mul3A_988 : vector<16xf32>
        %add3A_990 = arith.addf %add3A_956, %mul3A_989 : vector<16xf32>
        %get3A_991 = arith.index_cast %add3A_974 : i32 to index
        %get3A_992 = arith.constant 32 : index
        %get3A_993 = tpu.vector_load %arg11[%get3A_991, %get3A_992] {strides = array<i32>} : memref<200x64xf32, #tpu.memory_space<vmem>>, vector<1x16xf32>,
        %get3A_994 = vector.shape_cast %get3A_993 : vector<1x16xf32> to vector<16xf32>
        %mul3A_995 = vector.broadcast %squeeze3A_976 : f32 to vector<16xf32>
        %mul3A_996 = arith.mulf %get3A_994, %mul3A_995 : vector<16xf32>
        %add3A_997 = arith.addf %add3A_963, %mul3A_996 : vector<16xf32>
        %get3A_998 = arith.index_cast %add3A_974 : i32 to index
        %get3A_999 = arith.constant 48 : index
        %get3A_1000 = tpu.vector_load %arg11[%get3A_998, %get3A_999] {strides = array<i32>} : memref<200x64xf32, #tpu.memory_space<vmem>>, vector<1x16xf32>,
        %get3A_1001 = vector.shape_cast %get3A_1000 : vector<1x16xf32> to vector<16xf32>
        %mul3A_1002 = vector.broadcast %squeeze3A_976 : f32 to vector<16xf32>
        %mul3A_1003 = arith.mulf %get3A_1001, %mul3A_1002 : vector<16xf32>
        %add3A_1004 = arith.addf %add3A_970, %mul3A_1003 : vector<16xf32>
        %mul3A_1005 = arith.constant 16 : i32
        %mul3A_1006 = arith.muli %scan3A_722, %mul3A_1005 : i32
        %add3A_1007 = arith.constant 8 : i32
        %add3A_1008 = arith.addi %mul3A_1006, %add3A_1007 : i32
        %slice3A_1009 = vector.extract_strided_slice %get3A_732 {offsets = [8], sizes = [1], strides = [1]} : vector<16xf32> to vector<1xf32>
        %squeeze3A_1010 = vector.extract %slice3A_1009[0] : f32 from vector<1xf32>
        %get3A_1011 = arith.index_cast %add3A_1008 : i32 to index
        %get3A_1012 = arith.constant 0 : index
        %get3A_1013 = tpu.vector_load %arg11[%get3A_1011, %get3A_1012] {strides = array<i32>} : memref<200x64xf32, #tpu.memory_space<vmem>>, vector<1x16xf32>,
        %get3A_1014 = vector.shape_cast %get3A_1013 : vector<1x16xf32> to vector<16xf32>
        %mul3A_1015 = vector.broadcast %squeeze3A_1010 : f32 to vector<16xf32>
        %mul3A_1016 = arith.mulf %get3A_1014, %mul3A_1015 : vector<16xf32>
        %add3A_1017 = arith.addf %add3A_983, %mul3A_1016 : vector<16xf32>
        %get3A_1018 = arith.index_cast %add3A_1008 : i32 to index
        %get3A_1019 = arith.constant 16 : index
        %get3A_1020 = tpu.vector_load %arg11[%get3A_1018, %get3A_1019] {strides = array<i32>} : memref<200x64xf32, #tpu.memory_space<vmem>>, vector<1x16xf32>,
        %get3A_1021 = vector.shape_cast %get3A_1020 : vector<1x16xf32> to vector<16xf32>
        %mul3A_1022 = vector.broadcast %squeeze3A_1010 : f32 to vector<16xf32>
        %mul3A_1023 = arith.mulf %get3A_1021, %mul3A_1022 : vector<16xf32>
        %add3A_1024 = arith.addf %add3A_990, %mul3A_1023 : vector<16xf32>
        %get3A_1025 = arith.index_cast %add3A_1008 : i32 to index
        %get3A_1026 = arith.constant 32 : index
        %get3A_1027 = tpu.vector_load %arg11[%get3A_1025, %get3A_1026] {strides = array<i32>} : memref<200x64xf32, #tpu.memory_space<vmem>>, vector<1x16xf32>,
        %get3A_1028 = vector.shape_cast %get3A_1027 : vector<1x16xf32> to vector<16xf32>
        %mul3A_1029 = vector.broadcast %squeeze3A_1010 : f32 to vector<16xf32>
        %mul3A_1030 = arith.mulf %get3A_1028, %mul3A_1029 : vector<16xf32>
        %add3A_1031 = arith.addf %add3A_997, %mul3A_1030 : vector<16xf32>
        %get3A_1032 = arith.index_cast %add3A_1008 : i32 to index
        %get3A_1033 = arith.constant 48 : index
        %get3A_1034 = tpu.vector_load %arg11[%get3A_1032, %get3A_1033] {strides = array<i32>} : memref<200x64xf32, #tpu.memory_space<vmem>>, vector<1x16xf32>,
        %get3A_1035 = vector.shape_cast %get3A_1034 : vector<1x16xf32> to vector<16xf32>
        %mul3A_1036 = vector.broadcast %squeeze3A_1010 : f32 to vector<16xf32>
        %mul3A_1037 = arith.mulf %get3A_1035, %mul3A_1036 : vector<16xf32>
        %add3A_1038 = arith.addf %add3A_1004, %mul3A_1037 : vector<16xf32>
        %mul3A_1039 = arith.constant 16 : i32
        %mul3A_1040 = arith.muli %scan3A_722, %mul3A_1039 : i32
        %add3A_1041 = arith.constant 9 : i32
        %add3A_1042 = arith.addi %mul3A_1040, %add3A_1041 : i32
        %slice3A_1043 = vector.extract_strided_slice %get3A_732 {offsets = [9], sizes = [1], strides = [1]} : vector<16xf32> to vector<1xf32>
        %squeeze3A_1044 = vector.extract %slice3A_1043[0] : f32 from vector<1xf32>
        %get3A_1045 = arith.index_cast %add3A_1042 : i32 to index
        %get3A_1046 = arith.constant 0 : index
        %get3A_1047 = tpu.vector_load %arg11[%get3A_1045, %get3A_1046] {strides = array<i32>} : memref<200x64xf32, #tpu.memory_space<vmem>>, vector<1x16xf32>,
        %get3A_1048 = vector.shape_cast %get3A_1047 : vector<1x16xf32> to vector<16xf32>
        %mul3A_1049 = vector.broadcast %squeeze3A_1044 : f32 to vector<16xf32>
        %mul3A_1050 = arith.mulf %get3A_1048, %mul3A_1049 : vector<16xf32>
        %add3A_1051 = arith.addf %add3A_1017, %mul3A_1050 : vector<16xf32>
        %get3A_1052 = arith.index_cast %add3A_1042 : i32 to index
        %get3A_1053 = arith.constant 16 : index
        %get3A_1054 = tpu.vector_load %arg11[%get3A_1052, %get3A_1053] {strides = array<i32>} : memref<200x64xf32, #tpu.memory_space<vmem>>, vector<1x16xf32>,
        %get3A_1055 = vector.shape_cast %get3A_1054 : vector<1x16xf32> to vector<16xf32>
        %mul3A_1056 = vector.broadcast %squeeze3A_1044 : f32 to vector<16xf32>
        %mul3A_1057 = arith.mulf %get3A_1055, %mul3A_1056 : vector<16xf32>
        %add3A_1058 = arith.addf %add3A_1024, %mul3A_1057 : vector<16xf32>
        %get3A_1059 = arith.index_cast %add3A_1042 : i32 to index
        %get3A_1060 = arith.constant 32 : index
        %get3A_1061 = tpu.vector_load %arg11[%get3A_1059, %get3A_1060] {strides = array<i32>} : memref<200x64xf32, #tpu.memory_space<vmem>>, vector<1x16xf32>,
        %get3A_1062 = vector.shape_cast %get3A_1061 : vector<1x16xf32> to vector<16xf32>
        %mul3A_1063 = vector.broadcast %squeeze3A_1044 : f32 to vector<16xf32>
        %mul3A_1064 = arith.mulf %get3A_1062, %mul3A_1063 : vector<16xf32>
        %add3A_1065 = arith.addf %add3A_1031, %mul3A_1064 : vector<16xf32>
        %get3A_1066 = arith.index_cast %add3A_1042 : i32 to index
        %get3A_1067 = arith.constant 48 : index
        %get3A_1068 = tpu.vector_load %arg11[%get3A_1066, %get3A_1067] {strides = array<i32>} : memref<200x64xf32, #tpu.memory_space<vmem>>, vector<1x16xf32>,
        %get3A_1069 = vector.shape_cast %get3A_1068 : vector<1x16xf32> to vector<16xf32>
        %mul3A_1070 = vector.broadcast %squeeze3A_1044 : f32 to vector<16xf32>
        %mul3A_1071 = arith.mulf %get3A_1069, %mul3A_1070 : vector<16xf32>
        %add3A_1072 = arith.addf %add3A_1038, %mul3A_1071 : vector<16xf32>
        %mul3A_1073 = arith.constant 16 : i32
        %mul3A_1074 = arith.muli %scan3A_722, %mul3A_1073 : i32
        %add3A_1075 = arith.constant 10 : i32
        %add3A_1076 = arith.addi %mul3A_1074, %add3A_1075 : i32
        %slice3A_1077 = vector.extract_strided_slice %get3A_732 {offsets = [10], sizes = [1], strides = [1]} : vector<16xf32> to vector<1xf32>
        %squeeze3A_1078 = vector.extract %slice3A_1077[0] : f32 from vector<1xf32>
        %get3A_1079 = arith.index_cast %add3A_1076 : i32 to index
        %get3A_1080 = arith.constant 0 : index
        %get3A_1081 = tpu.vector_load %arg11[%get3A_1079, %get3A_1080] {strides = array<i32>} : memref<200x64xf32, #tpu.memory_space<vmem>>, vector<1x16xf32>,
        %get3A_1082 = vector.shape_cast %get3A_1081 : vector<1x16xf32> to vector<16xf32>
        %mul3A_1083 = vector.broadcast %squeeze3A_1078 : f32 to vector<16xf32>
        %mul3A_1084 = arith.mulf %get3A_1082, %mul3A_1083 : vector<16xf32>
        %add3A_1085 = arith.addf %add3A_1051, %mul3A_1084 : vector<16xf32>
        %get3A_1086 = arith.index_cast %add3A_1076 : i32 to index
        %get3A_1087 = arith.constant 16 : index
        %get3A_1088 = tpu.vector_load %arg11[%get3A_1086, %get3A_1087] {strides = array<i32>} : memref<200x64xf32, #tpu.memory_space<vmem>>, vector<1x16xf32>,
        %get3A_1089 = vector.shape_cast %get3A_1088 : vector<1x16xf32> to vector<16xf32>
        %mul3A_1090 = vector.broadcast %squeeze3A_1078 : f32 to vector<16xf32>
        %mul3A_1091 = arith.mulf %get3A_1089, %mul3A_1090 : vector<16xf32>
        %add3A_1092 = arith.addf %add3A_1058, %mul3A_1091 : vector<16xf32>
        %get3A_1093 = arith.index_cast %add3A_1076 : i32 to index
        %get3A_1094 = arith.constant 32 : index
        %get3A_1095 = tpu.vector_load %arg11[%get3A_1093, %get3A_1094] {strides = array<i32>} : memref<200x64xf32, #tpu.memory_space<vmem>>, vector<1x16xf32>,
        %get3A_1096 = vector.shape_cast %get3A_1095 : vector<1x16xf32> to vector<16xf32>
        %mul3A_1097 = vector.broadcast %squeeze3A_1078 : f32 to vector<16xf32>
        %mul3A_1098 = arith.mulf %get3A_1096, %mul3A_1097 : vector<16xf32>
        %add3A_1099 = arith.addf %add3A_1065, %mul3A_1098 : vector<16xf32>
        %get3A_1100 = arith.index_cast %add3A_1076 : i32 to index
        %get3A_1101 = arith.constant 48 : index
        %get3A_1102 = tpu.vector_load %arg11[%get3A_1100, %get3A_1101] {strides = array<i32>} : memref<200x64xf32, #tpu.memory_space<vmem>>, vector<1x16xf32>,
        %get3A_1103 = vector.shape_cast %get3A_1102 : vector<1x16xf32> to vector<16xf32>
        %mul3A_1104 = vector.broadcast %squeeze3A_1078 : f32 to vector<16xf32>
        %mul3A_1105 = arith.mulf %get3A_1103, %mul3A_1104 : vector<16xf32>
        %add3A_1106 = arith.addf %add3A_1072, %mul3A_1105 : vector<16xf32>
        %mul3A_1107 = arith.constant 16 : i32
        %mul3A_1108 = arith.muli %scan3A_722, %mul3A_1107 : i32
        %add3A_1109 = arith.constant 11 : i32
        %add3A_1110 = arith.addi %mul3A_1108, %add3A_1109 : i32
        %slice3A_1111 = vector.extract_strided_slice %get3A_732 {offsets = [11], sizes = [1], strides = [1]} : vector<16xf32> to vector<1xf32>
        %squeeze3A_1112 = vector.extract %slice3A_1111[0] : f32 from vector<1xf32>
        %get3A_1113 = arith.index_cast %add3A_1110 : i32 to index
        %get3A_1114 = arith.constant 0 : index
        %get3A_1115 = tpu.vector_load %arg11[%get3A_1113, %get3A_1114] {strides = array<i32>} : memref<200x64xf32, #tpu.memory_space<vmem>>, vector<1x16xf32>,
        %get3A_1116 = vector.shape_cast %get3A_1115 : vector<1x16xf32> to vector<16xf32>
        %mul3A_1117 = vector.broadcast %squeeze3A_1112 : f32 to vector<16xf32>
        %mul3A_1118 = arith.mulf %get3A_1116, %mul3A_1117 : vector<16xf32>
        %add3A_1119 = arith.addf %add3A_1085, %mul3A_1118 : vector<16xf32>
        %get3A_1120 = arith.index_cast %add3A_1110 : i32 to index
        %get3A_1121 = arith.constant 16 : index
        %get3A_1122 = tpu.vector_load %arg11[%get3A_1120, %get3A_1121] {strides = array<i32>} : memref<200x64xf32, #tpu.memory_space<vmem>>, vector<1x16xf32>,
        %get3A_1123 = vector.shape_cast %get3A_1122 : vector<1x16xf32> to vector<16xf32>
        %mul3A_1124 = vector.broadcast %squeeze3A_1112 : f32 to vector<16xf32>
        %mul3A_1125 = arith.mulf %get3A_1123, %mul3A_1124 : vector<16xf32>
        %add3A_1126 = arith.addf %add3A_1092, %mul3A_1125 : vector<16xf32>
        %get3A_1127 = arith.index_cast %add3A_1110 : i32 to index
        %get3A_1128 = arith.constant 32 : index
        %get3A_1129 = tpu.vector_load %arg11[%get3A_1127, %get3A_1128] {strides = array<i32>} : memref<200x64xf32, #tpu.memory_space<vmem>>, vector<1x16xf32>,
        %get3A_1130 = vector.shape_cast %get3A_1129 : vector<1x16xf32> to vector<16xf32>
        %mul3A_1131 = vector.broadcast %squeeze3A_1112 : f32 to vector<16xf32>
        %mul3A_1132 = arith.mulf %get3A_1130, %mul3A_1131 : vector<16xf32>
        %add3A_1133 = arith.addf %add3A_1099, %mul3A_1132 : vector<16xf32>
        %get3A_1134 = arith.index_cast %add3A_1110 : i32 to index
        %get3A_1135 = arith.constant 48 : index
        %get3A_1136 = tpu.vector_load %arg11[%get3A_1134, %get3A_1135] {strides = array<i32>} : memref<200x64xf32, #tpu.memory_space<vmem>>, vector<1x16xf32>,
        %get3A_1137 = vector.shape_cast %get3A_1136 : vector<1x16xf32> to vector<16xf32>
        %mul3A_1138 = vector.broadcast %squeeze3A_1112 : f32 to vector<16xf32>
        %mul3A_1139 = arith.mulf %get3A_1137, %mul3A_1138 : vector<16xf32>
        %add3A_1140 = arith.addf %add3A_1106, %mul3A_1139 : vector<16xf32>
        %mul3A_1141 = arith.constant 16 : i32
        %mul3A_1142 = arith.muli %scan3A_722, %mul3A_1141 : i32
        %add3A_1143 = arith.constant 12 : i32
        %add3A_1144 = arith.addi %mul3A_1142, %add3A_1143 : i32
        %slice3A_1145 = vector.extract_strided_slice %get3A_732 {offsets = [12], sizes = [1], strides = [1]} : vector<16xf32> to vector<1xf32>
        %squeeze3A_1146 = vector.extract %slice3A_1145[0] : f32 from vector<1xf32>
        %get3A_1147 = arith.index_cast %add3A_1144 : i32 to index
        %get3A_1148 = arith.constant 0 : index
        %get3A_1149 = tpu.vector_load %arg11[%get3A_1147, %get3A_1148] {strides = array<i32>} : memref<200x64xf32, #tpu.memory_space<vmem>>, vector<1x16xf32>,
        %get3A_1150 = vector.shape_cast %get3A_1149 : vector<1x16xf32> to vector<16xf32>
        %mul3A_1151 = vector.broadcast %squeeze3A_1146 : f32 to vector<16xf32>
        %mul3A_1152 = arith.mulf %get3A_1150, %mul3A_1151 : vector<16xf32>
        %add3A_1153 = arith.addf %add3A_1119, %mul3A_1152 : vector<16xf32>
        %get3A_1154 = arith.index_cast %add3A_1144 : i32 to index
        %get3A_1155 = arith.constant 16 : index
        %get3A_1156 = tpu.vector_load %arg11[%get3A_1154, %get3A_1155] {strides = array<i32>} : memref<200x64xf32, #tpu.memory_space<vmem>>, vector<1x16xf32>,
        %get3A_1157 = vector.shape_cast %get3A_1156 : vector<1x16xf32> to vector<16xf32>
        %mul3A_1158 = vector.broadcast %squeeze3A_1146 : f32 to vector<16xf32>
        %mul3A_1159 = arith.mulf %get3A_1157, %mul3A_1158 : vector<16xf32>
        %add3A_1160 = arith.addf %add3A_1126, %mul3A_1159 : vector<16xf32>
        %get3A_1161 = arith.index_cast %add3A_1144 : i32 to index
        %get3A_1162 = arith.constant 32 : index
        %get3A_1163 = tpu.vector_load %arg11[%get3A_1161, %get3A_1162] {strides = array<i32>} : memref<200x64xf32, #tpu.memory_space<vmem>>, vector<1x16xf32>,
        %get3A_1164 = vector.shape_cast %get3A_1163 : vector<1x16xf32> to vector<16xf32>
        %mul3A_1165 = vector.broadcast %squeeze3A_1146 : f32 to vector<16xf32>
        %mul3A_1166 = arith.mulf %get3A_1164, %mul3A_1165 : vector<16xf32>
        %add3A_1167 = arith.addf %add3A_1133, %mul3A_1166 : vector<16xf32>
        %get3A_1168 = arith.index_cast %add3A_1144 : i32 to index
        %get3A_1169 = arith.constant 48 : index
        %get3A_1170 = tpu.vector_load %arg11[%get3A_1168, %get3A_1169] {strides = array<i32>} : memref<200x64xf32, #tpu.memory_space<vmem>>, vector<1x16xf32>,
        %get3A_1171 = vector.shape_cast %get3A_1170 : vector<1x16xf32> to vector<16xf32>
        %mul3A_1172 = vector.broadcast %squeeze3A_1146 : f32 to vector<16xf32>
        %mul3A_1173 = arith.mulf %get3A_1171, %mul3A_1172 : vector<16xf32>
        %add3A_1174 = arith.addf %add3A_1140, %mul3A_1173 : vector<16xf32>
        %mul3A_1175 = arith.constant 16 : i32
        %mul3A_1176 = arith.muli %scan3A_722, %mul3A_1175 : i32
        %add3A_1177 = arith.constant 13 : i32
        %add3A_1178 = arith.addi %mul3A_1176, %add3A_1177 : i32
        %slice3A_1179 = vector.extract_strided_slice %get3A_732 {offsets = [13], sizes = [1], strides = [1]} : vector<16xf32> to vector<1xf32>
        %squeeze3A_1180 = vector.extract %slice3A_1179[0] : f32 from vector<1xf32>
        %get3A_1181 = arith.index_cast %add3A_1178 : i32 to index
        %get3A_1182 = arith.constant 0 : index
        %get3A_1183 = tpu.vector_load %arg11[%get3A_1181, %get3A_1182] {strides = array<i32>} : memref<200x64xf32, #tpu.memory_space<vmem>>, vector<1x16xf32>,
        %get3A_1184 = vector.shape_cast %get3A_1183 : vector<1x16xf32> to vector<16xf32>
        %mul3A_1185 = vector.broadcast %squeeze3A_1180 : f32 to vector<16xf32>
        %mul3A_1186 = arith.mulf %get3A_1184, %mul3A_1185 : vector<16xf32>
        %add3A_1187 = arith.addf %add3A_1153, %mul3A_1186 : vector<16xf32>
        %get3A_1188 = arith.index_cast %add3A_1178 : i32 to index
        %get3A_1189 = arith.constant 16 : index
        %get3A_1190 = tpu.vector_load %arg11[%get3A_1188, %get3A_1189] {strides = array<i32>} : memref<200x64xf32, #tpu.memory_space<vmem>>, vector<1x16xf32>,
        %get3A_1191 = vector.shape_cast %get3A_1190 : vector<1x16xf32> to vector<16xf32>
        %mul3A_1192 = vector.broadcast %squeeze3A_1180 : f32 to vector<16xf32>
        %mul3A_1193 = arith.mulf %get3A_1191, %mul3A_1192 : vector<16xf32>
        %add3A_1194 = arith.addf %add3A_1160, %mul3A_1193 : vector<16xf32>
        %get3A_1195 = arith.index_cast %add3A_1178 : i32 to index
        %get3A_1196 = arith.constant 32 : index
        %get3A_1197 = tpu.vector_load %arg11[%get3A_1195, %get3A_1196] {strides = array<i32>} : memref<200x64xf32, #tpu.memory_space<vmem>>, vector<1x16xf32>,
        %get3A_1198 = vector.shape_cast %get3A_1197 : vector<1x16xf32> to vector<16xf32>
        %mul3A_1199 = vector.broadcast %squeeze3A_1180 : f32 to vector<16xf32>
        %mul3A_1200 = arith.mulf %get3A_1198, %mul3A_1199 : vector<16xf32>
        %add3A_1201 = arith.addf %add3A_1167, %mul3A_1200 : vector<16xf32>
        %get3A_1202 = arith.index_cast %add3A_1178 : i32 to index
        %get3A_1203 = arith.constant 48 : index
        %get3A_1204 = tpu.vector_load %arg11[%get3A_1202, %get3A_1203] {strides = array<i32>} : memref<200x64xf32, #tpu.memory_space<vmem>>, vector<1x16xf32>,
        %get3A_1205 = vector.shape_cast %get3A_1204 : vector<1x16xf32> to vector<16xf32>
        %mul3A_1206 = vector.broadcast %squeeze3A_1180 : f32 to vector<16xf32>
        %mul3A_1207 = arith.mulf %get3A_1205, %mul3A_1206 : vector<16xf32>
        %add3A_1208 = arith.addf %add3A_1174, %mul3A_1207 : vector<16xf32>
        %mul3A_1209 = arith.constant 16 : i32
        %mul3A_1210 = arith.muli %scan3A_722, %mul3A_1209 : i32
        %add3A_1211 = arith.constant 14 : i32
        %add3A_1212 = arith.addi %mul3A_1210, %add3A_1211 : i32
        %slice3A_1213 = vector.extract_strided_slice %get3A_732 {offsets = [14], sizes = [1], strides = [1]} : vector<16xf32> to vector<1xf32>
        %squeeze3A_1214 = vector.extract %slice3A_1213[0] : f32 from vector<1xf32>
        %get3A_1215 = arith.index_cast %add3A_1212 : i32 to index
        %get3A_1216 = arith.constant 0 : index
        %get3A_1217 = tpu.vector_load %arg11[%get3A_1215, %get3A_1216] {strides = array<i32>} : memref<200x64xf32, #tpu.memory_space<vmem>>, vector<1x16xf32>,
        %get3A_1218 = vector.shape_cast %get3A_1217 : vector<1x16xf32> to vector<16xf32>
        %mul3A_1219 = vector.broadcast %squeeze3A_1214 : f32 to vector<16xf32>
        %mul3A_1220 = arith.mulf %get3A_1218, %mul3A_1219 : vector<16xf32>
        %add3A_1221 = arith.addf %add3A_1187, %mul3A_1220 : vector<16xf32>
        %get3A_1222 = arith.index_cast %add3A_1212 : i32 to index
        %get3A_1223 = arith.constant 16 : index
        %get3A_1224 = tpu.vector_load %arg11[%get3A_1222, %get3A_1223] {strides = array<i32>} : memref<200x64xf32, #tpu.memory_space<vmem>>, vector<1x16xf32>,
        %get3A_1225 = vector.shape_cast %get3A_1224 : vector<1x16xf32> to vector<16xf32>
        %mul3A_1226 = vector.broadcast %squeeze3A_1214 : f32 to vector<16xf32>
        %mul3A_1227 = arith.mulf %get3A_1225, %mul3A_1226 : vector<16xf32>
        %add3A_1228 = arith.addf %add3A_1194, %mul3A_1227 : vector<16xf32>
        %get3A_1229 = arith.index_cast %add3A_1212 : i32 to index
        %get3A_1230 = arith.constant 32 : index
        %get3A_1231 = tpu.vector_load %arg11[%get3A_1229, %get3A_1230] {strides = array<i32>} : memref<200x64xf32, #tpu.memory_space<vmem>>, vector<1x16xf32>,
        %get3A_1232 = vector.shape_cast %get3A_1231 : vector<1x16xf32> to vector<16xf32>
        %mul3A_1233 = vector.broadcast %squeeze3A_1214 : f32 to vector<16xf32>
        %mul3A_1234 = arith.mulf %get3A_1232, %mul3A_1233 : vector<16xf32>
        %add3A_1235 = arith.addf %add3A_1201, %mul3A_1234 : vector<16xf32>
        %get3A_1236 = arith.index_cast %add3A_1212 : i32 to index
        %get3A_1237 = arith.constant 48 : index
        %get3A_1238 = tpu.vector_load %arg11[%get3A_1236, %get3A_1237] {strides = array<i32>} : memref<200x64xf32, #tpu.memory_space<vmem>>, vector<1x16xf32>,
        %get3A_1239 = vector.shape_cast %get3A_1238 : vector<1x16xf32> to vector<16xf32>
        %mul3A_1240 = vector.broadcast %squeeze3A_1214 : f32 to vector<16xf32>
        %mul3A_1241 = arith.mulf %get3A_1239, %mul3A_1240 : vector<16xf32>
        %add3A_1242 = arith.addf %add3A_1208, %mul3A_1241 : vector<16xf32>
        %mul3A_1243 = arith.constant 16 : i32
        %mul3A_1244 = arith.muli %scan3A_722, %mul3A_1243 : i32
        %add3A_1245 = arith.constant 15 : i32
        %add3A_1246 = arith.addi %mul3A_1244, %add3A_1245 : i32
        %slice3A_1247 = vector.extract_strided_slice %get3A_732 {offsets = [15], sizes = [1], strides = [1]} : vector<16xf32> to vector<1xf32>
        %squeeze3A_1248 = vector.extract %slice3A_1247[0] : f32 from vector<1xf32>
        %get3A_1249 = arith.index_cast %add3A_1246 : i32 to index
        %get3A_1250 = arith.constant 0 : index
        %get3A_1251 = tpu.vector_load %arg11[%get3A_1249, %get3A_1250] {strides = array<i32>} : memref<200x64xf32, #tpu.memory_space<vmem>>, vector<1x16xf32>,
        %get3A_1252 = vector.shape_cast %get3A_1251 : vector<1x16xf32> to vector<16xf32>
        %mul3A_1253 = vector.broadcast %squeeze3A_1248 : f32 to vector<16xf32>
        %mul3A_1254 = arith.mulf %get3A_1252, %mul3A_1253 : vector<16xf32>
        %add3A_1255 = arith.addf %add3A_1221, %mul3A_1254 : vector<16xf32>
        %get3A_1256 = arith.index_cast %add3A_1246 : i32 to index
        %get3A_1257 = arith.constant 16 : index
        %get3A_1258 = tpu.vector_load %arg11[%get3A_1256, %get3A_1257] {strides = array<i32>} : memref<200x64xf32, #tpu.memory_space<vmem>>, vector<1x16xf32>,
        %get3A_1259 = vector.shape_cast %get3A_1258 : vector<1x16xf32> to vector<16xf32>
        %mul3A_1260 = vector.broadcast %squeeze3A_1248 : f32 to vector<16xf32>
        %mul3A_1261 = arith.mulf %get3A_1259, %mul3A_1260 : vector<16xf32>
        %add3A_1262 = arith.addf %add3A_1228, %mul3A_1261 : vector<16xf32>
        %get3A_1263 = arith.index_cast %add3A_1246 : i32 to index
        %get3A_1264 = arith.constant 32 : index
        %get3A_1265 = tpu.vector_load %arg11[%get3A_1263, %get3A_1264] {strides = array<i32>} : memref<200x64xf32, #tpu.memory_space<vmem>>, vector<1x16xf32>,
        %get3A_1266 = vector.shape_cast %get3A_1265 : vector<1x16xf32> to vector<16xf32>
        %mul3A_1267 = vector.broadcast %squeeze3A_1248 : f32 to vector<16xf32>
        %mul3A_1268 = arith.mulf %get3A_1266, %mul3A_1267 : vector<16xf32>
        %add3A_1269 = arith.addf %add3A_1235, %mul3A_1268 : vector<16xf32>
        %get3A_1270 = arith.index_cast %add3A_1246 : i32 to index
        %get3A_1271 = arith.constant 48 : index
        %get3A_1272 = tpu.vector_load %arg11[%get3A_1270, %get3A_1271] {strides = array<i32>} : memref<200x64xf32, #tpu.memory_space<vmem>>, vector<1x16xf32>,
        %get3A_1273 = vector.shape_cast %get3A_1272 : vector<1x16xf32> to vector<16xf32>
        %mul3A_1274 = vector.broadcast %squeeze3A_1248 : f32 to vector<16xf32>
        %mul3A_1275 = arith.mulf %get3A_1273, %mul3A_1274 : vector<16xf32>
        %add3A_1276 = arith.addf %add3A_1242, %mul3A_1275 : vector<16xf32>
        scf.yield %add3A_1255, %add3A_1262, %add3A_1269, %add3A_1276 : vector<16xf32>, vector<16xf32>, vector<16xf32>, vector<16xf32>
      }
      %scan3A_99 = arith.constant 12 : i32
      %get3A = arith.index_cast %add3A_55 : i32 to index
      %get3A_100 = arith.constant 184 : index
      %get3A_101 = tpu.vector_load %arg10[%get3A, %get3A_100] {strides = array<i32>} : memref<128x200xf32, #tpu.memory_space<vmem>>, vector<1x16xf32>,
      %get3A_102 = vector.shape_cast %get3A_101 : vector<1x16xf32> to vector<16xf32>
      %slice3A = vector.extract_strided_slice %get3A_102 {offsets = [8], sizes = [1], strides = [1]} : vector<16xf32> to vector<1xf32>
      %squeeze3A = vector.extract %slice3A[0] : f32 from vector<1xf32>
      %get3A_103 = arith.constant 192 : i32
      %get3A_104 = arith.index_cast %get3A_103 : i32 to index
      %get3A_105 = arith.constant 0 : index
      %get3A_106 = tpu.vector_load %arg11[%get3A_104, %get3A_105] {strides = array<i32>} : memref<200x64xf32, #tpu.memory_space<vmem>>, vector<1x16xf32>,
      %get3A_107 = vector.shape_cast %get3A_106 : vector<1x16xf32> to vector<16xf32>
      %mul3A_108 = vector.broadcast %squeeze3A : f32 to vector<16xf32>
      %mul3A_109 = arith.mulf %get3A_107, %mul3A_108 : vector<16xf32>
      %add3A_110 = arith.addf %scan3A_98#0, %mul3A_109 : vector<16xf32>
      %get3A_111 = arith.constant 192 : i32
      %get3A_112 = arith.index_cast %get3A_111 : i32 to index
      %get3A_113 = arith.constant 16 : index
      %get3A_114 = tpu.vector_load %arg11[%get3A_112, %get3A_113] {strides = array<i32>} : memref<200x64xf32, #tpu.memory_space<vmem>>, vector<1x16xf32>,
      %get3A_115 = vector.shape_cast %get3A_114 : vector<1x16xf32> to vector<16xf32>
      %mul3A_116 = vector.broadcast %squeeze3A : f32 to vector<16xf32>
      %mul3A_117 = arith.mulf %get3A_115, %mul3A_116 : vector<16xf32>
      %add3A_118 = arith.addf %scan3A_98#1, %mul3A_117 : vector<16xf32>
      %get3A_119 = arith.constant 192 : i32
      %get3A_120 = arith.index_cast %get3A_119 : i32 to index
      %get3A_121 = arith.constant 32 : index
      %get3A_122 = tpu.vector_load %arg11[%get3A_120, %get3A_121] {strides = array<i32>} : memref<200x64xf32, #tpu.memory_space<vmem>>, vector<1x16xf32>,
      %get3A_123 = vector.shape_cast %get3A_122 : vector<1x16xf32> to vector<16xf32>
      %mul3A_124 = vector.broadcast %squeeze3A : f32 to vector<16xf32>
      %mul3A_125 = arith.mulf %get3A_123, %mul3A_124 : vector<16xf32>
      %add3A_126 = arith.addf %scan3A_98#2, %mul3A_125 : vector<16xf32>
      %get3A_127 = arith.constant 192 : i32
      %get3A_128 = arith.index_cast %get3A_127 : i32 to index
      %get3A_129 = arith.constant 48 : index
      %get3A_130 = tpu.vector_load %arg11[%get3A_128, %get3A_129] {strides = array<i32>} : memref<200x64xf32, #tpu.memory_space<vmem>>, vector<1x16xf32>,
      %get3A_131 = vector.shape_cast %get3A_130 : vector<1x16xf32> to vector<16xf32>
      %mul3A_132 = vector.broadcast %squeeze3A : f32 to vector<16xf32>
      %mul3A_133 = arith.mulf %get3A_131, %mul3A_132 : vector<16xf32>
      %add3A_134 = arith.addf %scan3A_98#3, %mul3A_133 : vector<16xf32>
      %slice3A_135 = vector.extract_strided_slice %get3A_102 {offsets = [9], sizes = [1], strides = [1]} : vector<16xf32> to vector<1xf32>
      %squeeze3A_136 = vector.extract %slice3A_135[0] : f32 from vector<1xf32>
      %get3A_137 = arith.constant 193 : i32
      %get3A_138 = arith.index_cast %get3A_137 : i32 to index
      %get3A_139 = arith.constant 0 : index
      %get3A_140 = tpu.vector_load %arg11[%get3A_138, %get3A_139] {strides = array<i32>} : memref<200x64xf32, #tpu.memory_space<vmem>>, vector<1x16xf32>,
      %get3A_141 = vector.shape_cast %get3A_140 : vector<1x16xf32> to vector<16xf32>
      %mul3A_142 = vector.broadcast %squeeze3A_136 : f32 to vector<16xf32>
      %mul3A_143 = arith.mulf %get3A_141, %mul3A_142 : vector<16xf32>
      %add3A_144 = arith.addf %add3A_110, %mul3A_143 : vector<16xf32>
      %get3A_145 = arith.constant 193 : i32
      %get3A_146 = arith.index_cast %get3A_145 : i32 to index
      %get3A_147 = arith.constant 16 : index
      %get3A_148 = tpu.vector_load %arg11[%get3A_146, %get3A_147] {strides = array<i32>} : memref<200x64xf32, #tpu.memory_space<vmem>>, vector<1x16xf32>,
      %get3A_149 = vector.shape_cast %get3A_148 : vector<1x16xf32> to vector<16xf32>
      %mul3A_150 = vector.broadcast %squeeze3A_136 : f32 to vector<16xf32>
      %mul3A_151 = arith.mulf %get3A_149, %mul3A_150 : vector<16xf32>
      %add3A_152 = arith.addf %add3A_118, %mul3A_151 : vector<16xf32>
      %get3A_153 = arith.constant 193 : i32
      %get3A_154 = arith.index_cast %get3A_153 : i32 to index
      %get3A_155 = arith.constant 32 : index
      %get3A_156 = tpu.vector_load %arg11[%get3A_154, %get3A_155] {strides = array<i32>} : memref<200x64xf32, #tpu.memory_space<vmem>>, vector<1x16xf32>,
      %get3A_157 = vector.shape_cast %get3A_156 : vector<1x16xf32> to vector<16xf32>
      %mul3A_158 = vector.broadcast %squeeze3A_136 : f32 to vector<16xf32>
      %mul3A_159 = arith.mulf %get3A_157, %mul3A_158 : vector<16xf32>
      %add3A_160 = arith.addf %add3A_126, %mul3A_159 : vector<16xf32>
      %get3A_161 = arith.constant 193 : i32
      %get3A_162 = arith.index_cast %get3A_161 : i32 to index
      %get3A_163 = arith.constant 48 : index
      %get3A_164 = tpu.vector_load %arg11[%get3A_162, %get3A_163] {strides = array<i32>} : memref<200x64xf32, #tpu.memory_space<vmem>>, vector<1x16xf32>,
      %get3A_165 = vector.shape_cast %get3A_164 : vector<1x16xf32> to vector<16xf32>
      %mul3A_166 = vector.broadcast %squeeze3A_136 : f32 to vector<16xf32>
      %mul3A_167 = arith.mulf %get3A_165, %mul3A_166 : vector<16xf32>
      %add3A_168 = arith.addf %add3A_134, %mul3A_167 : vector<16xf32>
      %slice3A_169 = vector.extract_strided_slice %get3A_102 {offsets = [10], sizes = [1], strides = [1]} : vector<16xf32> to vector<1xf32>
      %squeeze3A_170 = vector.extract %slice3A_169[0] : f32 from vector<1xf32>
      %get3A_171 = arith.constant 194 : i32
      %get3A_172 = arith.index_cast %get3A_171 : i32 to index
      %get3A_173 = arith.constant 0 : index
      %get3A_174 = tpu.vector_load %arg11[%get3A_172, %get3A_173] {strides = array<i32>} : memref<200x64xf32, #tpu.memory_space<vmem>>, vector<1x16xf32>,
      %get3A_175 = vector.shape_cast %get3A_174 : vector<1x16xf32> to vector<16xf32>
      %mul3A_176 = vector.broadcast %squeeze3A_170 : f32 to vector<16xf32>
      %mul3A_177 = arith.mulf %get3A_175, %mul3A_176 : vector<16xf32>
      %add3A_178 = arith.addf %add3A_144, %mul3A_177 : vector<16xf32>
      %get3A_179 = arith.constant 194 : i32
      %get3A_180 = arith.index_cast %get3A_179 : i32 to index
      %get3A_181 = arith.constant 16 : index
      %get3A_182 = tpu.vector_load %arg11[%get3A_180, %get3A_181] {strides = array<i32>} : memref<200x64xf32, #tpu.memory_space<vmem>>, vector<1x16xf32>,
      %get3A_183 = vector.shape_cast %get3A_182 : vector<1x16xf32> to vector<16xf32>
      %mul3A_184 = vector.broadcast %squeeze3A_170 : f32 to vector<16xf32>
      %mul3A_185 = arith.mulf %get3A_183, %mul3A_184 : vector<16xf32>
      %add3A_186 = arith.addf %add3A_152, %mul3A_185 : vector<16xf32>
      %get3A_187 = arith.constant 194 : i32
      %get3A_188 = arith.index_cast %get3A_187 : i32 to index
      %get3A_189 = arith.constant 32 : index
      %get3A_190 = tpu.vector_load %arg11[%get3A_188, %get3A_189] {strides = array<i32>} : memref<200x64xf32, #tpu.memory_space<vmem>>, vector<1x16xf32>,
      %get3A_191 = vector.shape_cast %get3A_190 : vector<1x16xf32> to vector<16xf32>
      %mul3A_192 = vector.broadcast %squeeze3A_170 : f32 to vector<16xf32>
      %mul3A_193 = arith.mulf %get3A_191, %mul3A_192 : vector<16xf32>
      %add3A_194 = arith.addf %add3A_160, %mul3A_193 : vector<16xf32>
      %get3A_195 = arith.constant 194 : i32
      %get3A_196 = arith.index_cast %get3A_195 : i32 to index
      %get3A_197 = arith.constant 48 : index
      %get3A_198 = tpu.vector_load %arg11[%get3A_196, %get3A_197] {strides = array<i32>} : memref<200x64xf32, #tpu.memory_space<vmem>>, vector<1x16xf32>,
      %get3A_199 = vector.shape_cast %get3A_198 : vector<1x16xf32> to vector<16xf32>
      %mul3A_200 = vector.broadcast %squeeze3A_170 : f32 to vector<16xf32>
      %mul3A_201 = arith.mulf %get3A_199, %mul3A_200 : vector<16xf32>
      %add3A_202 = arith.addf %add3A_168, %mul3A_201 : vector<16xf32>
      %slice3A_203 = vector.extract_strided_slice %get3A_102 {offsets = [11], sizes = [1], strides = [1]} : vector<16xf32> to vector<1xf32>
      %squeeze3A_204 = vector.extract %slice3A_203[0] : f32 from vector<1xf32>
      %get3A_205 = arith.constant 195 : i32
      %get3A_206 = arith.index_cast %get3A_205 : i32 to index
      %get3A_207 = arith.constant 0 : index
      %get3A_208 = tpu.vector_load %arg11[%get3A_206, %get3A_207] {strides = array<i32>} : memref<200x64xf32, #tpu.memory_space<vmem>>, vector<1x16xf32>,
      %get3A_209 = vector.shape_cast %get3A_208 : vector<1x16xf32> to vector<16xf32>
      %mul3A_210 = vector.broadcast %squeeze3A_204 : f32 to vector<16xf32>
      %mul3A_211 = arith.mulf %get3A_209, %mul3A_210 : vector<16xf32>
      %add3A_212 = arith.addf %add3A_178, %mul3A_211 : vector<16xf32>
      %get3A_213 = arith.constant 195 : i32
      %get3A_214 = arith.index_cast %get3A_213 : i32 to index
      %get3A_215 = arith.constant 16 : index
      %get3A_216 = tpu.vector_load %arg11[%get3A_214, %get3A_215] {strides = array<i32>} : memref<200x64xf32, #tpu.memory_space<vmem>>, vector<1x16xf32>,
      %get3A_217 = vector.shape_cast %get3A_216 : vector<1x16xf32> to vector<16xf32>
      %mul3A_218 = vector.broadcast %squeeze3A_204 : f32 to vector<16xf32>
      %mul3A_219 = arith.mulf %get3A_217, %mul3A_218 : vector<16xf32>
      %add3A_220 = arith.addf %add3A_186, %mul3A_219 : vector<16xf32>
      %get3A_221 = arith.constant 195 : i32
      %get3A_222 = arith.index_cast %get3A_221 : i32 to index
      %get3A_223 = arith.constant 32 : index
      %get3A_224 = tpu.vector_load %arg11[%get3A_222, %get3A_223] {strides = array<i32>} : memref<200x64xf32, #tpu.memory_space<vmem>>, vector<1x16xf32>,
      %get3A_225 = vector.shape_cast %get3A_224 : vector<1x16xf32> to vector<16xf32>
      %mul3A_226 = vector.broadcast %squeeze3A_204 : f32 to vector<16xf32>
      %mul3A_227 = arith.mulf %get3A_225, %mul3A_226 : vector<16xf32>
      %add3A_228 = arith.addf %add3A_194, %mul3A_227 : vector<16xf32>
      %get3A_229 = arith.constant 195 : i32
      %get3A_230 = arith.index_cast %get3A_229 : i32 to index
      %get3A_231 = arith.constant 48 : index
      %get3A_232 = tpu.vector_load %arg11[%get3A_230, %get3A_231] {strides = array<i32>} : memref<200x64xf32, #tpu.memory_space<vmem>>, vector<1x16xf32>,
      %get3A_233 = vector.shape_cast %get3A_232 : vector<1x16xf32> to vector<16xf32>
      %mul3A_234 = vector.broadcast %squeeze3A_204 : f32 to vector<16xf32>
      %mul3A_235 = arith.mulf %get3A_233, %mul3A_234 : vector<16xf32>
      %add3A_236 = arith.addf %add3A_202, %mul3A_235 : vector<16xf32>
      %slice3A_237 = vector.extract_strided_slice %get3A_102 {offsets = [12], sizes = [1], strides = [1]} : vector<16xf32> to vector<1xf32>
      %squeeze3A_238 = vector.extract %slice3A_237[0] : f32 from vector<1xf32>
      %get3A_239 = arith.constant 196 : i32
      %get3A_240 = arith.index_cast %get3A_239 : i32 to index
      %get3A_241 = arith.constant 0 : index
      %get3A_242 = tpu.vector_load %arg11[%get3A_240, %get3A_241] {strides = array<i32>} : memref<200x64xf32, #tpu.memory_space<vmem>>, vector<1x16xf32>,
      %get3A_243 = vector.shape_cast %get3A_242 : vector<1x16xf32> to vector<16xf32>
      %mul3A_244 = vector.broadcast %squeeze3A_238 : f32 to vector<16xf32>
      %mul3A_245 = arith.mulf %get3A_243, %mul3A_244 : vector<16xf32>
      %add3A_246 = arith.addf %add3A_212, %mul3A_245 : vector<16xf32>
      %get3A_247 = arith.constant 196 : i32
      %get3A_248 = arith.index_cast %get3A_247 : i32 to index
      %get3A_249 = arith.constant 16 : index
      %get3A_250 = tpu.vector_load %arg11[%get3A_248, %get3A_249] {strides = array<i32>} : memref<200x64xf32, #tpu.memory_space<vmem>>, vector<1x16xf32>,
      %get3A_251 = vector.shape_cast %get3A_250 : vector<1x16xf32> to vector<16xf32>
      %mul3A_252 = vector.broadcast %squeeze3A_238 : f32 to vector<16xf32>
      %mul3A_253 = arith.mulf %get3A_251, %mul3A_252 : vector<16xf32>
      %add3A_254 = arith.addf %add3A_220, %mul3A_253 : vector<16xf32>
      %get3A_255 = arith.constant 196 : i32
      %get3A_256 = arith.index_cast %get3A_255 : i32 to index
      %get3A_257 = arith.constant 32 : index
      %get3A_258 = tpu.vector_load %arg11[%get3A_256, %get3A_257] {strides = array<i32>} : memref<200x64xf32, #tpu.memory_space<vmem>>, vector<1x16xf32>,
      %get3A_259 = vector.shape_cast %get3A_258 : vector<1x16xf32> to vector<16xf32>
      %mul3A_260 = vector.broadcast %squeeze3A_238 : f32 to vector<16xf32>
      %mul3A_261 = arith.mulf %get3A_259, %mul3A_260 : vector<16xf32>
      %add3A_262 = arith.addf %add3A_228, %mul3A_261 : vector<16xf32>
      %get3A_263 = arith.constant 196 : i32
      %get3A_264 = arith.index_cast %get3A_263 : i32 to index
      %get3A_265 = arith.constant 48 : index
      %get3A_266 = tpu.vector_load %arg11[%get3A_264, %get3A_265] {strides = array<i32>} : memref<200x64xf32, #tpu.memory_space<vmem>>, vector<1x16xf32>,
      %get3A_267 = vector.shape_cast %get3A_266 : vector<1x16xf32> to vector<16xf32>
      %mul3A_268 = vector.broadcast %squeeze3A_238 : f32 to vector<16xf32>
      %mul3A_269 = arith.mulf %get3A_267, %mul3A_268 : vector<16xf32>
      %add3A_270 = arith.addf %add3A_236, %mul3A_269 : vector<16xf32>
      %slice3A_271 = vector.extract_strided_slice %get3A_102 {offsets = [13], sizes = [1], strides = [1]} : vector<16xf32> to vector<1xf32>
      %squeeze3A_272 = vector.extract %slice3A_271[0] : f32 from vector<1xf32>
      %get3A_273 = arith.constant 197 : i32
      %get3A_274 = arith.index_cast %get3A_273 : i32 to index
      %get3A_275 = arith.constant 0 : index
      %get3A_276 = tpu.vector_load %arg11[%get3A_274, %get3A_275] {strides = array<i32>} : memref<200x64xf32, #tpu.memory_space<vmem>>, vector<1x16xf32>,
      %get3A_277 = vector.shape_cast %get3A_276 : vector<1x16xf32> to vector<16xf32>
      %mul3A_278 = vector.broadcast %squeeze3A_272 : f32 to vector<16xf32>
      %mul3A_279 = arith.mulf %get3A_277, %mul3A_278 : vector<16xf32>
      %add3A_280 = arith.addf %add3A_246, %mul3A_279 : vector<16xf32>
      %get3A_281 = arith.constant 197 : i32
      %get3A_282 = arith.index_cast %get3A_281 : i32 to index
      %get3A_283 = arith.constant 16 : index
      %get3A_284 = tpu.vector_load %arg11[%get3A_282, %get3A_283] {strides = array<i32>} : memref<200x64xf32, #tpu.memory_space<vmem>>, vector<1x16xf32>,
      %get3A_285 = vector.shape_cast %get3A_284 : vector<1x16xf32> to vector<16xf32>
      %mul3A_286 = vector.broadcast %squeeze3A_272 : f32 to vector<16xf32>
      %mul3A_287 = arith.mulf %get3A_285, %mul3A_286 : vector<16xf32>
      %add3A_288 = arith.addf %add3A_254, %mul3A_287 : vector<16xf32>
      %get3A_289 = arith.constant 197 : i32
      %get3A_290 = arith.index_cast %get3A_289 : i32 to index
      %get3A_291 = arith.constant 32 : index
      %get3A_292 = tpu.vector_load %arg11[%get3A_290, %get3A_291] {strides = array<i32>} : memref<200x64xf32, #tpu.memory_space<vmem>>, vector<1x16xf32>,
      %get3A_293 = vector.shape_cast %get3A_292 : vector<1x16xf32> to vector<16xf32>
      %mul3A_294 = vector.broadcast %squeeze3A_272 : f32 to vector<16xf32>
      %mul3A_295 = arith.mulf %get3A_293, %mul3A_294 : vector<16xf32>
      %add3A_296 = arith.addf %add3A_262, %mul3A_295 : vector<16xf32>
      %get3A_297 = arith.constant 197 : i32
      %get3A_298 = arith.index_cast %get3A_297 : i32 to index
      %get3A_299 = arith.constant 48 : index
      %get3A_300 = tpu.vector_load %arg11[%get3A_298, %get3A_299] {strides = array<i32>} : memref<200x64xf32, #tpu.memory_space<vmem>>, vector<1x16xf32>,
      %get3A_301 = vector.shape_cast %get3A_300 : vector<1x16xf32> to vector<16xf32>
      %mul3A_302 = vector.broadcast %squeeze3A_272 : f32 to vector<16xf32>
      %mul3A_303 = arith.mulf %get3A_301, %mul3A_302 : vector<16xf32>
      %add3A_304 = arith.addf %add3A_270, %mul3A_303 : vector<16xf32>
      %slice3A_305 = vector.extract_strided_slice %get3A_102 {offsets = [14], sizes = [1], strides = [1]} : vector<16xf32> to vector<1xf32>
      %squeeze3A_306 = vector.extract %slice3A_305[0] : f32 from vector<1xf32>
      %get3A_307 = arith.constant 198 : i32
      %get3A_308 = arith.index_cast %get3A_307 : i32 to index
      %get3A_309 = arith.constant 0 : index
      %get3A_310 = tpu.vector_load %arg11[%get3A_308, %get3A_309] {strides = array<i32>} : memref<200x64xf32, #tpu.memory_space<vmem>>, vector<1x16xf32>,
      %get3A_311 = vector.shape_cast %get3A_310 : vector<1x16xf32> to vector<16xf32>
      %mul3A_312 = vector.broadcast %squeeze3A_306 : f32 to vector<16xf32>
      %mul3A_313 = arith.mulf %get3A_311, %mul3A_312 : vector<16xf32>
      %add3A_314 = arith.addf %add3A_280, %mul3A_313 : vector<16xf32>
      %get3A_315 = arith.constant 198 : i32
      %get3A_316 = arith.index_cast %get3A_315 : i32 to index
      %get3A_317 = arith.constant 16 : index
      %get3A_318 = tpu.vector_load %arg11[%get3A_316, %get3A_317] {strides = array<i32>} : memref<200x64xf32, #tpu.memory_space<vmem>>, vector<1x16xf32>,
      %get3A_319 = vector.shape_cast %get3A_318 : vector<1x16xf32> to vector<16xf32>
      %mul3A_320 = vector.broadcast %squeeze3A_306 : f32 to vector<16xf32>
      %mul3A_321 = arith.mulf %get3A_319, %mul3A_320 : vector<16xf32>
      %add3A_322 = arith.addf %add3A_288, %mul3A_321 : vector<16xf32>
      %get3A_323 = arith.constant 198 : i32
      %get3A_324 = arith.index_cast %get3A_323 : i32 to index
      %get3A_325 = arith.constant 32 : index
      %get3A_326 = tpu.vector_load %arg11[%get3A_324, %get3A_325] {strides = array<i32>} : memref<200x64xf32, #tpu.memory_space<vmem>>, vector<1x16xf32>,
      %get3A_327 = vector.shape_cast %get3A_326 : vector<1x16xf32> to vector<16xf32>
      %mul3A_328 = vector.broadcast %squeeze3A_306 : f32 to vector<16xf32>
      %mul3A_329 = arith.mulf %get3A_327, %mul3A_328 : vector<16xf32>
      %add3A_330 = arith.addf %add3A_296, %mul3A_329 : vector<16xf32>
      %get3A_331 = arith.constant 198 : i32
      %get3A_332 = arith.index_cast %get3A_331 : i32 to index
      %get3A_333 = arith.constant 48 : index
      %get3A_334 = tpu.vector_load %arg11[%get3A_332, %get3A_333] {strides = array<i32>} : memref<200x64xf32, #tpu.memory_space<vmem>>, vector<1x16xf32>,
      %get3A_335 = vector.shape_cast %get3A_334 : vector<1x16xf32> to vector<16xf32>
      %mul3A_336 = vector.broadcast %squeeze3A_306 : f32 to vector<16xf32>
      %mul3A_337 = arith.mulf %get3A_335, %mul3A_336 : vector<16xf32>
      %add3A_338 = arith.addf %add3A_304, %mul3A_337 : vector<16xf32>
      %slice3A_339 = vector.extract_strided_slice %get3A_102 {offsets = [15], sizes = [1], strides = [1]} : vector<16xf32> to vector<1xf32>
      %squeeze3A_340 = vector.extract %slice3A_339[0] : f32 from vector<1xf32>
      %get3A_341 = arith.constant 199 : i32
      %get3A_342 = arith.index_cast %get3A_341 : i32 to index
      %get3A_343 = arith.constant 0 : index
      %get3A_344 = tpu.vector_load %arg11[%get3A_342, %get3A_343] {strides = array<i32>} : memref<200x64xf32, #tpu.memory_space<vmem>>, vector<1x16xf32>,
      %get3A_345 = vector.shape_cast %get3A_344 : vector<1x16xf32> to vector<16xf32>
      %mul3A_346 = vector.broadcast %squeeze3A_340 : f32 to vector<16xf32>
      %mul3A_347 = arith.mulf %get3A_345, %mul3A_346 : vector<16xf32>
      %add3A_348 = arith.addf %add3A_314, %mul3A_347 : vector<16xf32>
      %get3A_349 = arith.constant 199 : i32
      %get3A_350 = arith.index_cast %get3A_349 : i32 to index
      %get3A_351 = arith.constant 16 : index
      %get3A_352 = tpu.vector_load %arg11[%get3A_350, %get3A_351] {strides = array<i32>} : memref<200x64xf32, #tpu.memory_space<vmem>>, vector<1x16xf32>,
      %get3A_353 = vector.shape_cast %get3A_352 : vector<1x16xf32> to vector<16xf32>
      %mul3A_354 = vector.broadcast %squeeze3A_340 : f32 to vector<16xf32>
      %mul3A_355 = arith.mulf %get3A_353, %mul3A_354 : vector<16xf32>
      %add3A_356 = arith.addf %add3A_322, %mul3A_355 : vector<16xf32>
      %get3A_357 = arith.constant 199 : i32
      %get3A_358 = arith.index_cast %get3A_357 : i32 to index
      %get3A_359 = arith.constant 32 : index
      %get3A_360 = tpu.vector_load %arg11[%get3A_358, %get3A_359] {strides = array<i32>} : memref<200x64xf32, #tpu.memory_space<vmem>>, vector<1x16xf32>,
      %get3A_361 = vector.shape_cast %get3A_360 : vector<1x16xf32> to vector<16xf32>
      %mul3A_362 = vector.broadcast %squeeze3A_340 : f32 to vector<16xf32>
      %mul3A_363 = arith.mulf %get3A_361, %mul3A_362 : vector<16xf32>
      %add3A_364 = arith.addf %add3A_330, %mul3A_363 : vector<16xf32>
      %get3A_365 = arith.constant 199 : i32
      %get3A_366 = arith.index_cast %get3A_365 : i32 to index
      %get3A_367 = arith.constant 48 : index
      %get3A_368 = tpu.vector_load %arg11[%get3A_366, %get3A_367] {strides = array<i32>} : memref<200x64xf32, #tpu.memory_space<vmem>>, vector<1x16xf32>,
      %get3A_369 = vector.shape_cast %get3A_368 : vector<1x16xf32> to vector<16xf32>
      %mul3A_370 = vector.broadcast %squeeze3A_340 : f32 to vector<16xf32>
      %mul3A_371 = arith.mulf %get3A_369, %mul3A_370 : vector<16xf32>
      %add3A_372 = arith.addf %add3A_338, %mul3A_371 : vector<16xf32>
      %swap3A = arith.index_cast %add3A_55 : i32 to index
      %swap3A_373 = arith.constant 0 : index
      %swap3A_374 = tpu.vector_load %arg13[%swap3A, %swap3A_373] {strides = array<i32>} : memref<128x64xf32, #tpu.memory_space<vmem>>, vector<1x16xf32>,
      %swap3A_375 = vector.shape_cast %swap3A_374 : vector<1x16xf32> to vector<16xf32>
      %swap3A_376 = vector.shape_cast %add3A_348 : vector<16xf32> to vector<1x16xf32>
      tpu.vector_store %arg13[%swap3A, %swap3A_373], %swap3A_376 {strides = array<i32>} : memref<128x64xf32, #tpu.memory_space<vmem>>, vector<1x16xf32>,
      %swap3A_377 = arith.index_cast %add3A_55 : i32 to index
      %swap3A_378 = arith.constant 16 : index
      %swap3A_379 = tpu.vector_load %arg13[%swap3A_377, %swap3A_378] {strides = array<i32>} : memref<128x64xf32, #tpu.memory_space<vmem>>, vector<1x16xf32>,
      %swap3A_380 = vector.shape_cast %swap3A_379 : vector<1x16xf32> to vector<16xf32>
      %swap3A_381 = vector.shape_cast %add3A_356 : vector<16xf32> to vector<1x16xf32>
      tpu.vector_store %arg13[%swap3A_377, %swap3A_378], %swap3A_381 {strides = array<i32>} : memref<128x64xf32, #tpu.memory_space<vmem>>, vector<1x16xf32>,
      %swap3A_382 = arith.index_cast %add3A_55 : i32 to index
      %swap3A_383 = arith.constant 32 : index
      %swap3A_384 = tpu.vector_load %arg13[%swap3A_382, %swap3A_383] {strides = array<i32>} : memref<128x64xf32, #tpu.memory_space<vmem>>, vector<1x16xf32>,
      %swap3A_385 = vector.shape_cast %swap3A_384 : vector<1x16xf32> to vector<16xf32>
      %swap3A_386 = vector.shape_cast %add3A_364 : vector<16xf32> to vector<1x16xf32>
      tpu.vector_store %arg13[%swap3A_382, %swap3A_383], %swap3A_386 {strides = array<i32>} : memref<128x64xf32, #tpu.memory_space<vmem>>, vector<1x16xf32>,
      %swap3A_387 = arith.index_cast %add3A_55 : i32 to index
      %swap3A_388 = arith.constant 48 : index
      %swap3A_389 = tpu.vector_load %arg13[%swap3A_387, %swap3A_388] {strides = array<i32>} : memref<128x64xf32, #tpu.memory_space<vmem>>, vector<1x16xf32>,
      %swap3A_390 = vector.shape_cast %swap3A_389 : vector<1x16xf32> to vector<16xf32>
      %swap3A_391 = vector.shape_cast %add3A_372 : vector<16xf32> to vector<1x16xf32>
      tpu.vector_store %arg13[%swap3A_387, %swap3A_388], %swap3A_391 {strides = array<i32>} : memref<128x64xf32, #tpu.memory_space<vmem>>, vector<1x16xf32>,
      %add3A_392 = arith.constant 2 : i32
      %add3A_393 = arith.addi %add3A_55, %add3A_392 : i32
      %lt3A = arith.constant 128 : i32
      %lt3A_394 = arith.cmpi slt, %add3A_393, %lt3A : i32
      %convert_element_type3A = arith.extui %lt3A_394 : i1 to i32
      %cond3A = arith.constant 0 : i32
      %cond3A_395 = arith.cmpi ne, %convert_element_type3A, %cond3A : i32
      scf.if %cond3A_395 {
        %add3A_722 = arith.constant 2 : i32
        %add3A_723 = arith.addi %add3A_55, %add3A_722 : i32
        %dma_start3A_724 = arith.constant 0 : i32
        %dma_start3A_725 = arith.constant 0 : i32
        %dma_start3A_726 = tpu.memref_slice %arg11[%dma_start3A_724, %dma_start3A_725] : memref<200x64xf32, #tpu.memory_space<vmem>> -> memref<128x64xf32, #tpu.memory_space<vmem>>
        %dma_start3A_727 = arith.constant 0 : i32
        %dma_start3A_728 = tpu.memref_slice %arg9[%add3A_723, %dma_start3A_727] : memref<128x200xi32, #tpu.memory_space<vmem>> -> memref<1x128xi32, #tpu.memory_space<vmem>>
        %dma_start3A_729 = tpu.memref_squeeze %dma_start3A_728 : memref<1x128xi32, #tpu.memory_space<vmem>> -> memref<128xi32, #tpu.memory_space<vmem>>
        %dma_start3A_730 = arith.constant 0 : i32
        %dma_start3A_731 = arith.constant 0 : i32
        %dma_start3A_732 = tpu.memref_slice %arg2[%dma_start3A_730, %dma_start3A_731] : memref<1000064x64xf32, #tpu.memory_space<hbm>> -> memref<1000064x64xf32, #tpu.memory_space<hbm>>
        tpu.enqueue_indirect_dma source(%dma_start3A_732 : memref<1000064x64xf32, #tpu.memory_space<hbm>>) target(%dma_start3A_726 : memref<128x64xf32, #tpu.memory_space<vmem>>) offsets(%dma_start3A_729 : memref<128xi32, #tpu.memory_space<vmem>>) semaphore(%arg14 : memref<!tpu.dma_semaphore, #tpu.memory_space<semaphore_mem>>)
        %dma_start3A_733 = arith.constant 128 : i32
        %dma_start3A_734 = arith.constant 0 : i32
        %dma_start3A_735 = tpu.memref_slice %arg11[%dma_start3A_733, %dma_start3A_734] : memref<200x64xf32, #tpu.memory_space<vmem>> -> memref<72x64xf32, #tpu.memory_space<vmem>>
        %dma_start3A_736 = arith.constant 128 : i32
        %dma_start3A_737 = tpu.memref_slice %arg9[%add3A_723, %dma_start3A_736] : memref<128x200xi32, #tpu.memory_space<vmem>> -> memref<1x72xi32, #tpu.memory_space<vmem>>
        %dma_start3A_738 = tpu.memref_squeeze %dma_start3A_737 : memref<1x72xi32, #tpu.memory_space<vmem>> -> memref<72xi32, #tpu.memory_space<vmem>>
        %dma_start3A_739 = arith.constant 0 : i32
        %dma_start3A_740 = arith.constant 0 : i32
        %dma_start3A_741 = tpu.memref_slice %arg2[%dma_start3A_739, %dma_start3A_740] : memref<1000064x64xf32, #tpu.memory_space<hbm>> -> memref<1000064x64xf32, #tpu.memory_space<hbm>>
        tpu.enqueue_indirect_dma source(%dma_start3A_741 : memref<1000064x64xf32, #tpu.memory_space<hbm>>) target(%dma_start3A_735 : memref<72x64xf32, #tpu.memory_space<vmem>>) offsets(%dma_start3A_738 : memref<72xi32, #tpu.memory_space<vmem>>) semaphore(%arg14 : memref<!tpu.dma_semaphore, #tpu.memory_space<semaphore_mem>>)
      } else {
      }
      %add3A_396 = arith.constant 1 : i32
      %add3A_397 = arith.addi %add3A_55, %add3A_396 : i32
      %dma_wait3A_398 = arith.constant 0 : i32
      %dma_wait3A_399 = arith.constant 0 : i32
      %dma_wait3A_400 = tpu.memref_slice %arg12[%dma_wait3A_398, %dma_wait3A_399] : memref<200x64xf32, #tpu.memory_space<vmem>> -> memref<128x64xf32, #tpu.memory_space<vmem>>
      %dma_wait3A_401 = arith.constant 0 : i32
      %dma_wait3A_402 = tpu.memref_slice %arg9[%add3A_397, %dma_wait3A_401] : memref<128x200xi32, #tpu.memory_space<vmem>> -> memref<1x128xi32, #tpu.memory_space<vmem>>
      %dma_wait3A_403 = tpu.memref_squeeze %dma_wait3A_402 : memref<1x128xi32, #tpu.memory_space<vmem>> -> memref<128xi32, #tpu.memory_space<vmem>>
      %dma_wait3A_404 = arith.constant 0 : i32
      %dma_wait3A_405 = arith.constant 0 : i32
      %dma_wait3A_406 = tpu.memref_slice %arg2[%dma_wait3A_404, %dma_wait3A_405] : memref<1000064x64xf32, #tpu.memory_space<hbm>> -> memref<1000064x64xf32, #tpu.memory_space<hbm>>
      tpu.wait_indirect_dma semaphore(%arg15 : memref<!tpu.dma_semaphore, #tpu.memory_space<semaphore_mem>>) src(%dma_wait3A_406 : memref<1000064x64xf32, #tpu.memory_space<hbm>>) dst(%dma_wait3A_400 : memref<128x64xf32, #tpu.memory_space<vmem>>)
      %dma_wait3A_407 = arith.constant 128 : i32
      %dma_wait3A_408 = arith.constant 0 : i32
      %dma_wait3A_409 = tpu.memref_slice %arg12[%dma_wait3A_407, %dma_wait3A_408] : memref<200x64xf32, #tpu.memory_space<vmem>> -> memref<72x64xf32, #tpu.memory_space<vmem>>
      %dma_wait3A_410 = arith.constant 128 : i32
      %dma_wait3A_411 = tpu.memref_slice %arg9[%add3A_397, %dma_wait3A_410] : memref<128x200xi32, #tpu.memory_space<vmem>> -> memref<1x72xi32, #tpu.memory_space<vmem>>
      %dma_wait3A_412 = tpu.memref_squeeze %dma_wait3A_411 : memref<1x72xi32, #tpu.memory_space<vmem>> -> memref<72xi32, #tpu.memory_space<vmem>>
      %dma_wait3A_413 = arith.constant 0 : i32
      %dma_wait3A_414 = arith.constant 0 : i32
      %dma_wait3A_415 = tpu.memref_slice %arg2[%dma_wait3A_413, %dma_wait3A_414] : memref<1000064x64xf32, #tpu.memory_space<hbm>> -> memref<1000064x64xf32, #tpu.memory_space<hbm>>
      tpu.wait_indirect_dma semaphore(%arg15 : memref<!tpu.dma_semaphore, #tpu.memory_space<semaphore_mem>>) src(%dma_wait3A_415 : memref<1000064x64xf32, #tpu.memory_space<hbm>>) dst(%dma_wait3A_409 : memref<72x64xf32, #tpu.memory_space<vmem>>)
      %add3A_416 = arith.constant 1 : i32
      %add3A_417 = arith.addi %add3A_55, %add3A_416 : i32
      %broadcast_in_dim3A_418 = arith.constant 0.000000e+00 : f32
      %broadcast_in_dim3A_419 = vector.broadcast %broadcast_in_dim3A_418 : f32 to vector<16xf32>
      %scan3A_420 = arith.constant 0 : i32
      %scan3A_421 = arith.constant 12 : i32
      %scan3A_422 = arith.addi %scan3A_420, %scan3A_421 : i32
      %scan3A_423 = arith.constant 1 : i32
      %scan3A_424:4 = scf.for %scan3A_722 = %scan3A_420 to %scan3A_422 step %scan3A_423 iter_args(%scan3A_723 = %broadcast_in_dim3A_419, %scan3A_724 = %broadcast_in_dim3A_419, %scan3A_725 = %broadcast_in_dim3A_419, %scan3A_726 = %broadcast_in_dim3A_419) -> (vector<16xf32>, vector<16xf32>, vector<16xf32>, vector<16xf32>)  : i32 {
        %mul3A_727 = arith.constant 16 : i32
        %mul3A_728 = arith.muli %scan3A_722, %mul3A_727 : i32
        %get3A_729 = arith.index_cast %add3A_417 : i32 to index
        %get3A_730 = arith.index_cast %mul3A_728 : i32 to index
        %get3A_731 = tpu.vector_load %arg10[%get3A_729, %get3A_730] {strides = array<i32>} : memref<128x200xf32, #tpu.memory_space<vmem>>, vector<1x16xf32>,
        %get3A_732 = vector.shape_cast %get3A_731 : vector<1x16xf32> to vector<16xf32>
        %mul3A_733 = arith.constant 16 : i32
        %mul3A_734 = arith.muli %scan3A_722, %mul3A_733 : i32
        %add3A_735 = arith.constant 0 : i32
        %add3A_736 = arith.addi %mul3A_734, %add3A_735 : i32
        %slice3A_737 = vector.extract_strided_slice %get3A_732 {offsets = [0], sizes = [1], strides = [1]} : vector<16xf32> to vector<1xf32>
        %squeeze3A_738 = vector.extract %slice3A_737[0] : f32 from vector<1xf32>
        %get3A_739 = arith.index_cast %add3A_736 : i32 to index
        %get3A_740 = arith.constant 0 : index
        %get3A_741 = tpu.vector_load %arg12[%get3A_739, %get3A_740] {strides = array<i32>} : memref<200x64xf32, #tpu.memory_space<vmem>>, vector<1x16xf32>,
        %get3A_742 = vector.shape_cast %get3A_741 : vector<1x16xf32> to vector<16xf32>
        %mul3A_743 = vector.broadcast %squeeze3A_738 : f32 to vector<16xf32>
        %mul3A_744 = arith.mulf %get3A_742, %mul3A_743 : vector<16xf32>
        %add3A_745 = arith.addf %scan3A_723, %mul3A_744 : vector<16xf32>
        %get3A_746 = arith.index_cast %add3A_736 : i32 to index
        %get3A_747 = arith.constant 16 : index
        %get3A_748 = tpu.vector_load %arg12[%get3A_746, %get3A_747] {strides = array<i32>} : memref<200x64xf32, #tpu.memory_space<vmem>>, vector<1x16xf32>,
        %get3A_749 = vector.shape_cast %get3A_748 : vector<1x16xf32> to vector<16xf32>
        %mul3A_750 = vector.broadcast %squeeze3A_738 : f32 to vector<16xf32>
        %mul3A_751 = arith.mulf %get3A_749, %mul3A_750 : vector<16xf32>
        %add3A_752 = arith.addf %scan3A_724, %mul3A_751 : vector<16xf32>
        %get3A_753 = arith.index_cast %add3A_736 : i32 to index
        %get3A_754 = arith.constant 32 : index
        %get3A_755 = tpu.vector_load %arg12[%get3A_753, %get3A_754] {strides = array<i32>} : memref<200x64xf32, #tpu.memory_space<vmem>>, vector<1x16xf32>,
        %get3A_756 = vector.shape_cast %get3A_755 : vector<1x16xf32> to vector<16xf32>
        %mul3A_757 = vector.broadcast %squeeze3A_738 : f32 to vector<16xf32>
        %mul3A_758 = arith.mulf %get3A_756, %mul3A_757 : vector<16xf32>
        %add3A_759 = arith.addf %scan3A_725, %mul3A_758 : vector<16xf32>
        %get3A_760 = arith.index_cast %add3A_736 : i32 to index
        %get3A_761 = arith.constant 48 : index
        %get3A_762 = tpu.vector_load %arg12[%get3A_760, %get3A_761] {strides = array<i32>} : memref<200x64xf32, #tpu.memory_space<vmem>>, vector<1x16xf32>,
        %get3A_763 = vector.shape_cast %get3A_762 : vector<1x16xf32> to vector<16xf32>
        %mul3A_764 = vector.broadcast %squeeze3A_738 : f32 to vector<16xf32>
        %mul3A_765 = arith.mulf %get3A_763, %mul3A_764 : vector<16xf32>
        %add3A_766 = arith.addf %scan3A_726, %mul3A_765 : vector<16xf32>
        %mul3A_767 = arith.constant 16 : i32
        %mul3A_768 = arith.muli %scan3A_722, %mul3A_767 : i32
        %add3A_769 = arith.constant 1 : i32
        %add3A_770 = arith.addi %mul3A_768, %add3A_769 : i32
        %slice3A_771 = vector.extract_strided_slice %get3A_732 {offsets = [1], sizes = [1], strides = [1]} : vector<16xf32> to vector<1xf32>
        %squeeze3A_772 = vector.extract %slice3A_771[0] : f32 from vector<1xf32>
        %get3A_773 = arith.index_cast %add3A_770 : i32 to index
        %get3A_774 = arith.constant 0 : index
        %get3A_775 = tpu.vector_load %arg12[%get3A_773, %get3A_774] {strides = array<i32>} : memref<200x64xf32, #tpu.memory_space<vmem>>, vector<1x16xf32>,
        %get3A_776 = vector.shape_cast %get3A_775 : vector<1x16xf32> to vector<16xf32>
        %mul3A_777 = vector.broadcast %squeeze3A_772 : f32 to vector<16xf32>
        %mul3A_778 = arith.mulf %get3A_776, %mul3A_777 : vector<16xf32>
        %add3A_779 = arith.addf %add3A_745, %mul3A_778 : vector<16xf32>
        %get3A_780 = arith.index_cast %add3A_770 : i32 to index
        %get3A_781 = arith.constant 16 : index
        %get3A_782 = tpu.vector_load %arg12[%get3A_780, %get3A_781] {strides = array<i32>} : memref<200x64xf32, #tpu.memory_space<vmem>>, vector<1x16xf32>,
        %get3A_783 = vector.shape_cast %get3A_782 : vector<1x16xf32> to vector<16xf32>
        %mul3A_784 = vector.broadcast %squeeze3A_772 : f32 to vector<16xf32>
        %mul3A_785 = arith.mulf %get3A_783, %mul3A_784 : vector<16xf32>
        %add3A_786 = arith.addf %add3A_752, %mul3A_785 : vector<16xf32>
        %get3A_787 = arith.index_cast %add3A_770 : i32 to index
        %get3A_788 = arith.constant 32 : index
        %get3A_789 = tpu.vector_load %arg12[%get3A_787, %get3A_788] {strides = array<i32>} : memref<200x64xf32, #tpu.memory_space<vmem>>, vector<1x16xf32>,
        %get3A_790 = vector.shape_cast %get3A_789 : vector<1x16xf32> to vector<16xf32>
        %mul3A_791 = vector.broadcast %squeeze3A_772 : f32 to vector<16xf32>
        %mul3A_792 = arith.mulf %get3A_790, %mul3A_791 : vector<16xf32>
        %add3A_793 = arith.addf %add3A_759, %mul3A_792 : vector<16xf32>
        %get3A_794 = arith.index_cast %add3A_770 : i32 to index
        %get3A_795 = arith.constant 48 : index
        %get3A_796 = tpu.vector_load %arg12[%get3A_794, %get3A_795] {strides = array<i32>} : memref<200x64xf32, #tpu.memory_space<vmem>>, vector<1x16xf32>,
        %get3A_797 = vector.shape_cast %get3A_796 : vector<1x16xf32> to vector<16xf32>
        %mul3A_798 = vector.broadcast %squeeze3A_772 : f32 to vector<16xf32>
        %mul3A_799 = arith.mulf %get3A_797, %mul3A_798 : vector<16xf32>
        %add3A_800 = arith.addf %add3A_766, %mul3A_799 : vector<16xf32>
        %mul3A_801 = arith.constant 16 : i32
        %mul3A_802 = arith.muli %scan3A_722, %mul3A_801 : i32
        %add3A_803 = arith.constant 2 : i32
        %add3A_804 = arith.addi %mul3A_802, %add3A_803 : i32
        %slice3A_805 = vector.extract_strided_slice %get3A_732 {offsets = [2], sizes = [1], strides = [1]} : vector<16xf32> to vector<1xf32>
        %squeeze3A_806 = vector.extract %slice3A_805[0] : f32 from vector<1xf32>
        %get3A_807 = arith.index_cast %add3A_804 : i32 to index
        %get3A_808 = arith.constant 0 : index
        %get3A_809 = tpu.vector_load %arg12[%get3A_807, %get3A_808] {strides = array<i32>} : memref<200x64xf32, #tpu.memory_space<vmem>>, vector<1x16xf32>,
        %get3A_810 = vector.shape_cast %get3A_809 : vector<1x16xf32> to vector<16xf32>
        %mul3A_811 = vector.broadcast %squeeze3A_806 : f32 to vector<16xf32>
        %mul3A_812 = arith.mulf %get3A_810, %mul3A_811 : vector<16xf32>
        %add3A_813 = arith.addf %add3A_779, %mul3A_812 : vector<16xf32>
        %get3A_814 = arith.index_cast %add3A_804 : i32 to index
        %get3A_815 = arith.constant 16 : index
        %get3A_816 = tpu.vector_load %arg12[%get3A_814, %get3A_815] {strides = array<i32>} : memref<200x64xf32, #tpu.memory_space<vmem>>, vector<1x16xf32>,
        %get3A_817 = vector.shape_cast %get3A_816 : vector<1x16xf32> to vector<16xf32>
        %mul3A_818 = vector.broadcast %squeeze3A_806 : f32 to vector<16xf32>
        %mul3A_819 = arith.mulf %get3A_817, %mul3A_818 : vector<16xf32>
        %add3A_820 = arith.addf %add3A_786, %mul3A_819 : vector<16xf32>
        %get3A_821 = arith.index_cast %add3A_804 : i32 to index
        %get3A_822 = arith.constant 32 : index
        %get3A_823 = tpu.vector_load %arg12[%get3A_821, %get3A_822] {strides = array<i32>} : memref<200x64xf32, #tpu.memory_space<vmem>>, vector<1x16xf32>,
        %get3A_824 = vector.shape_cast %get3A_823 : vector<1x16xf32> to vector<16xf32>
        %mul3A_825 = vector.broadcast %squeeze3A_806 : f32 to vector<16xf32>
        %mul3A_826 = arith.mulf %get3A_824, %mul3A_825 : vector<16xf32>
        %add3A_827 = arith.addf %add3A_793, %mul3A_826 : vector<16xf32>
        %get3A_828 = arith.index_cast %add3A_804 : i32 to index
        %get3A_829 = arith.constant 48 : index
        %get3A_830 = tpu.vector_load %arg12[%get3A_828, %get3A_829] {strides = array<i32>} : memref<200x64xf32, #tpu.memory_space<vmem>>, vector<1x16xf32>,
        %get3A_831 = vector.shape_cast %get3A_830 : vector<1x16xf32> to vector<16xf32>
        %mul3A_832 = vector.broadcast %squeeze3A_806 : f32 to vector<16xf32>
        %mul3A_833 = arith.mulf %get3A_831, %mul3A_832 : vector<16xf32>
        %add3A_834 = arith.addf %add3A_800, %mul3A_833 : vector<16xf32>
        %mul3A_835 = arith.constant 16 : i32
        %mul3A_836 = arith.muli %scan3A_722, %mul3A_835 : i32
        %add3A_837 = arith.constant 3 : i32
        %add3A_838 = arith.addi %mul3A_836, %add3A_837 : i32
        %slice3A_839 = vector.extract_strided_slice %get3A_732 {offsets = [3], sizes = [1], strides = [1]} : vector<16xf32> to vector<1xf32>
        %squeeze3A_840 = vector.extract %slice3A_839[0] : f32 from vector<1xf32>
        %get3A_841 = arith.index_cast %add3A_838 : i32 to index
        %get3A_842 = arith.constant 0 : index
        %get3A_843 = tpu.vector_load %arg12[%get3A_841, %get3A_842] {strides = array<i32>} : memref<200x64xf32, #tpu.memory_space<vmem>>, vector<1x16xf32>,
        %get3A_844 = vector.shape_cast %get3A_843 : vector<1x16xf32> to vector<16xf32>
        %mul3A_845 = vector.broadcast %squeeze3A_840 : f32 to vector<16xf32>
        %mul3A_846 = arith.mulf %get3A_844, %mul3A_845 : vector<16xf32>
        %add3A_847 = arith.addf %add3A_813, %mul3A_846 : vector<16xf32>
        %get3A_848 = arith.index_cast %add3A_838 : i32 to index
        %get3A_849 = arith.constant 16 : index
        %get3A_850 = tpu.vector_load %arg12[%get3A_848, %get3A_849] {strides = array<i32>} : memref<200x64xf32, #tpu.memory_space<vmem>>, vector<1x16xf32>,
        %get3A_851 = vector.shape_cast %get3A_850 : vector<1x16xf32> to vector<16xf32>
        %mul3A_852 = vector.broadcast %squeeze3A_840 : f32 to vector<16xf32>
        %mul3A_853 = arith.mulf %get3A_851, %mul3A_852 : vector<16xf32>
        %add3A_854 = arith.addf %add3A_820, %mul3A_853 : vector<16xf32>
        %get3A_855 = arith.index_cast %add3A_838 : i32 to index
        %get3A_856 = arith.constant 32 : index
        %get3A_857 = tpu.vector_load %arg12[%get3A_855, %get3A_856] {strides = array<i32>} : memref<200x64xf32, #tpu.memory_space<vmem>>, vector<1x16xf32>,
        %get3A_858 = vector.shape_cast %get3A_857 : vector<1x16xf32> to vector<16xf32>
        %mul3A_859 = vector.broadcast %squeeze3A_840 : f32 to vector<16xf32>
        %mul3A_860 = arith.mulf %get3A_858, %mul3A_859 : vector<16xf32>
        %add3A_861 = arith.addf %add3A_827, %mul3A_860 : vector<16xf32>
        %get3A_862 = arith.index_cast %add3A_838 : i32 to index
        %get3A_863 = arith.constant 48 : index
        %get3A_864 = tpu.vector_load %arg12[%get3A_862, %get3A_863] {strides = array<i32>} : memref<200x64xf32, #tpu.memory_space<vmem>>, vector<1x16xf32>,
        %get3A_865 = vector.shape_cast %get3A_864 : vector<1x16xf32> to vector<16xf32>
        %mul3A_866 = vector.broadcast %squeeze3A_840 : f32 to vector<16xf32>
        %mul3A_867 = arith.mulf %get3A_865, %mul3A_866 : vector<16xf32>
        %add3A_868 = arith.addf %add3A_834, %mul3A_867 : vector<16xf32>
        %mul3A_869 = arith.constant 16 : i32
        %mul3A_870 = arith.muli %scan3A_722, %mul3A_869 : i32
        %add3A_871 = arith.constant 4 : i32
        %add3A_872 = arith.addi %mul3A_870, %add3A_871 : i32
        %slice3A_873 = vector.extract_strided_slice %get3A_732 {offsets = [4], sizes = [1], strides = [1]} : vector<16xf32> to vector<1xf32>
        %squeeze3A_874 = vector.extract %slice3A_873[0] : f32 from vector<1xf32>
        %get3A_875 = arith.index_cast %add3A_872 : i32 to index
        %get3A_876 = arith.constant 0 : index
        %get3A_877 = tpu.vector_load %arg12[%get3A_875, %get3A_876] {strides = array<i32>} : memref<200x64xf32, #tpu.memory_space<vmem>>, vector<1x16xf32>,
        %get3A_878 = vector.shape_cast %get3A_877 : vector<1x16xf32> to vector<16xf32>
        %mul3A_879 = vector.broadcast %squeeze3A_874 : f32 to vector<16xf32>
        %mul3A_880 = arith.mulf %get3A_878, %mul3A_879 : vector<16xf32>
        %add3A_881 = arith.addf %add3A_847, %mul3A_880 : vector<16xf32>
        %get3A_882 = arith.index_cast %add3A_872 : i32 to index
        %get3A_883 = arith.constant 16 : index
        %get3A_884 = tpu.vector_load %arg12[%get3A_882, %get3A_883] {strides = array<i32>} : memref<200x64xf32, #tpu.memory_space<vmem>>, vector<1x16xf32>,
        %get3A_885 = vector.shape_cast %get3A_884 : vector<1x16xf32> to vector<16xf32>
        %mul3A_886 = vector.broadcast %squeeze3A_874 : f32 to vector<16xf32>
        %mul3A_887 = arith.mulf %get3A_885, %mul3A_886 : vector<16xf32>
        %add3A_888 = arith.addf %add3A_854, %mul3A_887 : vector<16xf32>
        %get3A_889 = arith.index_cast %add3A_872 : i32 to index
        %get3A_890 = arith.constant 32 : index
        %get3A_891 = tpu.vector_load %arg12[%get3A_889, %get3A_890] {strides = array<i32>} : memref<200x64xf32, #tpu.memory_space<vmem>>, vector<1x16xf32>,
        %get3A_892 = vector.shape_cast %get3A_891 : vector<1x16xf32> to vector<16xf32>
        %mul3A_893 = vector.broadcast %squeeze3A_874 : f32 to vector<16xf32>
        %mul3A_894 = arith.mulf %get3A_892, %mul3A_893 : vector<16xf32>
        %add3A_895 = arith.addf %add3A_861, %mul3A_894 : vector<16xf32>
        %get3A_896 = arith.index_cast %add3A_872 : i32 to index
        %get3A_897 = arith.constant 48 : index
        %get3A_898 = tpu.vector_load %arg12[%get3A_896, %get3A_897] {strides = array<i32>} : memref<200x64xf32, #tpu.memory_space<vmem>>, vector<1x16xf32>,
        %get3A_899 = vector.shape_cast %get3A_898 : vector<1x16xf32> to vector<16xf32>
        %mul3A_900 = vector.broadcast %squeeze3A_874 : f32 to vector<16xf32>
        %mul3A_901 = arith.mulf %get3A_899, %mul3A_900 : vector<16xf32>
        %add3A_902 = arith.addf %add3A_868, %mul3A_901 : vector<16xf32>
        %mul3A_903 = arith.constant 16 : i32
        %mul3A_904 = arith.muli %scan3A_722, %mul3A_903 : i32
        %add3A_905 = arith.constant 5 : i32
        %add3A_906 = arith.addi %mul3A_904, %add3A_905 : i32
        %slice3A_907 = vector.extract_strided_slice %get3A_732 {offsets = [5], sizes = [1], strides = [1]} : vector<16xf32> to vector<1xf32>
        %squeeze3A_908 = vector.extract %slice3A_907[0] : f32 from vector<1xf32>
        %get3A_909 = arith.index_cast %add3A_906 : i32 to index
        %get3A_910 = arith.constant 0 : index
        %get3A_911 = tpu.vector_load %arg12[%get3A_909, %get3A_910] {strides = array<i32>} : memref<200x64xf32, #tpu.memory_space<vmem>>, vector<1x16xf32>,
        %get3A_912 = vector.shape_cast %get3A_911 : vector<1x16xf32> to vector<16xf32>
        %mul3A_913 = vector.broadcast %squeeze3A_908 : f32 to vector<16xf32>
        %mul3A_914 = arith.mulf %get3A_912, %mul3A_913 : vector<16xf32>
        %add3A_915 = arith.addf %add3A_881, %mul3A_914 : vector<16xf32>
        %get3A_916 = arith.index_cast %add3A_906 : i32 to index
        %get3A_917 = arith.constant 16 : index
        %get3A_918 = tpu.vector_load %arg12[%get3A_916, %get3A_917] {strides = array<i32>} : memref<200x64xf32, #tpu.memory_space<vmem>>, vector<1x16xf32>,
        %get3A_919 = vector.shape_cast %get3A_918 : vector<1x16xf32> to vector<16xf32>
        %mul3A_920 = vector.broadcast %squeeze3A_908 : f32 to vector<16xf32>
        %mul3A_921 = arith.mulf %get3A_919, %mul3A_920 : vector<16xf32>
        %add3A_922 = arith.addf %add3A_888, %mul3A_921 : vector<16xf32>
        %get3A_923 = arith.index_cast %add3A_906 : i32 to index
        %get3A_924 = arith.constant 32 : index
        %get3A_925 = tpu.vector_load %arg12[%get3A_923, %get3A_924] {strides = array<i32>} : memref<200x64xf32, #tpu.memory_space<vmem>>, vector<1x16xf32>,
        %get3A_926 = vector.shape_cast %get3A_925 : vector<1x16xf32> to vector<16xf32>
        %mul3A_927 = vector.broadcast %squeeze3A_908 : f32 to vector<16xf32>
        %mul3A_928 = arith.mulf %get3A_926, %mul3A_927 : vector<16xf32>
        %add3A_929 = arith.addf %add3A_895, %mul3A_928 : vector<16xf32>
        %get3A_930 = arith.index_cast %add3A_906 : i32 to index
        %get3A_931 = arith.constant 48 : index
        %get3A_932 = tpu.vector_load %arg12[%get3A_930, %get3A_931] {strides = array<i32>} : memref<200x64xf32, #tpu.memory_space<vmem>>, vector<1x16xf32>,
        %get3A_933 = vector.shape_cast %get3A_932 : vector<1x16xf32> to vector<16xf32>
        %mul3A_934 = vector.broadcast %squeeze3A_908 : f32 to vector<16xf32>
        %mul3A_935 = arith.mulf %get3A_933, %mul3A_934 : vector<16xf32>
        %add3A_936 = arith.addf %add3A_902, %mul3A_935 : vector<16xf32>
        %mul3A_937 = arith.constant 16 : i32
        %mul3A_938 = arith.muli %scan3A_722, %mul3A_937 : i32
        %add3A_939 = arith.constant 6 : i32
        %add3A_940 = arith.addi %mul3A_938, %add3A_939 : i32
        %slice3A_941 = vector.extract_strided_slice %get3A_732 {offsets = [6], sizes = [1], strides = [1]} : vector<16xf32> to vector<1xf32>
        %squeeze3A_942 = vector.extract %slice3A_941[0] : f32 from vector<1xf32>
        %get3A_943 = arith.index_cast %add3A_940 : i32 to index
        %get3A_944 = arith.constant 0 : index
        %get3A_945 = tpu.vector_load %arg12[%get3A_943, %get3A_944] {strides = array<i32>} : memref<200x64xf32, #tpu.memory_space<vmem>>, vector<1x16xf32>,
        %get3A_946 = vector.shape_cast %get3A_945 : vector<1x16xf32> to vector<16xf32>
        %mul3A_947 = vector.broadcast %squeeze3A_942 : f32 to vector<16xf32>
        %mul3A_948 = arith.mulf %get3A_946, %mul3A_947 : vector<16xf32>
        %add3A_949 = arith.addf %add3A_915, %mul3A_948 : vector<16xf32>
        %get3A_950 = arith.index_cast %add3A_940 : i32 to index
        %get3A_951 = arith.constant 16 : index
        %get3A_952 = tpu.vector_load %arg12[%get3A_950, %get3A_951] {strides = array<i32>} : memref<200x64xf32, #tpu.memory_space<vmem>>, vector<1x16xf32>,
        %get3A_953 = vector.shape_cast %get3A_952 : vector<1x16xf32> to vector<16xf32>
        %mul3A_954 = vector.broadcast %squeeze3A_942 : f32 to vector<16xf32>
        %mul3A_955 = arith.mulf %get3A_953, %mul3A_954 : vector<16xf32>
        %add3A_956 = arith.addf %add3A_922, %mul3A_955 : vector<16xf32>
        %get3A_957 = arith.index_cast %add3A_940 : i32 to index
        %get3A_958 = arith.constant 32 : index
        %get3A_959 = tpu.vector_load %arg12[%get3A_957, %get3A_958] {strides = array<i32>} : memref<200x64xf32, #tpu.memory_space<vmem>>, vector<1x16xf32>,
        %get3A_960 = vector.shape_cast %get3A_959 : vector<1x16xf32> to vector<16xf32>
        %mul3A_961 = vector.broadcast %squeeze3A_942 : f32 to vector<16xf32>
        %mul3A_962 = arith.mulf %get3A_960, %mul3A_961 : vector<16xf32>
        %add3A_963 = arith.addf %add3A_929, %mul3A_962 : vector<16xf32>
        %get3A_964 = arith.index_cast %add3A_940 : i32 to index
        %get3A_965 = arith.constant 48 : index
        %get3A_966 = tpu.vector_load %arg12[%get3A_964, %get3A_965] {strides = array<i32>} : memref<200x64xf32, #tpu.memory_space<vmem>>, vector<1x16xf32>,
        %get3A_967 = vector.shape_cast %get3A_966 : vector<1x16xf32> to vector<16xf32>
        %mul3A_968 = vector.broadcast %squeeze3A_942 : f32 to vector<16xf32>
        %mul3A_969 = arith.mulf %get3A_967, %mul3A_968 : vector<16xf32>
        %add3A_970 = arith.addf %add3A_936, %mul3A_969 : vector<16xf32>
        %mul3A_971 = arith.constant 16 : i32
        %mul3A_972 = arith.muli %scan3A_722, %mul3A_971 : i32
        %add3A_973 = arith.constant 7 : i32
        %add3A_974 = arith.addi %mul3A_972, %add3A_973 : i32
        %slice3A_975 = vector.extract_strided_slice %get3A_732 {offsets = [7], sizes = [1], strides = [1]} : vector<16xf32> to vector<1xf32>
        %squeeze3A_976 = vector.extract %slice3A_975[0] : f32 from vector<1xf32>
        %get3A_977 = arith.index_cast %add3A_974 : i32 to index
        %get3A_978 = arith.constant 0 : index
        %get3A_979 = tpu.vector_load %arg12[%get3A_977, %get3A_978] {strides = array<i32>} : memref<200x64xf32, #tpu.memory_space<vmem>>, vector<1x16xf32>,
        %get3A_980 = vector.shape_cast %get3A_979 : vector<1x16xf32> to vector<16xf32>
        %mul3A_981 = vector.broadcast %squeeze3A_976 : f32 to vector<16xf32>
        %mul3A_982 = arith.mulf %get3A_980, %mul3A_981 : vector<16xf32>
        %add3A_983 = arith.addf %add3A_949, %mul3A_982 : vector<16xf32>
        %get3A_984 = arith.index_cast %add3A_974 : i32 to index
        %get3A_985 = arith.constant 16 : index
        %get3A_986 = tpu.vector_load %arg12[%get3A_984, %get3A_985] {strides = array<i32>} : memref<200x64xf32, #tpu.memory_space<vmem>>, vector<1x16xf32>,
        %get3A_987 = vector.shape_cast %get3A_986 : vector<1x16xf32> to vector<16xf32>
        %mul3A_988 = vector.broadcast %squeeze3A_976 : f32 to vector<16xf32>
        %mul3A_989 = arith.mulf %get3A_987, %mul3A_988 : vector<16xf32>
        %add3A_990 = arith.addf %add3A_956, %mul3A_989 : vector<16xf32>
        %get3A_991 = arith.index_cast %add3A_974 : i32 to index
        %get3A_992 = arith.constant 32 : index
        %get3A_993 = tpu.vector_load %arg12[%get3A_991, %get3A_992] {strides = array<i32>} : memref<200x64xf32, #tpu.memory_space<vmem>>, vector<1x16xf32>,
        %get3A_994 = vector.shape_cast %get3A_993 : vector<1x16xf32> to vector<16xf32>
        %mul3A_995 = vector.broadcast %squeeze3A_976 : f32 to vector<16xf32>
        %mul3A_996 = arith.mulf %get3A_994, %mul3A_995 : vector<16xf32>
        %add3A_997 = arith.addf %add3A_963, %mul3A_996 : vector<16xf32>
        %get3A_998 = arith.index_cast %add3A_974 : i32 to index
        %get3A_999 = arith.constant 48 : index
        %get3A_1000 = tpu.vector_load %arg12[%get3A_998, %get3A_999] {strides = array<i32>} : memref<200x64xf32, #tpu.memory_space<vmem>>, vector<1x16xf32>,
        %get3A_1001 = vector.shape_cast %get3A_1000 : vector<1x16xf32> to vector<16xf32>
        %mul3A_1002 = vector.broadcast %squeeze3A_976 : f32 to vector<16xf32>
        %mul3A_1003 = arith.mulf %get3A_1001, %mul3A_1002 : vector<16xf32>
        %add3A_1004 = arith.addf %add3A_970, %mul3A_1003 : vector<16xf32>
        %mul3A_1005 = arith.constant 16 : i32
        %mul3A_1006 = arith.muli %scan3A_722, %mul3A_1005 : i32
        %add3A_1007 = arith.constant 8 : i32
        %add3A_1008 = arith.addi %mul3A_1006, %add3A_1007 : i32
        %slice3A_1009 = vector.extract_strided_slice %get3A_732 {offsets = [8], sizes = [1], strides = [1]} : vector<16xf32> to vector<1xf32>
        %squeeze3A_1010 = vector.extract %slice3A_1009[0] : f32 from vector<1xf32>
        %get3A_1011 = arith.index_cast %add3A_1008 : i32 to index
        %get3A_1012 = arith.constant 0 : index
        %get3A_1013 = tpu.vector_load %arg12[%get3A_1011, %get3A_1012] {strides = array<i32>} : memref<200x64xf32, #tpu.memory_space<vmem>>, vector<1x16xf32>,
        %get3A_1014 = vector.shape_cast %get3A_1013 : vector<1x16xf32> to vector<16xf32>
        %mul3A_1015 = vector.broadcast %squeeze3A_1010 : f32 to vector<16xf32>
        %mul3A_1016 = arith.mulf %get3A_1014, %mul3A_1015 : vector<16xf32>
        %add3A_1017 = arith.addf %add3A_983, %mul3A_1016 : vector<16xf32>
        %get3A_1018 = arith.index_cast %add3A_1008 : i32 to index
        %get3A_1019 = arith.constant 16 : index
        %get3A_1020 = tpu.vector_load %arg12[%get3A_1018, %get3A_1019] {strides = array<i32>} : memref<200x64xf32, #tpu.memory_space<vmem>>, vector<1x16xf32>,
        %get3A_1021 = vector.shape_cast %get3A_1020 : vector<1x16xf32> to vector<16xf32>
        %mul3A_1022 = vector.broadcast %squeeze3A_1010 : f32 to vector<16xf32>
        %mul3A_1023 = arith.mulf %get3A_1021, %mul3A_1022 : vector<16xf32>
        %add3A_1024 = arith.addf %add3A_990, %mul3A_1023 : vector<16xf32>
        %get3A_1025 = arith.index_cast %add3A_1008 : i32 to index
        %get3A_1026 = arith.constant 32 : index
        %get3A_1027 = tpu.vector_load %arg12[%get3A_1025, %get3A_1026] {strides = array<i32>} : memref<200x64xf32, #tpu.memory_space<vmem>>, vector<1x16xf32>,
        %get3A_1028 = vector.shape_cast %get3A_1027 : vector<1x16xf32> to vector<16xf32>
        %mul3A_1029 = vector.broadcast %squeeze3A_1010 : f32 to vector<16xf32>
        %mul3A_1030 = arith.mulf %get3A_1028, %mul3A_1029 : vector<16xf32>
        %add3A_1031 = arith.addf %add3A_997, %mul3A_1030 : vector<16xf32>
        %get3A_1032 = arith.index_cast %add3A_1008 : i32 to index
        %get3A_1033 = arith.constant 48 : index
        %get3A_1034 = tpu.vector_load %arg12[%get3A_1032, %get3A_1033] {strides = array<i32>} : memref<200x64xf32, #tpu.memory_space<vmem>>, vector<1x16xf32>,
        %get3A_1035 = vector.shape_cast %get3A_1034 : vector<1x16xf32> to vector<16xf32>
        %mul3A_1036 = vector.broadcast %squeeze3A_1010 : f32 to vector<16xf32>
        %mul3A_1037 = arith.mulf %get3A_1035, %mul3A_1036 : vector<16xf32>
        %add3A_1038 = arith.addf %add3A_1004, %mul3A_1037 : vector<16xf32>
        %mul3A_1039 = arith.constant 16 : i32
        %mul3A_1040 = arith.muli %scan3A_722, %mul3A_1039 : i32
        %add3A_1041 = arith.constant 9 : i32
        %add3A_1042 = arith.addi %mul3A_1040, %add3A_1041 : i32
        %slice3A_1043 = vector.extract_strided_slice %get3A_732 {offsets = [9], sizes = [1], strides = [1]} : vector<16xf32> to vector<1xf32>
        %squeeze3A_1044 = vector.extract %slice3A_1043[0] : f32 from vector<1xf32>
        %get3A_1045 = arith.index_cast %add3A_1042 : i32 to index
        %get3A_1046 = arith.constant 0 : index
        %get3A_1047 = tpu.vector_load %arg12[%get3A_1045, %get3A_1046] {strides = array<i32>} : memref<200x64xf32, #tpu.memory_space<vmem>>, vector<1x16xf32>,
        %get3A_1048 = vector.shape_cast %get3A_1047 : vector<1x16xf32> to vector<16xf32>
        %mul3A_1049 = vector.broadcast %squeeze3A_1044 : f32 to vector<16xf32>
        %mul3A_1050 = arith.mulf %get3A_1048, %mul3A_1049 : vector<16xf32>
        %add3A_1051 = arith.addf %add3A_1017, %mul3A_1050 : vector<16xf32>
        %get3A_1052 = arith.index_cast %add3A_1042 : i32 to index
        %get3A_1053 = arith.constant 16 : index
        %get3A_1054 = tpu.vector_load %arg12[%get3A_1052, %get3A_1053] {strides = array<i32>} : memref<200x64xf32, #tpu.memory_space<vmem>>, vector<1x16xf32>,
        %get3A_1055 = vector.shape_cast %get3A_1054 : vector<1x16xf32> to vector<16xf32>
        %mul3A_1056 = vector.broadcast %squeeze3A_1044 : f32 to vector<16xf32>
        %mul3A_1057 = arith.mulf %get3A_1055, %mul3A_1056 : vector<16xf32>
        %add3A_1058 = arith.addf %add3A_1024, %mul3A_1057 : vector<16xf32>
        %get3A_1059 = arith.index_cast %add3A_1042 : i32 to index
        %get3A_1060 = arith.constant 32 : index
        %get3A_1061 = tpu.vector_load %arg12[%get3A_1059, %get3A_1060] {strides = array<i32>} : memref<200x64xf32, #tpu.memory_space<vmem>>, vector<1x16xf32>,
        %get3A_1062 = vector.shape_cast %get3A_1061 : vector<1x16xf32> to vector<16xf32>
        %mul3A_1063 = vector.broadcast %squeeze3A_1044 : f32 to vector<16xf32>
        %mul3A_1064 = arith.mulf %get3A_1062, %mul3A_1063 : vector<16xf32>
        %add3A_1065 = arith.addf %add3A_1031, %mul3A_1064 : vector<16xf32>
        %get3A_1066 = arith.index_cast %add3A_1042 : i32 to index
        %get3A_1067 = arith.constant 48 : index
        %get3A_1068 = tpu.vector_load %arg12[%get3A_1066, %get3A_1067] {strides = array<i32>} : memref<200x64xf32, #tpu.memory_space<vmem>>, vector<1x16xf32>,
        %get3A_1069 = vector.shape_cast %get3A_1068 : vector<1x16xf32> to vector<16xf32>
        %mul3A_1070 = vector.broadcast %squeeze3A_1044 : f32 to vector<16xf32>
        %mul3A_1071 = arith.mulf %get3A_1069, %mul3A_1070 : vector<16xf32>
        %add3A_1072 = arith.addf %add3A_1038, %mul3A_1071 : vector<16xf32>
        %mul3A_1073 = arith.constant 16 : i32
        %mul3A_1074 = arith.muli %scan3A_722, %mul3A_1073 : i32
        %add3A_1075 = arith.constant 10 : i32
        %add3A_1076 = arith.addi %mul3A_1074, %add3A_1075 : i32
        %slice3A_1077 = vector.extract_strided_slice %get3A_732 {offsets = [10], sizes = [1], strides = [1]} : vector<16xf32> to vector<1xf32>
        %squeeze3A_1078 = vector.extract %slice3A_1077[0] : f32 from vector<1xf32>
        %get3A_1079 = arith.index_cast %add3A_1076 : i32 to index
        %get3A_1080 = arith.constant 0 : index
        %get3A_1081 = tpu.vector_load %arg12[%get3A_1079, %get3A_1080] {strides = array<i32>} : memref<200x64xf32, #tpu.memory_space<vmem>>, vector<1x16xf32>,
        %get3A_1082 = vector.shape_cast %get3A_1081 : vector<1x16xf32> to vector<16xf32>
        %mul3A_1083 = vector.broadcast %squeeze3A_1078 : f32 to vector<16xf32>
        %mul3A_1084 = arith.mulf %get3A_1082, %mul3A_1083 : vector<16xf32>
        %add3A_1085 = arith.addf %add3A_1051, %mul3A_1084 : vector<16xf32>
        %get3A_1086 = arith.index_cast %add3A_1076 : i32 to index
        %get3A_1087 = arith.constant 16 : index
        %get3A_1088 = tpu.vector_load %arg12[%get3A_1086, %get3A_1087] {strides = array<i32>} : memref<200x64xf32, #tpu.memory_space<vmem>>, vector<1x16xf32>,
        %get3A_1089 = vector.shape_cast %get3A_1088 : vector<1x16xf32> to vector<16xf32>
        %mul3A_1090 = vector.broadcast %squeeze3A_1078 : f32 to vector<16xf32>
        %mul3A_1091 = arith.mulf %get3A_1089, %mul3A_1090 : vector<16xf32>
        %add3A_1092 = arith.addf %add3A_1058, %mul3A_1091 : vector<16xf32>
        %get3A_1093 = arith.index_cast %add3A_1076 : i32 to index
        %get3A_1094 = arith.constant 32 : index
        %get3A_1095 = tpu.vector_load %arg12[%get3A_1093, %get3A_1094] {strides = array<i32>} : memref<200x64xf32, #tpu.memory_space<vmem>>, vector<1x16xf32>,
        %get3A_1096 = vector.shape_cast %get3A_1095 : vector<1x16xf32> to vector<16xf32>
        %mul3A_1097 = vector.broadcast %squeeze3A_1078 : f32 to vector<16xf32>
        %mul3A_1098 = arith.mulf %get3A_1096, %mul3A_1097 : vector<16xf32>
        %add3A_1099 = arith.addf %add3A_1065, %mul3A_1098 : vector<16xf32>
        %get3A_1100 = arith.index_cast %add3A_1076 : i32 to index
        %get3A_1101 = arith.constant 48 : index
        %get3A_1102 = tpu.vector_load %arg12[%get3A_1100, %get3A_1101] {strides = array<i32>} : memref<200x64xf32, #tpu.memory_space<vmem>>, vector<1x16xf32>,
        %get3A_1103 = vector.shape_cast %get3A_1102 : vector<1x16xf32> to vector<16xf32>
        %mul3A_1104 = vector.broadcast %squeeze3A_1078 : f32 to vector<16xf32>
        %mul3A_1105 = arith.mulf %get3A_1103, %mul3A_1104 : vector<16xf32>
        %add3A_1106 = arith.addf %add3A_1072, %mul3A_1105 : vector<16xf32>
        %mul3A_1107 = arith.constant 16 : i32
        %mul3A_1108 = arith.muli %scan3A_722, %mul3A_1107 : i32
        %add3A_1109 = arith.constant 11 : i32
        %add3A_1110 = arith.addi %mul3A_1108, %add3A_1109 : i32
        %slice3A_1111 = vector.extract_strided_slice %get3A_732 {offsets = [11], sizes = [1], strides = [1]} : vector<16xf32> to vector<1xf32>
        %squeeze3A_1112 = vector.extract %slice3A_1111[0] : f32 from vector<1xf32>
        %get3A_1113 = arith.index_cast %add3A_1110 : i32 to index
        %get3A_1114 = arith.constant 0 : index
        %get3A_1115 = tpu.vector_load %arg12[%get3A_1113, %get3A_1114] {strides = array<i32>} : memref<200x64xf32, #tpu.memory_space<vmem>>, vector<1x16xf32>,
        %get3A_1116 = vector.shape_cast %get3A_1115 : vector<1x16xf32> to vector<16xf32>
        %mul3A_1117 = vector.broadcast %squeeze3A_1112 : f32 to vector<16xf32>
        %mul3A_1118 = arith.mulf %get3A_1116, %mul3A_1117 : vector<16xf32>
        %add3A_1119 = arith.addf %add3A_1085, %mul3A_1118 : vector<16xf32>
        %get3A_1120 = arith.index_cast %add3A_1110 : i32 to index
        %get3A_1121 = arith.constant 16 : index
        %get3A_1122 = tpu.vector_load %arg12[%get3A_1120, %get3A_1121] {strides = array<i32>} : memref<200x64xf32, #tpu.memory_space<vmem>>, vector<1x16xf32>,
        %get3A_1123 = vector.shape_cast %get3A_1122 : vector<1x16xf32> to vector<16xf32>
        %mul3A_1124 = vector.broadcast %squeeze3A_1112 : f32 to vector<16xf32>
        %mul3A_1125 = arith.mulf %get3A_1123, %mul3A_1124 : vector<16xf32>
        %add3A_1126 = arith.addf %add3A_1092, %mul3A_1125 : vector<16xf32>
        %get3A_1127 = arith.index_cast %add3A_1110 : i32 to index
        %get3A_1128 = arith.constant 32 : index
        %get3A_1129 = tpu.vector_load %arg12[%get3A_1127, %get3A_1128] {strides = array<i32>} : memref<200x64xf32, #tpu.memory_space<vmem>>, vector<1x16xf32>,
        %get3A_1130 = vector.shape_cast %get3A_1129 : vector<1x16xf32> to vector<16xf32>
        %mul3A_1131 = vector.broadcast %squeeze3A_1112 : f32 to vector<16xf32>
        %mul3A_1132 = arith.mulf %get3A_1130, %mul3A_1131 : vector<16xf32>
        %add3A_1133 = arith.addf %add3A_1099, %mul3A_1132 : vector<16xf32>
        %get3A_1134 = arith.index_cast %add3A_1110 : i32 to index
        %get3A_1135 = arith.constant 48 : index
        %get3A_1136 = tpu.vector_load %arg12[%get3A_1134, %get3A_1135] {strides = array<i32>} : memref<200x64xf32, #tpu.memory_space<vmem>>, vector<1x16xf32>,
        %get3A_1137 = vector.shape_cast %get3A_1136 : vector<1x16xf32> to vector<16xf32>
        %mul3A_1138 = vector.broadcast %squeeze3A_1112 : f32 to vector<16xf32>
        %mul3A_1139 = arith.mulf %get3A_1137, %mul3A_1138 : vector<16xf32>
        %add3A_1140 = arith.addf %add3A_1106, %mul3A_1139 : vector<16xf32>
        %mul3A_1141 = arith.constant 16 : i32
        %mul3A_1142 = arith.muli %scan3A_722, %mul3A_1141 : i32
        %add3A_1143 = arith.constant 12 : i32
        %add3A_1144 = arith.addi %mul3A_1142, %add3A_1143 : i32
        %slice3A_1145 = vector.extract_strided_slice %get3A_732 {offsets = [12], sizes = [1], strides = [1]} : vector<16xf32> to vector<1xf32>
        %squeeze3A_1146 = vector.extract %slice3A_1145[0] : f32 from vector<1xf32>
        %get3A_1147 = arith.index_cast %add3A_1144 : i32 to index
        %get3A_1148 = arith.constant 0 : index
        %get3A_1149 = tpu.vector_load %arg12[%get3A_1147, %get3A_1148] {strides = array<i32>} : memref<200x64xf32, #tpu.memory_space<vmem>>, vector<1x16xf32>,
        %get3A_1150 = vector.shape_cast %get3A_1149 : vector<1x16xf32> to vector<16xf32>
        %mul3A_1151 = vector.broadcast %squeeze3A_1146 : f32 to vector<16xf32>
        %mul3A_1152 = arith.mulf %get3A_1150, %mul3A_1151 : vector<16xf32>
        %add3A_1153 = arith.addf %add3A_1119, %mul3A_1152 : vector<16xf32>
        %get3A_1154 = arith.index_cast %add3A_1144 : i32 to index
        %get3A_1155 = arith.constant 16 : index
        %get3A_1156 = tpu.vector_load %arg12[%get3A_1154, %get3A_1155] {strides = array<i32>} : memref<200x64xf32, #tpu.memory_space<vmem>>, vector<1x16xf32>,
        %get3A_1157 = vector.shape_cast %get3A_1156 : vector<1x16xf32> to vector<16xf32>
        %mul3A_1158 = vector.broadcast %squeeze3A_1146 : f32 to vector<16xf32>
        %mul3A_1159 = arith.mulf %get3A_1157, %mul3A_1158 : vector<16xf32>
        %add3A_1160 = arith.addf %add3A_1126, %mul3A_1159 : vector<16xf32>
        %get3A_1161 = arith.index_cast %add3A_1144 : i32 to index
        %get3A_1162 = arith.constant 32 : index
        %get3A_1163 = tpu.vector_load %arg12[%get3A_1161, %get3A_1162] {strides = array<i32>} : memref<200x64xf32, #tpu.memory_space<vmem>>, vector<1x16xf32>,
        %get3A_1164 = vector.shape_cast %get3A_1163 : vector<1x16xf32> to vector<16xf32>
        %mul3A_1165 = vector.broadcast %squeeze3A_1146 : f32 to vector<16xf32>
        %mul3A_1166 = arith.mulf %get3A_1164, %mul3A_1165 : vector<16xf32>
        %add3A_1167 = arith.addf %add3A_1133, %mul3A_1166 : vector<16xf32>
        %get3A_1168 = arith.index_cast %add3A_1144 : i32 to index
        %get3A_1169 = arith.constant 48 : index
        %get3A_1170 = tpu.vector_load %arg12[%get3A_1168, %get3A_1169] {strides = array<i32>} : memref<200x64xf32, #tpu.memory_space<vmem>>, vector<1x16xf32>,
        %get3A_1171 = vector.shape_cast %get3A_1170 : vector<1x16xf32> to vector<16xf32>
        %mul3A_1172 = vector.broadcast %squeeze3A_1146 : f32 to vector<16xf32>
        %mul3A_1173 = arith.mulf %get3A_1171, %mul3A_1172 : vector<16xf32>
        %add3A_1174 = arith.addf %add3A_1140, %mul3A_1173 : vector<16xf32>
        %mul3A_1175 = arith.constant 16 : i32
        %mul3A_1176 = arith.muli %scan3A_722, %mul3A_1175 : i32
        %add3A_1177 = arith.constant 13 : i32
        %add3A_1178 = arith.addi %mul3A_1176, %add3A_1177 : i32
        %slice3A_1179 = vector.extract_strided_slice %get3A_732 {offsets = [13], sizes = [1], strides = [1]} : vector<16xf32> to vector<1xf32>
        %squeeze3A_1180 = vector.extract %slice3A_1179[0] : f32 from vector<1xf32>
        %get3A_1181 = arith.index_cast %add3A_1178 : i32 to index
        %get3A_1182 = arith.constant 0 : index
        %get3A_1183 = tpu.vector_load %arg12[%get3A_1181, %get3A_1182] {strides = array<i32>} : memref<200x64xf32, #tpu.memory_space<vmem>>, vector<1x16xf32>,
        %get3A_1184 = vector.shape_cast %get3A_1183 : vector<1x16xf32> to vector<16xf32>
        %mul3A_1185 = vector.broadcast %squeeze3A_1180 : f32 to vector<16xf32>
        %mul3A_1186 = arith.mulf %get3A_1184, %mul3A_1185 : vector<16xf32>
        %add3A_1187 = arith.addf %add3A_1153, %mul3A_1186 : vector<16xf32>
        %get3A_1188 = arith.index_cast %add3A_1178 : i32 to index
        %get3A_1189 = arith.constant 16 : index
        %get3A_1190 = tpu.vector_load %arg12[%get3A_1188, %get3A_1189] {strides = array<i32>} : memref<200x64xf32, #tpu.memory_space<vmem>>, vector<1x16xf32>,
        %get3A_1191 = vector.shape_cast %get3A_1190 : vector<1x16xf32> to vector<16xf32>
        %mul3A_1192 = vector.broadcast %squeeze3A_1180 : f32 to vector<16xf32>
        %mul3A_1193 = arith.mulf %get3A_1191, %mul3A_1192 : vector<16xf32>
        %add3A_1194 = arith.addf %add3A_1160, %mul3A_1193 : vector<16xf32>
        %get3A_1195 = arith.index_cast %add3A_1178 : i32 to index
        %get3A_1196 = arith.constant 32 : index
        %get3A_1197 = tpu.vector_load %arg12[%get3A_1195, %get3A_1196] {strides = array<i32>} : memref<200x64xf32, #tpu.memory_space<vmem>>, vector<1x16xf32>,
        %get3A_1198 = vector.shape_cast %get3A_1197 : vector<1x16xf32> to vector<16xf32>
        %mul3A_1199 = vector.broadcast %squeeze3A_1180 : f32 to vector<16xf32>
        %mul3A_1200 = arith.mulf %get3A_1198, %mul3A_1199 : vector<16xf32>
        %add3A_1201 = arith.addf %add3A_1167, %mul3A_1200 : vector<16xf32>
        %get3A_1202 = arith.index_cast %add3A_1178 : i32 to index
        %get3A_1203 = arith.constant 48 : index
        %get3A_1204 = tpu.vector_load %arg12[%get3A_1202, %get3A_1203] {strides = array<i32>} : memref<200x64xf32, #tpu.memory_space<vmem>>, vector<1x16xf32>,
        %get3A_1205 = vector.shape_cast %get3A_1204 : vector<1x16xf32> to vector<16xf32>
        %mul3A_1206 = vector.broadcast %squeeze3A_1180 : f32 to vector<16xf32>
        %mul3A_1207 = arith.mulf %get3A_1205, %mul3A_1206 : vector<16xf32>
        %add3A_1208 = arith.addf %add3A_1174, %mul3A_1207 : vector<16xf32>
        %mul3A_1209 = arith.constant 16 : i32
        %mul3A_1210 = arith.muli %scan3A_722, %mul3A_1209 : i32
        %add3A_1211 = arith.constant 14 : i32
        %add3A_1212 = arith.addi %mul3A_1210, %add3A_1211 : i32
        %slice3A_1213 = vector.extract_strided_slice %get3A_732 {offsets = [14], sizes = [1], strides = [1]} : vector<16xf32> to vector<1xf32>
        %squeeze3A_1214 = vector.extract %slice3A_1213[0] : f32 from vector<1xf32>
        %get3A_1215 = arith.index_cast %add3A_1212 : i32 to index
        %get3A_1216 = arith.constant 0 : index
        %get3A_1217 = tpu.vector_load %arg12[%get3A_1215, %get3A_1216] {strides = array<i32>} : memref<200x64xf32, #tpu.memory_space<vmem>>, vector<1x16xf32>,
        %get3A_1218 = vector.shape_cast %get3A_1217 : vector<1x16xf32> to vector<16xf32>
        %mul3A_1219 = vector.broadcast %squeeze3A_1214 : f32 to vector<16xf32>
        %mul3A_1220 = arith.mulf %get3A_1218, %mul3A_1219 : vector<16xf32>
        %add3A_1221 = arith.addf %add3A_1187, %mul3A_1220 : vector<16xf32>
        %get3A_1222 = arith.index_cast %add3A_1212 : i32 to index
        %get3A_1223 = arith.constant 16 : index
        %get3A_1224 = tpu.vector_load %arg12[%get3A_1222, %get3A_1223] {strides = array<i32>} : memref<200x64xf32, #tpu.memory_space<vmem>>, vector<1x16xf32>,
        %get3A_1225 = vector.shape_cast %get3A_1224 : vector<1x16xf32> to vector<16xf32>
        %mul3A_1226 = vector.broadcast %squeeze3A_1214 : f32 to vector<16xf32>
        %mul3A_1227 = arith.mulf %get3A_1225, %mul3A_1226 : vector<16xf32>
        %add3A_1228 = arith.addf %add3A_1194, %mul3A_1227 : vector<16xf32>
        %get3A_1229 = arith.index_cast %add3A_1212 : i32 to index
        %get3A_1230 = arith.constant 32 : index
        %get3A_1231 = tpu.vector_load %arg12[%get3A_1229, %get3A_1230] {strides = array<i32>} : memref<200x64xf32, #tpu.memory_space<vmem>>, vector<1x16xf32>,
        %get3A_1232 = vector.shape_cast %get3A_1231 : vector<1x16xf32> to vector<16xf32>
        %mul3A_1233 = vector.broadcast %squeeze3A_1214 : f32 to vector<16xf32>
        %mul3A_1234 = arith.mulf %get3A_1232, %mul3A_1233 : vector<16xf32>
        %add3A_1235 = arith.addf %add3A_1201, %mul3A_1234 : vector<16xf32>
        %get3A_1236 = arith.index_cast %add3A_1212 : i32 to index
        %get3A_1237 = arith.constant 48 : index
        %get3A_1238 = tpu.vector_load %arg12[%get3A_1236, %get3A_1237] {strides = array<i32>} : memref<200x64xf32, #tpu.memory_space<vmem>>, vector<1x16xf32>,
        %get3A_1239 = vector.shape_cast %get3A_1238 : vector<1x16xf32> to vector<16xf32>
        %mul3A_1240 = vector.broadcast %squeeze3A_1214 : f32 to vector<16xf32>
        %mul3A_1241 = arith.mulf %get3A_1239, %mul3A_1240 : vector<16xf32>
        %add3A_1242 = arith.addf %add3A_1208, %mul3A_1241 : vector<16xf32>
        %mul3A_1243 = arith.constant 16 : i32
        %mul3A_1244 = arith.muli %scan3A_722, %mul3A_1243 : i32
        %add3A_1245 = arith.constant 15 : i32
        %add3A_1246 = arith.addi %mul3A_1244, %add3A_1245 : i32
        %slice3A_1247 = vector.extract_strided_slice %get3A_732 {offsets = [15], sizes = [1], strides = [1]} : vector<16xf32> to vector<1xf32>
        %squeeze3A_1248 = vector.extract %slice3A_1247[0] : f32 from vector<1xf32>
        %get3A_1249 = arith.index_cast %add3A_1246 : i32 to index
        %get3A_1250 = arith.constant 0 : index
        %get3A_1251 = tpu.vector_load %arg12[%get3A_1249, %get3A_1250] {strides = array<i32>} : memref<200x64xf32, #tpu.memory_space<vmem>>, vector<1x16xf32>,
        %get3A_1252 = vector.shape_cast %get3A_1251 : vector<1x16xf32> to vector<16xf32>
        %mul3A_1253 = vector.broadcast %squeeze3A_1248 : f32 to vector<16xf32>
        %mul3A_1254 = arith.mulf %get3A_1252, %mul3A_1253 : vector<16xf32>
        %add3A_1255 = arith.addf %add3A_1221, %mul3A_1254 : vector<16xf32>
        %get3A_1256 = arith.index_cast %add3A_1246 : i32 to index
        %get3A_1257 = arith.constant 16 : index
        %get3A_1258 = tpu.vector_load %arg12[%get3A_1256, %get3A_1257] {strides = array<i32>} : memref<200x64xf32, #tpu.memory_space<vmem>>, vector<1x16xf32>,
        %get3A_1259 = vector.shape_cast %get3A_1258 : vector<1x16xf32> to vector<16xf32>
        %mul3A_1260 = vector.broadcast %squeeze3A_1248 : f32 to vector<16xf32>
        %mul3A_1261 = arith.mulf %get3A_1259, %mul3A_1260 : vector<16xf32>
        %add3A_1262 = arith.addf %add3A_1228, %mul3A_1261 : vector<16xf32>
        %get3A_1263 = arith.index_cast %add3A_1246 : i32 to index
        %get3A_1264 = arith.constant 32 : index
        %get3A_1265 = tpu.vector_load %arg12[%get3A_1263, %get3A_1264] {strides = array<i32>} : memref<200x64xf32, #tpu.memory_space<vmem>>, vector<1x16xf32>,
        %get3A_1266 = vector.shape_cast %get3A_1265 : vector<1x16xf32> to vector<16xf32>
        %mul3A_1267 = vector.broadcast %squeeze3A_1248 : f32 to vector<16xf32>
        %mul3A_1268 = arith.mulf %get3A_1266, %mul3A_1267 : vector<16xf32>
        %add3A_1269 = arith.addf %add3A_1235, %mul3A_1268 : vector<16xf32>
        %get3A_1270 = arith.index_cast %add3A_1246 : i32 to index
        %get3A_1271 = arith.constant 48 : index
        %get3A_1272 = tpu.vector_load %arg12[%get3A_1270, %get3A_1271] {strides = array<i32>} : memref<200x64xf32, #tpu.memory_space<vmem>>, vector<1x16xf32>,
        %get3A_1273 = vector.shape_cast %get3A_1272 : vector<1x16xf32> to vector<16xf32>
        %mul3A_1274 = vector.broadcast %squeeze3A_1248 : f32 to vector<16xf32>
        %mul3A_1275 = arith.mulf %get3A_1273, %mul3A_1274 : vector<16xf32>
        %add3A_1276 = arith.addf %add3A_1242, %mul3A_1275 : vector<16xf32>
        scf.yield %add3A_1255, %add3A_1262, %add3A_1269, %add3A_1276 : vector<16xf32>, vector<16xf32>, vector<16xf32>, vector<16xf32>
      }
      %scan3A_425 = arith.constant 12 : i32
      %get3A_426 = arith.index_cast %add3A_417 : i32 to index
      %get3A_427 = arith.constant 184 : index
      %get3A_428 = tpu.vector_load %arg10[%get3A_426, %get3A_427] {strides = array<i32>} : memref<128x200xf32, #tpu.memory_space<vmem>>, vector<1x16xf32>,
      %get3A_429 = vector.shape_cast %get3A_428 : vector<1x16xf32> to vector<16xf32>
      %slice3A_430 = vector.extract_strided_slice %get3A_429 {offsets = [8], sizes = [1], strides = [1]} : vector<16xf32> to vector<1xf32>
      %squeeze3A_431 = vector.extract %slice3A_430[0] : f32 from vector<1xf32>
      %get3A_432 = arith.constant 192 : i32
      %get3A_433 = arith.index_cast %get3A_432 : i32 to index
      %get3A_434 = arith.constant 0 : index
      %get3A_435 = tpu.vector_load %arg12[%get3A_433, %get3A_434] {strides = array<i32>} : memref<200x64xf32, #tpu.memory_space<vmem>>, vector<1x16xf32>,
      %get3A_436 = vector.shape_cast %get3A_435 : vector<1x16xf32> to vector<16xf32>
      %mul3A_437 = vector.broadcast %squeeze3A_431 : f32 to vector<16xf32>
      %mul3A_438 = arith.mulf %get3A_436, %mul3A_437 : vector<16xf32>
      %add3A_439 = arith.addf %scan3A_424#0, %mul3A_438 : vector<16xf32>
      %get3A_440 = arith.constant 192 : i32
      %get3A_441 = arith.index_cast %get3A_440 : i32 to index
      %get3A_442 = arith.constant 16 : index
      %get3A_443 = tpu.vector_load %arg12[%get3A_441, %get3A_442] {strides = array<i32>} : memref<200x64xf32, #tpu.memory_space<vmem>>, vector<1x16xf32>,
      %get3A_444 = vector.shape_cast %get3A_443 : vector<1x16xf32> to vector<16xf32>
      %mul3A_445 = vector.broadcast %squeeze3A_431 : f32 to vector<16xf32>
      %mul3A_446 = arith.mulf %get3A_444, %mul3A_445 : vector<16xf32>
      %add3A_447 = arith.addf %scan3A_424#1, %mul3A_446 : vector<16xf32>
      %get3A_448 = arith.constant 192 : i32
      %get3A_449 = arith.index_cast %get3A_448 : i32 to index
      %get3A_450 = arith.constant 32 : index
      %get3A_451 = tpu.vector_load %arg12[%get3A_449, %get3A_450] {strides = array<i32>} : memref<200x64xf32, #tpu.memory_space<vmem>>, vector<1x16xf32>,
      %get3A_452 = vector.shape_cast %get3A_451 : vector<1x16xf32> to vector<16xf32>
      %mul3A_453 = vector.broadcast %squeeze3A_431 : f32 to vector<16xf32>
      %mul3A_454 = arith.mulf %get3A_452, %mul3A_453 : vector<16xf32>
      %add3A_455 = arith.addf %scan3A_424#2, %mul3A_454 : vector<16xf32>
      %get3A_456 = arith.constant 192 : i32
      %get3A_457 = arith.index_cast %get3A_456 : i32 to index
      %get3A_458 = arith.constant 48 : index
      %get3A_459 = tpu.vector_load %arg12[%get3A_457, %get3A_458] {strides = array<i32>} : memref<200x64xf32, #tpu.memory_space<vmem>>, vector<1x16xf32>,
      %get3A_460 = vector.shape_cast %get3A_459 : vector<1x16xf32> to vector<16xf32>
      %mul3A_461 = vector.broadcast %squeeze3A_431 : f32 to vector<16xf32>
      %mul3A_462 = arith.mulf %get3A_460, %mul3A_461 : vector<16xf32>
      %add3A_463 = arith.addf %scan3A_424#3, %mul3A_462 : vector<16xf32>
      %slice3A_464 = vector.extract_strided_slice %get3A_429 {offsets = [9], sizes = [1], strides = [1]} : vector<16xf32> to vector<1xf32>
      %squeeze3A_465 = vector.extract %slice3A_464[0] : f32 from vector<1xf32>
      %get3A_466 = arith.constant 193 : i32
      %get3A_467 = arith.index_cast %get3A_466 : i32 to index
      %get3A_468 = arith.constant 0 : index
      %get3A_469 = tpu.vector_load %arg12[%get3A_467, %get3A_468] {strides = array<i32>} : memref<200x64xf32, #tpu.memory_space<vmem>>, vector<1x16xf32>,
      %get3A_470 = vector.shape_cast %get3A_469 : vector<1x16xf32> to vector<16xf32>
      %mul3A_471 = vector.broadcast %squeeze3A_465 : f32 to vector<16xf32>
      %mul3A_472 = arith.mulf %get3A_470, %mul3A_471 : vector<16xf32>
      %add3A_473 = arith.addf %add3A_439, %mul3A_472 : vector<16xf32>
      %get3A_474 = arith.constant 193 : i32
      %get3A_475 = arith.index_cast %get3A_474 : i32 to index
      %get3A_476 = arith.constant 16 : index
      %get3A_477 = tpu.vector_load %arg12[%get3A_475, %get3A_476] {strides = array<i32>} : memref<200x64xf32, #tpu.memory_space<vmem>>, vector<1x16xf32>,
      %get3A_478 = vector.shape_cast %get3A_477 : vector<1x16xf32> to vector<16xf32>
      %mul3A_479 = vector.broadcast %squeeze3A_465 : f32 to vector<16xf32>
      %mul3A_480 = arith.mulf %get3A_478, %mul3A_479 : vector<16xf32>
      %add3A_481 = arith.addf %add3A_447, %mul3A_480 : vector<16xf32>
      %get3A_482 = arith.constant 193 : i32
      %get3A_483 = arith.index_cast %get3A_482 : i32 to index
      %get3A_484 = arith.constant 32 : index
      %get3A_485 = tpu.vector_load %arg12[%get3A_483, %get3A_484] {strides = array<i32>} : memref<200x64xf32, #tpu.memory_space<vmem>>, vector<1x16xf32>,
      %get3A_486 = vector.shape_cast %get3A_485 : vector<1x16xf32> to vector<16xf32>
      %mul3A_487 = vector.broadcast %squeeze3A_465 : f32 to vector<16xf32>
      %mul3A_488 = arith.mulf %get3A_486, %mul3A_487 : vector<16xf32>
      %add3A_489 = arith.addf %add3A_455, %mul3A_488 : vector<16xf32>
      %get3A_490 = arith.constant 193 : i32
      %get3A_491 = arith.index_cast %get3A_490 : i32 to index
      %get3A_492 = arith.constant 48 : index
      %get3A_493 = tpu.vector_load %arg12[%get3A_491, %get3A_492] {strides = array<i32>} : memref<200x64xf32, #tpu.memory_space<vmem>>, vector<1x16xf32>,
      %get3A_494 = vector.shape_cast %get3A_493 : vector<1x16xf32> to vector<16xf32>
      %mul3A_495 = vector.broadcast %squeeze3A_465 : f32 to vector<16xf32>
      %mul3A_496 = arith.mulf %get3A_494, %mul3A_495 : vector<16xf32>
      %add3A_497 = arith.addf %add3A_463, %mul3A_496 : vector<16xf32>
      %slice3A_498 = vector.extract_strided_slice %get3A_429 {offsets = [10], sizes = [1], strides = [1]} : vector<16xf32> to vector<1xf32>
      %squeeze3A_499 = vector.extract %slice3A_498[0] : f32 from vector<1xf32>
      %get3A_500 = arith.constant 194 : i32
      %get3A_501 = arith.index_cast %get3A_500 : i32 to index
      %get3A_502 = arith.constant 0 : index
      %get3A_503 = tpu.vector_load %arg12[%get3A_501, %get3A_502] {strides = array<i32>} : memref<200x64xf32, #tpu.memory_space<vmem>>, vector<1x16xf32>,
      %get3A_504 = vector.shape_cast %get3A_503 : vector<1x16xf32> to vector<16xf32>
      %mul3A_505 = vector.broadcast %squeeze3A_499 : f32 to vector<16xf32>
      %mul3A_506 = arith.mulf %get3A_504, %mul3A_505 : vector<16xf32>
      %add3A_507 = arith.addf %add3A_473, %mul3A_506 : vector<16xf32>
      %get3A_508 = arith.constant 194 : i32
      %get3A_509 = arith.index_cast %get3A_508 : i32 to index
      %get3A_510 = arith.constant 16 : index
      %get3A_511 = tpu.vector_load %arg12[%get3A_509, %get3A_510] {strides = array<i32>} : memref<200x64xf32, #tpu.memory_space<vmem>>, vector<1x16xf32>,
      %get3A_512 = vector.shape_cast %get3A_511 : vector<1x16xf32> to vector<16xf32>
      %mul3A_513 = vector.broadcast %squeeze3A_499 : f32 to vector<16xf32>
      %mul3A_514 = arith.mulf %get3A_512, %mul3A_513 : vector<16xf32>
      %add3A_515 = arith.addf %add3A_481, %mul3A_514 : vector<16xf32>
      %get3A_516 = arith.constant 194 : i32
      %get3A_517 = arith.index_cast %get3A_516 : i32 to index
      %get3A_518 = arith.constant 32 : index
      %get3A_519 = tpu.vector_load %arg12[%get3A_517, %get3A_518] {strides = array<i32>} : memref<200x64xf32, #tpu.memory_space<vmem>>, vector<1x16xf32>,
      %get3A_520 = vector.shape_cast %get3A_519 : vector<1x16xf32> to vector<16xf32>
      %mul3A_521 = vector.broadcast %squeeze3A_499 : f32 to vector<16xf32>
      %mul3A_522 = arith.mulf %get3A_520, %mul3A_521 : vector<16xf32>
      %add3A_523 = arith.addf %add3A_489, %mul3A_522 : vector<16xf32>
      %get3A_524 = arith.constant 194 : i32
      %get3A_525 = arith.index_cast %get3A_524 : i32 to index
      %get3A_526 = arith.constant 48 : index
      %get3A_527 = tpu.vector_load %arg12[%get3A_525, %get3A_526] {strides = array<i32>} : memref<200x64xf32, #tpu.memory_space<vmem>>, vector<1x16xf32>,
      %get3A_528 = vector.shape_cast %get3A_527 : vector<1x16xf32> to vector<16xf32>
      %mul3A_529 = vector.broadcast %squeeze3A_499 : f32 to vector<16xf32>
      %mul3A_530 = arith.mulf %get3A_528, %mul3A_529 : vector<16xf32>
      %add3A_531 = arith.addf %add3A_497, %mul3A_530 : vector<16xf32>
      %slice3A_532 = vector.extract_strided_slice %get3A_429 {offsets = [11], sizes = [1], strides = [1]} : vector<16xf32> to vector<1xf32>
      %squeeze3A_533 = vector.extract %slice3A_532[0] : f32 from vector<1xf32>
      %get3A_534 = arith.constant 195 : i32
      %get3A_535 = arith.index_cast %get3A_534 : i32 to index
      %get3A_536 = arith.constant 0 : index
      %get3A_537 = tpu.vector_load %arg12[%get3A_535, %get3A_536] {strides = array<i32>} : memref<200x64xf32, #tpu.memory_space<vmem>>, vector<1x16xf32>,
      %get3A_538 = vector.shape_cast %get3A_537 : vector<1x16xf32> to vector<16xf32>
      %mul3A_539 = vector.broadcast %squeeze3A_533 : f32 to vector<16xf32>
      %mul3A_540 = arith.mulf %get3A_538, %mul3A_539 : vector<16xf32>
      %add3A_541 = arith.addf %add3A_507, %mul3A_540 : vector<16xf32>
      %get3A_542 = arith.constant 195 : i32
      %get3A_543 = arith.index_cast %get3A_542 : i32 to index
      %get3A_544 = arith.constant 16 : index
      %get3A_545 = tpu.vector_load %arg12[%get3A_543, %get3A_544] {strides = array<i32>} : memref<200x64xf32, #tpu.memory_space<vmem>>, vector<1x16xf32>,
      %get3A_546 = vector.shape_cast %get3A_545 : vector<1x16xf32> to vector<16xf32>
      %mul3A_547 = vector.broadcast %squeeze3A_533 : f32 to vector<16xf32>
      %mul3A_548 = arith.mulf %get3A_546, %mul3A_547 : vector<16xf32>
      %add3A_549 = arith.addf %add3A_515, %mul3A_548 : vector<16xf32>
      %get3A_550 = arith.constant 195 : i32
      %get3A_551 = arith.index_cast %get3A_550 : i32 to index
      %get3A_552 = arith.constant 32 : index
      %get3A_553 = tpu.vector_load %arg12[%get3A_551, %get3A_552] {strides = array<i32>} : memref<200x64xf32, #tpu.memory_space<vmem>>, vector<1x16xf32>,
      %get3A_554 = vector.shape_cast %get3A_553 : vector<1x16xf32> to vector<16xf32>
      %mul3A_555 = vector.broadcast %squeeze3A_533 : f32 to vector<16xf32>
      %mul3A_556 = arith.mulf %get3A_554, %mul3A_555 : vector<16xf32>
      %add3A_557 = arith.addf %add3A_523, %mul3A_556 : vector<16xf32>
      %get3A_558 = arith.constant 195 : i32
      %get3A_559 = arith.index_cast %get3A_558 : i32 to index
      %get3A_560 = arith.constant 48 : index
      %get3A_561 = tpu.vector_load %arg12[%get3A_559, %get3A_560] {strides = array<i32>} : memref<200x64xf32, #tpu.memory_space<vmem>>, vector<1x16xf32>,
      %get3A_562 = vector.shape_cast %get3A_561 : vector<1x16xf32> to vector<16xf32>
      %mul3A_563 = vector.broadcast %squeeze3A_533 : f32 to vector<16xf32>
      %mul3A_564 = arith.mulf %get3A_562, %mul3A_563 : vector<16xf32>
      %add3A_565 = arith.addf %add3A_531, %mul3A_564 : vector<16xf32>
      %slice3A_566 = vector.extract_strided_slice %get3A_429 {offsets = [12], sizes = [1], strides = [1]} : vector<16xf32> to vector<1xf32>
      %squeeze3A_567 = vector.extract %slice3A_566[0] : f32 from vector<1xf32>
      %get3A_568 = arith.constant 196 : i32
      %get3A_569 = arith.index_cast %get3A_568 : i32 to index
      %get3A_570 = arith.constant 0 : index
      %get3A_571 = tpu.vector_load %arg12[%get3A_569, %get3A_570] {strides = array<i32>} : memref<200x64xf32, #tpu.memory_space<vmem>>, vector<1x16xf32>,
      %get3A_572 = vector.shape_cast %get3A_571 : vector<1x16xf32> to vector<16xf32>
      %mul3A_573 = vector.broadcast %squeeze3A_567 : f32 to vector<16xf32>
      %mul3A_574 = arith.mulf %get3A_572, %mul3A_573 : vector<16xf32>
      %add3A_575 = arith.addf %add3A_541, %mul3A_574 : vector<16xf32>
      %get3A_576 = arith.constant 196 : i32
      %get3A_577 = arith.index_cast %get3A_576 : i32 to index
      %get3A_578 = arith.constant 16 : index
      %get3A_579 = tpu.vector_load %arg12[%get3A_577, %get3A_578] {strides = array<i32>} : memref<200x64xf32, #tpu.memory_space<vmem>>, vector<1x16xf32>,
      %get3A_580 = vector.shape_cast %get3A_579 : vector<1x16xf32> to vector<16xf32>
      %mul3A_581 = vector.broadcast %squeeze3A_567 : f32 to vector<16xf32>
      %mul3A_582 = arith.mulf %get3A_580, %mul3A_581 : vector<16xf32>
      %add3A_583 = arith.addf %add3A_549, %mul3A_582 : vector<16xf32>
      %get3A_584 = arith.constant 196 : i32
      %get3A_585 = arith.index_cast %get3A_584 : i32 to index
      %get3A_586 = arith.constant 32 : index
      %get3A_587 = tpu.vector_load %arg12[%get3A_585, %get3A_586] {strides = array<i32>} : memref<200x64xf32, #tpu.memory_space<vmem>>, vector<1x16xf32>,
      %get3A_588 = vector.shape_cast %get3A_587 : vector<1x16xf32> to vector<16xf32>
      %mul3A_589 = vector.broadcast %squeeze3A_567 : f32 to vector<16xf32>
      %mul3A_590 = arith.mulf %get3A_588, %mul3A_589 : vector<16xf32>
      %add3A_591 = arith.addf %add3A_557, %mul3A_590 : vector<16xf32>
      %get3A_592 = arith.constant 196 : i32
      %get3A_593 = arith.index_cast %get3A_592 : i32 to index
      %get3A_594 = arith.constant 48 : index
      %get3A_595 = tpu.vector_load %arg12[%get3A_593, %get3A_594] {strides = array<i32>} : memref<200x64xf32, #tpu.memory_space<vmem>>, vector<1x16xf32>,
      %get3A_596 = vector.shape_cast %get3A_595 : vector<1x16xf32> to vector<16xf32>
      %mul3A_597 = vector.broadcast %squeeze3A_567 : f32 to vector<16xf32>
      %mul3A_598 = arith.mulf %get3A_596, %mul3A_597 : vector<16xf32>
      %add3A_599 = arith.addf %add3A_565, %mul3A_598 : vector<16xf32>
      %slice3A_600 = vector.extract_strided_slice %get3A_429 {offsets = [13], sizes = [1], strides = [1]} : vector<16xf32> to vector<1xf32>
      %squeeze3A_601 = vector.extract %slice3A_600[0] : f32 from vector<1xf32>
      %get3A_602 = arith.constant 197 : i32
      %get3A_603 = arith.index_cast %get3A_602 : i32 to index
      %get3A_604 = arith.constant 0 : index
      %get3A_605 = tpu.vector_load %arg12[%get3A_603, %get3A_604] {strides = array<i32>} : memref<200x64xf32, #tpu.memory_space<vmem>>, vector<1x16xf32>,
      %get3A_606 = vector.shape_cast %get3A_605 : vector<1x16xf32> to vector<16xf32>
      %mul3A_607 = vector.broadcast %squeeze3A_601 : f32 to vector<16xf32>
      %mul3A_608 = arith.mulf %get3A_606, %mul3A_607 : vector<16xf32>
      %add3A_609 = arith.addf %add3A_575, %mul3A_608 : vector<16xf32>
      %get3A_610 = arith.constant 197 : i32
      %get3A_611 = arith.index_cast %get3A_610 : i32 to index
      %get3A_612 = arith.constant 16 : index
      %get3A_613 = tpu.vector_load %arg12[%get3A_611, %get3A_612] {strides = array<i32>} : memref<200x64xf32, #tpu.memory_space<vmem>>, vector<1x16xf32>,
      %get3A_614 = vector.shape_cast %get3A_613 : vector<1x16xf32> to vector<16xf32>
      %mul3A_615 = vector.broadcast %squeeze3A_601 : f32 to vector<16xf32>
      %mul3A_616 = arith.mulf %get3A_614, %mul3A_615 : vector<16xf32>
      %add3A_617 = arith.addf %add3A_583, %mul3A_616 : vector<16xf32>
      %get3A_618 = arith.constant 197 : i32
      %get3A_619 = arith.index_cast %get3A_618 : i32 to index
      %get3A_620 = arith.constant 32 : index
      %get3A_621 = tpu.vector_load %arg12[%get3A_619, %get3A_620] {strides = array<i32>} : memref<200x64xf32, #tpu.memory_space<vmem>>, vector<1x16xf32>,
      %get3A_622 = vector.shape_cast %get3A_621 : vector<1x16xf32> to vector<16xf32>
      %mul3A_623 = vector.broadcast %squeeze3A_601 : f32 to vector<16xf32>
      %mul3A_624 = arith.mulf %get3A_622, %mul3A_623 : vector<16xf32>
      %add3A_625 = arith.addf %add3A_591, %mul3A_624 : vector<16xf32>
      %get3A_626 = arith.constant 197 : i32
      %get3A_627 = arith.index_cast %get3A_626 : i32 to index
      %get3A_628 = arith.constant 48 : index
      %get3A_629 = tpu.vector_load %arg12[%get3A_627, %get3A_628] {strides = array<i32>} : memref<200x64xf32, #tpu.memory_space<vmem>>, vector<1x16xf32>,
      %get3A_630 = vector.shape_cast %get3A_629 : vector<1x16xf32> to vector<16xf32>
      %mul3A_631 = vector.broadcast %squeeze3A_601 : f32 to vector<16xf32>
      %mul3A_632 = arith.mulf %get3A_630, %mul3A_631 : vector<16xf32>
      %add3A_633 = arith.addf %add3A_599, %mul3A_632 : vector<16xf32>
      %slice3A_634 = vector.extract_strided_slice %get3A_429 {offsets = [14], sizes = [1], strides = [1]} : vector<16xf32> to vector<1xf32>
      %squeeze3A_635 = vector.extract %slice3A_634[0] : f32 from vector<1xf32>
      %get3A_636 = arith.constant 198 : i32
      %get3A_637 = arith.index_cast %get3A_636 : i32 to index
      %get3A_638 = arith.constant 0 : index
      %get3A_639 = tpu.vector_load %arg12[%get3A_637, %get3A_638] {strides = array<i32>} : memref<200x64xf32, #tpu.memory_space<vmem>>, vector<1x16xf32>,
      %get3A_640 = vector.shape_cast %get3A_639 : vector<1x16xf32> to vector<16xf32>
      %mul3A_641 = vector.broadcast %squeeze3A_635 : f32 to vector<16xf32>
      %mul3A_642 = arith.mulf %get3A_640, %mul3A_641 : vector<16xf32>
      %add3A_643 = arith.addf %add3A_609, %mul3A_642 : vector<16xf32>
      %get3A_644 = arith.constant 198 : i32
      %get3A_645 = arith.index_cast %get3A_644 : i32 to index
      %get3A_646 = arith.constant 16 : index
      %get3A_647 = tpu.vector_load %arg12[%get3A_645, %get3A_646] {strides = array<i32>} : memref<200x64xf32, #tpu.memory_space<vmem>>, vector<1x16xf32>,
      %get3A_648 = vector.shape_cast %get3A_647 : vector<1x16xf32> to vector<16xf32>
      %mul3A_649 = vector.broadcast %squeeze3A_635 : f32 to vector<16xf32>
      %mul3A_650 = arith.mulf %get3A_648, %mul3A_649 : vector<16xf32>
      %add3A_651 = arith.addf %add3A_617, %mul3A_650 : vector<16xf32>
      %get3A_652 = arith.constant 198 : i32
      %get3A_653 = arith.index_cast %get3A_652 : i32 to index
      %get3A_654 = arith.constant 32 : index
      %get3A_655 = tpu.vector_load %arg12[%get3A_653, %get3A_654] {strides = array<i32>} : memref<200x64xf32, #tpu.memory_space<vmem>>, vector<1x16xf32>,
      %get3A_656 = vector.shape_cast %get3A_655 : vector<1x16xf32> to vector<16xf32>
      %mul3A_657 = vector.broadcast %squeeze3A_635 : f32 to vector<16xf32>
      %mul3A_658 = arith.mulf %get3A_656, %mul3A_657 : vector<16xf32>
      %add3A_659 = arith.addf %add3A_625, %mul3A_658 : vector<16xf32>
      %get3A_660 = arith.constant 198 : i32
      %get3A_661 = arith.index_cast %get3A_660 : i32 to index
      %get3A_662 = arith.constant 48 : index
      %get3A_663 = tpu.vector_load %arg12[%get3A_661, %get3A_662] {strides = array<i32>} : memref<200x64xf32, #tpu.memory_space<vmem>>, vector<1x16xf32>,
      %get3A_664 = vector.shape_cast %get3A_663 : vector<1x16xf32> to vector<16xf32>
      %mul3A_665 = vector.broadcast %squeeze3A_635 : f32 to vector<16xf32>
      %mul3A_666 = arith.mulf %get3A_664, %mul3A_665 : vector<16xf32>
      %add3A_667 = arith.addf %add3A_633, %mul3A_666 : vector<16xf32>
      %slice3A_668 = vector.extract_strided_slice %get3A_429 {offsets = [15], sizes = [1], strides = [1]} : vector<16xf32> to vector<1xf32>
      %squeeze3A_669 = vector.extract %slice3A_668[0] : f32 from vector<1xf32>
      %get3A_670 = arith.constant 199 : i32
      %get3A_671 = arith.index_cast %get3A_670 : i32 to index
      %get3A_672 = arith.constant 0 : index
      %get3A_673 = tpu.vector_load %arg12[%get3A_671, %get3A_672] {strides = array<i32>} : memref<200x64xf32, #tpu.memory_space<vmem>>, vector<1x16xf32>,
      %get3A_674 = vector.shape_cast %get3A_673 : vector<1x16xf32> to vector<16xf32>
      %mul3A_675 = vector.broadcast %squeeze3A_669 : f32 to vector<16xf32>
      %mul3A_676 = arith.mulf %get3A_674, %mul3A_675 : vector<16xf32>
      %add3A_677 = arith.addf %add3A_643, %mul3A_676 : vector<16xf32>
      %get3A_678 = arith.constant 199 : i32
      %get3A_679 = arith.index_cast %get3A_678 : i32 to index
      %get3A_680 = arith.constant 16 : index
      %get3A_681 = tpu.vector_load %arg12[%get3A_679, %get3A_680] {strides = array<i32>} : memref<200x64xf32, #tpu.memory_space<vmem>>, vector<1x16xf32>,
      %get3A_682 = vector.shape_cast %get3A_681 : vector<1x16xf32> to vector<16xf32>
      %mul3A_683 = vector.broadcast %squeeze3A_669 : f32 to vector<16xf32>
      %mul3A_684 = arith.mulf %get3A_682, %mul3A_683 : vector<16xf32>
      %add3A_685 = arith.addf %add3A_651, %mul3A_684 : vector<16xf32>
      %get3A_686 = arith.constant 199 : i32
      %get3A_687 = arith.index_cast %get3A_686 : i32 to index
      %get3A_688 = arith.constant 32 : index
      %get3A_689 = tpu.vector_load %arg12[%get3A_687, %get3A_688] {strides = array<i32>} : memref<200x64xf32, #tpu.memory_space<vmem>>, vector<1x16xf32>,
      %get3A_690 = vector.shape_cast %get3A_689 : vector<1x16xf32> to vector<16xf32>
      %mul3A_691 = vector.broadcast %squeeze3A_669 : f32 to vector<16xf32>
      %mul3A_692 = arith.mulf %get3A_690, %mul3A_691 : vector<16xf32>
      %add3A_693 = arith.addf %add3A_659, %mul3A_692 : vector<16xf32>
      %get3A_694 = arith.constant 199 : i32
      %get3A_695 = arith.index_cast %get3A_694 : i32 to index
      %get3A_696 = arith.constant 48 : index
      %get3A_697 = tpu.vector_load %arg12[%get3A_695, %get3A_696] {strides = array<i32>} : memref<200x64xf32, #tpu.memory_space<vmem>>, vector<1x16xf32>,
      %get3A_698 = vector.shape_cast %get3A_697 : vector<1x16xf32> to vector<16xf32>
      %mul3A_699 = vector.broadcast %squeeze3A_669 : f32 to vector<16xf32>
      %mul3A_700 = arith.mulf %get3A_698, %mul3A_699 : vector<16xf32>
      %add3A_701 = arith.addf %add3A_667, %mul3A_700 : vector<16xf32>
      %swap3A_702 = arith.index_cast %add3A_417 : i32 to index
      %swap3A_703 = arith.constant 0 : index
      %swap3A_704 = tpu.vector_load %arg13[%swap3A_702, %swap3A_703] {strides = array<i32>} : memref<128x64xf32, #tpu.memory_space<vmem>>, vector<1x16xf32>,
      %swap3A_705 = vector.shape_cast %swap3A_704 : vector<1x16xf32> to vector<16xf32>
      %swap3A_706 = vector.shape_cast %add3A_677 : vector<16xf32> to vector<1x16xf32>
      tpu.vector_store %arg13[%swap3A_702, %swap3A_703], %swap3A_706 {strides = array<i32>} : memref<128x64xf32, #tpu.memory_space<vmem>>, vector<1x16xf32>,
      %swap3A_707 = arith.index_cast %add3A_417 : i32 to index
      %swap3A_708 = arith.constant 16 : index
      %swap3A_709 = tpu.vector_load %arg13[%swap3A_707, %swap3A_708] {strides = array<i32>} : memref<128x64xf32, #tpu.memory_space<vmem>>, vector<1x16xf32>,
      %swap3A_710 = vector.shape_cast %swap3A_709 : vector<1x16xf32> to vector<16xf32>
      %swap3A_711 = vector.shape_cast %add3A_685 : vector<16xf32> to vector<1x16xf32>
      tpu.vector_store %arg13[%swap3A_707, %swap3A_708], %swap3A_711 {strides = array<i32>} : memref<128x64xf32, #tpu.memory_space<vmem>>, vector<1x16xf32>,
      %swap3A_712 = arith.index_cast %add3A_417 : i32 to index
      %swap3A_713 = arith.constant 32 : index
      %swap3A_714 = tpu.vector_load %arg13[%swap3A_712, %swap3A_713] {strides = array<i32>} : memref<128x64xf32, #tpu.memory_space<vmem>>, vector<1x16xf32>,
      %swap3A_715 = vector.shape_cast %swap3A_714 : vector<1x16xf32> to vector<16xf32>
      %swap3A_716 = vector.shape_cast %add3A_693 : vector<16xf32> to vector<1x16xf32>
      tpu.vector_store %arg13[%swap3A_712, %swap3A_713], %swap3A_716 {strides = array<i32>} : memref<128x64xf32, #tpu.memory_space<vmem>>, vector<1x16xf32>,
      %swap3A_717 = arith.index_cast %add3A_417 : i32 to index
      %swap3A_718 = arith.constant 48 : index
      %swap3A_719 = tpu.vector_load %arg13[%swap3A_717, %swap3A_718] {strides = array<i32>} : memref<128x64xf32, #tpu.memory_space<vmem>>, vector<1x16xf32>,
      %swap3A_720 = vector.shape_cast %swap3A_719 : vector<1x16xf32> to vector<16xf32>
      %swap3A_721 = vector.shape_cast %add3A_701 : vector<16xf32> to vector<1x16xf32>
      tpu.vector_store %arg13[%swap3A_717, %swap3A_718], %swap3A_721 {strides = array<i32>} : memref<128x64xf32, #tpu.memory_space<vmem>>, vector<1x16xf32>,
    }
    %scan3A_50 = arith.constant 64 : i32
    "tpu.region"() ({
      %run_scoped3A = tpu.sem_alloc : memref<!tpu.dma_semaphore, #tpu.memory_space<semaphore_mem>>
      %dma_start3A_51 = arith.constant 0 : i32
      %dma_start3A_52 = tpu.memref_slice %arg8[%mul3A_2, %dma_start3A_51] : memref<4096x64xf32, #tpu.memory_space<hbm>> -> memref<128x64xf32, #tpu.memory_space<hbm>>
      %dma_start3A_53 = arith.constant 0 : i32
      %dma_start3A_54 = tpu.memref_slice %arg8[%mul3A_2, %dma_start3A_53] : memref<4096x64xf32, #tpu.memory_space<hbm>> -> memref<128x64xf32, #tpu.memory_space<hbm>>
      tpu.enqueue_dma source(%arg13 : memref<128x64xf32, #tpu.memory_space<vmem>>) target(%dma_start3A_54 : memref<128x64xf32, #tpu.memory_space<hbm>>) target_semaphore(%run_scoped3A : memref<!tpu.dma_semaphore, #tpu.memory_space<semaphore_mem>>)
      %dma_wait3A = arith.constant 0 : i32
      %dma_wait3A_55 = tpu.memref_slice %arg8[%mul3A_2, %dma_wait3A] : memref<4096x64xf32, #tpu.memory_space<hbm>> -> memref<128x64xf32, #tpu.memory_space<hbm>>
      %dma_wait3A_56 = arith.constant 0 : i32
      %dma_wait3A_57 = tpu.memref_slice %arg8[%mul3A_2, %dma_wait3A_56] : memref<4096x64xf32, #tpu.memory_space<hbm>> -> memref<128x64xf32, #tpu.memory_space<hbm>>
      tpu.wait_dma2 semaphore(%run_scoped3A : memref<!tpu.dma_semaphore, #tpu.memory_space<semaphore_mem>>) src(%arg13 : memref<128x64xf32, #tpu.memory_space<vmem>>) dst(%dma_wait3A_57 : memref<128x64xf32, #tpu.memory_space<hbm>>)
      tpu.yield
    }) : () -> ()
    return
  }
}

</mosaic_0001>

<sc_bundles>
// kernel: pool_sc.3.cloned.1.call-start
scs
__scs_entry_jumppad:
0x0: {  	(pc) =	sbr.rel $0x88, $3  }
0x1: {  	(tag) =	ssettag $0x0;
	lr =	simm.s32 $0x1  }
0x2: {  	[smem:$0x3F9C] =	sst lr;
	_ =	strace $0xD0000000  }
0x3: {  	_ = 	snop  }
0x4: {  	_ = 	snop  }
0x5: {  	_ = 	snop  }
0x6: {  	_ = 	snop  }
0x7: {  	_ = 	snop  }
__scs_overlays_trampoline_lowered:
0x8: {  	[smem:$0x3FAB] =	sst s0  }
0x9: {  	[smem:$0x3FAC] =	sst s1  }
0xa: {  	[smem:$0x3FAD] =	sst s2  }
0xb: {  	[smem:$0x3FAE] =	sst s3  }
0xc: {  	[smem:$0x3FAF] =	sst s4  }
0xd: {  	[smem:$0x3FB0] =	sst s5  }
0xe: {  	[smem:$0x3FB1] =	sst s6  }
0xf: {  	[smem:$0x3FB2] =	sst s7  }
0x10: {  	[smem:$0x3FB3] =	sst s8  }
0x11: {  	[smem:$0x3FB4] =	sst s9;
	s0 =	simm.s32 @!p0 $0x0  }
0x12: {  	s1 =	sld [smem:$0x3F9A];
	s0 =	simm.s32 @p0 $0x1  }
0x13: {  	[smem:$0x3FB5] =	sst s0;
	s0 =	simm.s32 @!p1 $0x0  }
0x14: {  	s2 =	sld [smem:$0x3F99];
	s0 =	simm.s32 @p1 $0x1  }
0x15: {  	[smem:$0x3FB6] =	sst s0;
	s0 =	simm.s32 @!p2 $0x0  }
0x16: {  	s3 =	sld [smem:$0x3FDB];
	s0 =	simm.s32 @p2 $0x1  }
0x17: {  	s4 =	simm.s32 $0x1BF5;
	[smem:$0x3FB8] =	sst s0  }
0x18: {  	s0 =	sld [smem:$0x3F9B];
	_ =	swait.ge [sflag:s4], $0x0  }
0x19: {  	s7 =	sld [smem:$0x3F9C]  }
0x1a: {  	s8 =	sadd.s32 $0xFFFFE003, lr  }
0x1b: {  	s9 =	sadd.s32 $0xFFFFFEF7, lr;
	s5 =	simm.s32 $0xFFFFFFFF;
	p2 =	slt.u32 s8, $0xFFFFF086  }
0x1c: {  	p1 =	slt.u32 s9, $0xF7A;
	s5 =	simm.s32 @!p2 $0x0  }
0x1d: {  	s5 =	simm.s32 @p1 $0x1;
	p0 =	seq.s32 s7, s2  }
0x1e: {  	s7 =	smul.u32 @!p0 $0xF7A, s2;
	p2 =	seq.s32 @!p0 s5, $0x0  }
0x1f: {  	s9 =	smul.u32 $0xF7A, s1;
	s8 =	simm.s32 @!p0 $0x1BF5;
	p2 =	por !p2, p0  }
0x20: {  	[sflag:s8] =	ssyncset.s32 @!p0 $0xFFFFF086;
	s6 =	sadd.s32 @!p0 s3, s7;
	s7 =	simm.s32 @!p0 $0x108  }
0x21: {  	s3 =	sadd.s32 s3, s9;
	s6 =	sadd.s32 @!p0 $0x88, s6;
	s7 =	simm.s32 @p2 $0x1082  }
0x22: {  	[simem:s7], [sflag:s8] =	dma.local @!p0 [hbm:s6], $0xF7A  }
0x23: {  	s9 =	sor.u32 $0xD0000000, s2;
	s6 =	simm.s32 $0x108;
	_ =	swait.ge @!p0 [sflag:s8], $0x0  }
0x24: {  	s3 =	sadd.s32 $0x88, s3;
	s6 =	simm.s32 @!p1 $0x1082;
	[sflag:s4] =	ssyncset.s32 $0xFFFFF086  }
0x25: {  	[simem:s6], [sflag:s4] =	dma.local [hbm:s3], $0xF7A  }
0x26: {  	[smem:$0x3F9C] =	sst s1;
	(tag) =	ssettag s2;
	_ =	strace s9  }
0x27: {  	s1 =	sld [smem:$0x3FAC]  }
0x28: {  	s2 =	sld [smem:$0x3FAD]  }
0x29: {  	s4 =	sld [smem:$0x3FAF]  }
0x2a: {  	p0 =	seq.s32 s5, $0x0;
	s5 =	sld [smem:$0x3FB0]  }
0x2b: {  	s6 =	sld [smem:$0x3FB1]  }
0x2c: {  	s7 =	sld [smem:$0x3FB2]  }
0x2d: {  	s3 =	simm.s32 $0x108;
	s8 =	sld [smem:$0x3FB3]  }
0x2e: {  	s3 =	simm.s32 @!p0 $0x1082;
	s9 =	sld [smem:$0x3FB4]  }
0x2f: {  	lr =	sadd.s32 s0, s3;
	s0 =	sld [smem:$0x3FAB]  }
0x30: {  	s3 =	sld [smem:$0x3FAE]  }
0x31: {  	[smem:$0x3FB7] =	sst s10  }
0x32: {  	s10 =	sld [smem:$0x3FB5];
	_ =	sdelay $0x3  }
0x33: {  	p0 =	seq.s32 s10, $0x1;
	s10 =	sld [smem:$0x3FB7];
	_ =	sdelay $0x3  }
0x34: {  	[smem:$0x3FB7] =	sst s10  }
0x35: {  	s10 =	sld [smem:$0x3FB6];
	_ =	sdelay $0x3  }
0x36: {  	p1 =	seq.s32 s10, $0x1;
	s10 =	sld [smem:$0x3FB7];
	_ =	sdelay $0x3  }
0x37: {  	[smem:$0x3FB7] =	sst s10  }
0x38: {  	s10 =	sld [smem:$0x3FB8]  }
0x39: {  	_ = 	snop;
	(pc) =	sbr.ind lr, $3  }
0x3a: {  	_ = 	snop  }
0x3b: {  	_ = 	snop  }
0x3c: {  	p2 =	seq.s32 s10, $0x1;
	s10 =	sld [smem:$0x3FB7]  }
0x3d: {  	_ =	shalt  }
0x3e: {  	_ =	shalt  }
0x3f: {  	_ =	shalt  }
0x40: {  	_ =	shalt  }
0x41: {  	_ =	shalt  }
0x42: {  	_ =	shalt  }
0x43: {  	_ =	shalt  }
0x44: {  	_ =	shalt  }
0x45: {  	_ =	shalt  }
0x46: {  	_ =	shalt  }
0x47: {  	_ =	shalt  }
0x48: {  	_ =	shalt  }
0x49: {  	_ =	shalt  }
0x4a: {  	_ =	shalt  }
0x4b: {  	_ =	shalt  }
0x4c: {  	_ =	shalt  }
0x4d: {  	_ =	shalt  }
0x4e: {  	_ =	shalt  }
0x4f: {  	_ =	shalt  }
0x50: {  	_ =	shalt  }
0x51: {  	_ =	shalt  }
0x52: {  	_ =	shalt  }
0x53: {  	_ =	shalt  }
0x54: {  	_ =	shalt  }
0x55: {  	_ =	shalt  }
0x56: {  	_ =	shalt  }
0x57: {  	_ =	shalt  }
0x58: {  	_ =	shalt  }
0x59: {  	_ =	shalt  }
0x5a: {  	_ =	shalt  }
0x5b: {  	_ =	shalt  }
0x5c: {  	_ =	shalt  }
0x5d: {  	_ =	shalt  }
0x5e: {  	_ =	shalt  }
0x5f: {  	_ =	shalt  }
0x60: {  	_ =	shalt  }
0x61: {  	_ =	shalt  }
0x62: {  	_ =	shalt  }
0x63: {  	_ =	shalt  }
0x64: {  	_ =	shalt  }
0x65: {  	_ =	shalt  }
0x66: {  	_ =	shalt  }
0x67: {  	_ =	shalt  }
0x68: {  	_ =	shalt  }
0x69: {  	_ =	shalt  }
0x6a: {  	_ =	shalt  }
0x6b: {  	_ =	shalt  }
0x6c: {  	_ =	shalt  }
0x6d: {  	_ =	shalt  }
0x6e: {  	_ =	shalt  }
0x6f: {  	_ =	shalt  }
0x70: {  	_ =	shalt  }
0x71: {  	_ =	shalt  }
0x72: {  	_ =	shalt  }
0x73: {  	_ =	shalt  }
0x74: {  	_ =	shalt  }
0x75: {  	_ =	shalt  }
0x76: {  	_ =	shalt  }
0x77: {  	_ =	shalt  }
0x78: {  	_ =	shalt  }
0x79: {  	_ =	shalt  }
0x7a: {  	_ =	shalt  }
0x7b: {  	_ =	shalt  }
0x7c: {  	_ =	shalt  }
0x7d: {  	_ =	shalt  }
0x7e: {  	_ =	shalt  }
0x7f: {  	_ =	shalt  }
0x80: {  	_ =	shalt  }
0x81: {  	_ =	shalt  }
0x82: {  	_ =	shalt  }
0x83: {  	_ =	shalt  }
0x84: {  	_ =	shalt  }
0x85: {  	_ =	shalt  }
0x86: {  	_ =	shalt  }
0x87: {  	_ =	shalt  }
.Lfunc_end0:
.L_simem_size_0:
called_computation_lowered:
.L_overlay_start_0:
0x88: {  	s2 =	sld [smem:$0x3FD9]  }
0x89: {  	s3 =	sld [smem:$0x3FFE];
	_ =	sdelay $0x1  }
0x8a: {  	s1 =	srdreg.scid  }
0x8b: {  	s0 =	sand.u32 $0x1, s1  }
0x8c: {  	s14 =	sshll.u32 s0, $0xA;
	s2 =	sadd.s32 s3, s2  }
0x8d: {  	s2 =	sadd.s32 s2, s14  }
0x8e: {  	[smem:$0x3FC3] =	sst s2  }
0x8f: {  	_ = 	snop  }
0x90: {  	s2 =	sld [smem:$0x3FD0];
	_ =	sdelay $0x2  }
0x91: {  	s15 =	simm.s32 $0xA;
	s4 =	simm.s32 $0x10  }
0x92: {  	[smem:s4], [sflag:s15] =	dma.local [hbm:s2], $0x1  }
0x93: {  	_ =	swait.eq [sflag:s15], $0x1  }
0x94: {  	[sflag:s15] =	ssyncset.done $0x0  }
0x95: {  	[sflag:s15] =	ssyncadd.s32 $0xFFFFFFFF  }
0x96: {  	s16 =	sld [smem:$0x11];
	(tm) =	ssettm $0x1  }
0x97: {  	s17 =	sld [smem:$0x3FFB];
	_ =	sdelay $0x3  }
0x98: {  	_ =	strace s17  }
0x99: {  	s3 =	sld [smem:$0x3FFC];
	_ =	sdelay $0x3  }
0x9a: {  	_ =	strace s3  }
0x9b: {  	s3 =	sld [smem:$0x3FFD];
	_ =	sdelay $0x3  }
0x9c: {  	_ =	strace s3  }
0x9d: {  	_ =	strace $0x8FFFFFFF  }
0x9e: {  	s18 =	sld [smem:$0x3FDB];
	_ =	sdelay $0x1  }
0x9f: {  	s19 =	simm.s32 $_scs_section_size  }
0xa0: {  	s5 =	simm.s32 $_size__tile_overlayer_lowered;
	s6 =	simm.s32 $_tile_overlayer_lowered  }
0xa1: {  	s22 =	simm.s32 $0x1BFF;
	s21 =	sshll.u32 s6, $0x1;
	s3 =	sadd.s32 s19, s18  }
0xa2: {  	s7 =	simm.s32 $0x0;
	s20 =	sshll.u32 s5, $0x1;
	s5 =	sadd.s32 s21, s3  }
0xa3: {  	[timem:s7], [sflag:s22] =	dma.local [hbm:s5], s20  }
0xa4: {  	_ =	swait.ge [sflag:s22], s20  }
0xa5: {  	s4 =	ssub.s32 $0x0, s20;
	[sflag:s22] =	ssyncset.done $0x0  }
0xa6: {  	[sflag:s22] =	ssyncadd.s32 s4;
	_ =	sdelay $0x1  }
0xa7: {  	s23 =	simm.s32 $0x1B8B  }
0xa8: {  	_ =	swait.ge [sflag:s23], $0x1  }
0xa9: {  	[sflag:s23] =	ssyncset.done $0x0  }
0xaa: {  	s25 =	simm.s32 $0x1B8E;
	s24 =	sld [smem:$0x3FFE];
	[sflag:s23] =	ssyncadd.s32 $0xFFFFFFFF  }
0xab: {  	s26 =	simm.s32 $execute0_lowered;
	[smem:$0x3FD2] =	sst s25  }
0xac: {  	s5 =	sshll.u32 s26, $0x1;
	_ =	strace $0x80000046;
	[dreg:$0x1] =	wrdreg $0xFFFFFFFF  }
0xad: {  	s28 =	simm.s32 $_size_execute0_lowered;
	s3 =	sadd.s32 s3, s5;
	[dreg:$0x0] =	wrdreg $0x0  }
0xae: {  	s5 =	sshll.u32 s28, $0x1;
	[dreg:$0x2] =	wrdreg s3  }
0xaf: {  	[dreg:$0x3] =	wrdreg s5  }
0xb0: {  	[dreg:$0x4] =	wrdreg $0xC0  }
0xb1: {  	_ =	task [dreg:s7], $0x5FFFF  }
0xb2: {  	[dreg:$0x1] =	wrdreg $0xFFFFFFFF  }
0xb3: {  	[dreg:$0x0] =	wrdreg $0x60  }
0xb4: {  	[dreg:$0x2] =	wrdreg s24  }
0xb5: {  	[dreg:$0x3] =	wrdreg s16  }
0xb6: {  	[dreg:$0x4] =	wrdreg $0x9  }
0xb7: {  	_ =	task.clear_ibuf [dreg:s7], $0x5FFFF;
	_ =	strace $0x90000046  }
0xb8: {  	s29 =	simm.s32 $0x9;
	_ =	strace $0x80000048  }
0xb9: {  	_ =	swait.ge [sflag:s29], $0x1  }
0xba: {  	[sflag:s29] =	ssyncadd.s32 $0xFFFFFFFF  }
0xbb: {  	_ =	strace $0x90000048  }
0xbc: {  	_ =	sfence  }
0xbd: {  	s30 =	sld [smem:$0x0];
	_ =	sdelay $0x2  }
0xbe: {  	s31 =	sshll.u32 s1, $0xD;
	s1 =	sshrl.u32 s1, $0x2  }
0xbf: {  	s3 =	sand.u32 $0x4000, s31;
	s1 =	sadd.s32 s1, s30  }
0xc0: {  	s0 =	sor.u32 s3, s0;
	s1 =	sshll.u32 s1, $0x11  }
0xc1: {  	s0 =	sor.u32 s1, s0  }
0xc2: {  	s0 =	sadd.s32 $0x8F2B, s0  }
0xc3: {  	[sflag:s0] =	ssyncadd.remote.s32 $0x1  }
0xc4: {  	_ =	sfence.sel $0xFFFF  }
0xc5: {  	[dreg:$0x0] =	wrdreg $0xFFFFFFFF;
	(pc) =	sbr.abs _section_cstart, $3  }
0xc6: {  	[dreg:$0x1] =	wrdreg $0xFFFFFFFF  }
0xc7: {  	_ =	task.clear_ibuf [dreg:s7], $0x2FFFF;
	_ =	strace $0x9FFFFFFF  }
0xc8: {  	(tm) =	ssettm $0x7FFFFFFF  }
0xc9: {  	_ =	shalt  }
tec
execute0_lowered:
.L_overlay_start_1:
0x0: {  	(tag) =	ssettag $0x1  }
0x1: {  	s4 =	rddreg [dreg:$0x0]  }
0x2: {  	s6 =	rddreg [dreg:$0x1]  }
0x3: {  	s2 =	srdreg.scid;
	s1 =	stileid.u32  }
0x4: {  	s13 =	simm.s32 $0xC800;
	s14 =	simm.s32 $0x48;
	s15 =	simm.s32 $0xE800  }
0x5: {  	s16 =	simm.s32 $0xFA00;
	s17 =	simm.s32 $0x11A00;
	s18 =	simm.s32 $0x1  }
0x6: {  	s19 =	simm.s32 $0x2;
	s20 =	simm.s32 $0x12C00;
	s21 =	simm.s32 $0x0  }
0x7: {  	s3 =	sand.u32 $0x1, s2;
	s2 =	simm.s32 $0x0;
	s5 =	sshll.u32 s1, $0x8  }
0x8: {  	s7 =	sshll.u32 s3, $0x7;
	[smem:$0x7FF] =	sst s2;
	s8 =	ssub.s32 $0x2, s3  }
0x9: {  	s3 =	sadd.s32 $0xF43A00, s4;
	s5 =	sor.u32 s7, s5;
	_ =	strace $0x80000047  }
0xa: {  	s31 =	sshrl.u32 s8, $0x1;
	s7 =	smul.u32 $0x19, s5;
	s9 =	sshll.u32 s5, $0x3  }
0xb: {  	s12 =	ssub.s32 s8, s31;
	s11 =	sadd.s32 s9, s4;
	s6 =	sadd.s32 s6, s9  }
0xc: {  	s10 =	sadd.s32 s7, s4;
	s9 =	sadd.s32 $0x65200, s11;
	s11 =	simm.s32 $0x3  }
0xd: {  	s4 =	sadd.s32 $0x33200, s10;
	s5 =	sadd.s32 $0x4C200, s10;
	s7 =	sadd.s32 $0x1200, s10  }
0xe: {  	s8 =	sadd.s32 $0x1A200, s10;
	s10 =	smax.u32 s12, $0x1;
	s12 =	simm.s32 $0x80  }
.LBB2_1:
0xf: {  	[tilespmem:s2], [sflag:$0x3] =	stream.linear.gather [hbm4b:s4+s2], $0x6400, $0x38;
	[tilespmem:$0x14C00] =	vst v63  }
0x10: {  	_ =	swait.ge [sflag:s11], $0x6400  }
0x11: {  	[sflag:s11] =	ssyncset.done $0x0  }
0x12: {  	s22 =	simm.s32 $0x6400;
	[sflag:s11] =	ssyncadd.s32 $0xFFFF9C00  }
0x13: {  	[tilespmem:s22], [sflag:$0x3] =	stream.linear.gather [hbm4b:s5+s2], $0x6400, $0x38;
	[tilespmem:$0x14C00] =	vst v63  }
0x14: {  	_ =	swait.ge [sflag:s11], $0x6400  }
0x15: {  	[sflag:s11] =	ssyncset.done $0x0  }
0x16: {  	[sflag:s11] =	ssyncadd.s32 $0xFFFF9C00  }
0x17: {  	[tilespmem:s13], [sflag:$0x1] =	stream.indirect.gather [hbm4b:s3+s12], $0x40, s2, s12, $0xb8;
	[tilespmem:$0x14C00] =	vst v63  }
0x18: {  	s23 =	simm.s32 $0x64C8;
	s24 =	simm.s32 $0x0  }
0x19: {  	[tilespmem:s15], [sflag:$0x1] =	stream.indirect.gather [hbm4b:s3+s14], $0x40, s12, s14, $0xb8;
	[tilespmem:$0x14C00] =	vst v63  }
.LBB2_2:
0x1a: {  	s25 =	sshllo.u32 s24, $0x1  }
0x1b: {  	s26 =	smul.u32 $0xC8, s25;
	_ =	sdelay $0x1  }
0x1c: {  	[tilespmem:s16], [sflag:$0x2] =	stream.indirect.gather [hbm4b:s3+s12], $0x40, s26, s12, $0xb8;
	[tilespmem:$0x14C00] =	vst v63  }
0x1d: {  	s28 =	sadd.s32 $0x80, s26  }
0x1e: {  	[tilespmem:s17], [sflag:$0x2] =	stream.indirect.gather [hbm4b:s3+s14], $0x40, s28, s14, $0xb8;
	[tilespmem:$0x14C00] =	vst v63  }
0x1f: {  	_ =	swait.ge [sflag:s18], $0x2000  }
0x20: {  	[sflag:s18] =	ssyncset.done $0x0  }
0x21: {  	[sflag:s18] =	ssyncadd.s32 $0xFFFFE000  }
0x22: {  	_ =	swait.ge [sflag:s18], $0x1200  }
0x23: {  	[sflag:s18] =	ssyncset.done $0x0  }
0x24: {  	s29 =	simm.s32 $0xCA00;
	[sflag:s18] =	ssyncadd.s32 $0xFFFFEE00  }
0x25: {  	v3 =	vld [tilespmem:s29+$0x1C0]  }
0x26: {  	v6 =	vld [tilespmem:s29+$0x1D0]  }
0x27: {  	v7 =	vld [tilespmem:s29+$0x180]  }
0x28: {  	v9 =	vld [tilespmem:s29+$0x190]  }
0x29: {  	v12 =	vmov s22;
	v10 =	vld [tilespmem:s29+$0x140]  }
0x2a: {  	v13 =	vld [tilespmem:s29+$0x150]  }
0x2b: {  	v14 =	vld [tilespmem:s29+$0x100]  }
0x2c: {  	v17 =	vld [tilespmem:s29+$0x110]  }
0x2d: {  	s28 =	simm.s32 $0x0;
	v18 =	vld [tilespmem:s29+$0xC0]  }
0x2e: {  	v4 =	vld.idx.msk [tilespmem:v12+s28+$0x0 ss:$0x1], $0xffff  }
0x2f: {  	v20 =	vld [tilespmem:s29+$0xD0]  }
0x30: {  	v21 =	vld [tilespmem:s29+$0x80]  }
0x31: {  	v23 =	vld [tilespmem:s29+$0x90]  }
0x32: {  	v24 =	vld [tilespmem:s29+$0x40]  }
0x33: {  	v26 =	vld [tilespmem:s29+$0x50]  }
0x34: {  	v27 =	vld [tilespmem:s29+$0x0];
	v1 =	vbroadcast v4, $0xE;
	v0 =	vbroadcast v4, $0xF  }
0x35: {  	v32 =	vld [tilespmem:s29+$0x10];
	v5 =	vbroadcast v4, $0xC;
	v2 =	vbroadcast v4, $0xD  }
0x36: {  	v36 =	vld [tilespmem:s29+$0xFFFFFFC0];
	v11 =	vbroadcast v4, $0xA;
	v8 =	vbroadcast v4, $0xB  }
0x37: {  	v37 =	vld [tilespmem:s29+$0xFFFFFFD0];
	v16 =	vbroadcast v4, $0x8;
	v15 =	vbroadcast v4, $0x9  }
0x38: {  	v38 =	vld [tilespmem:s29+$0xFFFFFF80];
	v22 =	vbroadcast v4, $0x6;
	v19 =	vbroadcast v4, $0x7  }
0x39: {  	v42 =	vld [tilespmem:s29+$0xFFFFFF90];
	v28 =	vbroadcast v4, $0x4;
	v25 =	vbroadcast v4, $0x5  }
0x3a: {  	v39 =	vld [tilespmem:s29+$0xFFFFFF40];
	v30 =	vbroadcast v4, $0x2;
	v29 =	vbroadcast v4, $0x3  }
0x3b: {  	v41 =	vld [tilespmem:s29+$0xFFFFFF50];
	v43 =	vbroadcast v4, $0x0;
	v35 =	vbroadcast v4, $0x1  }
0x3c: {  	v40 =	vld [tilespmem:s29+$0xFFFFFF00];
	v4 =	vmul.f32 v3, v0;
	v3 =	vmul.f32 v6, v0  }
0x3d: {  	v44 =	vld [tilespmem:s29+$0xFFFFFF10];
	v6 =	vmul.f32 v7, v1;
	v7 =	vmul.f32 v9, v1  }
0x3e: {  	v45 =	vld [tilespmem:s29+$0xFFFFFEC0];
	v9 =	vmul.f32 v10, v2;
	v10 =	vmul.f32 v13, v2  }
0x3f: {  	v46 =	vld [tilespmem:s29+$0xFFFFFED0];
	v13 =	vmul.f32 v14, v5;
	v14 =	vmul.f32 v17, v5  }
0x40: {  	v31 =	vimm.f32 $0.0e+00;
	v47 =	vld [tilespmem:s29+$0xFFFFFE80];
	v17 =	vmul.f32 v18, v8;
	v18 =	vmul.f32 v20, v8  }
0x41: {  	v34 =	vimm.f32 $0.0e+00;
	s28 =	smul.u32 $0x640, s24;
	v48 =	vld [tilespmem:s29+$0xFFFFFE90];
	v20 =	vmul.f32 v21, v11;
	v21 =	vmul.f32 v23, v11  }
0x42: {  	v33 =	vimm.f32 $0.0e+00;
	v49 =	vld [tilespmem:s29+$0xFFFFFE40];
	v23 =	vmul.f32 v24, v15;
	v24 =	vmul.f32 v26, v15  }
0x43: {  	s31 =	simm.s32 $0x40;
	v50 =	vld [tilespmem:s29+$0xFFFFFE50];
	s30 =	sshra.s32 s28, $0x2;
	v26 =	vmul.f32 v27, v16;
	v27 =	vmul.f32 v32, v16;
	v32 =	vimm.f32 $0.0e+00  }
.LBB2_3:
0x44: {  	p0 =	sne.s32 s31, $0x2C0;
	v51 =	vld [tilespmem:s29+$0xFFFFFE00];
	v36 =	vmul.f32 v36, v19;
	v37 =	vmul.f32 v37, v19  }
0x45: {  	v38 =	vmul.f32 v38, v22;
	v42 =	vmul.f32 v42, v22;
	v52 =	vld [tilespmem:s29+$0xFFFFFE10]  }
0x46: {  	v39 =	vmul.f32 v39, v25;
	v41 =	vmul.f32 v41, v25;
	v53 =	vld [tilespmem:s29+$0xFFFFFE20]  }
0x47: {  	v40 =	vmul.f32 v40, v28;
	v44 =	vmul.f32 v44, v28;
	v54 =	vld [tilespmem:s29+$0xFFFFFE30]  }
0x48: {  	v45 =	vmul.f32 v45, v29;
	v46 =	vmul.f32 v46, v29;
	v55 =	vld [tilespmem:s29+$0xFFFFFE60]  }
0x49: {  	v47 =	vmul.f32 v47, v30;
	v48 =	vmul.f32 v48, v30;
	v56 =	vld [tilespmem:s29+$0xFFFFFE70]  }
0x4a: {  	v49 =	vmul.f32 v49, v35;
	v50 =	vmul.f32 v50, v35;
	v57 =	vld [tilespmem:s29+$0xFFFFFEA0]  }
0x4b: {  	v51 =	vmul.f32 v43, v51;
	v52 =	vmul.f32 v52, v43;
	v58 =	vld [tilespmem:s29+$0xFFFFFEB0]  }
0x4c: {  	v53 =	vmul.f32 v53, v43;
	v43 =	vmul.f32 v54, v43;
	v54 =	vld [tilespmem:s29+$0xFFFFFEE0]  }
0x4d: {  	v31 =	vadd.f32 v51, v31;
	v34 =	vadd.f32 v52, v34;
	v51 =	vmul.f32 v55, v35;
	v52 =	vld [tilespmem:s29+$0xFFFFFEF0]  }
0x4e: {  	v33 =	vadd.f32 v53, v33;
	v32 =	vadd.f32 v43, v32;
	v35 =	vmul.f32 v56, v35;
	v43 =	vld [tilespmem:s29+$0xFFFFFF20]  }
0x4f: {  	v31 =	vadd.f32 v49, v31;
	v34 =	vadd.f32 v50, v34;
	v49 =	vmul.f32 v57, v30;
	v50 =	vld [tilespmem:s29+$0xFFFFFF30]  }
0x50: {  	v33 =	vadd.f32 v51, v33;
	v32 =	vadd.f32 v35, v32;
	v30 =	vmul.f32 v58, v30;
	v35 =	vld [tilespmem:s29+$0xFFFFFF60]  }
0x51: {  	v31 =	vadd.f32 v47, v31;
	v34 =	vadd.f32 v48, v34;
	v47 =	vmul.f32 v54, v29;
	v48 =	vld [tilespmem:s29+$0xFFFFFF70]  }
0x52: {  	v33 =	vadd.f32 v49, v33;
	v30 =	vadd.f32 v30, v32;
	v29 =	vmul.f32 v52, v29;
	v32 =	vld [tilespmem:s29+$0xFFFFFFA0]  }
0x53: {  	v31 =	vadd.f32 v45, v31;
	v34 =	vadd.f32 v46, v34;
	v43 =	vmul.f32 v43, v28;
	v45 =	vld [tilespmem:s29+$0xFFFFFFB0]  }
0x54: {  	v33 =	vadd.f32 v47, v33;
	v29 =	vadd.f32 v29, v30;
	v28 =	vmul.f32 v50, v28;
	v30 =	vld [tilespmem:s29+$0xFFFFFFE0]  }
0x55: {  	v31 =	vadd.f32 v40, v31;
	v34 =	vadd.f32 v44, v34;
	v35 =	vmul.f32 v35, v25;
	v40 =	vld [tilespmem:s29+$0xFFFFFFF0]  }
0x56: {  	v33 =	vadd.f32 v43, v33;
	v28 =	vadd.f32 v28, v29;
	v25 =	vmul.f32 v48, v25;
	v29 =	vld [tilespmem:s29+$0x20]  }
0x57: {  	v31 =	vadd.f32 v39, v31;
	v34 =	vadd.f32 v41, v34;
	v32 =	vmul.f32 v32, v22;
	v39 =	vld [tilespmem:s29+$0x30]  }
0x58: {  	v33 =	vadd.f32 v35, v33;
	v25 =	vadd.f32 v25, v28;
	v22 =	vmul.f32 v45, v22;
	v28 =	vld [tilespmem:s29+$0x60]  }
0x59: {  	v31 =	vadd.f32 v38, v31;
	v34 =	vadd.f32 v42, v34;
	v30 =	vmul.f32 v30, v19;
	v35 =	vld [tilespmem:s29+$0x70]  }
0x5a: {  	v32 =	vadd.f32 v32, v33;
	v22 =	vadd.f32 v22, v25;
	v19 =	vmul.f32 v40, v19;
	v25 =	vld [tilespmem:s29+$0xA0]  }
0x5b: {  	v31 =	vadd.f32 v36, v31;
	v33 =	vadd.f32 v37, v34;
	v29 =	vmul.f32 v29, v16;
	v34 =	vld [tilespmem:s29+$0xB0]  }
0x5c: {  	v30 =	vadd.f32 v30, v32;
	v19 =	vadd.f32 v19, v22;
	v16 =	vmul.f32 v39, v16;
	v22 =	vld [tilespmem:s29+$0xE0]  }
0x5d: {  	v26 =	vadd.f32 v26, v31;
	v27 =	vadd.f32 v27, v33;
	v28 =	vmul.f32 v28, v15;
	v31 =	vld [tilespmem:s29+$0xF0]  }
0x5e: {  	v29 =	vadd.f32 v29, v30;
	v16 =	vadd.f32 v16, v19;
	v15 =	vmul.f32 v35, v15;
	v19 =	vld [tilespmem:s29+$0x120]  }
0x5f: {  	v23 =	vadd.f32 v23, v26;
	v24 =	vadd.f32 v24, v27;
	v25 =	vmul.f32 v25, v11;
	v26 =	vld [tilespmem:s29+$0x130]  }
0x60: {  	v27 =	vadd.f32 v28, v29;
	v15 =	vadd.f32 v15, v16;
	v11 =	vmul.f32 v34, v11;
	v16 =	vld [tilespmem:s29+$0x160]  }
0x61: {  	v20 =	vadd.f32 v20, v23;
	v21 =	vadd.f32 v21, v24;
	v22 =	vmul.f32 v22, v8;
	v23 =	vld [tilespmem:s29+$0x170]  }
0x62: {  	v24 =	vadd.f32 v25, v27;
	v11 =	vadd.f32 v11, v15;
	v8 =	vmul.f32 v31, v8;
	v15 =	vld [tilespmem:s29+$0x1A0]  }
0x63: {  	v17 =	vadd.f32 v17, v20;
	v18 =	vadd.f32 v18, v21;
	v19 =	vmul.f32 v19, v5;
	v20 =	vld [tilespmem:s29+$0x1B0]  }
0x64: {  	v21 =	vadd.f32 v22, v24;
	v8 =	vadd.f32 v8, v11;
	v5 =	vmul.f32 v26, v5;
	v11 =	vld [tilespmem:s29+$0x1E0]  }
0x65: {  	v13 =	vadd.f32 v13, v17;
	v14 =	vadd.f32 v14, v18;
	v16 =	vmul.f32 v16, v2;
	v17 =	vld [tilespmem:s29+$0x1F0];
	s29 =	sadd.s32 $0x400, s29  }
0x66: {  	v19 =	vadd.f32 v19, v21;
	v18 =	vld [tilespmem:s29+$0x1C0];
	v5 =	vadd.f32 v5, v8;
	v2 =	vmul.f32 v23, v2  }
0x67: {  	v8 =	vadd.f32 v9, v13;
	v9 =	vadd.f32 v10, v14;
	v21 =	vld [tilespmem:s29+$0x1D0];
	v10 =	vmul.f32 v15, v1  }
0x68: {  	v14 =	vadd.f32 v16, v19;
	v13 =	vld [tilespmem:s29+$0x180];
	v2 =	vadd.f32 v2, v5;
	v1 =	vmul.f32 v20, v1  }
0x69: {  	v5 =	vadd.f32 v6, v8;
	v6 =	vadd.f32 v7, v9;
	v20 =	vld [tilespmem:s29+$0x190];
	v7 =	vmul.f32 v11, v0  }
0x6a: {  	v8 =	vadd.f32 v10, v14;
	v9 =	vld [tilespmem:s29+$0x140];
	v1 =	vadd.f32 v1, v2;
	v0 =	vmul.f32 v17, v0  }
0x6b: {  	v31 =	vadd.f32 v4, v5;
	v34 =	vadd.f32 v3, v6;
	v10 =	vld [tilespmem:s29+$0x150]  }
0x6c: {  	v33 =	vadd.f32 v7, v8;
	v14 =	vld [tilespmem:s29+$0x100];
	v32 =	vadd.f32 v0, v1  }
0x6d: {  	v17 =	vld [tilespmem:s29+$0x110]  }
0x6e: {  	s0 =	sshra.s32 s31, $0x2;
	v23 =	vld [tilespmem:s29+$0xC0]  }
0x6f: {  	v3 =	vld.idx.msk [tilespmem:v12+s0+$0x0 ss:$0x1], $0xffff  }
0x70: {  	v24 =	vld [tilespmem:s29+$0xD0]  }
0x71: {  	v26 =	vld [tilespmem:s29+$0x80]  }
0x72: {  	v27 =	vld [tilespmem:s29+$0x90]  }
0x73: {  	v50 =	vld [tilespmem:s29+$0x40]  }
0x74: {  	v51 =	vld [tilespmem:s29+$0x50]  }
0x75: {  	v1 =	vbroadcast v3, $0xE;
	v0 =	vbroadcast v3, $0xF;
	v52 =	vld [tilespmem:s29+$0x0]  }
0x76: {  	v5 =	vbroadcast v3, $0xC;
	v2 =	vbroadcast v3, $0xD;
	v53 =	vld [tilespmem:s29+$0x10]  }
0x77: {  	v11 =	vbroadcast v3, $0xA;
	v8 =	vbroadcast v3, $0xB;
	v36 =	vld [tilespmem:s29+$0xFFFFFFC0]  }
0x78: {  	v16 =	vbroadcast v3, $0x8;
	v15 =	vbroadcast v3, $0x9;
	v37 =	vld [tilespmem:s29+$0xFFFFFFD0]  }
0x79: {  	v22 =	vbroadcast v3, $0x6;
	v19 =	vbroadcast v3, $0x7;
	v38 =	vld [tilespmem:s29+$0xFFFFFF80]  }
0x7a: {  	v28 =	vbroadcast v3, $0x4;
	v25 =	vbroadcast v3, $0x5;
	v42 =	vld [tilespmem:s29+$0xFFFFFF90]  }
0x7b: {  	v30 =	vbroadcast v3, $0x2;
	v29 =	vbroadcast v3, $0x3;
	v39 =	vld [tilespmem:s29+$0xFFFFFF40]  }
0x7c: {  	v43 =	vbroadcast v3, $0x0;
	v35 =	vbroadcast v3, $0x1;
	v41 =	vld [tilespmem:s29+$0xFFFFFF50]  }
0x7d: {  	v4 =	vmul.f32 v18, v0;
	v3 =	vmul.f32 v21, v0;
	v40 =	vld [tilespmem:s29+$0xFFFFFF00]  }
0x7e: {  	v6 =	vmul.f32 v13, v1;
	v7 =	vmul.f32 v20, v1;
	v44 =	vld [tilespmem:s29+$0xFFFFFF10]  }
0x7f: {  	v9 =	vmul.f32 v9, v2;
	v10 =	vmul.f32 v10, v2;
	v45 =	vld [tilespmem:s29+$0xFFFFFEC0]  }
.Ltmp0:
0x80: {  	v13 =	vmul.f32 v14, v5;
	v14 =	vmul.f32 v17, v5;
	v46 =	vld [tilespmem:s29+$0xFFFFFED0];
	(pc) =	sbr.rel @p0 .LBB2_3-.Ltmp0, $4  }
0x81: {  	v17 =	vmul.f32 v23, v8;
	v18 =	vmul.f32 v24, v8;
	v47 =	vld [tilespmem:s29+$0xFFFFFE80]  }
0x82: {  	v20 =	vmul.f32 v26, v11;
	v21 =	vmul.f32 v27, v11;
	v48 =	vld [tilespmem:s29+$0xFFFFFE90]  }
0x83: {  	v23 =	vmul.f32 v50, v15;
	v24 =	vmul.f32 v51, v15;
	v49 =	vld [tilespmem:s29+$0xFFFFFE40]  }
0x84: {  	s31 =	sadd.s32 $0x40, s31;
	v26 =	vmul.f32 v52, v16;
	v27 =	vmul.f32 v53, v16;
	v50 =	vld [tilespmem:s29+$0xFFFFFE50]  }
0x85: {  	v12 =	vld [tilespmem:s29+$0xFFFFFE00]  }
0x86: {  	v51 =	vld [tilespmem:s29+$0xFFFFFE10]  }
0x87: {  	v52 =	vld [tilespmem:s29+$0xFFFFFE20]  }
0x88: {  	v53 =	vld [tilespmem:s29+$0xFFFFFE30]  }
0x89: {  	v54 =	vld [tilespmem:s29+$0xFFFFFE60]  }
0x8a: {  	v55 =	vld [tilespmem:s29+$0xFFFFFE70]  }
0x8b: {  	v56 =	vld [tilespmem:s29+$0xFFFFFEA0]  }
0x8c: {  	v57 =	vld [tilespmem:s29+$0xFFFFFEB0]  }
0x8d: {  	v58 =	vld [tilespmem:s29+$0xFFFFFEE0];
	v36 =	vmul.f32 v36, v19  }
0x8e: {  	v59 =	vld [tilespmem:s29+$0xFFFFFEF0];
	v37 =	vmul.f32 v37, v19;
	v38 =	vmul.f32 v38, v22  }
0x8f: {  	v60 =	vld [tilespmem:s29+$0xFFFFFF20];
	v42 =	vmul.f32 v42, v22;
	v39 =	vmul.f32 v39, v25  }
0x90: {  	v61 =	vld [tilespmem:s29+$0xFFFFFF30];
	v12 =	vmul.f32 v43, v12;
	v51 =	vmul.f32 v51, v43  }
0x91: {  	v52 =	vmul.f32 v52, v43;
	v63 =	vmul.f32 v53, v43;
	v43 =	vld [tilespmem:s29+$0xFFFFFFF0]  }
0x92: {  	v41 =	vmul.f32 v41, v25;
	v40 =	vmul.f32 v40, v28;
	v53 =	vld [tilespmem:s29+$0x20]  }
0x93: {  	v45 =	vmul.f32 v45, v29;
	v12 =	vadd.f32 v12, v31;
	v31 =	vadd.f32 v51, v34;
	v34 =	vld [tilespmem:s29+$0xFFFFFF60]  }
0x94: {  	v46 =	vmul.f32 v46, v29;
	v47 =	vmul.f32 v47, v30;
	v51 =	vld [tilespmem:s29+$0xFFFFFF70]  }
0x95: {  	v49 =	vmul.f32 v49, v35;
	v50 =	vmul.f32 v50, v35;
	v33 =	vadd.f32 v52, v33;
	v52 =	vld [tilespmem:s29+$0xFFFFFFA0]  }
0x96: {  	v62 =	vmul.f32 v54, v35;
	v32 =	vadd.f32 v63, v32;
	v63 =	vmul.f32 v55, v35;
	v35 =	vld [tilespmem:s29+$0x70]  }
0x97: {  	v48 =	vmul.f32 v48, v30;
	v56 =	vmul.f32 v56, v30;
	v55 =	vld [tilespmem:s29+$0xB0]  }
0x98: {  	v30 =	vmul.f32 v57, v30;
	v12 =	vadd.f32 v49, v12;
	v49 =	vld [tilespmem:s29+$0xFFFFFFB0];
	v31 =	vadd.f32 v50, v31  }
0x99: {  	v50 =	vld [tilespmem:s29+$0xFFFFFFE0];
	v33 =	vadd.f32 v62, v33;
	v32 =	vadd.f32 v63, v32;
	v62 =	vmul.f32 v58, v29  }
0x9a: {  	v29 =	vmul.f32 v59, v29;
	v58 =	vld [tilespmem:s29+$0x130];
	v12 =	vadd.f32 v47, v12;
	v31 =	vadd.f32 v48, v31  }
0x9b: {  	v63 =	vmul.f32 v60, v28;
	v60 =	vld [tilespmem:s29+$0x170];
	v33 =	vadd.f32 v56, v33;
	v30 =	vadd.f32 v30, v32  }
0x9c: {  	v44 =	vmul.f32 v44, v28;
	v47 =	vld [tilespmem:s29+$0x30];
	v12 =	vadd.f32 v45, v12;
	v31 =	vadd.f32 v46, v31  }
0x9d: {  	v28 =	vmul.f32 v61, v28;
	v48 =	vld [tilespmem:s29+$0x60];
	v33 =	vadd.f32 v62, v33;
	v29 =	vadd.f32 v29, v30  }
0x9e: {  	v32 =	vld [tilespmem:s29+$0xA0];
	v34 =	vmul.f32 v34, v25;
	v12 =	vadd.f32 v40, v12;
	v31 =	vadd.f32 v44, v31  }
0x9f: {  	v56 =	vld [tilespmem:s29+$0xF0];
	v25 =	vmul.f32 v51, v25;
	v33 =	vadd.f32 v63, v33;
	v28 =	vadd.f32 v28, v29  }
0xa0: {  	v57 =	vmul.f32 v52, v22;
	v30 =	vld [tilespmem:s29+$0xE0];
	v12 =	vadd.f32 v39, v12;
	v31 =	vadd.f32 v41, v31  }
0xa1: {  	v62 =	vld [tilespmem:s29+$0x1B0];
	v22 =	vmul.f32 v49, v22;
	v33 =	vadd.f32 v34, v33;
	v25 =	vadd.f32 v25, v28  }
0xa2: {  	v59 =	vmul.f32 v50, v19;
	v29 =	vld [tilespmem:s29+$0x120];
	v12 =	vadd.f32 v38, v12;
	v31 =	vadd.f32 v42, v31  }
0xa3: {  	v19 =	vmul.f32 v43, v19;
	v28 =	vld [tilespmem:s29+$0x160];
	v33 =	vadd.f32 v57, v33;
	v22 =	vadd.f32 v22, v25  }
0xa4: {  	v61 =	vmul.f32 v53, v16;
	v25 =	vld [tilespmem:s29+$0x1A0];
	v12 =	vadd.f32 v36, v12;
	v31 =	vadd.f32 v37, v31  }
0xa5: {  	v16 =	vmul.f32 v47, v16;
	v33 =	vadd.f32 v59, v33;
	v19 =	vadd.f32 v19, v22;
	v22 =	vld [tilespmem:s29+$0x1E0]  }
0xa6: {  	v12 =	vadd.f32 v26, v12;
	v26 =	vadd.f32 v27, v31;
	v27 =	vmul.f32 v48, v15;
	v31 =	vld [tilespmem:s29+$0x1F0]  }
0xa7: {  	v33 =	vadd.f32 v61, v33;
	v16 =	vadd.f32 v16, v19;
	v15 =	vmul.f32 v35, v15;
	v19 =	vld [tilespmem:s30+$0x64B8]  }
0xa8: {  	v12 =	vadd.f32 v23, v12;
	v23 =	vadd.f32 v24, v26;
	v24 =	vmul.f32 v32, v11;
	v26 =	vld [tilespmem:$0xF800]  }
0xa9: {  	v27 =	vadd.f32 v27, v33;
	v15 =	vadd.f32 v15, v16;
	v11 =	vmul.f32 v55, v11;
	v16 =	vld [tilespmem:$0xF810]  }
0xaa: {  	v12 =	vadd.f32 v20, v12;
	v20 =	vadd.f32 v21, v23;
	v21 =	vmul.f32 v30, v8;
	v23 =	vld [tilespmem:$0xF820]  }
0xab: {  	v24 =	vadd.f32 v24, v27;
	v11 =	vadd.f32 v11, v15;
	v8 =	vmul.f32 v56, v8;
	v15 =	vld [tilespmem:$0xF830]  }
0xac: {  	v12 =	vadd.f32 v17, v12;
	v17 =	vadd.f32 v18, v20;
	v18 =	vmul.f32 v29, v5;
	v20 =	vld [tilespmem:$0xF840]  }
0xad: {  	v21 =	vadd.f32 v21, v24;
	v8 =	vadd.f32 v8, v11;
	v5 =	vmul.f32 v58, v5;
	v11 =	vld [tilespmem:$0xF850]  }
0xae: {  	v12 =	vadd.f32 v13, v12;
	v13 =	vadd.f32 v14, v17;
	v14 =	vmul.f32 v28, v2;
	v17 =	vld [tilespmem:$0xF860]  }
0xaf: {  	v18 =	vadd.f32 v18, v21;
	v5 =	vadd.f32 v5, v8;
	v2 =	vmul.f32 v60, v2;
	v8 =	vld [tilespmem:$0xF870]  }
0xb0: {  	v9 =	vadd.f32 v9, v12;
	v10 =	vadd.f32 v10, v13;
	v12 =	vld [tilespmem:$0xF880]  }
0xb1: {  	v13 =	vmul.f32 v25, v1;
	v14 =	vadd.f32 v14, v18;
	v2 =	vadd.f32 v2, v5;
	v5 =	vld [tilespmem:$0xF890]  }
0xb2: {  	v21 =	vbroadcast v19, $0x9;
	v1 =	vmul.f32 v62, v1;
	v18 =	vld [tilespmem:$0xF8B0];
	v6 =	vadd.f32 v6, v9  }
0xb3: {  	v7 =	vadd.f32 v7, v10;
	v9 =	vld [tilespmem:$0xF8A0];
	v13 =	vadd.f32 v13, v14;
	v14 =	vbroadcast v19, $0x8  }
0xb4: {  	v10 =	vmul.f32 v22, v0;
	v1 =	vadd.f32 v1, v2;
	v0 =	vmul.f32 v31, v0;
	v22 =	vld [tilespmem:$0xF8E0]  }
0xb5: {  	v2 =	vadd.f32 v4, v6;
	v4 =	vld [tilespmem:$0xF8C0];
	v3 =	vadd.f32 v3, v7;
	v6 =	vmul.f32 v14, v26  }
0xb6: {  	v7 =	vmul.f32 v16, v14;
	v16 =	vld [tilespmem:$0xF8D0];
	v10 =	vadd.f32 v10, v13;
	v13 =	vmul.f32 v23, v14  }
0xb7: {  	v0 =	vadd.f32 v0, v1;
	v1 =	vadd.f32 v6, v2;
	v2 =	vmul.f32 v15, v14;
	v6 =	vld [tilespmem:$0xF8F0]  }
0xb8: {  	v3 =	vadd.f32 v7, v3;
	v7 =	vadd.f32 v13, v10;
	v10 =	vmul.f32 v20, v21;
	v13 =	vld [tilespmem:$0xF900]  }
0xb9: {  	v14 =	vld [tilespmem:$0xF910];
	v0 =	vadd.f32 v2, v0;
	v2 =	vmul.f32 v11, v21;
	v11 =	vbroadcast v19, $0xA  }
0xba: {  	v8 =	vmul.f32 v8, v21;
	v15 =	vld [tilespmem:$0xF920];
	v1 =	vadd.f32 v10, v1;
	v10 =	vmul.f32 v17, v21  }
0xbb: {  	v17 =	vld [tilespmem:$0xF940];
	v2 =	vadd.f32 v2, v3;
	v3 =	vmul.f32 v12, v11;
	v5 =	vmul.f32 v5, v11  }
0xbc: {  	v12 =	vld [tilespmem:$0xF930];
	v7 =	vadd.f32 v10, v7;
	v9 =	vmul.f32 v9, v11;
	v10 =	vbroadcast v19, $0xB  }
0xbd: {  	v0 =	vadd.f32 v8, v0;
	v8 =	vld [tilespmem:$0xF950];
	v1 =	vadd.f32 v3, v1;
	v3 =	vmul.f32 v18, v11  }
0xbe: {  	v2 =	vadd.f32 v5, v2;
	v5 =	vadd.f32 v9, v7;
	v4 =	vmul.f32 v4, v10;
	v7 =	vld [tilespmem:$0xF960]  }
0xbf: {  	v9 =	vbroadcast v19, $0xC;
	v11 =	vld [tilespmem:$0xF970];
	v0 =	vadd.f32 v3, v0;
	v3 =	vmul.f32 v16, v10  }
0xc0: {  	v6 =	vmul.f32 v6, v10;
	v1 =	vadd.f32 v4, v1;
	v4 =	vmul.f32 v22, v10;
	v10 =	vld [tilespmem:$0xF980]  }
0xc1: {  	v16 =	vld [tilespmem:$0xF9A0];
	v2 =	vadd.f32 v3, v2;
	v3 =	vmul.f32 v13, v9;
	v13 =	vmul.f32 v14, v9  }
0xc2: {  	v14 =	vld [tilespmem:$0xF990];
	v4 =	vadd.f32 v4, v5;
	v5 =	vmul.f32 v15, v9;
	v15 =	vbroadcast v19, $0xD  }
0xc3: {  	v0 =	vadd.f32 v6, v0;
	v6 =	vld [tilespmem:$0xF9B0];
	v1 =	vadd.f32 v3, v1;
	v3 =	vmul.f32 v12, v9  }
0xc4: {  	v2 =	vadd.f32 v13, v2;
	v4 =	vadd.f32 v5, v4;
	v5 =	vmul.f32 v17, v15;
	v9 =	vld [tilespmem:$0xF9C0]  }
0xc5: {  	v12 =	vld [tilespmem:$0xF9D0];
	v0 =	vadd.f32 v3, v0;
	v3 =	vmul.f32 v8, v15;
	v8 =	vbroadcast v19, $0xE  }
0xc6: {  	v1 =	vadd.f32 v5, v1;
	v5 =	vmul.f32 v7, v15;
	v7 =	vmul.f32 v11, v15;
	v11 =	vld [tilespmem:$0xF9E0]  }
0xc7: {  	v13 =	vld [tilespmem:$0xF9F0];
	v2 =	vadd.f32 v3, v2;
	v3 =	vmul.f32 v10, v8;
	v10 =	vbroadcast v19, $0xF  }
0xc8: {  	v4 =	vadd.f32 v5, v4;
	v0 =	vadd.f32 v7, v0;
	v5 =	vmul.f32 v14, v8  }
0xc9: {  	v1 =	vadd.f32 v3, v1;
	v3 =	vmul.f32 v16, v8;
	v7 =	vmul.f32 v9, v10  }
0xca: {  	v2 =	vadd.f32 v5, v2;
	v5 =	vmul.f32 v6, v8;
	v6 =	vmul.f32 v12, v10  }
0xcb: {  	s0 =	sshll.u32 s24, $0x7;
	v3 =	vadd.f32 v3, v4;
	v1 =	vadd.f32 v7, v1;
	v4 =	vmul.f32 v11, v10  }
0xcc: {  	s0 =	sand.u32 $0x3FFFFF80, s0;
	v0 =	vadd.f32 v5, v0;
	v2 =	vadd.f32 v6, v2;
	v5 =	vmul.f32 v13, v10  }
0xcd: {  	v3 =	vadd.f32 v4, v3;
	[tilespmem:s0+$0x12C00] =	vst v1  }
0xce: {  	p0 =	seq.s32 s24, $0x3F;
	v0 =	vadd.f32 v5, v0;
	[tilespmem:s0+$0x12C10] =	vst v2  }
0xcf: {  	s28 =	sshra.s32 @!p0 s28, $0x2;
	[tilespmem:s0+$0x12C20] =	vst v3  }
0xd0: {  	s29 =	simm.s32 @!p0 $0x80;
	s30 =	simm.s32 @!p0 $0xC800;
	[tilespmem:s0+$0x12C30] =	vst v0;
	s0 =	sadd.s32 @!p0 $0x190, s28  }
0xd1: {  	[tilespmem:s30], [sflag:$0x1] =	stream.indirect.gather @!p0 [hbm4b:s3+s29], $0x40, s0, s29, $0xb8;
	[tilespmem:$0x14C00] =	vst v63  }
0xd2: {  	s0 =	sadd.s32 @!p0 $0x210, s28;
	s28 =	simm.s32 @!p0 $0x48;
	s29 =	simm.s32 @!p0 $0xE800  }
0xd3: {  	[tilespmem:s29], [sflag:$0x1] =	stream.indirect.gather @!p0 [hbm4b:s3+s28], $0x40, s0, s28, $0xb8;
	[tilespmem:$0x14C00] =	vst v63  }
0xd4: {  	_ =	swait.ge [sflag:s19], $0x2000  }
0xd5: {  	[sflag:s19] =	ssyncset.done $0x0  }
0xd6: {  	[sflag:s19] =	ssyncadd.s32 $0xFFFFE000  }
0xd7: {  	_ =	swait.ge [sflag:s19], $0x1200  }
0xd8: {  	[sflag:s19] =	ssyncset.done $0x0  }
0xd9: {  	s28 =	simm.s32 $0xFC00;
	[sflag:s19] =	ssyncadd.s32 $0xFFFFEE00  }
0xda: {  	v3 =	vld [tilespmem:s28+$0x1C0]  }
0xdb: {  	v6 =	vld [tilespmem:s28+$0x1D0]  }
0xdc: {  	v7 =	vld [tilespmem:s28+$0x180]  }
0xdd: {  	v9 =	vld [tilespmem:s28+$0x190]  }
0xde: {  	v12 =	vmov s23;
	v10 =	vld [tilespmem:s28+$0x140]  }
0xdf: {  	v13 =	vld [tilespmem:s28+$0x150]  }
0xe0: {  	v14 =	vld [tilespmem:s28+$0x100]  }
0xe1: {  	v17 =	vld [tilespmem:s28+$0x110]  }
0xe2: {  	s31 =	simm.s32 $0x0;
	v18 =	vld [tilespmem:s28+$0xC0]  }
0xe3: {  	v4 =	vld.idx.msk [tilespmem:v12+s31+$0x0 ss:$0x1], $0xffff  }
0xe4: {  	v20 =	vld [tilespmem:s28+$0xD0]  }
0xe5: {  	v21 =	vld [tilespmem:s28+$0x80]  }
0xe6: {  	v23 =	vld [tilespmem:s28+$0x90]  }
0xe7: {  	v24 =	vld [tilespmem:s28+$0x40]  }
0xe8: {  	v26 =	vld [tilespmem:s28+$0x50]  }
0xe9: {  	v27 =	vld [tilespmem:s28+$0x0];
	v1 =	vbroadcast v4, $0xE;
	v0 =	vbroadcast v4, $0xF  }
0xea: {  	v63 =	vld [tilespmem:s28+$0x10];
	v5 =	vbroadcast v4, $0xC;
	v2 =	vbroadcast v4, $0xD  }
0xeb: {  	v36 =	vld [tilespmem:s28+$0xFFFFFFC0];
	v11 =	vbroadcast v4, $0xA;
	v8 =	vbroadcast v4, $0xB  }
0xec: {  	v37 =	vld [tilespmem:s28+$0xFFFFFFD0];
	v16 =	vbroadcast v4, $0x8;
	v15 =	vbroadcast v4, $0x9  }
0xed: {  	v38 =	vld [tilespmem:s28+$0xFFFFFF80];
	v22 =	vbroadcast v4, $0x6;
	v19 =	vbroadcast v4, $0x7  }
0xee: {  	v42 =	vld [tilespmem:s28+$0xFFFFFF90];
	v28 =	vbroadcast v4, $0x4;
	v25 =	vbroadcast v4, $0x5  }
0xef: {  	v39 =	vld [tilespmem:s28+$0xFFFFFF40];
	v30 =	vbroadcast v4, $0x2;
	v29 =	vbroadcast v4, $0x3  }
0xf0: {  	v41 =	vld [tilespmem:s28+$0xFFFFFF50];
	v43 =	vbroadcast v4, $0x0;
	v35 =	vbroadcast v4, $0x1  }
0xf1: {  	v40 =	vld [tilespmem:s28+$0xFFFFFF00];
	v4 =	vmul.f32 v3, v0;
	v3 =	vmul.f32 v6, v0  }
0xf2: {  	v44 =	vld [tilespmem:s28+$0xFFFFFF10];
	v6 =	vmul.f32 v7, v1;
	v7 =	vmul.f32 v9, v1  }
0xf3: {  	v45 =	vld [tilespmem:s28+$0xFFFFFEC0];
	v9 =	vmul.f32 v10, v2;
	v10 =	vmul.f32 v13, v2  }
0xf4: {  	v46 =	vld [tilespmem:s28+$0xFFFFFED0];
	v13 =	vmul.f32 v14, v5;
	v14 =	vmul.f32 v17, v5  }
0xf5: {  	v34 =	vimm.f32 $0.0e+00;
	v47 =	vld [tilespmem:s28+$0xFFFFFE80];
	v17 =	vmul.f32 v18, v8;
	v18 =	vmul.f32 v20, v8  }
0xf6: {  	v33 =	vimm.f32 $0.0e+00;
	v48 =	vld [tilespmem:s28+$0xFFFFFE90];
	v20 =	vmul.f32 v21, v11;
	v21 =	vmul.f32 v23, v11  }
0xf7: {  	v32 =	vimm.f32 $0.0e+00;
	v49 =	vld [tilespmem:s28+$0xFFFFFE40];
	v23 =	vmul.f32 v24, v15;
	v24 =	vmul.f32 v26, v15  }
0xf8: {  	v31 =	vimm.f32 $0.0e+00;
	s29 =	simm.s32 $0x40;
	v50 =	vld [tilespmem:s28+$0xFFFFFE50];
	v26 =	vmul.f32 v27, v16;
	v27 =	vmul.f32 v63, v16  }
.LBB2_5:
0xf9: {  	p0 =	sne.s32 s29, $0x2C0;
	v51 =	vld [tilespmem:s28+$0xFFFFFE00];
	v36 =	vmul.f32 v36, v19;
	v37 =	vmul.f32 v37, v19  }
0xfa: {  	v38 =	vmul.f32 v38, v22;
	v42 =	vmul.f32 v42, v22;
	v52 =	vld [tilespmem:s28+$0xFFFFFE10]  }
0xfb: {  	v39 =	vmul.f32 v39, v25;
	v41 =	vmul.f32 v41, v25;
	v53 =	vld [tilespmem:s28+$0xFFFFFE20]  }
0xfc: {  	v40 =	vmul.f32 v40, v28;
	v44 =	vmul.f32 v44, v28;
	v54 =	vld [tilespmem:s28+$0xFFFFFE30]  }
0xfd: {  	v45 =	vmul.f32 v45, v29;
	v46 =	vmul.f32 v46, v29;
	v55 =	vld [tilespmem:s28+$0xFFFFFE60]  }
0xfe: {  	v47 =	vmul.f32 v47, v30;
	v48 =	vmul.f32 v48, v30;
	v56 =	vld [tilespmem:s28+$0xFFFFFE70]  }
0xff: {  	v49 =	vmul.f32 v49, v35;
	v50 =	vmul.f32 v50, v35;
	v57 =	vld [tilespmem:s28+$0xFFFFFEA0]  }
0x100: {  	v51 =	vmul.f32 v43, v51;
	v52 =	vmul.f32 v52, v43;
	v58 =	vld [tilespmem:s28+$0xFFFFFEB0]  }
0x101: {  	v53 =	vmul.f32 v53, v43;
	v43 =	vmul.f32 v54, v43;
	v54 =	vld [tilespmem:s28+$0xFFFFFEE0]  }
0x102: {  	v31 =	vadd.f32 v51, v31;
	v34 =	vadd.f32 v52, v34;
	v51 =	vmul.f32 v55, v35;
	v52 =	vld [tilespmem:s28+$0xFFFFFEF0]  }
0x103: {  	v33 =	vadd.f32 v53, v33;
	v32 =	vadd.f32 v43, v32;
	v35 =	vmul.f32 v56, v35;
	v43 =	vld [tilespmem:s28+$0xFFFFFF20]  }
0x104: {  	v31 =	vadd.f32 v49, v31;
	v34 =	vadd.f32 v50, v34;
	v49 =	vmul.f32 v57, v30;
	v50 =	vld [tilespmem:s28+$0xFFFFFF30]  }
0x105: {  	v33 =	vadd.f32 v51, v33;
	v32 =	vadd.f32 v35, v32;
	v30 =	vmul.f32 v58, v30;
	v35 =	vld [tilespmem:s28+$0xFFFFFF60]  }
0x106: {  	v31 =	vadd.f32 v47, v31;
	v34 =	vadd.f32 v48, v34;
	v47 =	vmul.f32 v54, v29;
	v48 =	vld [tilespmem:s28+$0xFFFFFF70]  }
0x107: {  	v33 =	vadd.f32 v49, v33;
	v30 =	vadd.f32 v30, v32;
	v29 =	vmul.f32 v52, v29;
	v32 =	vld [tilespmem:s28+$0xFFFFFFA0]  }
0x108: {  	v31 =	vadd.f32 v45, v31;
	v34 =	vadd.f32 v46, v34;
	v43 =	vmul.f32 v43, v28;
	v45 =	vld [tilespmem:s28+$0xFFFFFFB0]  }
0x109: {  	v33 =	vadd.f32 v47, v33;
	v29 =	vadd.f32 v29, v30;
	v28 =	vmul.f32 v50, v28;
	v30 =	vld [tilespmem:s28+$0xFFFFFFE0]  }
0x10a: {  	v31 =	vadd.f32 v40, v31;
	v34 =	vadd.f32 v44, v34;
	v35 =	vmul.f32 v35, v25;
	v40 =	vld [tilespmem:s28+$0xFFFFFFF0]  }
0x10b: {  	v33 =	vadd.f32 v43, v33;
	v28 =	vadd.f32 v28, v29;
	v25 =	vmul.f32 v48, v25;
	v29 =	vld [tilespmem:s28+$0x20]  }
0x10c: {  	v31 =	vadd.f32 v39, v31;
	v34 =	vadd.f32 v41, v34;
	v32 =	vmul.f32 v32, v22;
	v39 =	vld [tilespmem:s28+$0x30]  }
0x10d: {  	v33 =	vadd.f32 v35, v33;
	v25 =	vadd.f32 v25, v28;
	v22 =	vmul.f32 v45, v22;
	v28 =	vld [tilespmem:s28+$0x60]  }
0x10e: {  	v31 =	vadd.f32 v38, v31;
	v34 =	vadd.f32 v42, v34;
	v30 =	vmul.f32 v30, v19;
	v35 =	vld [tilespmem:s28+$0x70]  }
0x10f: {  	v32 =	vadd.f32 v32, v33;
	v22 =	vadd.f32 v22, v25;
	v19 =	vmul.f32 v40, v19;
	v25 =	vld [tilespmem:s28+$0xA0]  }
0x110: {  	v31 =	vadd.f32 v36, v31;
	v33 =	vadd.f32 v37, v34;
	v29 =	vmul.f32 v29, v16;
	v34 =	vld [tilespmem:s28+$0xB0]  }
0x111: {  	v30 =	vadd.f32 v30, v32;
	v19 =	vadd.f32 v19, v22;
	v16 =	vmul.f32 v39, v16;
	v22 =	vld [tilespmem:s28+$0xE0]  }
0x112: {  	v26 =	vadd.f32 v26, v31;
	v27 =	vadd.f32 v27, v33;
	v28 =	vmul.f32 v28, v15;
	v31 =	vld [tilespmem:s28+$0xF0]  }
0x113: {  	v29 =	vadd.f32 v29, v30;
	v16 =	vadd.f32 v16, v19;
	v15 =	vmul.f32 v35, v15;
	v19 =	vld [tilespmem:s28+$0x120]  }
0x114: {  	v23 =	vadd.f32 v23, v26;
	v24 =	vadd.f32 v24, v27;
	v25 =	vmul.f32 v25, v11;
	v26 =	vld [tilespmem:s28+$0x130]  }
0x115: {  	v27 =	vadd.f32 v28, v29;
	v15 =	vadd.f32 v15, v16;
	v11 =	vmul.f32 v34, v11;
	v16 =	vld [tilespmem:s28+$0x160]  }
0x116: {  	v20 =	vadd.f32 v20, v23;
	v21 =	vadd.f32 v21, v24;
	v22 =	vmul.f32 v22, v8;
	v23 =	vld [tilespmem:s28+$0x170]  }
0x117: {  	v24 =	vadd.f32 v25, v27;
	v11 =	vadd.f32 v11, v15;
	v8 =	vmul.f32 v31, v8;
	v15 =	vld [tilespmem:s28+$0x1A0]  }
0x118: {  	v17 =	vadd.f32 v17, v20;
	v18 =	vadd.f32 v18, v21;
	v19 =	vmul.f32 v19, v5;
	v20 =	vld [tilespmem:s28+$0x1B0]  }
0x119: {  	v21 =	vadd.f32 v22, v24;
	v8 =	vadd.f32 v8, v11;
	v5 =	vmul.f32 v26, v5;
	v11 =	vld [tilespmem:s28+$0x1E0]  }
0x11a: {  	v13 =	vadd.f32 v13, v17;
	v14 =	vadd.f32 v14, v18;
	v16 =	vmul.f32 v16, v2;
	v17 =	vld [tilespmem:s28+$0x1F0];
	s28 =	sadd.s32 $0x400, s28  }
0x11b: {  	v19 =	vadd.f32 v19, v21;
	v18 =	vld [tilespmem:s28+$0x1C0];
	v5 =	vadd.f32 v5, v8;
	v2 =	vmul.f32 v23, v2  }
0x11c: {  	v8 =	vadd.f32 v9, v13;
	v9 =	vadd.f32 v10, v14;
	v21 =	vld [tilespmem:s28+$0x1D0];
	v10 =	vmul.f32 v15, v1  }
0x11d: {  	v14 =	vadd.f32 v16, v19;
	v13 =	vld [tilespmem:s28+$0x180];
	v2 =	vadd.f32 v2, v5;
	v1 =	vmul.f32 v20, v1  }
0x11e: {  	v5 =	vadd.f32 v6, v8;
	v6 =	vadd.f32 v7, v9;
	v20 =	vld [tilespmem:s28+$0x190];
	v7 =	vmul.f32 v11, v0  }
0x11f: {  	v8 =	vadd.f32 v10, v14;
	v9 =	vld [tilespmem:s28+$0x140];
	v1 =	vadd.f32 v1, v2;
	v0 =	vmul.f32 v17, v0  }
0x120: {  	v31 =	vadd.f32 v4, v5;
	v34 =	vadd.f32 v3, v6;
	v10 =	vld [tilespmem:s28+$0x150]  }
0x121: {  	v33 =	vadd.f32 v7, v8;
	v14 =	vld [tilespmem:s28+$0x100];
	v32 =	vadd.f32 v0, v1  }
0x122: {  	v17 =	vld [tilespmem:s28+$0x110]  }
0x123: {  	s0 =	sshra.s32 s29, $0x2;
	v23 =	vld [tilespmem:s28+$0xC0]  }
0x124: {  	v3 =	vld.idx.msk [tilespmem:v12+s0+$0x0 ss:$0x1], $0xffff  }
0x125: {  	v24 =	vld [tilespmem:s28+$0xD0]  }
0x126: {  	v26 =	vld [tilespmem:s28+$0x80]  }
0x127: {  	v27 =	vld [tilespmem:s28+$0x90]  }
0x128: {  	v50 =	vld [tilespmem:s28+$0x40]  }
0x129: {  	v51 =	vld [tilespmem:s28+$0x50]  }
0x12a: {  	v1 =	vbroadcast v3, $0xE;
	v0 =	vbroadcast v3, $0xF;
	v52 =	vld [tilespmem:s28+$0x0]  }
0x12b: {  	v5 =	vbroadcast v3, $0xC;
	v2 =	vbroadcast v3, $0xD;
	v53 =	vld [tilespmem:s28+$0x10]  }
0x12c: {  	v11 =	vbroadcast v3, $0xA;
	v8 =	vbroadcast v3, $0xB;
	v36 =	vld [tilespmem:s28+$0xFFFFFFC0]  }
0x12d: {  	v16 =	vbroadcast v3, $0x8;
	v15 =	vbroadcast v3, $0x9;
	v37 =	vld [tilespmem:s28+$0xFFFFFFD0]  }
0x12e: {  	v22 =	vbroadcast v3, $0x6;
	v19 =	vbroadcast v3, $0x7;
	v38 =	vld [tilespmem:s28+$0xFFFFFF80]  }
0x12f: {  	v28 =	vbroadcast v3, $0x4;
	v25 =	vbroadcast v3, $0x5;
	v42 =	vld [tilespmem:s28+$0xFFFFFF90]  }
0x130: {  	v30 =	vbroadcast v3, $0x2;
	v29 =	vbroadcast v3, $0x3;
	v39 =	vld [tilespmem:s28+$0xFFFFFF40]  }
0x131: {  	v43 =	vbroadcast v3, $0x0;
	v35 =	vbroadcast v3, $0x1;
	v41 =	vld [tilespmem:s28+$0xFFFFFF50]  }
0x132: {  	v4 =	vmul.f32 v18, v0;
	v3 =	vmul.f32 v21, v0;
	v40 =	vld [tilespmem:s28+$0xFFFFFF00]  }
0x133: {  	v6 =	vmul.f32 v13, v1;
	v7 =	vmul.f32 v20, v1;
	v44 =	vld [tilespmem:s28+$0xFFFFFF10]  }
0x134: {  	v9 =	vmul.f32 v9, v2;
	v10 =	vmul.f32 v10, v2;
	v45 =	vld [tilespmem:s28+$0xFFFFFEC0]  }
.Ltmp1:
0x135: {  	v13 =	vmul.f32 v14, v5;
	v14 =	vmul.f32 v17, v5;
	v46 =	vld [tilespmem:s28+$0xFFFFFED0];
	(pc) =	sbr.rel @p0 .LBB2_5-.Ltmp1, $4  }
0x136: {  	v17 =	vmul.f32 v23, v8;
	v18 =	vmul.f32 v24, v8;
	v47 =	vld [tilespmem:s28+$0xFFFFFE80]  }
0x137: {  	v20 =	vmul.f32 v26, v11;
	v21 =	vmul.f32 v27, v11;
	v48 =	vld [tilespmem:s28+$0xFFFFFE90]  }
0x138: {  	v23 =	vmul.f32 v50, v15;
	v24 =	vmul.f32 v51, v15;
	v49 =	vld [tilespmem:s28+$0xFFFFFE40]  }
0x139: {  	s29 =	sadd.s32 $0x40, s29;
	v26 =	vmul.f32 v52, v16;
	v27 =	vmul.f32 v53, v16;
	v50 =	vld [tilespmem:s28+$0xFFFFFE50]  }
0x13a: {  	v12 =	vld [tilespmem:s28+$0xFFFFFE00]  }
0x13b: {  	v51 =	vld [tilespmem:s28+$0xFFFFFE10]  }
0x13c: {  	v52 =	vld [tilespmem:s28+$0xFFFFFE20]  }
0x13d: {  	v53 =	vld [tilespmem:s28+$0xFFFFFE30]  }
0x13e: {  	v54 =	vld [tilespmem:s28+$0xFFFFFE60]  }
0x13f: {  	v55 =	vld [tilespmem:s28+$0xFFFFFE70]  }
0x140: {  	v56 =	vld [tilespmem:s28+$0xFFFFFEA0]  }
0x141: {  	v57 =	vld [tilespmem:s28+$0xFFFFFEB0]  }
0x142: {  	v58 =	vld [tilespmem:s28+$0xFFFFFEE0]  }
0x143: {  	v59 =	vld [tilespmem:s28+$0xFFFFFEF0]  }
0x144: {  	v60 =	vld [tilespmem:s28+$0xFFFFFF20]  }
0x145: {  	v61 =	vld [tilespmem:s28+$0xFFFFFF30];
	v12 =	vmul.f32 v43, v12;
	v51 =	vmul.f32 v51, v43  }
0x146: {  	v52 =	vmul.f32 v52, v43;
	v63 =	vmul.f32 v53, v43;
	v43 =	vld [tilespmem:s28+$0xFFFFFFF0]  }
0x147: {  	v36 =	vmul.f32 v36, v19;
	v37 =	vmul.f32 v37, v19;
	v53 =	vld [tilespmem:s28+$0x20]  }
0x148: {  	v38 =	vmul.f32 v38, v22;
	v12 =	vadd.f32 v12, v31;
	v31 =	vadd.f32 v51, v34;
	v34 =	vld [tilespmem:s28+$0xFFFFFF60]  }
0x149: {  	v42 =	vmul.f32 v42, v22;
	v39 =	vmul.f32 v39, v25;
	v51 =	vld [tilespmem:s28+$0xFFFFFF70]  }
0x14a: {  	v49 =	vmul.f32 v49, v35;
	v50 =	vmul.f32 v50, v35;
	v33 =	vadd.f32 v52, v33;
	v52 =	vld [tilespmem:s28+$0xFFFFFFA0]  }
0x14b: {  	v62 =	vmul.f32 v54, v35;
	v32 =	vadd.f32 v63, v32;
	v63 =	vmul.f32 v55, v35;
	v35 =	vld [tilespmem:s28+$0x70]  }
0x14c: {  	v41 =	vmul.f32 v41, v25;
	v40 =	vmul.f32 v40, v28;
	v55 =	vld [tilespmem:s28+$0xA0]  }
0x14d: {  	v44 =	vmul.f32 v44, v28;
	v47 =	vmul.f32 v47, v30;
	v12 =	vadd.f32 v49, v12;
	v49 =	vld [tilespmem:s28+$0xFFFFFFB0]  }
0x14e: {  	v45 =	vmul.f32 v45, v29;
	v48 =	vmul.f32 v48, v30;
	v31 =	vadd.f32 v50, v31;
	v50 =	vld [tilespmem:s28+$0xFFFFFFE0]  }
0x14f: {  	v57 =	vmul.f32 v57, v30;
	v32 =	vadd.f32 v63, v32;
	v12 =	vadd.f32 v47, v12;
	v47 =	vld [tilespmem:s28+$0x30]  }
0x150: {  	v46 =	vmul.f32 v46, v29;
	v56 =	vmul.f32 v56, v30;
	v31 =	vadd.f32 v48, v31;
	v48 =	vld [tilespmem:s28+$0x60]  }
0x151: {  	v33 =	vadd.f32 v62, v33;
	v62 =	vmul.f32 v58, v29;
	v30 =	vadd.f32 v57, v32;
	v57 =	vld [tilespmem:s28+$0xB0]  }
0x152: {  	v63 =	vmul.f32 v59, v29;
	v58 =	vmul.f32 v61, v28;
	v32 =	vld [tilespmem:$0x12A50]  }
0x153: {  	v33 =	vadd.f32 v56, v33;
	v56 =	vmul.f32 v60, v28;
	v59 =	vmul.f32 v51, v25;
	v51 =	vld [tilespmem:s28+$0x1F0]  }
0x154: {  	v60 =	vmul.f32 v52, v22;
	v54 =	vmul.f32 v55, v11;
	v55 =	vld [tilespmem:$0x12A00]  }
0x155: {  	v52 =	vmul.f32 v35, v15;
	v35 =	vld [tilespmem:$0x12A60];
	v12 =	vadd.f32 v45, v12;
	v31 =	vadd.f32 v46, v31  }
0x156: {  	v34 =	vmul.f32 v34, v25;
	v33 =	vadd.f32 v62, v33;
	v29 =	vadd.f32 v63, v30;
	v30 =	vld [tilespmem:s28+$0xE0]  }
0x157: {  	v63 =	vmul.f32 v43, v19;
	v46 =	vld [tilespmem:$0x12AB0];
	v12 =	vadd.f32 v40, v12;
	v31 =	vadd.f32 v44, v31  }
0x158: {  	v43 =	vmul.f32 v53, v16;
	v40 =	vld [tilespmem:s28+$0xF0];
	v33 =	vadd.f32 v56, v33;
	v28 =	vadd.f32 v58, v29  }
0x159: {  	v61 =	vmul.f32 v49, v22;
	v12 =	vadd.f32 v39, v12;
	v31 =	vadd.f32 v41, v31;
	v41 =	vld [tilespmem:s28+$0x130]  }
0x15a: {  	v62 =	vmul.f32 v50, v19;
	v45 =	vmul.f32 v47, v16;
	v25 =	vadd.f32 v59, v28;
	v28 =	vld [tilespmem:s28+$0x160]  }
0x15b: {  	v50 =	vmul.f32 v48, v15;
	v33 =	vadd.f32 v34, v33;
	v12 =	vadd.f32 v38, v12;
	v38 =	vld [tilespmem:s28+$0x170]  }
0x15c: {  	v56 =	vmul.f32 v57, v11;
	v31 =	vadd.f32 v42, v31;
	v22 =	vadd.f32 v61, v25;
	v42 =	vld [tilespmem:s28+$0x1A0]  }
0x15d: {  	v44 =	vld [tilespmem:s28+$0x1B0];
	v59 =	vmul.f32 v30, v8;
	v33 =	vadd.f32 v60, v33;
	v12 =	vadd.f32 v36, v12  }
0x15e: {  	v47 =	vld [tilespmem:s28+$0x1E0];
	v61 =	vmul.f32 v40, v8;
	v31 =	vadd.f32 v37, v31;
	v19 =	vadd.f32 v63, v22  }
0x15f: {  	v29 =	vld [tilespmem:s28+$0x120];
	v33 =	vadd.f32 v62, v33;
	v30 =	vmul.f32 v41, v5;
	v12 =	vadd.f32 v26, v12  }
0x160: {  	v34 =	vmul.f32 v28, v2;
	v49 =	vadd.f32 v27, v31;
	v16 =	vadd.f32 v45, v19;
	v19 =	vld [tilespmem:s26+$0x64B8]  }
0x161: {  	v57 =	vld [tilespmem:$0x12A10];
	v33 =	vadd.f32 v43, v33;
	v36 =	vmul.f32 v38, v2;
	v40 =	vmul.f32 v42, v1  }
0x162: {  	v39 =	vld [tilespmem:$0x12A80];
	v42 =	vmul.f32 v44, v1;
	v12 =	vadd.f32 v23, v12;
	v53 =	vadd.f32 v24, v49  }
0x163: {  	v60 =	vld [tilespmem:$0x12A20];
	v44 =	vmul.f32 v47, v0;
	v27 =	vadd.f32 v50, v33;
	v15 =	vadd.f32 v52, v16  }
0x164: {  	v62 =	vld [tilespmem:$0x12A30];
	v47 =	vmul.f32 v51, v0;
	v12 =	vadd.f32 v20, v12;
	v58 =	vadd.f32 v21, v53  }
0x165: {  	v41 =	vld [tilespmem:$0x12A90];
	v24 =	vadd.f32 v54, v27;
	v11 =	vadd.f32 v56, v15;
	v45 =	vbroadcast v19, $0x8  }
0x166: {  	v38 =	vld [tilespmem:$0x12A70];
	v27 =	vmul.f32 v29, v5;
	v54 =	vbroadcast v19, $0x9;
	v12 =	vadd.f32 v17, v12  }
0x167: {  	v29 =	vld [tilespmem:$0x12A40];
	v63 =	vadd.f32 v18, v58;
	v21 =	vadd.f32 v59, v24;
	v50 =	vmul.f32 v45, v55  }
0x168: {  	v43 =	vld [tilespmem:$0x12AA0];
	v8 =	vadd.f32 v61, v11;
	v51 =	vmul.f32 v57, v45;
	v53 =	vmul.f32 v60, v45  }
0x169: {  	v52 =	vld [tilespmem:$0x12AD0];
	v57 =	vmul.f32 v62, v45;
	v62 =	vmul.f32 v32, v54;
	v12 =	vadd.f32 v13, v12  }
0x16a: {  	v20 =	vld [tilespmem:$0x12B10];
	v23 =	vmul.f32 v35, v54;
	v33 =	vadd.f32 v14, v63;
	v18 =	vadd.f32 v27, v21  }
0x16b: {  	v61 =	vld [tilespmem:$0x12B00];
	v5 =	vadd.f32 v30, v8;
	v63 =	vbroadcast v19, $0xA;
	v8 =	vmul.f32 v38, v54  }
0x16c: {  	v55 =	vld [tilespmem:$0x12AE0];
	v27 =	vbroadcast v19, $0xB;
	v60 =	vmul.f32 v29, v54;
	v9 =	vadd.f32 v9, v12  }
0x16d: {  	v24 =	vld [tilespmem:$0x12B20];
	v10 =	vadd.f32 v10, v33;
	v14 =	vadd.f32 v34, v18;
	v25 =	vmul.f32 v39, v63  }
0x16e: {  	v2 =	vadd.f32 v36, v5;
	v5 =	vmul.f32 v41, v63;
	v29 =	vmul.f32 v46, v63  }
0x16f: {  	v49 =	vld [tilespmem:$0x12AC0];
	v33 =	vmul.f32 v52, v27;
	v34 =	vbroadcast v19, $0xC;
	v6 =	vadd.f32 v6, v9  }
0x170: {  	v58 =	vld [tilespmem:$0x12AF0];
	v7 =	vadd.f32 v7, v10;
	v13 =	vadd.f32 v40, v14;
	v9 =	vmul.f32 v43, v63  }
0x171: {  	v26 =	vld [tilespmem:$0x12B30];
	v1 =	vadd.f32 v42, v2;
	v36 =	vmul.f32 v55, v27;
	v38 =	vmul.f32 v61, v34  }
0x172: {  	v28 =	vld [tilespmem:$0x12B40];
	v39 =	vmul.f32 v20, v34;
	v41 =	vmul.f32 v24, v34;
	v48 =	vadd.f32 v4, v6  }
0x173: {  	v42 =	vbroadcast v19, $0xD;
	v3 =	vadd.f32 v3, v7;
	v10 =	vadd.f32 v44, v13  }
0x174: {  	v35 =	vld [tilespmem:$0x12B70];
	v55 =	vbroadcast v19, $0xF;
	v0 =	vadd.f32 v47, v1;
	v56 =	vadd.f32 v50, v48  }
0x175: {  	v30 =	vld [tilespmem:$0x12B50];
	v4 =	vmul.f32 v49, v27;
	v6 =	vmul.f32 v58, v27;
	v3 =	vadd.f32 v51, v3  }
0x176: {  	v32 =	vld [tilespmem:$0x12B60];
	v44 =	vmul.f32 v26, v34;
	v59 =	vadd.f32 v53, v10;
	v1 =	vadd.f32 v60, v56  }
0x177: {  	v37 =	vld [tilespmem:$0x12B80];
	v46 =	vmul.f32 v28, v42;
	v0 =	vadd.f32 v57, v0;
	v2 =	vadd.f32 v62, v3  }
0x178: {  	v40 =	vld [tilespmem:$0x12B90];
	v49 =	vbroadcast v19, $0xE;
	v7 =	vadd.f32 v23, v59;
	v1 =	vadd.f32 v25, v1  }
0x179: {  	v43 =	vld [tilespmem:$0x12BA0];
	v52 =	vmul.f32 v35, v42;
	v0 =	vadd.f32 v8, v0;
	v2 =	vadd.f32 v5, v2  }
0x17a: {  	v45 =	vld [tilespmem:$0x12BB0];
	v48 =	vmul.f32 v30, v42;
	v31 =	vadd.f32 v9, v7;
	v1 =	vadd.f32 v4, v1  }
0x17b: {  	v47 =	vld [tilespmem:$0x12BC0];
	v51 =	vmul.f32 v32, v42;
	v0 =	vadd.f32 v29, v0;
	v2 =	vadd.f32 v33, v2  }
0x17c: {  	v50 =	vld [tilespmem:$0x12BD0];
	v54 =	vmul.f32 v37, v49;
	v4 =	vadd.f32 v36, v31;
	v1 =	vadd.f32 v38, v1  }
0x17d: {  	v53 =	vld [tilespmem:$0x12BE0];
	v57 =	vmul.f32 v40, v49;
	v0 =	vadd.f32 v6, v0;
	v2 =	vadd.f32 v39, v2  }
0x17e: {  	v58 =	vmul.f32 v43, v49;
	v56 =	vld [tilespmem:$0x12BF0];
	v4 =	vadd.f32 v41, v4;
	v1 =	vadd.f32 v46, v1  }
0x17f: {  	v60 =	vmul.f32 v45, v49;
	v0 =	vadd.f32 v44, v0;
	v2 =	vadd.f32 v48, v2  }
0x180: {  	v59 =	vmul.f32 v47, v55;
	v4 =	vadd.f32 v51, v4;
	v1 =	vadd.f32 v54, v1  }
0x181: {  	s24 =	sadd.s32 $0x1, s24;
	v61 =	vmul.f32 v50, v55;
	v0 =	vadd.f32 v52, v0;
	v2 =	vadd.f32 v57, v2  }
0x182: {  	s0 =	sshll.u32 s25, $0x6;
	p0 =	sne.s32 s24, $0x40;
	v62 =	vmul.f32 v53, v55;
	v3 =	vadd.f32 v58, v4;
	v1 =	vadd.f32 v59, v1  }
.Ltmp2:
0x183: {  	s0 =	sand.u32 $0x3FFFFFC0, s0;
	v63 =	vmul.f32 v56, v55;
	v0 =	vadd.f32 v60, v0;
	v2 =	vadd.f32 v61, v2;
	(pc) =	sbr.rel @p0 .LBB2_2-.Ltmp2, $4  }
0x184: {  	v3 =	vadd.f32 v62, v3;
	[tilespmem:s0+$0x12C00] =	vst v1  }
0x185: {  	v0 =	vadd.f32 v63, v0;
	[tilespmem:s0+$0x12C10] =	vst v2  }
0x186: {  	[tilespmem:s0+$0x12C20] =	vst v3  }
0x187: {  	s22 =	sadd.s32 $0x190, s22;
	s23 =	sadd.s32 $0x190, s23;
	[tilespmem:s0+$0x12C30] =	vst v0  }
0x188: {  	s22 =	simm.s32 $0x0  }
0x189: {  	[hbm4b:s6+s22] =	stream.linear.scatter [tilespmem:s20], [sflag:$0x3], $0x2000, $0x38;
	[tilespmem:$0x14C00] =	vst v63  }
0x18a: {  	_ =	swait.ge [sflag:s11], $0x2000  }
0x18b: {  	[sflag:s11] =	ssyncset.done $0x0  }
0x18c: {  	[sflag:s11] =	ssyncadd.s32 $0xFFFFE000  }
0x18d: {  	[tilespmem:s22], [sflag:$0x3] =	stream.linear.gather [hbm4b:s7+s22], $0x6400, $0x38;
	[tilespmem:$0x14C00] =	vst v63  }
0x18e: {  	_ =	swait.ge [sflag:s11], $0x6400  }
0x18f: {  	[sflag:s11] =	ssyncset.done $0x0  }
0x190: {  	s23 =	simm.s32 $0x6400;
	[sflag:s11] =	ssyncadd.s32 $0xFFFF9C00  }
0x191: {  	[tilespmem:s23], [sflag:$0x3] =	stream.linear.gather [hbm4b:s8+s22], $0x6400, $0x38;
	[tilespmem:$0x14C00] =	vst v63  }
0x192: {  	_ =	swait.ge [sflag:s11], $0x6400  }
0x193: {  	[sflag:s11] =	ssyncset.done $0x0  }
0x194: {  	[sflag:s11] =	ssyncadd.s32 $0xFFFF9C00  }
0x195: {  	[tilespmem:s13], [sflag:$0x1] =	stream.indirect.gather [hbm4b:s3+s12], $0x40, s22, s12, $0xb8;
	[tilespmem:$0x14C00] =	vst v63  }
0x196: {  	s24 =	simm.s32 $0x64C8  }
0x197: {  	[tilespmem:s15], [sflag:$0x1] =	stream.indirect.gather [hbm4b:s3+s14], $0x40, s12, s14, $0xb8;
	[tilespmem:$0x14C00] =	vst v63  }
.LBB2_8:
0x198: {  	s25 =	sshllo.u32 s22, $0x1  }
0x199: {  	s26 =	smul.u32 $0xC8, s25;
	_ =	sdelay $0x1  }
0x19a: {  	[tilespmem:s16], [sflag:$0x2] =	stream.indirect.gather [hbm4b:s3+s12], $0x40, s26, s12, $0xb8;
	[tilespmem:$0x14C00] =	vst v63  }
0x19b: {  	s0 =	sadd.s32 $0x80, s26  }
0x19c: {  	[tilespmem:s17], [sflag:$0x2] =	stream.indirect.gather [hbm4b:s3+s14], $0x40, s0, s14, $0xb8;
	[tilespmem:$0x14C00] =	vst v63  }
0x19d: {  	_ =	swait.ge [sflag:s18], $0x2000  }
0x19e: {  	[sflag:s18] =	ssyncset.done $0x0  }
0x19f: {  	[sflag:s18] =	ssyncadd.s32 $0xFFFFE000  }
0x1a0: {  	_ =	swait.ge [sflag:s18], $0x1200  }
0x1a1: {  	[sflag:s18] =	ssyncset.done $0x0  }
0x1a2: {  	s29 =	simm.s32 $0xCA00;
	[sflag:s18] =	ssyncadd.s32 $0xFFFFEE00  }
0x1a3: {  	v3 =	vld [tilespmem:s29+$0x1C0]  }
0x1a4: {  	v6 =	vld [tilespmem:s29+$0x1D0]  }
0x1a5: {  	v7 =	vld [tilespmem:s29+$0x180]  }
0x1a6: {  	v9 =	vld [tilespmem:s29+$0x190]  }
0x1a7: {  	v12 =	vmov s23;
	v10 =	vld [tilespmem:s29+$0x140]  }
0x1a8: {  	v13 =	vld [tilespmem:s29+$0x150]  }
0x1a9: {  	v14 =	vld [tilespmem:s29+$0x100]  }
0x1aa: {  	v17 =	vld [tilespmem:s29+$0x110]  }
0x1ab: {  	s0 =	simm.s32 $0x0;
	v18 =	vld [tilespmem:s29+$0xC0]  }
0x1ac: {  	v4 =	vld.idx.msk [tilespmem:v12+s0+$0x0 ss:$0x1], $0xffff  }
0x1ad: {  	v20 =	vld [tilespmem:s29+$0xD0]  }
0x1ae: {  	v21 =	vld [tilespmem:s29+$0x80]  }
0x1af: {  	v23 =	vld [tilespmem:s29+$0x90]  }
0x1b0: {  	v24 =	vld [tilespmem:s29+$0x40]  }
0x1b1: {  	v26 =	vld [tilespmem:s29+$0x50]  }
0x1b2: {  	v27 =	vld [tilespmem:s29+$0x0];
	v1 =	vbroadcast v4, $0xE;
	v0 =	vbroadcast v4, $0xF  }
0x1b3: {  	v32 =	vld [tilespmem:s29+$0x10];
	v5 =	vbroadcast v4, $0xC;
	v2 =	vbroadcast v4, $0xD  }
0x1b4: {  	v36 =	vld [tilespmem:s29+$0xFFFFFFC0];
	v11 =	vbroadcast v4, $0xA;
	v8 =	vbroadcast v4, $0xB  }
0x1b5: {  	v37 =	vld [tilespmem:s29+$0xFFFFFFD0];
	v16 =	vbroadcast v4, $0x8;
	v15 =	vbroadcast v4, $0x9  }
0x1b6: {  	v38 =	vld [tilespmem:s29+$0xFFFFFF80];
	v22 =	vbroadcast v4, $0x6;
	v19 =	vbroadcast v4, $0x7  }
0x1b7: {  	v42 =	vld [tilespmem:s29+$0xFFFFFF90];
	v28 =	vbroadcast v4, $0x4;
	v25 =	vbroadcast v4, $0x5  }
0x1b8: {  	v39 =	vld [tilespmem:s29+$0xFFFFFF40];
	v30 =	vbroadcast v4, $0x2;
	v29 =	vbroadcast v4, $0x3  }
0x1b9: {  	v41 =	vld [tilespmem:s29+$0xFFFFFF50];
	v43 =	vbroadcast v4, $0x0;
	v35 =	vbroadcast v4, $0x1  }
0x1ba: {  	v40 =	vld [tilespmem:s29+$0xFFFFFF00];
	v4 =	vmul.f32 v3, v0;
	v3 =	vmul.f32 v6, v0  }
0x1bb: {  	v44 =	vld [tilespmem:s29+$0xFFFFFF10];
	v6 =	vmul.f32 v7, v1;
	v7 =	vmul.f32 v9, v1  }
0x1bc: {  	v45 =	vld [tilespmem:s29+$0xFFFFFEC0];
	v9 =	vmul.f32 v10, v2;
	v10 =	vmul.f32 v13, v2  }
0x1bd: {  	v46 =	vld [tilespmem:s29+$0xFFFFFED0];
	v13 =	vmul.f32 v14, v5;
	v14 =	vmul.f32 v17, v5  }
0x1be: {  	v31 =	vimm.f32 $0.0e+00;
	v47 =	vld [tilespmem:s29+$0xFFFFFE80];
	v17 =	vmul.f32 v18, v8;
	v18 =	vmul.f32 v20, v8  }
0x1bf: {  	s28 =	smul.u32 $0x640, s22;
	v34 =	vimm.f32 $0.0e+00;
	v48 =	vld [tilespmem:s29+$0xFFFFFE90];
	v20 =	vmul.f32 v21, v11;
	v21 =	vmul.f32 v23, v11  }
0x1c0: {  	v33 =	vimm.f32 $0.0e+00;
	v49 =	vld [tilespmem:s29+$0xFFFFFE40];
	v23 =	vmul.f32 v24, v15;
	v24 =	vmul.f32 v26, v15  }
0x1c1: {  	s31 =	simm.s32 $0x40;
	s30 =	sshra.s32 s28, $0x2;
	v50 =	vld [tilespmem:s29+$0xFFFFFE50];
	v26 =	vmul.f32 v27, v16;
	v27 =	vmul.f32 v32, v16;
	v32 =	vimm.f32 $0.0e+00  }
.LBB2_9:
0x1c2: {  	p0 =	sne.s32 s31, $0x2C0;
	v51 =	vld [tilespmem:s29+$0xFFFFFE00];
	v36 =	vmul.f32 v36, v19;
	v37 =	vmul.f32 v37, v19  }
0x1c3: {  	v38 =	vmul.f32 v38, v22;
	v42 =	vmul.f32 v42, v22;
	v52 =	vld [tilespmem:s29+$0xFFFFFE10]  }
0x1c4: {  	v39 =	vmul.f32 v39, v25;
	v41 =	vmul.f32 v41, v25;
	v53 =	vld [tilespmem:s29+$0xFFFFFE20]  }
0x1c5: {  	v40 =	vmul.f32 v40, v28;
	v44 =	vmul.f32 v44, v28;
	v54 =	vld [tilespmem:s29+$0xFFFFFE30]  }
0x1c6: {  	v45 =	vmul.f32 v45, v29;
	v46 =	vmul.f32 v46, v29;
	v55 =	vld [tilespmem:s29+$0xFFFFFE60]  }
0x1c7: {  	v47 =	vmul.f32 v47, v30;
	v48 =	vmul.f32 v48, v30;
	v56 =	vld [tilespmem:s29+$0xFFFFFE70]  }
0x1c8: {  	v49 =	vmul.f32 v49, v35;
	v50 =	vmul.f32 v50, v35;
	v57 =	vld [tilespmem:s29+$0xFFFFFEA0]  }
0x1c9: {  	v51 =	vmul.f32 v43, v51;
	v52 =	vmul.f32 v52, v43;
	v58 =	vld [tilespmem:s29+$0xFFFFFEB0]  }
0x1ca: {  	v53 =	vmul.f32 v53, v43;
	v43 =	vmul.f32 v54, v43;
	v54 =	vld [tilespmem:s29+$0xFFFFFEE0]  }
0x1cb: {  	v31 =	vadd.f32 v51, v31;
	v34 =	vadd.f32 v52, v34;
	v51 =	vmul.f32 v55, v35;
	v52 =	vld [tilespmem:s29+$0xFFFFFEF0]  }
0x1cc: {  	v33 =	vadd.f32 v53, v33;
	v32 =	vadd.f32 v43, v32;
	v35 =	vmul.f32 v56, v35;
	v43 =	vld [tilespmem:s29+$0xFFFFFF20]  }
0x1cd: {  	v31 =	vadd.f32 v49, v31;
	v34 =	vadd.f32 v50, v34;
	v49 =	vmul.f32 v57, v30;
	v50 =	vld [tilespmem:s29+$0xFFFFFF30]  }
0x1ce: {  	v33 =	vadd.f32 v51, v33;
	v32 =	vadd.f32 v35, v32;
	v30 =	vmul.f32 v58, v30;
	v35 =	vld [tilespmem:s29+$0xFFFFFF60]  }
0x1cf: {  	v31 =	vadd.f32 v47, v31;
	v34 =	vadd.f32 v48, v34;
	v47 =	vmul.f32 v54, v29;
	v48 =	vld [tilespmem:s29+$0xFFFFFF70]  }
0x1d0: {  	v33 =	vadd.f32 v49, v33;
	v30 =	vadd.f32 v30, v32;
	v29 =	vmul.f32 v52, v29;
	v32 =	vld [tilespmem:s29+$0xFFFFFFA0]  }
0x1d1: {  	v31 =	vadd.f32 v45, v31;
	v34 =	vadd.f32 v46, v34;
	v43 =	vmul.f32 v43, v28;
	v45 =	vld [tilespmem:s29+$0xFFFFFFB0]  }
0x1d2: {  	v33 =	vadd.f32 v47, v33;
	v29 =	vadd.f32 v29, v30;
	v28 =	vmul.f32 v50, v28;
	v30 =	vld [tilespmem:s29+$0xFFFFFFE0]  }
0x1d3: {  	v31 =	vadd.f32 v40, v31;
	v34 =	vadd.f32 v44, v34;
	v35 =	vmul.f32 v35, v25;
	v40 =	vld [tilespmem:s29+$0xFFFFFFF0]  }
0x1d4: {  	v33 =	vadd.f32 v43, v33;
	v28 =	vadd.f32 v28, v29;
	v25 =	vmul.f32 v48, v25;
	v29 =	vld [tilespmem:s29+$0x20]  }
0x1d5: {  	v31 =	vadd.f32 v39, v31;
	v34 =	vadd.f32 v41, v34;
	v32 =	vmul.f32 v32, v22;
	v39 =	vld [tilespmem:s29+$0x30]  }
0x1d6: {  	v33 =	vadd.f32 v35, v33;
	v25 =	vadd.f32 v25, v28;
	v22 =	vmul.f32 v45, v22;
	v28 =	vld [tilespmem:s29+$0x60]  }
0x1d7: {  	v31 =	vadd.f32 v38, v31;
	v34 =	vadd.f32 v42, v34;
	v30 =	vmul.f32 v30, v19;
	v35 =	vld [tilespmem:s29+$0x70]  }
0x1d8: {  	v32 =	vadd.f32 v32, v33;
	v22 =	vadd.f32 v22, v25;
	v19 =	vmul.f32 v40, v19;
	v25 =	vld [tilespmem:s29+$0xA0]  }
0x1d9: {  	v31 =	vadd.f32 v36, v31;
	v33 =	vadd.f32 v37, v34;
	v29 =	vmul.f32 v29, v16;
	v34 =	vld [tilespmem:s29+$0xB0]  }
0x1da: {  	v30 =	vadd.f32 v30, v32;
	v19 =	vadd.f32 v19, v22;
	v16 =	vmul.f32 v39, v16;
	v22 =	vld [tilespmem:s29+$0xE0]  }
0x1db: {  	v26 =	vadd.f32 v26, v31;
	v27 =	vadd.f32 v27, v33;
	v28 =	vmul.f32 v28, v15;
	v31 =	vld [tilespmem:s29+$0xF0]  }
0x1dc: {  	v29 =	vadd.f32 v29, v30;
	v16 =	vadd.f32 v16, v19;
	v15 =	vmul.f32 v35, v15;
	v19 =	vld [tilespmem:s29+$0x120]  }
0x1dd: {  	v23 =	vadd.f32 v23, v26;
	v24 =	vadd.f32 v24, v27;
	v25 =	vmul.f32 v25, v11;
	v26 =	vld [tilespmem:s29+$0x130]  }
0x1de: {  	v27 =	vadd.f32 v28, v29;
	v15 =	vadd.f32 v15, v16;
	v11 =	vmul.f32 v34, v11;
	v16 =	vld [tilespmem:s29+$0x160]  }
0x1df: {  	v20 =	vadd.f32 v20, v23;
	v21 =	vadd.f32 v21, v24;
	v22 =	vmul.f32 v22, v8;
	v23 =	vld [tilespmem:s29+$0x170]  }
0x1e0: {  	v24 =	vadd.f32 v25, v27;
	v11 =	vadd.f32 v11, v15;
	v8 =	vmul.f32 v31, v8;
	v15 =	vld [tilespmem:s29+$0x1A0]  }
0x1e1: {  	v17 =	vadd.f32 v17, v20;
	v18 =	vadd.f32 v18, v21;
	v19 =	vmul.f32 v19, v5;
	v20 =	vld [tilespmem:s29+$0x1B0]  }
0x1e2: {  	v21 =	vadd.f32 v22, v24;
	v8 =	vadd.f32 v8, v11;
	v5 =	vmul.f32 v26, v5;
	v11 =	vld [tilespmem:s29+$0x1E0]  }
0x1e3: {  	v13 =	vadd.f32 v13, v17;
	v14 =	vadd.f32 v14, v18;
	v16 =	vmul.f32 v16, v2;
	v17 =	vld [tilespmem:s29+$0x1F0];
	s29 =	sadd.s32 $0x400, s29  }
0x1e4: {  	v19 =	vadd.f32 v19, v21;
	v18 =	vld [tilespmem:s29+$0x1C0];
	v5 =	vadd.f32 v5, v8;
	v2 =	vmul.f32 v23, v2  }
0x1e5: {  	v8 =	vadd.f32 v9, v13;
	v9 =	vadd.f32 v10, v14;
	v21 =	vld [tilespmem:s29+$0x1D0];
	v10 =	vmul.f32 v15, v1  }
0x1e6: {  	v14 =	vadd.f32 v16, v19;
	v13 =	vld [tilespmem:s29+$0x180];
	v2 =	vadd.f32 v2, v5;
	v1 =	vmul.f32 v20, v1  }
0x1e7: {  	v5 =	vadd.f32 v6, v8;
	v6 =	vadd.f32 v7, v9;
	v20 =	vld [tilespmem:s29+$0x190];
	v7 =	vmul.f32 v11, v0  }
0x1e8: {  	v8 =	vadd.f32 v10, v14;
	v9 =	vld [tilespmem:s29+$0x140];
	v1 =	vadd.f32 v1, v2;
	v0 =	vmul.f32 v17, v0  }
0x1e9: {  	v31 =	vadd.f32 v4, v5;
	v34 =	vadd.f32 v3, v6;
	v10 =	vld [tilespmem:s29+$0x150]  }
0x1ea: {  	v33 =	vadd.f32 v7, v8;
	v14 =	vld [tilespmem:s29+$0x100];
	v32 =	vadd.f32 v0, v1  }
0x1eb: {  	v17 =	vld [tilespmem:s29+$0x110]  }
0x1ec: {  	s0 =	sshra.s32 s31, $0x2;
	v23 =	vld [tilespmem:s29+$0xC0]  }
0x1ed: {  	v3 =	vld.idx.msk [tilespmem:v12+s0+$0x0 ss:$0x1], $0xffff  }
0x1ee: {  	v24 =	vld [tilespmem:s29+$0xD0]  }
0x1ef: {  	v26 =	vld [tilespmem:s29+$0x80]  }
0x1f0: {  	v27 =	vld [tilespmem:s29+$0x90]  }
0x1f1: {  	v50 =	vld [tilespmem:s29+$0x40]  }
0x1f2: {  	v51 =	vld [tilespmem:s29+$0x50]  }
0x1f3: {  	v1 =	vbroadcast v3, $0xE;
	v0 =	vbroadcast v3, $0xF;
	v52 =	vld [tilespmem:s29+$0x0]  }
0x1f4: {  	v5 =	vbroadcast v3, $0xC;
	v2 =	vbroadcast v3, $0xD;
	v53 =	vld [tilespmem:s29+$0x10]  }
0x1f5: {  	v11 =	vbroadcast v3, $0xA;
	v8 =	vbroadcast v3, $0xB;
	v36 =	vld [tilespmem:s29+$0xFFFFFFC0]  }
0x1f6: {  	v16 =	vbroadcast v3, $0x8;
	v15 =	vbroadcast v3, $0x9;
	v37 =	vld [tilespmem:s29+$0xFFFFFFD0]  }
0x1f7: {  	v22 =	vbroadcast v3, $0x6;
	v19 =	vbroadcast v3, $0x7;
	v38 =	vld [tilespmem:s29+$0xFFFFFF80]  }
0x1f8: {  	v28 =	vbroadcast v3, $0x4;
	v25 =	vbroadcast v3, $0x5;
	v42 =	vld [tilespmem:s29+$0xFFFFFF90]  }
0x1f9: {  	v30 =	vbroadcast v3, $0x2;
	v29 =	vbroadcast v3, $0x3;
	v39 =	vld [tilespmem:s29+$0xFFFFFF40]  }
0x1fa: {  	v43 =	vbroadcast v3, $0x0;
	v35 =	vbroadcast v3, $0x1;
	v41 =	vld [tilespmem:s29+$0xFFFFFF50]  }
0x1fb: {  	v4 =	vmul.f32 v18, v0;
	v3 =	vmul.f32 v21, v0;
	v40 =	vld [tilespmem:s29+$0xFFFFFF00]  }
0x1fc: {  	v6 =	vmul.f32 v13, v1;
	v7 =	vmul.f32 v20, v1;
	v44 =	vld [tilespmem:s29+$0xFFFFFF10]  }
0x1fd: {  	v9 =	vmul.f32 v9, v2;
	v10 =	vmul.f32 v10, v2;
	v45 =	vld [tilespmem:s29+$0xFFFFFEC0]  }
.Ltmp3:
0x1fe: {  	v13 =	vmul.f32 v14, v5;
	v14 =	vmul.f32 v17, v5;
	v46 =	vld [tilespmem:s29+$0xFFFFFED0];
	(pc) =	sbr.rel @p0 .LBB2_9-.Ltmp3, $4  }
0x1ff: {  	v17 =	vmul.f32 v23, v8;
	v18 =	vmul.f32 v24, v8;
	v47 =	vld [tilespmem:s29+$0xFFFFFE80]  }
0x200: {  	v20 =	vmul.f32 v26, v11;
	v21 =	vmul.f32 v27, v11;
	v48 =	vld [tilespmem:s29+$0xFFFFFE90]  }
0x201: {  	v23 =	vmul.f32 v50, v15;
	v24 =	vmul.f32 v51, v15;
	v49 =	vld [tilespmem:s29+$0xFFFFFE40]  }
0x202: {  	s31 =	sadd.s32 $0x40, s31;
	v26 =	vmul.f32 v52, v16;
	v27 =	vmul.f32 v53, v16;
	v50 =	vld [tilespmem:s29+$0xFFFFFE50]  }
0x203: {  	v12 =	vld [tilespmem:s29+$0xFFFFFE00]  }
0x204: {  	v51 =	vld [tilespmem:s29+$0xFFFFFE10]  }
0x205: {  	v52 =	vld [tilespmem:s29+$0xFFFFFE20]  }
0x206: {  	v53 =	vld [tilespmem:s29+$0xFFFFFE30]  }
0x207: {  	v54 =	vld [tilespmem:s29+$0xFFFFFE60]  }
0x208: {  	v55 =	vld [tilespmem:s29+$0xFFFFFE70]  }
0x209: {  	v56 =	vld [tilespmem:s29+$0xFFFFFEA0]  }
0x20a: {  	v57 =	vld [tilespmem:s29+$0xFFFFFEB0]  }
0x20b: {  	v58 =	vld [tilespmem:s29+$0xFFFFFEE0];
	v36 =	vmul.f32 v36, v19  }
0x20c: {  	v59 =	vld [tilespmem:s29+$0xFFFFFEF0];
	v37 =	vmul.f32 v37, v19;
	v38 =	vmul.f32 v38, v22  }
0x20d: {  	v60 =	vld [tilespmem:s29+$0xFFFFFF20];
	v42 =	vmul.f32 v42, v22;
	v39 =	vmul.f32 v39, v25  }
0x20e: {  	v61 =	vld [tilespmem:s29+$0xFFFFFF30];
	v12 =	vmul.f32 v43, v12;
	v51 =	vmul.f32 v51, v43  }
0x20f: {  	v52 =	vmul.f32 v52, v43;
	v63 =	vmul.f32 v53, v43;
	v43 =	vld [tilespmem:s29+$0xFFFFFFF0]  }
0x210: {  	v41 =	vmul.f32 v41, v25;
	v40 =	vmul.f32 v40, v28;
	v53 =	vld [tilespmem:s29+$0x20]  }
0x211: {  	v45 =	vmul.f32 v45, v29;
	v12 =	vadd.f32 v12, v31;
	v31 =	vadd.f32 v51, v34;
	v34 =	vld [tilespmem:s29+$0xFFFFFF60]  }
0x212: {  	v46 =	vmul.f32 v46, v29;
	v47 =	vmul.f32 v47, v30;
	v51 =	vld [tilespmem:s29+$0xFFFFFF70]  }
0x213: {  	v49 =	vmul.f32 v49, v35;
	v50 =	vmul.f32 v50, v35;
	v33 =	vadd.f32 v52, v33;
	v52 =	vld [tilespmem:s29+$0xFFFFFFA0]  }
0x214: {  	v62 =	vmul.f32 v54, v35;
	v32 =	vadd.f32 v63, v32;
	v63 =	vmul.f32 v55, v35;
	v35 =	vld [tilespmem:s29+$0x70]  }
0x215: {  	v48 =	vmul.f32 v48, v30;
	v56 =	vmul.f32 v56, v30;
	v55 =	vld [tilespmem:s29+$0xB0]  }
0x216: {  	v30 =	vmul.f32 v57, v30;
	v12 =	vadd.f32 v49, v12;
	v49 =	vld [tilespmem:s29+$0xFFFFFFB0];
	v31 =	vadd.f32 v50, v31  }
0x217: {  	v50 =	vld [tilespmem:s29+$0xFFFFFFE0];
	v33 =	vadd.f32 v62, v33;
	v32 =	vadd.f32 v63, v32;
	v62 =	vmul.f32 v58, v29  }
0x218: {  	v29 =	vmul.f32 v59, v29;
	v58 =	vld [tilespmem:s29+$0x130];
	v12 =	vadd.f32 v47, v12;
	v31 =	vadd.f32 v48, v31  }
0x219: {  	v63 =	vmul.f32 v60, v28;
	v60 =	vld [tilespmem:s29+$0x170];
	v33 =	vadd.f32 v56, v33;
	v30 =	vadd.f32 v30, v32  }
0x21a: {  	v44 =	vmul.f32 v44, v28;
	v47 =	vld [tilespmem:s29+$0x30];
	v12 =	vadd.f32 v45, v12;
	v31 =	vadd.f32 v46, v31  }
0x21b: {  	v28 =	vmul.f32 v61, v28;
	v48 =	vld [tilespmem:s29+$0x60];
	v33 =	vadd.f32 v62, v33;
	v29 =	vadd.f32 v29, v30  }
0x21c: {  	v32 =	vld [tilespmem:s29+$0xA0];
	v34 =	vmul.f32 v34, v25;
	v12 =	vadd.f32 v40, v12;
	v31 =	vadd.f32 v44, v31  }
0x21d: {  	v56 =	vld [tilespmem:s29+$0xF0];
	v25 =	vmul.f32 v51, v25;
	v33 =	vadd.f32 v63, v33;
	v28 =	vadd.f32 v28, v29  }
0x21e: {  	v57 =	vmul.f32 v52, v22;
	v30 =	vld [tilespmem:s29+$0xE0];
	v12 =	vadd.f32 v39, v12;
	v31 =	vadd.f32 v41, v31  }
0x21f: {  	v62 =	vld [tilespmem:s29+$0x1B0];
	v22 =	vmul.f32 v49, v22;
	v33 =	vadd.f32 v34, v33;
	v25 =	vadd.f32 v25, v28  }
0x220: {  	v59 =	vmul.f32 v50, v19;
	v29 =	vld [tilespmem:s29+$0x120];
	v12 =	vadd.f32 v38, v12;
	v31 =	vadd.f32 v42, v31  }
0x221: {  	v19 =	vmul.f32 v43, v19;
	v28 =	vld [tilespmem:s29+$0x160];
	v33 =	vadd.f32 v57, v33;
	v22 =	vadd.f32 v22, v25  }
0x222: {  	v61 =	vmul.f32 v53, v16;
	v25 =	vld [tilespmem:s29+$0x1A0];
	v12 =	vadd.f32 v36, v12;
	v31 =	vadd.f32 v37, v31  }
0x223: {  	v16 =	vmul.f32 v47, v16;
	v33 =	vadd.f32 v59, v33;
	v19 =	vadd.f32 v19, v22;
	v22 =	vld [tilespmem:s29+$0x1E0]  }
0x224: {  	v12 =	vadd.f32 v26, v12;
	v26 =	vadd.f32 v27, v31;
	v27 =	vmul.f32 v48, v15;
	v31 =	vld [tilespmem:s29+$0x1F0]  }
0x225: {  	v33 =	vadd.f32 v61, v33;
	v16 =	vadd.f32 v16, v19;
	v15 =	vmul.f32 v35, v15;
	v19 =	vld [tilespmem:s30+$0x64B8]  }
0x226: {  	v12 =	vadd.f32 v23, v12;
	v23 =	vadd.f32 v24, v26;
	v24 =	vmul.f32 v32, v11;
	v26 =	vld [tilespmem:$0xF800]  }
0x227: {  	v27 =	vadd.f32 v27, v33;
	v15 =	vadd.f32 v15, v16;
	v11 =	vmul.f32 v55, v11;
	v16 =	vld [tilespmem:$0xF810]  }
0x228: {  	v12 =	vadd.f32 v20, v12;
	v20 =	vadd.f32 v21, v23;
	v21 =	vmul.f32 v30, v8;
	v23 =	vld [tilespmem:$0xF820]  }
0x229: {  	v24 =	vadd.f32 v24, v27;
	v11 =	vadd.f32 v11, v15;
	v8 =	vmul.f32 v56, v8;
	v15 =	vld [tilespmem:$0xF830]  }
0x22a: {  	v12 =	vadd.f32 v17, v12;
	v17 =	vadd.f32 v18, v20;
	v18 =	vmul.f32 v29, v5;
	v20 =	vld [tilespmem:$0xF840]  }
0x22b: {  	v21 =	vadd.f32 v21, v24;
	v8 =	vadd.f32 v8, v11;
	v5 =	vmul.f32 v58, v5;
	v11 =	vld [tilespmem:$0xF850]  }
0x22c: {  	v12 =	vadd.f32 v13, v12;
	v13 =	vadd.f32 v14, v17;
	v14 =	vmul.f32 v28, v2;
	v17 =	vld [tilespmem:$0xF860]  }
0x22d: {  	v18 =	vadd.f32 v18, v21;
	v5 =	vadd.f32 v5, v8;
	v2 =	vmul.f32 v60, v2;
	v8 =	vld [tilespmem:$0xF870]  }
0x22e: {  	v9 =	vadd.f32 v9, v12;
	v10 =	vadd.f32 v10, v13;
	v12 =	vld [tilespmem:$0xF880]  }
0x22f: {  	v13 =	vmul.f32 v25, v1;
	v14 =	vadd.f32 v14, v18;
	v2 =	vadd.f32 v2, v5;
	v5 =	vld [tilespmem:$0xF890]  }
0x230: {  	v21 =	vbroadcast v19, $0x9;
	v1 =	vmul.f32 v62, v1;
	v18 =	vld [tilespmem:$0xF8B0];
	v6 =	vadd.f32 v6, v9  }
0x231: {  	v7 =	vadd.f32 v7, v10;
	v9 =	vld [tilespmem:$0xF8A0];
	v13 =	vadd.f32 v13, v14;
	v14 =	vbroadcast v19, $0x8  }
0x232: {  	v10 =	vmul.f32 v22, v0;
	v1 =	vadd.f32 v1, v2;
	v0 =	vmul.f32 v31, v0;
	v22 =	vld [tilespmem:$0xF8E0]  }
0x233: {  	v2 =	vadd.f32 v4, v6;
	v4 =	vld [tilespmem:$0xF8C0];
	v3 =	vadd.f32 v3, v7;
	v6 =	vmul.f32 v14, v26  }
0x234: {  	v7 =	vmul.f32 v16, v14;
	v16 =	vld [tilespmem:$0xF8D0];
	v10 =	vadd.f32 v10, v13;
	v13 =	vmul.f32 v23, v14  }
0x235: {  	v0 =	vadd.f32 v0, v1;
	v1 =	vadd.f32 v6, v2;
	v2 =	vmul.f32 v15, v14;
	v6 =	vld [tilespmem:$0xF8F0]  }
0x236: {  	v3 =	vadd.f32 v7, v3;
	v7 =	vadd.f32 v13, v10;
	v10 =	vmul.f32 v20, v21;
	v13 =	vld [tilespmem:$0xF900]  }
0x237: {  	v14 =	vld [tilespmem:$0xF910];
	v0 =	vadd.f32 v2, v0;
	v2 =	vmul.f32 v11, v21;
	v11 =	vbroadcast v19, $0xA  }
0x238: {  	v8 =	vmul.f32 v8, v21;
	v15 =	vld [tilespmem:$0xF920];
	v1 =	vadd.f32 v10, v1;
	v10 =	vmul.f32 v17, v21  }
0x239: {  	v17 =	vld [tilespmem:$0xF940];
	v2 =	vadd.f32 v2, v3;
	v3 =	vmul.f32 v12, v11;
	v5 =	vmul.f32 v5, v11  }
0x23a: {  	v12 =	vld [tilespmem:$0xF930];
	v7 =	vadd.f32 v10, v7;
	v9 =	vmul.f32 v9, v11;
	v10 =	vbroadcast v19, $0xB  }
0x23b: {  	v0 =	vadd.f32 v8, v0;
	v8 =	vld [tilespmem:$0xF950];
	v1 =	vadd.f32 v3, v1;
	v3 =	vmul.f32 v18, v11  }
0x23c: {  	v2 =	vadd.f32 v5, v2;
	v5 =	vadd.f32 v9, v7;
	v4 =	vmul.f32 v4, v10;
	v7 =	vld [tilespmem:$0xF960]  }
0x23d: {  	v9 =	vbroadcast v19, $0xC;
	v11 =	vld [tilespmem:$0xF970];
	v0 =	vadd.f32 v3, v0;
	v3 =	vmul.f32 v16, v10  }
0x23e: {  	v6 =	vmul.f32 v6, v10;
	v1 =	vadd.f32 v4, v1;
	v4 =	vmul.f32 v22, v10;
	v10 =	vld [tilespmem:$0xF980]  }
0x23f: {  	v16 =	vld [tilespmem:$0xF9A0];
	v2 =	vadd.f32 v3, v2;
	v3 =	vmul.f32 v13, v9;
	v13 =	vmul.f32 v14, v9  }
0x240: {  	v14 =	vld [tilespmem:$0xF990];
	v4 =	vadd.f32 v4, v5;
	v5 =	vmul.f32 v15, v9;
	v15 =	vbroadcast v19, $0xD  }
0x241: {  	v0 =	vadd.f32 v6, v0;
	v6 =	vld [tilespmem:$0xF9B0];
	v1 =	vadd.f32 v3, v1;
	v3 =	vmul.f32 v12, v9  }
0x242: {  	v2 =	vadd.f32 v13, v2;
	v4 =	vadd.f32 v5, v4;
	v5 =	vmul.f32 v17, v15;
	v9 =	vld [tilespmem:$0xF9C0]  }
0x243: {  	v12 =	vld [tilespmem:$0xF9D0];
	v0 =	vadd.f32 v3, v0;
	v3 =	vmul.f32 v8, v15;
	v8 =	vbroadcast v19, $0xE  }
0x244: {  	v1 =	vadd.f32 v5, v1;
	v5 =	vmul.f32 v7, v15;
	v7 =	vmul.f32 v11, v15;
	v11 =	vld [tilespmem:$0xF9E0]  }
0x245: {  	v13 =	vld [tilespmem:$0xF9F0];
	v2 =	vadd.f32 v3, v2;
	v3 =	vmul.f32 v10, v8;
	v10 =	vbroadcast v19, $0xF  }
0x246: {  	v4 =	vadd.f32 v5, v4;
	v0 =	vadd.f32 v7, v0;
	v5 =	vmul.f32 v14, v8  }
0x247: {  	v1 =	vadd.f32 v3, v1;
	v3 =	vmul.f32 v16, v8;
	v7 =	vmul.f32 v9, v10  }
0x248: {  	v2 =	vadd.f32 v5, v2;
	v5 =	vmul.f32 v6, v8;
	v6 =	vmul.f32 v12, v10  }
0x249: {  	s0 =	sshll.u32 s22, $0x7;
	v3 =	vadd.f32 v3, v4;
	v1 =	vadd.f32 v7, v1;
	v4 =	vmul.f32 v11, v10  }
0x24a: {  	s0 =	sand.u32 $0x3FFFFF80, s0;
	v0 =	vadd.f32 v5, v0;
	v2 =	vadd.f32 v6, v2;
	v5 =	vmul.f32 v13, v10  }
0x24b: {  	v3 =	vadd.f32 v4, v3;
	[tilespmem:s0+$0x12C00] =	vst v1  }
0x24c: {  	p0 =	seq.s32 s22, $0x3F;
	v0 =	vadd.f32 v5, v0;
	[tilespmem:s0+$0x12C10] =	vst v2  }
0x24d: {  	s28 =	sshra.s32 @!p0 s28, $0x2;
	[tilespmem:s0+$0x12C20] =	vst v3  }
0x24e: {  	s29 =	simm.s32 @!p0 $0x80;
	s30 =	simm.s32 @!p0 $0xC800;
	[tilespmem:s0+$0x12C30] =	vst v0;
	s0 =	sadd.s32 @!p0 $0x190, s28  }
0x24f: {  	[tilespmem:s30], [sflag:$0x1] =	stream.indirect.gather @!p0 [hbm4b:s3+s29], $0x40, s0, s29, $0xb8;
	[tilespmem:$0x14C00] =	vst v63  }
0x250: {  	s0 =	sadd.s32 @!p0 $0x210, s28;
	s28 =	simm.s32 @!p0 $0x48;
	s29 =	simm.s32 @!p0 $0xE800  }
0x251: {  	[tilespmem:s29], [sflag:$0x1] =	stream.indirect.gather @!p0 [hbm4b:s3+s28], $0x40, s0, s28, $0xb8;
	[tilespmem:$0x14C00] =	vst v63  }
0x252: {  	_ =	swait.ge [sflag:s19], $0x2000  }
0x253: {  	[sflag:s19] =	ssyncset.done $0x0  }
0x254: {  	[sflag:s19] =	ssyncadd.s32 $0xFFFFE000  }
0x255: {  	_ =	swait.ge [sflag:s19], $0x1200  }
0x256: {  	[sflag:s19] =	ssyncset.done $0x0  }
0x257: {  	s28 =	simm.s32 $0xFC00;
	[sflag:s19] =	ssyncadd.s32 $0xFFFFEE00  }
0x258: {  	v3 =	vld [tilespmem:s28+$0x1C0]  }
0x259: {  	v6 =	vld [tilespmem:s28+$0x1D0]  }
0x25a: {  	v7 =	vld [tilespmem:s28+$0x180]  }
0x25b: {  	v9 =	vld [tilespmem:s28+$0x190]  }
0x25c: {  	v12 =	vmov s24;
	v10 =	vld [tilespmem:s28+$0x140]  }
0x25d: {  	v13 =	vld [tilespmem:s28+$0x150]  }
0x25e: {  	v14 =	vld [tilespmem:s28+$0x100]  }
0x25f: {  	v17 =	vld [tilespmem:s28+$0x110]  }
0x260: {  	s31 =	simm.s32 $0x0;
	v18 =	vld [tilespmem:s28+$0xC0]  }
0x261: {  	v4 =	vld.idx.msk [tilespmem:v12+s31+$0x0 ss:$0x1], $0xffff  }
0x262: {  	v20 =	vld [tilespmem:s28+$0xD0]  }
0x263: {  	v21 =	vld [tilespmem:s28+$0x80]  }
0x264: {  	v23 =	vld [tilespmem:s28+$0x90]  }
0x265: {  	v24 =	vld [tilespmem:s28+$0x40]  }
0x266: {  	v26 =	vld [tilespmem:s28+$0x50]  }
0x267: {  	v27 =	vld [tilespmem:s28+$0x0];
	v1 =	vbroadcast v4, $0xE;
	v0 =	vbroadcast v4, $0xF  }
0x268: {  	v63 =	vld [tilespmem:s28+$0x10];
	v5 =	vbroadcast v4, $0xC;
	v2 =	vbroadcast v4, $0xD  }
0x269: {  	v36 =	vld [tilespmem:s28+$0xFFFFFFC0];
	v11 =	vbroadcast v4, $0xA;
	v8 =	vbroadcast v4, $0xB  }
0x26a: {  	v37 =	vld [tilespmem:s28+$0xFFFFFFD0];
	v16 =	vbroadcast v4, $0x8;
	v15 =	vbroadcast v4, $0x9  }
0x26b: {  	v38 =	vld [tilespmem:s28+$0xFFFFFF80];
	v22 =	vbroadcast v4, $0x6;
	v19 =	vbroadcast v4, $0x7  }
0x26c: {  	v42 =	vld [tilespmem:s28+$0xFFFFFF90];
	v28 =	vbroadcast v4, $0x4;
	v25 =	vbroadcast v4, $0x5  }
0x26d: {  	v39 =	vld [tilespmem:s28+$0xFFFFFF40];
	v30 =	vbroadcast v4, $0x2;
	v29 =	vbroadcast v4, $0x3  }
0x26e: {  	v41 =	vld [tilespmem:s28+$0xFFFFFF50];
	v43 =	vbroadcast v4, $0x0;
	v35 =	vbroadcast v4, $0x1  }
0x26f: {  	v40 =	vld [tilespmem:s28+$0xFFFFFF00];
	v4 =	vmul.f32 v3, v0;
	v3 =	vmul.f32 v6, v0  }
0x270: {  	v44 =	vld [tilespmem:s28+$0xFFFFFF10];
	v6 =	vmul.f32 v7, v1;
	v7 =	vmul.f32 v9, v1  }
0x271: {  	v45 =	vld [tilespmem:s28+$0xFFFFFEC0];
	v9 =	vmul.f32 v10, v2;
	v10 =	vmul.f32 v13, v2  }
0x272: {  	v46 =	vld [tilespmem:s28+$0xFFFFFED0];
	v13 =	vmul.f32 v14, v5;
	v14 =	vmul.f32 v17, v5  }
0x273: {  	v34 =	vimm.f32 $0.0e+00;
	v47 =	vld [tilespmem:s28+$0xFFFFFE80];
	v17 =	vmul.f32 v18, v8;
	v18 =	vmul.f32 v20, v8  }
0x274: {  	v33 =	vimm.f32 $0.0e+00;
	v48 =	vld [tilespmem:s28+$0xFFFFFE90];
	v20 =	vmul.f32 v21, v11;
	v21 =	vmul.f32 v23, v11  }
0x275: {  	v32 =	vimm.f32 $0.0e+00;
	v49 =	vld [tilespmem:s28+$0xFFFFFE40];
	v23 =	vmul.f32 v24, v15;
	v24 =	vmul.f32 v26, v15  }
0x276: {  	v31 =	vimm.f32 $0.0e+00;
	s29 =	simm.s32 $0x40;
	v50 =	vld [tilespmem:s28+$0xFFFFFE50];
	v26 =	vmul.f32 v27, v16;
	v27 =	vmul.f32 v63, v16  }
.LBB2_11:
0x277: {  	p0 =	sne.s32 s29, $0x2C0;
	v51 =	vld [tilespmem:s28+$0xFFFFFE00];
	v36 =	vmul.f32 v36, v19;
	v37 =	vmul.f32 v37, v19  }
0x278: {  	v38 =	vmul.f32 v38, v22;
	v42 =	vmul.f32 v42, v22;
	v52 =	vld [tilespmem:s28+$0xFFFFFE10]  }
0x279: {  	v39 =	vmul.f32 v39, v25;
	v41 =	vmul.f32 v41, v25;
	v53 =	vld [tilespmem:s28+$0xFFFFFE20]  }
0x27a: {  	v40 =	vmul.f32 v40, v28;
	v44 =	vmul.f32 v44, v28;
	v54 =	vld [tilespmem:s28+$0xFFFFFE30]  }
0x27b: {  	v45 =	vmul.f32 v45, v29;
	v46 =	vmul.f32 v46, v29;
	v55 =	vld [tilespmem:s28+$0xFFFFFE60]  }
0x27c: {  	v47 =	vmul.f32 v47, v30;
	v48 =	vmul.f32 v48, v30;
	v56 =	vld [tilespmem:s28+$0xFFFFFE70]  }
0x27d: {  	v49 =	vmul.f32 v49, v35;
	v50 =	vmul.f32 v50, v35;
	v57 =	vld [tilespmem:s28+$0xFFFFFEA0]  }
0x27e: {  	v51 =	vmul.f32 v43, v51;
	v52 =	vmul.f32 v52, v43;
	v58 =	vld [tilespmem:s28+$0xFFFFFEB0]  }
0x27f: {  	v53 =	vmul.f32 v53, v43;
	v43 =	vmul.f32 v54, v43;
	v54 =	vld [tilespmem:s28+$0xFFFFFEE0]  }
0x280: {  	v31 =	vadd.f32 v51, v31;
	v34 =	vadd.f32 v52, v34;
	v51 =	vmul.f32 v55, v35;
	v52 =	vld [tilespmem:s28+$0xFFFFFEF0]  }
0x281: {  	v33 =	vadd.f32 v53, v33;
	v32 =	vadd.f32 v43, v32;
	v35 =	vmul.f32 v56, v35;
	v43 =	vld [tilespmem:s28+$0xFFFFFF20]  }
0x282: {  	v31 =	vadd.f32 v49, v31;
	v34 =	vadd.f32 v50, v34;
	v49 =	vmul.f32 v57, v30;
	v50 =	vld [tilespmem:s28+$0xFFFFFF30]  }
0x283: {  	v33 =	vadd.f32 v51, v33;
	v32 =	vadd.f32 v35, v32;
	v30 =	vmul.f32 v58, v30;
	v35 =	vld [tilespmem:s28+$0xFFFFFF60]  }
0x284: {  	v31 =	vadd.f32 v47, v31;
	v34 =	vadd.f32 v48, v34;
	v47 =	vmul.f32 v54, v29;
	v48 =	vld [tilespmem:s28+$0xFFFFFF70]  }
0x285: {  	v33 =	vadd.f32 v49, v33;
	v30 =	vadd.f32 v30, v32;
	v29 =	vmul.f32 v52, v29;
	v32 =	vld [tilespmem:s28+$0xFFFFFFA0]  }
0x286: {  	v31 =	vadd.f32 v45, v31;
	v34 =	vadd.f32 v46, v34;
	v43 =	vmul.f32 v43, v28;
	v45 =	vld [tilespmem:s28+$0xFFFFFFB0]  }
0x287: {  	v33 =	vadd.f32 v47, v33;
	v29 =	vadd.f32 v29, v30;
	v28 =	vmul.f32 v50, v28;
	v30 =	vld [tilespmem:s28+$0xFFFFFFE0]  }
0x288: {  	v31 =	vadd.f32 v40, v31;
	v34 =	vadd.f32 v44, v34;
	v35 =	vmul.f32 v35, v25;
	v40 =	vld [tilespmem:s28+$0xFFFFFFF0]  }
0x289: {  	v33 =	vadd.f32 v43, v33;
	v28 =	vadd.f32 v28, v29;
	v25 =	vmul.f32 v48, v25;
	v29 =	vld [tilespmem:s28+$0x20]  }
0x28a: {  	v31 =	vadd.f32 v39, v31;
	v34 =	vadd.f32 v41, v34;
	v32 =	vmul.f32 v32, v22;
	v39 =	vld [tilespmem:s28+$0x30]  }
0x28b: {  	v33 =	vadd.f32 v35, v33;
	v25 =	vadd.f32 v25, v28;
	v22 =	vmul.f32 v45, v22;
	v28 =	vld [tilespmem:s28+$0x60]  }
0x28c: {  	v31 =	vadd.f32 v38, v31;
	v34 =	vadd.f32 v42, v34;
	v30 =	vmul.f32 v30, v19;
	v35 =	vld [tilespmem:s28+$0x70]  }
0x28d: {  	v32 =	vadd.f32 v32, v33;
	v22 =	vadd.f32 v22, v25;
	v19 =	vmul.f32 v40, v19;
	v25 =	vld [tilespmem:s28+$0xA0]  }
0x28e: {  	v31 =	vadd.f32 v36, v31;
	v33 =	vadd.f32 v37, v34;
	v29 =	vmul.f32 v29, v16;
	v34 =	vld [tilespmem:s28+$0xB0]  }
0x28f: {  	v30 =	vadd.f32 v30, v32;
	v19 =	vadd.f32 v19, v22;
	v16 =	vmul.f32 v39, v16;
	v22 =	vld [tilespmem:s28+$0xE0]  }
0x290: {  	v26 =	vadd.f32 v26, v31;
	v27 =	vadd.f32 v27, v33;
	v28 =	vmul.f32 v28, v15;
	v31 =	vld [tilespmem:s28+$0xF0]  }
0x291: {  	v29 =	vadd.f32 v29, v30;
	v16 =	vadd.f32 v16, v19;
	v15 =	vmul.f32 v35, v15;
	v19 =	vld [tilespmem:s28+$0x120]  }
0x292: {  	v23 =	vadd.f32 v23, v26;
	v24 =	vadd.f32 v24, v27;
	v25 =	vmul.f32 v25, v11;
	v26 =	vld [tilespmem:s28+$0x130]  }
0x293: {  	v27 =	vadd.f32 v28, v29;
	v15 =	vadd.f32 v15, v16;
	v11 =	vmul.f32 v34, v11;
	v16 =	vld [tilespmem:s28+$0x160]  }
0x294: {  	v20 =	vadd.f32 v20, v23;
	v21 =	vadd.f32 v21, v24;
	v22 =	vmul.f32 v22, v8;
	v23 =	vld [tilespmem:s28+$0x170]  }
0x295: {  	v24 =	vadd.f32 v25, v27;
	v11 =	vadd.f32 v11, v15;
	v8 =	vmul.f32 v31, v8;
	v15 =	vld [tilespmem:s28+$0x1A0]  }
0x296: {  	v17 =	vadd.f32 v17, v20;
	v18 =	vadd.f32 v18, v21;
	v19 =	vmul.f32 v19, v5;
	v20 =	vld [tilespmem:s28+$0x1B0]  }
0x297: {  	v21 =	vadd.f32 v22, v24;
	v8 =	vadd.f32 v8, v11;
	v5 =	vmul.f32 v26, v5;
	v11 =	vld [tilespmem:s28+$0x1E0]  }
0x298: {  	v13 =	vadd.f32 v13, v17;
	v14 =	vadd.f32 v14, v18;
	v16 =	vmul.f32 v16, v2;
	v17 =	vld [tilespmem:s28+$0x1F0];
	s28 =	sadd.s32 $0x400, s28  }
0x299: {  	v19 =	vadd.f32 v19, v21;
	v18 =	vld [tilespmem:s28+$0x1C0];
	v5 =	vadd.f32 v5, v8;
	v2 =	vmul.f32 v23, v2  }
0x29a: {  	v8 =	vadd.f32 v9, v13;
	v9 =	vadd.f32 v10, v14;
	v21 =	vld [tilespmem:s28+$0x1D0];
	v10 =	vmul.f32 v15, v1  }
0x29b: {  	v14 =	vadd.f32 v16, v19;
	v13 =	vld [tilespmem:s28+$0x180];
	v2 =	vadd.f32 v2, v5;
	v1 =	vmul.f32 v20, v1  }
0x29c: {  	v5 =	vadd.f32 v6, v8;
	v6 =	vadd.f32 v7, v9;
	v20 =	vld [tilespmem:s28+$0x190];
	v7 =	vmul.f32 v11, v0  }
0x29d: {  	v8 =	vadd.f32 v10, v14;
	v9 =	vld [tilespmem:s28+$0x140];
	v1 =	vadd.f32 v1, v2;
	v0 =	vmul.f32 v17, v0  }
0x29e: {  	v31 =	vadd.f32 v4, v5;
	v34 =	vadd.f32 v3, v6;
	v10 =	vld [tilespmem:s28+$0x150]  }
0x29f: {  	v33 =	vadd.f32 v7, v8;
	v14 =	vld [tilespmem:s28+$0x100];
	v32 =	vadd.f32 v0, v1  }
0x2a0: {  	v17 =	vld [tilespmem:s28+$0x110]  }
0x2a1: {  	s0 =	sshra.s32 s29, $0x2;
	v23 =	vld [tilespmem:s28+$0xC0]  }
0x2a2: {  	v3 =	vld.idx.msk [tilespmem:v12+s0+$0x0 ss:$0x1], $0xffff  }
0x2a3: {  	v24 =	vld [tilespmem:s28+$0xD0]  }
0x2a4: {  	v26 =	vld [tilespmem:s28+$0x80]  }
0x2a5: {  	v27 =	vld [tilespmem:s28+$0x90]  }
0x2a6: {  	v50 =	vld [tilespmem:s28+$0x40]  }
0x2a7: {  	v51 =	vld [tilespmem:s28+$0x50]  }
0x2a8: {  	v1 =	vbroadcast v3, $0xE;
	v0 =	vbroadcast v3, $0xF;
	v52 =	vld [tilespmem:s28+$0x0]  }
0x2a9: {  	v5 =	vbroadcast v3, $0xC;
	v2 =	vbroadcast v3, $0xD;
	v53 =	vld [tilespmem:s28+$0x10]  }
0x2aa: {  	v11 =	vbroadcast v3, $0xA;
	v8 =	vbroadcast v3, $0xB;
	v36 =	vld [tilespmem:s28+$0xFFFFFFC0]  }
0x2ab: {  	v16 =	vbroadcast v3, $0x8;
	v15 =	vbroadcast v3, $0x9;
	v37 =	vld [tilespmem:s28+$0xFFFFFFD0]  }
0x2ac: {  	v22 =	vbroadcast v3, $0x6;
	v19 =	vbroadcast v3, $0x7;
	v38 =	vld [tilespmem:s28+$0xFFFFFF80]  }
0x2ad: {  	v28 =	vbroadcast v3, $0x4;
	v25 =	vbroadcast v3, $0x5;
	v42 =	vld [tilespmem:s28+$0xFFFFFF90]  }
0x2ae: {  	v30 =	vbroadcast v3, $0x2;
	v29 =	vbroadcast v3, $0x3;
	v39 =	vld [tilespmem:s28+$0xFFFFFF40]  }
0x2af: {  	v43 =	vbroadcast v3, $0x0;
	v35 =	vbroadcast v3, $0x1;
	v41 =	vld [tilespmem:s28+$0xFFFFFF50]  }
0x2b0: {  	v4 =	vmul.f32 v18, v0;
	v3 =	vmul.f32 v21, v0;
	v40 =	vld [tilespmem:s28+$0xFFFFFF00]  }
0x2b1: {  	v6 =	vmul.f32 v13, v1;
	v7 =	vmul.f32 v20, v1;
	v44 =	vld [tilespmem:s28+$0xFFFFFF10]  }
0x2b2: {  	v9 =	vmul.f32 v9, v2;
	v10 =	vmul.f32 v10, v2;
	v45 =	vld [tilespmem:s28+$0xFFFFFEC0]  }
.Ltmp4:
0x2b3: {  	v13 =	vmul.f32 v14, v5;
	v14 =	vmul.f32 v17, v5;
	v46 =	vld [tilespmem:s28+$0xFFFFFED0];
	(pc) =	sbr.rel @p0 .LBB2_11-.Ltmp4, $4  }
0x2b4: {  	v17 =	vmul.f32 v23, v8;
	v18 =	vmul.f32 v24, v8;
	v47 =	vld [tilespmem:s28+$0xFFFFFE80]  }
0x2b5: {  	v20 =	vmul.f32 v26, v11;
	v21 =	vmul.f32 v27, v11;
	v48 =	vld [tilespmem:s28+$0xFFFFFE90]  }
0x2b6: {  	v23 =	vmul.f32 v50, v15;
	v24 =	vmul.f32 v51, v15;
	v49 =	vld [tilespmem:s28+$0xFFFFFE40]  }
0x2b7: {  	s29 =	sadd.s32 $0x40, s29;
	v26 =	vmul.f32 v52, v16;
	v27 =	vmul.f32 v53, v16;
	v50 =	vld [tilespmem:s28+$0xFFFFFE50]  }
0x2b8: {  	v12 =	vld [tilespmem:s28+$0xFFFFFE00]  }
0x2b9: {  	v51 =	vld [tilespmem:s28+$0xFFFFFE10]  }
0x2ba: {  	v52 =	vld [tilespmem:s28+$0xFFFFFE20]  }
0x2bb: {  	v53 =	vld [tilespmem:s28+$0xFFFFFE30]  }
0x2bc: {  	v54 =	vld [tilespmem:s28+$0xFFFFFE60]  }
0x2bd: {  	v55 =	vld [tilespmem:s28+$0xFFFFFE70]  }
0x2be: {  	v56 =	vld [tilespmem:s28+$0xFFFFFEA0]  }
0x2bf: {  	v57 =	vld [tilespmem:s28+$0xFFFFFEB0]  }
0x2c0: {  	v58 =	vld [tilespmem:s28+$0xFFFFFEE0]  }
0x2c1: {  	v59 =	vld [tilespmem:s28+$0xFFFFFEF0]  }
0x2c2: {  	v60 =	vld [tilespmem:s28+$0xFFFFFF20]  }
0x2c3: {  	v61 =	vld [tilespmem:s28+$0xFFFFFF30];
	v12 =	vmul.f32 v43, v12;
	v51 =	vmul.f32 v51, v43  }
0x2c4: {  	v52 =	vmul.f32 v52, v43;
	v63 =	vmul.f32 v53, v43;
	v43 =	vld [tilespmem:s28+$0xFFFFFFF0]  }
0x2c5: {  	v36 =	vmul.f32 v36, v19;
	v37 =	vmul.f32 v37, v19;
	v53 =	vld [tilespmem:s28+$0x20]  }
0x2c6: {  	v38 =	vmul.f32 v38, v22;
	v12 =	vadd.f32 v12, v31;
	v31 =	vadd.f32 v51, v34;
	v34 =	vld [tilespmem:s28+$0xFFFFFF60]  }
0x2c7: {  	v42 =	vmul.f32 v42, v22;
	v39 =	vmul.f32 v39, v25;
	v51 =	vld [tilespmem:s28+$0xFFFFFF70]  }
0x2c8: {  	v49 =	vmul.f32 v49, v35;
	v50 =	vmul.f32 v50, v35;
	v33 =	vadd.f32 v52, v33;
	v52 =	vld [tilespmem:s28+$0xFFFFFFA0]  }
0x2c9: {  	v62 =	vmul.f32 v54, v35;
	v32 =	vadd.f32 v63, v32;
	v63 =	vmul.f32 v55, v35;
	v35 =	vld [tilespmem:s28+$0x70]  }
0x2ca: {  	v41 =	vmul.f32 v41, v25;
	v40 =	vmul.f32 v40, v28;
	v55 =	vld [tilespmem:s28+$0xA0]  }
0x2cb: {  	v44 =	vmul.f32 v44, v28;
	v47 =	vmul.f32 v47, v30;
	v12 =	vadd.f32 v49, v12;
	v49 =	vld [tilespmem:s28+$0xFFFFFFB0]  }
0x2cc: {  	v45 =	vmul.f32 v45, v29;
	v48 =	vmul.f32 v48, v30;
	v31 =	vadd.f32 v50, v31;
	v50 =	vld [tilespmem:s28+$0xFFFFFFE0]  }
0x2cd: {  	v57 =	vmul.f32 v57, v30;
	v32 =	vadd.f32 v63, v32;
	v12 =	vadd.f32 v47, v12;
	v47 =	vld [tilespmem:s28+$0x30]  }
0x2ce: {  	v46 =	vmul.f32 v46, v29;
	v56 =	vmul.f32 v56, v30;
	v31 =	vadd.f32 v48, v31;
	v48 =	vld [tilespmem:s28+$0x60]  }
0x2cf: {  	v33 =	vadd.f32 v62, v33;
	v62 =	vmul.f32 v58, v29;
	v30 =	vadd.f32 v57, v32;
	v57 =	vld [tilespmem:s28+$0xB0]  }
0x2d0: {  	v63 =	vmul.f32 v59, v29;
	v58 =	vmul.f32 v61, v28;
	v32 =	vld [tilespmem:$0x12A50]  }
0x2d1: {  	v33 =	vadd.f32 v56, v33;
	v56 =	vmul.f32 v60, v28;
	v59 =	vmul.f32 v51, v25;
	v51 =	vld [tilespmem:s28+$0x1F0]  }
0x2d2: {  	v60 =	vmul.f32 v52, v22;
	v54 =	vmul.f32 v55, v11;
	v55 =	vld [tilespmem:$0x12A00]  }
0x2d3: {  	v52 =	vmul.f32 v35, v15;
	v35 =	vld [tilespmem:$0x12A60];
	v12 =	vadd.f32 v45, v12;
	v31 =	vadd.f32 v46, v31  }
0x2d4: {  	v34 =	vmul.f32 v34, v25;
	v33 =	vadd.f32 v62, v33;
	v29 =	vadd.f32 v63, v30;
	v30 =	vld [tilespmem:s28+$0xE0]  }
0x2d5: {  	v63 =	vmul.f32 v43, v19;
	v46 =	vld [tilespmem:$0x12AB0];
	v12 =	vadd.f32 v40, v12;
	v31 =	vadd.f32 v44, v31  }
0x2d6: {  	v43 =	vmul.f32 v53, v16;
	v40 =	vld [tilespmem:s28+$0xF0];
	v33 =	vadd.f32 v56, v33;
	v28 =	vadd.f32 v58, v29  }
0x2d7: {  	v61 =	vmul.f32 v49, v22;
	v12 =	vadd.f32 v39, v12;
	v31 =	vadd.f32 v41, v31;
	v41 =	vld [tilespmem:s28+$0x130]  }
0x2d8: {  	v62 =	vmul.f32 v50, v19;
	v45 =	vmul.f32 v47, v16;
	v25 =	vadd.f32 v59, v28;
	v28 =	vld [tilespmem:s28+$0x160]  }
0x2d9: {  	v50 =	vmul.f32 v48, v15;
	v33 =	vadd.f32 v34, v33;
	v12 =	vadd.f32 v38, v12;
	v38 =	vld [tilespmem:s28+$0x170]  }
0x2da: {  	v56 =	vmul.f32 v57, v11;
	v31 =	vadd.f32 v42, v31;
	v22 =	vadd.f32 v61, v25;
	v42 =	vld [tilespmem:s28+$0x1A0]  }
0x2db: {  	v44 =	vld [tilespmem:s28+$0x1B0];
	v59 =	vmul.f32 v30, v8;
	v33 =	vadd.f32 v60, v33;
	v12 =	vadd.f32 v36, v12  }
0x2dc: {  	v47 =	vld [tilespmem:s28+$0x1E0];
	v61 =	vmul.f32 v40, v8;
	v31 =	vadd.f32 v37, v31;
	v19 =	vadd.f32 v63, v22  }
0x2dd: {  	v29 =	vld [tilespmem:s28+$0x120];
	v33 =	vadd.f32 v62, v33;
	v30 =	vmul.f32 v41, v5;
	v12 =	vadd.f32 v26, v12  }
0x2de: {  	v34 =	vmul.f32 v28, v2;
	v49 =	vadd.f32 v27, v31;
	v16 =	vadd.f32 v45, v19;
	v19 =	vld [tilespmem:s26+$0x64B8]  }
0x2df: {  	v57 =	vld [tilespmem:$0x12A10];
	v33 =	vadd.f32 v43, v33;
	v36 =	vmul.f32 v38, v2;
	v40 =	vmul.f32 v42, v1  }
0x2e0: {  	v39 =	vld [tilespmem:$0x12A80];
	v42 =	vmul.f32 v44, v1;
	v12 =	vadd.f32 v23, v12;
	v53 =	vadd.f32 v24, v49  }
0x2e1: {  	v60 =	vld [tilespmem:$0x12A20];
	v44 =	vmul.f32 v47, v0;
	v27 =	vadd.f32 v50, v33;
	v15 =	vadd.f32 v52, v16  }
0x2e2: {  	v62 =	vld [tilespmem:$0x12A30];
	v47 =	vmul.f32 v51, v0;
	v12 =	vadd.f32 v20, v12;
	v58 =	vadd.f32 v21, v53  }
0x2e3: {  	v41 =	vld [tilespmem:$0x12A90];
	v24 =	vadd.f32 v54, v27;
	v11 =	vadd.f32 v56, v15;
	v45 =	vbroadcast v19, $0x8  }
0x2e4: {  	v38 =	vld [tilespmem:$0x12A70];
	v27 =	vmul.f32 v29, v5;
	v54 =	vbroadcast v19, $0x9;
	v12 =	vadd.f32 v17, v12  }
0x2e5: {  	v29 =	vld [tilespmem:$0x12A40];
	v63 =	vadd.f32 v18, v58;
	v21 =	vadd.f32 v59, v24;
	v50 =	vmul.f32 v45, v55  }
0x2e6: {  	v43 =	vld [tilespmem:$0x12AA0];
	v8 =	vadd.f32 v61, v11;
	v51 =	vmul.f32 v57, v45;
	v53 =	vmul.f32 v60, v45  }
0x2e7: {  	v52 =	vld [tilespmem:$0x12AD0];
	v57 =	vmul.f32 v62, v45;
	v62 =	vmul.f32 v32, v54;
	v12 =	vadd.f32 v13, v12  }
0x2e8: {  	v20 =	vld [tilespmem:$0x12B10];
	v23 =	vmul.f32 v35, v54;
	v33 =	vadd.f32 v14, v63;
	v18 =	vadd.f32 v27, v21  }
0x2e9: {  	v61 =	vld [tilespmem:$0x12B00];
	v5 =	vadd.f32 v30, v8;
	v63 =	vbroadcast v19, $0xA;
	v8 =	vmul.f32 v38, v54  }
0x2ea: {  	v55 =	vld [tilespmem:$0x12AE0];
	v27 =	vbroadcast v19, $0xB;
	v60 =	vmul.f32 v29, v54;
	v9 =	vadd.f32 v9, v12  }
0x2eb: {  	v24 =	vld [tilespmem:$0x12B20];
	v10 =	vadd.f32 v10, v33;
	v14 =	vadd.f32 v34, v18;
	v25 =	vmul.f32 v39, v63  }
0x2ec: {  	v2 =	vadd.f32 v36, v5;
	v5 =	vmul.f32 v41, v63;
	v29 =	vmul.f32 v46, v63  }
0x2ed: {  	v49 =	vld [tilespmem:$0x12AC0];
	v33 =	vmul.f32 v52, v27;
	v34 =	vbroadcast v19, $0xC;
	v6 =	vadd.f32 v6, v9  }
0x2ee: {  	v58 =	vld [tilespmem:$0x12AF0];
	v7 =	vadd.f32 v7, v10;
	v13 =	vadd.f32 v40, v14;
	v9 =	vmul.f32 v43, v63  }
0x2ef: {  	v26 =	vld [tilespmem:$0x12B30];
	v1 =	vadd.f32 v42, v2;
	v36 =	vmul.f32 v55, v27;
	v38 =	vmul.f32 v61, v34  }
0x2f0: {  	v28 =	vld [tilespmem:$0x12B40];
	v39 =	vmul.f32 v20, v34;
	v41 =	vmul.f32 v24, v34;
	v48 =	vadd.f32 v4, v6  }
0x2f1: {  	v42 =	vbroadcast v19, $0xD;
	v3 =	vadd.f32 v3, v7;
	v10 =	vadd.f32 v44, v13  }
0x2f2: {  	v35 =	vld [tilespmem:$0x12B70];
	v55 =	vbroadcast v19, $0xF;
	v0 =	vadd.f32 v47, v1;
	v56 =	vadd.f32 v50, v48  }
0x2f3: {  	v30 =	vld [tilespmem:$0x12B50];
	v4 =	vmul.f32 v49, v27;
	v6 =	vmul.f32 v58, v27;
	v3 =	vadd.f32 v51, v3  }
0x2f4: {  	v32 =	vld [tilespmem:$0x12B60];
	v44 =	vmul.f32 v26, v34;
	v59 =	vadd.f32 v53, v10;
	v1 =	vadd.f32 v60, v56  }
0x2f5: {  	v37 =	vld [tilespmem:$0x12B80];
	v46 =	vmul.f32 v28, v42;
	v0 =	vadd.f32 v57, v0;
	v2 =	vadd.f32 v62, v3  }
0x2f6: {  	v40 =	vld [tilespmem:$0x12B90];
	v49 =	vbroadcast v19, $0xE;
	v7 =	vadd.f32 v23, v59;
	v1 =	vadd.f32 v25, v1  }
0x2f7: {  	v43 =	vld [tilespmem:$0x12BA0];
	v52 =	vmul.f32 v35, v42;
	v0 =	vadd.f32 v8, v0;
	v2 =	vadd.f32 v5, v2  }
0x2f8: {  	v45 =	vld [tilespmem:$0x12BB0];
	v48 =	vmul.f32 v30, v42;
	v31 =	vadd.f32 v9, v7;
	v1 =	vadd.f32 v4, v1  }
0x2f9: {  	v47 =	vld [tilespmem:$0x12BC0];
	v51 =	vmul.f32 v32, v42;
	v0 =	vadd.f32 v29, v0;
	v2 =	vadd.f32 v33, v2  }
0x2fa: {  	v50 =	vld [tilespmem:$0x12BD0];
	v54 =	vmul.f32 v37, v49;
	v4 =	vadd.f32 v36, v31;
	v1 =	vadd.f32 v38, v1  }
0x2fb: {  	v53 =	vld [tilespmem:$0x12BE0];
	v57 =	vmul.f32 v40, v49;
	v0 =	vadd.f32 v6, v0;
	v2 =	vadd.f32 v39, v2  }
0x2fc: {  	v58 =	vmul.f32 v43, v49;
	v56 =	vld [tilespmem:$0x12BF0];
	v4 =	vadd.f32 v41, v4;
	v1 =	vadd.f32 v46, v1  }
0x2fd: {  	v60 =	vmul.f32 v45, v49;
	v0 =	vadd.f32 v44, v0;
	v2 =	vadd.f32 v48, v2  }
0x2fe: {  	v59 =	vmul.f32 v47, v55;
	v4 =	vadd.f32 v51, v4;
	v1 =	vadd.f32 v54, v1  }
0x2ff: {  	s22 =	sadd.s32 $0x1, s22;
	v61 =	vmul.f32 v50, v55;
	v0 =	vadd.f32 v52, v0;
	v2 =	vadd.f32 v57, v2  }
0x300: {  	s0 =	sshll.u32 s25, $0x6;
	p0 =	sne.s32 s22, $0x40;
	v62 =	vmul.f32 v53, v55;
	v3 =	vadd.f32 v58, v4;
	v1 =	vadd.f32 v59, v1  }
.Ltmp5:
0x301: {  	s0 =	sand.u32 $0x3FFFFFC0, s0;
	v63 =	vmul.f32 v56, v55;
	v0 =	vadd.f32 v60, v0;
	v2 =	vadd.f32 v61, v2;
	(pc) =	sbr.rel @p0 .LBB2_8-.Ltmp5, $4  }
0x302: {  	v3 =	vadd.f32 v62, v3;
	[tilespmem:s0+$0x12C00] =	vst v1  }
0x303: {  	v0 =	vadd.f32 v63, v0;
	[tilespmem:s0+$0x12C10] =	vst v2  }
0x304: {  	[tilespmem:s0+$0x12C20] =	vst v3  }
0x305: {  	s23 =	sadd.s32 $0x190, s23;
	s24 =	sadd.s32 $0x190, s24;
	[tilespmem:s0+$0x12C30] =	vst v0  }
0x306: {  	s21 =	sadd.s32 $0x1, s21  }
0x307: {  	p0 =	sne.s32 s21, s10  }
.Ltmp6:
0x308: {  	_ = 	snop;
	(pc) =	sbr.rel @p0 .LBB2_1-.Ltmp6, $4  }
0x309: {  	[hbm4b:s9+s2] =	stream.linear.scatter [tilespmem:s20], [sflag:$0x3], $0x2000, $0x38;
	[tilespmem:$0x14C00] =	vst v63  }
0x30a: {  	_ =	swait.ge [sflag:s11], $0x2000  }
0x30b: {  	[sflag:s11] =	ssyncset.done $0x0  }
0x30c: {  	[sflag:s11] =	ssyncadd.s32 $0xFFFFE000  }
0x30d: {  	_ =	sfence.sel $0x180000  }
0x30e: {  	[bflag:$0x0] =	sbarrier.arrive $0xFFFF  }
0x30f: {  	_ =	strace $0x90000047  }
0x310: {  	[bflag:$0x2] =	sbarrier.arrive $0xFFFF  }
0x311: {  	p0 =	sne.s32 s1, $0x0;
	s0 =	rddreg [dreg:$0x2]  }
0x312: {  	s0 =	sadd.s32 @!p0 $0x100000, s0  }
0x313: {  	[sflag:s0] =	ssyncadd.tile.s32 @!p0 $0x1;
	_ =	shalt  }
.Lfunc_end2:
_tile_overlayer_lowered:
.L_overlay_start_2:
0x314: {  	(tag) =	ssettag $0x2  }
0x315: {  	s0 =	rddreg [dreg:$0x0];
	s2 =	stileid.u32  }
0x316: {  	s1 =	rddreg [dreg:$0x1];
	p0 =	sne.s32 s2, $0x0  }
0x317: {  	s3 =	rddreg [dreg:$0x2];
	[bflag:$0x3] =	sbarrier.arrive $0xFFFF;
	s2 =	simm.s32 @!p0 $0x1C03  }
0x318: {  	[timem:s3], [sflag:s2] =	dma.local @!p0 [hbm:s0], s1  }
0x319: {  	s0 =	simm.s32 @!p0 $0x3  }
0x31a: {  	_ =	swait.ge @!p0 [sflag:s0], s1  }
0x31b: {  	s1 =	ssub.s32 @!p0 $0x0, s1;
	[sflag:s0] =	ssyncset.done @!p0 $0x0  }
0x31c: {  	[sflag:s0] =	ssyncadd.s32 @!p0 s1  }
0x31d: {  	[bflag:$0x3] =	sbarrier.arrive $0xFFFF  }
0x31e: {  	_ =	shalt  }

</sc_bundles>
